<compile_context>
chip_gen: v7x
topology: tpu7x:2x2x1
jax: 0.10.2.dev20260603
libtpu: 0.0.44.dev20260713+nightly
codegen_flags: <defaults>
</compile_context>

<pallas_src>
import numpy as np

import jax
import jax.numpy as jnp
from jax import lax
from jax.experimental import pallas as pl
from jax.experimental.pallas import tpu as pltpu
from jax.experimental.pallas import tpu_sc as plsc

_VOCAB = 100000
_DIM = 64
_CTX = 20
_BATCH = 16384
_N_LABELS = 1024

_NC = 2
_NS = 16
_NW = _NC * _NS
_LANES = 16
_HALF = _BATCH // 2
_QCOLS = 2048
_NQ = _HALF // _QCOLS
_T = _CTX * _NQ
_GRPQ = _QCOLS // _LANES
_NBUF = 5
_HIMASK = np.uint32(0xFFFF0000)


def _make_sc_body(halves, with_y):
    del with_y
    if not isinstance(halves, tuple):
        halves = (halves,)

    def _sc_body(*refs):
        (inputs_hbm, packx_hbm, xsum_hbm, row_v) = refs[:4]
        idx_bufs = refs[4:4 + _NBUF]
        out_a, out_b = refs[4 + _NBUF:6 + _NBUF]
        sem_r = refs[6 + _NBUF]
        idx_sems = refs[7 + _NBUF:7 + 2 * _NBUF]
        wid = lax.axis_index("s") * _NC + lax.axis_index("c")

        pltpu.async_copy(packx_hbm.at[wid], row_v, sem_r).wait()

        zeros = jnp.zeros((_LANES,), jnp.float32)

        def start_idx(h, t, p):
            c = t // _NQ
            q = t - c * _NQ
            pltpu.async_copy(
                inputs_hbm.at[c, pl.ds(h * _HALF + q * _QCOLS, _QCOLS)],
                idx_bufs[p], idx_sems[p])

        def wait_idx(p):
            pltpu.make_async_copy(inputs_hbm.at[0, pl.ds(0, _QCOLS)],
                                  idx_bufs[p], idx_sems[p]).wait()

        def process(t, p):
            idx_v = idx_bufs[p]
            qbase = (t % _NQ) * _QCOLS

            @plsc.parallel_loop(0, _GRPQ, unroll=8)
            def _grp(g):
                sl = pl.ds(qbase + g * _LANES, _LANES)
                iv = idx_v[pl.ds(g * _LANES, _LANES)]
                vals = plsc.load_gather(row_v, [iv])
                u = plsc.bitcast(vals, jnp.uint32)
                va = plsc.bitcast(u & _HIMASK, jnp.float32)
                vb = plsc.bitcast(u << 16, jnp.float32)
                plsc.addupdate(out_a.at[sl], va)
                plsc.addupdate(out_b.at[sl], vb)

        for h in halves:
            @plsc.parallel_loop(0, _HALF // _LANES, unroll=4)
            def _zero(g):
                out_a[pl.ds(g * _LANES, _LANES)] = zeros
                out_b[pl.ds(g * _LANES, _LANES)] = zeros

            for p in range(_NBUF):
                start_idx(h, p, p)

            def quad(s, _):
                t = _NBUF * s
                for p in range(_NBUF):
                    wait_idx(p)
                    process(t + p, p)
                    start_idx(h, t + p + _NBUF, p)
                return 0

            lax.fori_loop(0, _T // _NBUF - 1, quad, 0)

            t_last = _T - _NBUF
            for p in range(_NBUF):
                wait_idx(p)
                process(t_last + p, p)

            if len(halves) == 1:
                pltpu.sync_copy(out_a, xsum_hbm.at[wid])
                pltpu.sync_copy(out_b, xsum_hbm.at[wid + _NW])
            else:
                sl = pl.ds(h * _HALF, _HALF)
                pltpu.sync_copy(out_a, xsum_hbm.at[wid, sl])
                pltpu.sync_copy(out_b, xsum_hbm.at[wid + _NW, sl])

    return _sc_body


_SC_SCRATCH = (
    [pltpu.VMEM((_VOCAB,), jnp.float32)]
    + [pltpu.VMEM((_QCOLS,), jnp.int32)] * _NBUF
    + [pltpu.VMEM((_HALF,), jnp.float32)] * 2
    + [pltpu.SemaphoreType.DMA] * (1 + _NBUF)
)

_sc_x_full = pl.kernel(
    _make_sc_body((0, 1), False),
    out_type=[jax.ShapeDtypeStruct((_DIM, _BATCH), jnp.float32)],
    mesh=plsc.VectorSubcoreMesh(core_axis_name="c", subcore_axis_name="s"),
    compiler_params=pltpu.CompilerParams(needs_layout_passes=False),
    scratch_types=list(_SC_SCRATCH),
)


def _sc_y_body(labels_hbm, wyt_hbm, y_hbm, row_v, lab_v, yrow_v, sem_r):
    wid = lax.axis_index("s") * _NC + lax.axis_index("c")
    pltpu.sync_copy(labels_hbm, lab_v)
    for di in range(2):
        d = wid + di * _NW
        pltpu.async_copy(wyt_hbm.at[d], row_v, sem_r).wait()

        @plsc.parallel_loop(0, _N_LABELS // _LANES, unroll=2)
        def _lab(g):
            sl = pl.ds(g * _LANES, _LANES)
            vals = plsc.load_gather(row_v, [lab_v[sl]])
            yrow_v[sl] = vals * (1.0 / _CTX)

        pltpu.sync_copy(yrow_v, y_hbm.at[d])


_sc_y = pl.kernel(
    _sc_y_body,
    out_type=[jax.ShapeDtypeStruct((_DIM, _N_LABELS), jnp.float32)],
    mesh=plsc.VectorSubcoreMesh(core_axis_name="c", subcore_axis_name="s"),
    compiler_params=pltpu.CompilerParams(needs_layout_passes=False),
    scratch_types=[
        pltpu.VMEM((_VOCAB,), jnp.float32),
        pltpu.VMEM((_N_LABELS,), jnp.int32),
        pltpu.VMEM((_N_LABELS,), jnp.float32),
        pltpu.SemaphoreType.DMA,
    ],
)

_PCOLS = 4096


def _rne_hi16(x):
    u = lax.bitcast_convert_type(x, jnp.uint32)
    return (u + np.uint32(0x7FFF) + ((u >> 16) & np.uint32(1))) & _HIMASK


def _pack_body(x_ref, o_ref):
    a = x_ref[0:_DIM // 2, :]
    b = x_ref[_DIM // 2:_DIM, :]
    packed = _rne_hi16(a) | (_rne_hi16(b) >> 16)
    o_ref[...] = lax.bitcast_convert_type(packed, jnp.float32)


def _pack(wxt):
    return pl.pallas_call(
        _pack_body,
        grid=(pl.cdiv(_VOCAB, _PCOLS),),
        in_specs=[pl.BlockSpec((_DIM, _PCOLS), lambda i: (0, i))],
        out_specs=pl.BlockSpec((_DIM // 2, _PCOLS), lambda i: (0, i)),
        out_shape=jax.ShapeDtypeStruct((_DIM // 2, _VOCAB), jnp.float32),
    )(wxt)


_TC_BLOCK = 2048


def _tc_body(x_ref, y_ref, o_ref):
    s = lax.dot_general(
        x_ref[...], y_ref[...],
        dimension_numbers=(((0,), (0,)), ((), ())),
        preferred_element_type=jnp.float32,
    )
    o_ref[...] = 0.5 + 0.5 * jnp.tanh(0.5 * s)


def kernel(inputs, labels, W_x, W_y):
    y_scaledT, = _sc_y(labels, W_y.T)
    packx = _pack(W_x.T)
    xsumT, = _sc_x_full(inputs, packx)
    prob = pl.pallas_call(
        _tc_body,
        grid=(_BATCH // _TC_BLOCK,),
        in_specs=[
            pl.BlockSpec((_DIM, _TC_BLOCK), lambda i: (0, i)),
            pl.BlockSpec((_DIM, _N_LABELS), lambda i: (0, 0)),
        ],
        out_specs=pl.BlockSpec((_TC_BLOCK, _N_LABELS), lambda i: (i, 0)),
        out_shape=jax.ShapeDtypeStruct((_BATCH, _N_LABELS), jnp.float32),
    )(xsumT, y_scaledT)
    return prob

# --- scband reference (transcript-rebuilt; emitter-appended) ---
"""Pipeline reference for scband-cbowneg-10574209482823 (READ-ONLY COPY).

The authoritative reference and input builder live on the scoring server;
editing this copy changes nothing except your own understanding.
"""

import jax, jax.numpy as jnp
import numpy as np

VOCAB = 100000
OUT_VOCAB = 100000
DIM = 64
CTX = 20
BATCH = 16384
N_LABELS = 1024

def setup_inputs(seed: int = 0) -> dict:
    key = jax.random.key(seed)
    k1, k2, k3, k4 = jax.random.split(key, 4)
    inputs = jax.random.randint(k1, (CTX, BATCH), 0, VOCAB, dtype=jnp.int64 if jax.config.jax_enable_x64 else jnp.int32).astype(jnp.int32)
    labels = jax.random.randint(k2, (N_LABELS,), 0, OUT_VOCAB, dtype=jnp.int32)
    W_x = jax.random.normal(k3, (VOCAB, DIM), dtype=jnp.float32)
    W_y = jax.random.normal(k4, (OUT_VOCAB, DIM), dtype=jnp.float32)
    return {"inputs": inputs, "labels": labels, "W_x": W_x, "W_y": W_y}

def reference(inputs, labels, W_x, W_y):
    # x_embeds: [CTX, BATCH, DIM] via embedding gather
    x_embeds = jnp.take(W_x, inputs, axis=0)
    # mean over context dim (dim=0) -> [BATCH, DIM]
    x_mean = jnp.mean(x_embeds, axis=0)
    # y_embeds: [N_LABELS, DIM] -> transpose -> [DIM, N_LABELS]
    y_embeds = jnp.take(W_y, labels, axis=0).T
    similarities = x_mean @ y_embeds  # [BATCH, N_LABELS]
    prob = jax.nn.sigmoid(similarities)
    return prob

if __name__ == "__main__":
    import jax
    _d = setup_inputs()
    print(jax.jit(kernel)(*tuple(_d.values())))

</pallas_src>

<mosaic_0001>
#map = affine_map<(d0, d1) -> (0, 0)>
module attributes {stable_mosaic.version = 14 : i64} {
  func.func @_sc_body(%arg0: i32, %arg1: i32, %arg2: memref<20x16384xi32, #tpu.memory_space<hbm>>, %arg3: memref<32x100000xf32, #tpu.memory_space<hbm>>, %arg4: memref<64x16384xf32, #tpu.memory_space<hbm>>, %arg5: memref<100000xf32, #tpu.memory_space<vmem>>, %arg6: memref<2048xi32, #tpu.memory_space<vmem>>, %arg7: memref<2048xi32, #tpu.memory_space<vmem>>, %arg8: memref<2048xi32, #tpu.memory_space<vmem>>, %arg9: memref<2048xi32, #tpu.memory_space<vmem>>, %arg10: memref<2048xi32, #tpu.memory_space<vmem>>, %arg11: memref<8192xf32, #tpu.memory_space<vmem>>, %arg12: memref<8192xf32, #tpu.memory_space<vmem>>, %arg13: memref<!tpu.dma_semaphore, #tpu.memory_space<semaphore_mem>>, %arg14: memref<!tpu.dma_semaphore, #tpu.memory_space<semaphore_mem>>, %arg15: memref<!tpu.dma_semaphore, #tpu.memory_space<semaphore_mem>>, %arg16: memref<!tpu.dma_semaphore, #tpu.memory_space<semaphore_mem>>, %arg17: memref<!tpu.dma_semaphore, #tpu.memory_space<semaphore_mem>>, %arg18: memref<!tpu.dma_semaphore, #tpu.memory_space<semaphore_mem>>) attributes {dimension_semantics = [#tpu.dimension_semantics<core_parallel>, #tpu.dimension_semantics<subcore_parallel>], iteration_bounds = array<i64: 2, 16>, scalar_prefetch = 0 : i64, scratch_operands = 14 : i64, tpu.core_type = #tpu.core_type<sc_vector_subcore>, window_params = [{transform_indices = #map}, {transform_indices = #map}, {transform_indices = #map}]} {
    %mul3A = arith.constant 2 : i32
    %mul3A_0 = arith.muli %arg1, %mul3A : i32
    %add3A = arith.addi %mul3A_0, %arg0 : i32
    %dma_start3A = arith.constant 0 : i32
    %dma_start3A_1 = tpu.memref_slice %arg3[%add3A, %dma_start3A] : memref<32x100000xf32, #tpu.memory_space<hbm>> -> memref<1x100000xf32, #tpu.memory_space<hbm>>
    %dma_start3A_2 = tpu.memref_squeeze %dma_start3A_1 : memref<1x100000xf32, #tpu.memory_space<hbm>> -> memref<100000xf32, #tpu.memory_space<hbm>>
    %dma_start3A_3 = arith.constant 0 : i32
    %dma_start3A_4 = tpu.memref_slice %arg3[%add3A, %dma_start3A_3] : memref<32x100000xf32, #tpu.memory_space<hbm>> -> memref<1x100000xf32, #tpu.memory_space<hbm>>
    %dma_start3A_5 = tpu.memref_squeeze %dma_start3A_4 : memref<1x100000xf32, #tpu.memory_space<hbm>> -> memref<100000xf32, #tpu.memory_space<hbm>>
    tpu.enqueue_dma source(%dma_start3A_5 : memref<100000xf32, #tpu.memory_space<hbm>>) target(%arg5 : memref<100000xf32, #tpu.memory_space<vmem>>) target_semaphore(%arg13 : memref<!tpu.dma_semaphore, #tpu.memory_space<semaphore_mem>>)
    %dma_wait3A = arith.constant 0 : i32
    %dma_wait3A_6 = tpu.memref_slice %arg3[%add3A, %dma_wait3A] : memref<32x100000xf32, #tpu.memory_space<hbm>> -> memref<1x100000xf32, #tpu.memory_space<hbm>>
    %dma_wait3A_7 = tpu.memref_squeeze %dma_wait3A_6 : memref<1x100000xf32, #tpu.memory_space<hbm>> -> memref<100000xf32, #tpu.memory_space<hbm>>
    %dma_wait3A_8 = arith.constant 0 : i32
    %dma_wait3A_9 = tpu.memref_slice %arg3[%add3A, %dma_wait3A_8] : memref<32x100000xf32, #tpu.memory_space<hbm>> -> memref<1x100000xf32, #tpu.memory_space<hbm>>
    %dma_wait3A_10 = tpu.memref_squeeze %dma_wait3A_9 : memref<1x100000xf32, #tpu.memory_space<hbm>> -> memref<100000xf32, #tpu.memory_space<hbm>>
    tpu.wait_dma2 semaphore(%arg13 : memref<!tpu.dma_semaphore, #tpu.memory_space<semaphore_mem>>) src(%dma_wait3A_10 : memref<100000xf32, #tpu.memory_space<hbm>>) dst(%arg5 : memref<100000xf32, #tpu.memory_space<vmem>>)
    %broadcast_in_dim3A = arith.constant 0.000000e+00 : f32
    %broadcast_in_dim3A_11 = vector.broadcast %broadcast_in_dim3A : f32 to vector<16xf32>
    %parallel_loop3A = arith.constant 0 : i32
    %parallel_loop3A_12 = arith.constant 512 : i32
    %parallel_loop3A_13 = arith.constant 1 : i32
    scf.for %parallel_loop3A_204 = %parallel_loop3A to %parallel_loop3A_12 step %parallel_loop3A_13  : i32 {
      %parallel_loop3A_205 = arith.constant 16 : i32
      %parallel_loop3A_206 = arith.muli %parallel_loop3A_204, %parallel_loop3A_205 : i32
      %parallel_loop3A_207 = arith.index_cast %parallel_loop3A_206 : i32 to index
      %parallel_loop3A_208 = tpu.vector_load %arg11[%parallel_loop3A_207] {strides = array<i32>} : memref<8192xf32, #tpu.memory_space<vmem>>, vector<16xf32>,
      tpu.vector_store %arg11[%parallel_loop3A_207], %broadcast_in_dim3A_11 {strides = array<i32>} : memref<8192xf32, #tpu.memory_space<vmem>>, vector<16xf32>,
      %parallel_loop3A_209 = arith.constant 16 : i32
      %parallel_loop3A_210 = arith.muli %parallel_loop3A_204, %parallel_loop3A_209 : i32
      %parallel_loop3A_211 = arith.index_cast %parallel_loop3A_210 : i32 to index
      %parallel_loop3A_212 = tpu.vector_load %arg12[%parallel_loop3A_211] {strides = array<i32>} : memref<8192xf32, #tpu.memory_space<vmem>>, vector<16xf32>,
      tpu.vector_store %arg12[%parallel_loop3A_211], %broadcast_in_dim3A_11 {strides = array<i32>} : memref<8192xf32, #tpu.memory_space<vmem>>, vector<16xf32>,
    } {sc.loop_unroll_factor = 4 : i64, sc.parallel_access}
    %dma_start3A_14 = arith.constant 0 : i32
    %dma_start3A_15 = arith.constant 0 : i32
    %dma_start3A_16 = tpu.memref_slice %arg2[%dma_start3A_14, %dma_start3A_15] : memref<20x16384xi32, #tpu.memory_space<hbm>> -> memref<1x2048xi32, #tpu.memory_space<hbm>>
    %dma_start3A_17 = tpu.memref_squeeze %dma_start3A_16 : memref<1x2048xi32, #tpu.memory_space<hbm>> -> memref<2048xi32, #tpu.memory_space<hbm>>
    %dma_start3A_18 = arith.constant 0 : i32
    %dma_start3A_19 = tpu.memref_slice %arg2[%dma_start3A_14, %dma_start3A_18] : memref<20x16384xi32, #tpu.memory_space<hbm>> -> memref<1x2048xi32, #tpu.memory_space<hbm>>
    %dma_start3A_20 = tpu.memref_squeeze %dma_start3A_19 : memref<1x2048xi32, #tpu.memory_space<hbm>> -> memref<2048xi32, #tpu.memory_space<hbm>>
    tpu.enqueue_dma source(%dma_start3A_20 : memref<2048xi32, #tpu.memory_space<hbm>>) target(%arg6 : memref<2048xi32, #tpu.memory_space<vmem>>) target_semaphore(%arg14 : memref<!tpu.dma_semaphore, #tpu.memory_space<semaphore_mem>>)
    %dma_start3A_21 = arith.constant 0 : i32
    %dma_start3A_22 = arith.constant 2048 : i32
    %dma_start3A_23 = tpu.memref_slice %arg2[%dma_start3A_21, %dma_start3A_22] : memref<20x16384xi32, #tpu.memory_space<hbm>> -> memref<1x2048xi32, #tpu.memory_space<hbm>>
    %dma_start3A_24 = tpu.memref_squeeze %dma_start3A_23 : memref<1x2048xi32, #tpu.memory_space<hbm>> -> memref<2048xi32, #tpu.memory_space<hbm>>
    %dma_start3A_25 = arith.constant 2048 : i32
    %dma_start3A_26 = tpu.memref_slice %arg2[%dma_start3A_21, %dma_start3A_25] : memref<20x16384xi32, #tpu.memory_space<hbm>> -> memref<1x2048xi32, #tpu.memory_space<hbm>>
    %dma_start3A_27 = tpu.memref_squeeze %dma_start3A_26 : memref<1x2048xi32, #tpu.memory_space<hbm>> -> memref<2048xi32, #tpu.memory_space<hbm>>
    tpu.enqueue_dma source(%dma_start3A_27 : memref<2048xi32, #tpu.memory_space<hbm>>) target(%arg7 : memref<2048xi32, #tpu.memory_space<vmem>>) target_semaphore(%arg15 : memref<!tpu.dma_semaphore, #tpu.memory_space<semaphore_mem>>)
    %dma_start3A_28 = arith.constant 0 : i32
    %dma_start3A_29 = arith.constant 4096 : i32
    %dma_start3A_30 = tpu.memref_slice %arg2[%dma_start3A_28, %dma_start3A_29] : memref<20x16384xi32, #tpu.memory_space<hbm>> -> memref<1x2048xi32, #tpu.memory_space<hbm>>
    %dma_start3A_31 = tpu.memref_squeeze %dma_start3A_30 : memref<1x2048xi32, #tpu.memory_space<hbm>> -> memref<2048xi32, #tpu.memory_space<hbm>>
    %dma_start3A_32 = arith.constant 4096 : i32
    %dma_start3A_33 = tpu.memref_slice %arg2[%dma_start3A_28, %dma_start3A_32] : memref<20x16384xi32, #tpu.memory_space<hbm>> -> memref<1x2048xi32, #tpu.memory_space<hbm>>
    %dma_start3A_34 = tpu.memref_squeeze %dma_start3A_33 : memref<1x2048xi32, #tpu.memory_space<hbm>> -> memref<2048xi32, #tpu.memory_space<hbm>>
    tpu.enqueue_dma source(%dma_start3A_34 : memref<2048xi32, #tpu.memory_space<hbm>>) target(%arg8 : memref<2048xi32, #tpu.memory_space<vmem>>) target_semaphore(%arg16 : memref<!tpu.dma_semaphore, #tpu.memory_space<semaphore_mem>>)
    %dma_start3A_35 = arith.constant 0 : i32
    %dma_start3A_36 = arith.constant 6144 : i32
    %dma_start3A_37 = tpu.memref_slice %arg2[%dma_start3A_35, %dma_start3A_36] : memref<20x16384xi32, #tpu.memory_space<hbm>> -> memref<1x2048xi32, #tpu.memory_space<hbm>>
    %dma_start3A_38 = tpu.memref_squeeze %dma_start3A_37 : memref<1x2048xi32, #tpu.memory_space<hbm>> -> memref<2048xi32, #tpu.memory_space<hbm>>
    %dma_start3A_39 = arith.constant 6144 : i32
    %dma_start3A_40 = tpu.memref_slice %arg2[%dma_start3A_35, %dma_start3A_39] : memref<20x16384xi32, #tpu.memory_space<hbm>> -> memref<1x2048xi32, #tpu.memory_space<hbm>>
    %dma_start3A_41 = tpu.memref_squeeze %dma_start3A_40 : memref<1x2048xi32, #tpu.memory_space<hbm>> -> memref<2048xi32, #tpu.memory_space<hbm>>
    tpu.enqueue_dma source(%dma_start3A_41 : memref<2048xi32, #tpu.memory_space<hbm>>) target(%arg9 : memref<2048xi32, #tpu.memory_space<vmem>>) target_semaphore(%arg17 : memref<!tpu.dma_semaphore, #tpu.memory_space<semaphore_mem>>)
    %dma_start3A_42 = arith.constant 1 : i32
    %dma_start3A_43 = arith.constant 0 : i32
    %dma_start3A_44 = tpu.memref_slice %arg2[%dma_start3A_42, %dma_start3A_43] : memref<20x16384xi32, #tpu.memory_space<hbm>> -> memref<1x2048xi32, #tpu.memory_space<hbm>>
    %dma_start3A_45 = tpu.memref_squeeze %dma_start3A_44 : memref<1x2048xi32, #tpu.memory_space<hbm>> -> memref<2048xi32, #tpu.memory_space<hbm>>
    %dma_start3A_46 = arith.constant 0 : i32
    %dma_start3A_47 = tpu.memref_slice %arg2[%dma_start3A_42, %dma_start3A_46] : memref<20x16384xi32, #tpu.memory_space<hbm>> -> memref<1x2048xi32, #tpu.memory_space<hbm>>
    %dma_start3A_48 = tpu.memref_squeeze %dma_start3A_47 : memref<1x2048xi32, #tpu.memory_space<hbm>> -> memref<2048xi32, #tpu.memory_space<hbm>>
    tpu.enqueue_dma source(%dma_start3A_48 : memref<2048xi32, #tpu.memory_space<hbm>>) target(%arg10 : memref<2048xi32, #tpu.memory_space<vmem>>) target_semaphore(%arg18 : memref<!tpu.dma_semaphore, #tpu.memory_space<semaphore_mem>>)
    %scan3A = arith.constant 0 : i32
    %scan3A_49 = arith.constant 0 : i32
    %scan3A_50 = arith.constant 15 : i32
    %scan3A_51 = arith.addi %scan3A_49, %scan3A_50 : i32
    %scan3A_52 = arith.constant 1 : i32
    %scan3A_53 = scf.for %scan3A_204 = %scan3A_49 to %scan3A_51 step %scan3A_52 iter_args(%scan3A_205 = %scan3A) -> (i32)  : i32 {
      %mul3A_206 = arith.constant 5 : i32
      %mul3A_207 = arith.muli %mul3A_206, %scan3A_204 : i32
      %dma_wait3A_208 = arith.constant 0 : i32
      %dma_wait3A_209 = arith.constant 0 : i32
      %dma_wait3A_210 = tpu.memref_slice %arg2[%dma_wait3A_208, %dma_wait3A_209] : memref<20x16384xi32, #tpu.memory_space<hbm>> -> memref<1x2048xi32, #tpu.memory_space<hbm>>
      %dma_wait3A_211 = tpu.memref_squeeze %dma_wait3A_210 : memref<1x2048xi32, #tpu.memory_space<hbm>> -> memref<2048xi32, #tpu.memory_space<hbm>>
      %dma_wait3A_212 = arith.constant 0 : i32
      %dma_wait3A_213 = tpu.memref_slice %arg2[%dma_wait3A_208, %dma_wait3A_212] : memref<20x16384xi32, #tpu.memory_space<hbm>> -> memref<1x2048xi32, #tpu.memory_space<hbm>>
      %dma_wait3A_214 = tpu.memref_squeeze %dma_wait3A_213 : memref<1x2048xi32, #tpu.memory_space<hbm>> -> memref<2048xi32, #tpu.memory_space<hbm>>
      tpu.wait_dma2 semaphore(%arg14 : memref<!tpu.dma_semaphore, #tpu.memory_space<semaphore_mem>>) src(%dma_wait3A_214 : memref<2048xi32, #tpu.memory_space<hbm>>) dst(%arg6 : memref<2048xi32, #tpu.memory_space<vmem>>)
      %add3A_215 = arith.constant 0 : i32
      %add3A_216 = arith.addi %mul3A_207, %add3A_215 : i32
      %jit3A = arith.constant 4 : i32
      %eq3A = arith.constant 0 : i32
      %eq3A_217 = arith.cmpi eq, %jit3A, %eq3A : i32
      %jit3A_218 = arith.constant 1 : i32
      %select_n3A = arith.select %eq3A_217, %jit3A_218, %jit3A : i32
      %rem3A = arith.remsi %add3A_216, %select_n3A : i32
      %ne3A = arith.constant 0 : i32
      %ne3A_219 = arith.cmpi ne, %rem3A, %ne3A : i32
      %lt3A = arith.constant 0 : i32
      %lt3A_220 = arith.cmpi slt, %rem3A, %lt3A : i32
      %lt3A_221 = arith.constant 0 : i32
      %lt3A_222 = arith.cmpi slt, %select_n3A, %lt3A_221 : i32
      %ne3A_223 = arith.xori %lt3A_220, %lt3A_222 : i1
      %and3A = arith.andi %ne3A_223, %ne3A_219 : i1
      %add3A_224 = arith.addi %rem3A, %select_n3A : i32
      %select_n3A_225 = arith.select %and3A, %add3A_224, %rem3A : i32
      %mul3A_226 = arith.constant 2048 : i32
      %mul3A_227 = arith.muli %select_n3A_225, %mul3A_226 : i32
      %parallel_loop3A_228 = arith.constant 0 : i32
      %parallel_loop3A_229 = arith.constant 128 : i32
      %parallel_loop3A_230 = arith.constant 1 : i32
      scf.for %parallel_loop3A_544 = %parallel_loop3A_228 to %parallel_loop3A_229 step %parallel_loop3A_230  : i32 {
        %parallel_loop3A_545 = arith.constant 16 : i32
        %parallel_loop3A_546 = arith.muli %parallel_loop3A_544, %parallel_loop3A_545 : i32
        %parallel_loop3A_547 = arith.addi %mul3A_227, %parallel_loop3A_546 : i32
        %parallel_loop3A_548 = arith.constant 16 : i32
        %parallel_loop3A_549 = arith.muli %parallel_loop3A_544, %parallel_loop3A_548 : i32
        %parallel_loop3A_550 = arith.index_cast %parallel_loop3A_549 : i32 to index
        %parallel_loop3A_551 = tpu.vector_load %arg6[%parallel_loop3A_550] {strides = array<i32>} : memref<2048xi32, #tpu.memory_space<vmem>>, vector<16xi32>,
        %parallel_loop3A_552 = tpu.vector_load_idx %arg5[%parallel_loop3A_551] : memref<100000xf32, #tpu.memory_space<vmem>>[vector<16xi32>], vector<16xf32>,
        %parallel_loop3A_553 = vector.bitcast %parallel_loop3A_552 : vector<16xf32> to vector<16xi32>
        %parallel_loop3A_554 = arith.constant -65536 : i32
        %parallel_loop3A_555 = vector.broadcast %parallel_loop3A_554 : i32 to vector<16xi32>
        %parallel_loop3A_556 = arith.andi %parallel_loop3A_553, %parallel_loop3A_555 : vector<16xi32>
        %parallel_loop3A_557 = vector.bitcast %parallel_loop3A_556 : vector<16xi32> to vector<16xf32>
        %parallel_loop3A_558 = arith.constant 16 : i32
        %parallel_loop3A_559 = vector.broadcast %parallel_loop3A_558 : i32 to vector<16xi32>
        %parallel_loop3A_560 = arith.shli %parallel_loop3A_553, %parallel_loop3A_559 : vector<16xi32>
        %parallel_loop3A_561 = vector.bitcast %parallel_loop3A_560 : vector<16xi32> to vector<16xf32>
        %parallel_loop3A_562 = arith.index_cast %parallel_loop3A_547 : i32 to index
        %parallel_loop3A_563 = tpu.vector_load %arg11[%parallel_loop3A_562] {strides = array<i32>} : memref<8192xf32, #tpu.memory_space<vmem>>, vector<16xf32>,
        tpu.vector_store %arg11[%parallel_loop3A_562], %parallel_loop3A_557 {add = true, strides = array<i32>} : memref<8192xf32, #tpu.memory_space<vmem>>, vector<16xf32>,
        %parallel_loop3A_564 = arith.index_cast %parallel_loop3A_547 : i32 to index
        %parallel_loop3A_565 = tpu.vector_load %arg12[%parallel_loop3A_564] {strides = array<i32>} : memref<8192xf32, #tpu.memory_space<vmem>>, vector<16xf32>,
        tpu.vector_store %arg12[%parallel_loop3A_564], %parallel_loop3A_561 {add = true, strides = array<i32>} : memref<8192xf32, #tpu.memory_space<vmem>>, vector<16xf32>,
      } {sc.loop_unroll_factor = 8 : i64, sc.parallel_access}
      %add3A_231 = arith.constant 0 : i32
      %add3A_232 = arith.addi %mul3A_207, %add3A_231 : i32
      %add3A_233 = arith.constant 5 : i32
      %add3A_234 = arith.addi %add3A_232, %add3A_233 : i32
      %jit3A_235 = arith.constant 4 : i32
      %div3A = arith.divsi %add3A_234, %jit3A_235 : i32
      %sign3A = arith.constant 0 : i32
      %sign3A_236 = arith.cmpi sgt, %add3A_234, %sign3A : i32
      %sign3A_237 = arith.extui %sign3A_236 : i1 to i32
      %sign3A_238 = arith.constant 0 : i32
      %sign3A_239 = arith.cmpi slt, %add3A_234, %sign3A_238 : i32
      %sign3A_240 = arith.extui %sign3A_239 : i1 to i32
      %sign3A_241 = arith.subi %sign3A_237, %sign3A_240 : i32
      %sign3A_242 = arith.constant 0 : i32
      %sign3A_243 = arith.cmpi sgt, %jit3A_235, %sign3A_242 : i32
      %sign3A_244 = arith.extui %sign3A_243 : i1 to i32
      %sign3A_245 = arith.constant 0 : i32
      %sign3A_246 = arith.cmpi slt, %jit3A_235, %sign3A_245 : i32
      %sign3A_247 = arith.extui %sign3A_246 : i1 to i32
      %sign3A_248 = arith.subi %sign3A_244, %sign3A_247 : i32
      %ne3A_249 = arith.cmpi ne, %sign3A_241, %sign3A_248 : i32
      %rem3A_250 = arith.remsi %add3A_234, %jit3A_235 : i32
      %ne3A_251 = arith.constant 0 : i32
      %ne3A_252 = arith.cmpi ne, %rem3A_250, %ne3A_251 : i32
      %and3A_253 = arith.andi %ne3A_249, %ne3A_252 : i1
      %sub3A = arith.constant 1 : i32
      %sub3A_254 = arith.subi %div3A, %sub3A : i32
      %select_n3A_255 = arith.select %and3A_253, %sub3A_254, %div3A : i32
      %mul3A_256 = arith.constant 4 : i32
      %mul3A_257 = arith.muli %select_n3A_255, %mul3A_256 : i32
      %sub3A_258 = arith.subi %add3A_234, %mul3A_257 : i32
      %mul3A_259 = arith.constant 2048 : i32
      %mul3A_260 = arith.muli %sub3A_258, %mul3A_259 : i32
      %add3A_261 = arith.constant 0 : i32
      %add3A_262 = arith.addi %add3A_261, %mul3A_260 : i32
      %dma_start3A_263 = tpu.memref_slice %arg2[%select_n3A_255, %add3A_262] : memref<20x16384xi32, #tpu.memory_space<hbm>> -> memref<1x2048xi32, #tpu.memory_space<hbm>>
      %dma_start3A_264 = tpu.memref_squeeze %dma_start3A_263 : memref<1x2048xi32, #tpu.memory_space<hbm>> -> memref<2048xi32, #tpu.memory_space<hbm>>
      %dma_start3A_265 = tpu.memref_slice %arg2[%select_n3A_255, %add3A_262] : memref<20x16384xi32, #tpu.memory_space<hbm>> -> memref<1x2048xi32, #tpu.memory_space<hbm>>
      %dma_start3A_266 = tpu.memref_squeeze %dma_start3A_265 : memref<1x2048xi32, #tpu.memory_space<hbm>> -> memref<2048xi32, #tpu.memory_space<hbm>>
      tpu.enqueue_dma source(%dma_start3A_266 : memref<2048xi32, #tpu.memory_space<hbm>>) target(%arg6 : memref<2048xi32, #tpu.memory_space<vmem>>) target_semaphore(%arg14 : memref<!tpu.dma_semaphore, #tpu.memory_space<semaphore_mem>>)
      %dma_wait3A_267 = arith.constant 0 : i32
      %dma_wait3A_268 = arith.constant 0 : i32
      %dma_wait3A_269 = tpu.memref_slice %arg2[%dma_wait3A_267, %dma_wait3A_268] : memref<20x16384xi32, #tpu.memory_space<hbm>> -> memref<1x2048xi32, #tpu.memory_space<hbm>>
      %dma_wait3A_270 = tpu.memref_squeeze %dma_wait3A_269 : memref<1x2048xi32, #tpu.memory_space<hbm>> -> memref<2048xi32, #tpu.memory_space<hbm>>
      %dma_wait3A_271 = arith.constant 0 : i32
      %dma_wait3A_272 = tpu.memref_slice %arg2[%dma_wait3A_267, %dma_wait3A_271] : memref<20x16384xi32, #tpu.memory_space<hbm>> -> memref<1x2048xi32, #tpu.memory_space<hbm>>
      %dma_wait3A_273 = tpu.memref_squeeze %dma_wait3A_272 : memref<1x2048xi32, #tpu.memory_space<hbm>> -> memref<2048xi32, #tpu.memory_space<hbm>>
      tpu.wait_dma2 semaphore(%arg15 : memref<!tpu.dma_semaphore, #tpu.memory_space<semaphore_mem>>) src(%dma_wait3A_273 : memref<2048xi32, #tpu.memory_space<hbm>>) dst(%arg7 : memref<2048xi32, #tpu.memory_space<vmem>>)
      %add3A_274 = arith.constant 1 : i32
      %add3A_275 = arith.addi %mul3A_207, %add3A_274 : i32
      %jit3A_276 = arith.constant 4 : i32
      %eq3A_277 = arith.constant 0 : i32
      %eq3A_278 = arith.cmpi eq, %jit3A_276, %eq3A_277 : i32
      %jit3A_279 = arith.constant 1 : i32
      %select_n3A_280 = arith.select %eq3A_278, %jit3A_279, %jit3A_276 : i32
      %rem3A_281 = arith.remsi %add3A_275, %select_n3A_280 : i32
      %ne3A_282 = arith.constant 0 : i32
      %ne3A_283 = arith.cmpi ne, %rem3A_281, %ne3A_282 : i32
      %lt3A_284 = arith.constant 0 : i32
      %lt3A_285 = arith.cmpi slt, %rem3A_281, %lt3A_284 : i32
      %lt3A_286 = arith.constant 0 : i32
      %lt3A_287 = arith.cmpi slt, %select_n3A_280, %lt3A_286 : i32
      %ne3A_288 = arith.xori %lt3A_285, %lt3A_287 : i1
      %and3A_289 = arith.andi %ne3A_288, %ne3A_283 : i1
      %add3A_290 = arith.addi %rem3A_281, %select_n3A_280 : i32
      %select_n3A_291 = arith.select %and3A_289, %add3A_290, %rem3A_281 : i32
      %mul3A_292 = arith.constant 2048 : i32
      %mul3A_293 = arith.muli %select_n3A_291, %mul3A_292 : i32
      %parallel_loop3A_294 = arith.constant 0 : i32
      %parallel_loop3A_295 = arith.constant 128 : i32
      %parallel_loop3A_296 = arith.constant 1 : i32
      scf.for %parallel_loop3A_544 = %parallel_loop3A_294 to %parallel_loop3A_295 step %parallel_loop3A_296  : i32 {
        %parallel_loop3A_545 = arith.constant 16 : i32
        %parallel_loop3A_546 = arith.muli %parallel_loop3A_544, %parallel_loop3A_545 : i32
        %parallel_loop3A_547 = arith.addi %mul3A_293, %parallel_loop3A_546 : i32
        %parallel_loop3A_548 = arith.constant 16 : i32
        %parallel_loop3A_549 = arith.muli %parallel_loop3A_544, %parallel_loop3A_548 : i32
        %parallel_loop3A_550 = arith.index_cast %parallel_loop3A_549 : i32 to index
        %parallel_loop3A_551 = tpu.vector_load %arg7[%parallel_loop3A_550] {strides = array<i32>} : memref<2048xi32, #tpu.memory_space<vmem>>, vector<16xi32>,
        %parallel_loop3A_552 = tpu.vector_load_idx %arg5[%parallel_loop3A_551] : memref<100000xf32, #tpu.memory_space<vmem>>[vector<16xi32>], vector<16xf32>,
        %parallel_loop3A_553 = vector.bitcast %parallel_loop3A_552 : vector<16xf32> to vector<16xi32>
        %parallel_loop3A_554 = arith.constant -65536 : i32
        %parallel_loop3A_555 = vector.broadcast %parallel_loop3A_554 : i32 to vector<16xi32>
        %parallel_loop3A_556 = arith.andi %parallel_loop3A_553, %parallel_loop3A_555 : vector<16xi32>
        %parallel_loop3A_557 = vector.bitcast %parallel_loop3A_556 : vector<16xi32> to vector<16xf32>
        %parallel_loop3A_558 = arith.constant 16 : i32
        %parallel_loop3A_559 = vector.broadcast %parallel_loop3A_558 : i32 to vector<16xi32>
        %parallel_loop3A_560 = arith.shli %parallel_loop3A_553, %parallel_loop3A_559 : vector<16xi32>
        %parallel_loop3A_561 = vector.bitcast %parallel_loop3A_560 : vector<16xi32> to vector<16xf32>
        %parallel_loop3A_562 = arith.index_cast %parallel_loop3A_547 : i32 to index
        %parallel_loop3A_563 = tpu.vector_load %arg11[%parallel_loop3A_562] {strides = array<i32>} : memref<8192xf32, #tpu.memory_space<vmem>>, vector<16xf32>,
        tpu.vector_store %arg11[%parallel_loop3A_562], %parallel_loop3A_557 {add = true, strides = array<i32>} : memref<8192xf32, #tpu.memory_space<vmem>>, vector<16xf32>,
        %parallel_loop3A_564 = arith.index_cast %parallel_loop3A_547 : i32 to index
        %parallel_loop3A_565 = tpu.vector_load %arg12[%parallel_loop3A_564] {strides = array<i32>} : memref<8192xf32, #tpu.memory_space<vmem>>, vector<16xf32>,
        tpu.vector_store %arg12[%parallel_loop3A_564], %parallel_loop3A_561 {add = true, strides = array<i32>} : memref<8192xf32, #tpu.memory_space<vmem>>, vector<16xf32>,
      } {sc.loop_unroll_factor = 8 : i64, sc.parallel_access}
      %add3A_297 = arith.constant 1 : i32
      %add3A_298 = arith.addi %mul3A_207, %add3A_297 : i32
      %add3A_299 = arith.constant 5 : i32
      %add3A_300 = arith.addi %add3A_298, %add3A_299 : i32
      %jit3A_301 = arith.constant 4 : i32
      %div3A_302 = arith.divsi %add3A_300, %jit3A_301 : i32
      %sign3A_303 = arith.constant 0 : i32
      %sign3A_304 = arith.cmpi sgt, %add3A_300, %sign3A_303 : i32
      %sign3A_305 = arith.extui %sign3A_304 : i1 to i32
      %sign3A_306 = arith.constant 0 : i32
      %sign3A_307 = arith.cmpi slt, %add3A_300, %sign3A_306 : i32
      %sign3A_308 = arith.extui %sign3A_307 : i1 to i32
      %sign3A_309 = arith.subi %sign3A_305, %sign3A_308 : i32
      %sign3A_310 = arith.constant 0 : i32
      %sign3A_311 = arith.cmpi sgt, %jit3A_301, %sign3A_310 : i32
      %sign3A_312 = arith.extui %sign3A_311 : i1 to i32
      %sign3A_313 = arith.constant 0 : i32
      %sign3A_314 = arith.cmpi slt, %jit3A_301, %sign3A_313 : i32
      %sign3A_315 = arith.extui %sign3A_314 : i1 to i32
      %sign3A_316 = arith.subi %sign3A_312, %sign3A_315 : i32
      %ne3A_317 = arith.cmpi ne, %sign3A_309, %sign3A_316 : i32
      %rem3A_318 = arith.remsi %add3A_300, %jit3A_301 : i32
      %ne3A_319 = arith.constant 0 : i32
      %ne3A_320 = arith.cmpi ne, %rem3A_318, %ne3A_319 : i32
      %and3A_321 = arith.andi %ne3A_317, %ne3A_320 : i1
      %sub3A_322 = arith.constant 1 : i32
      %sub3A_323 = arith.subi %div3A_302, %sub3A_322 : i32
      %select_n3A_324 = arith.select %and3A_321, %sub3A_323, %div3A_302 : i32
      %mul3A_325 = arith.constant 4 : i32
      %mul3A_326 = arith.muli %select_n3A_324, %mul3A_325 : i32
      %sub3A_327 = arith.subi %add3A_300, %mul3A_326 : i32
      %mul3A_328 = arith.constant 2048 : i32
      %mul3A_329 = arith.muli %sub3A_327, %mul3A_328 : i32
      %add3A_330 = arith.constant 0 : i32
      %add3A_331 = arith.addi %add3A_330, %mul3A_329 : i32
      %dma_start3A_332 = tpu.memref_slice %arg2[%select_n3A_324, %add3A_331] : memref<20x16384xi32, #tpu.memory_space<hbm>> -> memref<1x2048xi32, #tpu.memory_space<hbm>>
      %dma_start3A_333 = tpu.memref_squeeze %dma_start3A_332 : memref<1x2048xi32, #tpu.memory_space<hbm>> -> memref<2048xi32, #tpu.memory_space<hbm>>
      %dma_start3A_334 = tpu.memref_slice %arg2[%select_n3A_324, %add3A_331] : memref<20x16384xi32, #tpu.memory_space<hbm>> -> memref<1x2048xi32, #tpu.memory_space<hbm>>
      %dma_start3A_335 = tpu.memref_squeeze %dma_start3A_334 : memref<1x2048xi32, #tpu.memory_space<hbm>> -> memref<2048xi32, #tpu.memory_space<hbm>>
      tpu.enqueue_dma source(%dma_start3A_335 : memref<2048xi32, #tpu.memory_space<hbm>>) target(%arg7 : memref<2048xi32, #tpu.memory_space<vmem>>) target_semaphore(%arg15 : memref<!tpu.dma_semaphore, #tpu.memory_space<semaphore_mem>>)
      %dma_wait3A_336 = arith.constant 0 : i32
      %dma_wait3A_337 = arith.constant 0 : i32
      %dma_wait3A_338 = tpu.memref_slice %arg2[%dma_wait3A_336, %dma_wait3A_337] : memref<20x16384xi32, #tpu.memory_space<hbm>> -> memref<1x2048xi32, #tpu.memory_space<hbm>>
      %dma_wait3A_339 = tpu.memref_squeeze %dma_wait3A_338 : memref<1x2048xi32, #tpu.memory_space<hbm>> -> memref<2048xi32, #tpu.memory_space<hbm>>
      %dma_wait3A_340 = arith.constant 0 : i32
      %dma_wait3A_341 = tpu.memref_slice %arg2[%dma_wait3A_336, %dma_wait3A_340] : memref<20x16384xi32, #tpu.memory_space<hbm>> -> memref<1x2048xi32, #tpu.memory_space<hbm>>
      %dma_wait3A_342 = tpu.memref_squeeze %dma_wait3A_341 : memref<1x2048xi32, #tpu.memory_space<hbm>> -> memref<2048xi32, #tpu.memory_space<hbm>>
      tpu.wait_dma2 semaphore(%arg16 : memref<!tpu.dma_semaphore, #tpu.memory_space<semaphore_mem>>) src(%dma_wait3A_342 : memref<2048xi32, #tpu.memory_space<hbm>>) dst(%arg8 : memref<2048xi32, #tpu.memory_space<vmem>>)
      %add3A_343 = arith.constant 2 : i32
      %add3A_344 = arith.addi %mul3A_207, %add3A_343 : i32
      %jit3A_345 = arith.constant 4 : i32
      %eq3A_346 = arith.constant 0 : i32
      %eq3A_347 = arith.cmpi eq, %jit3A_345, %eq3A_346 : i32
      %jit3A_348 = arith.constant 1 : i32
      %select_n3A_349 = arith.select %eq3A_347, %jit3A_348, %jit3A_345 : i32
      %rem3A_350 = arith.remsi %add3A_344, %select_n3A_349 : i32
      %ne3A_351 = arith.constant 0 : i32
      %ne3A_352 = arith.cmpi ne, %rem3A_350, %ne3A_351 : i32
      %lt3A_353 = arith.constant 0 : i32
      %lt3A_354 = arith.cmpi slt, %rem3A_350, %lt3A_353 : i32
      %lt3A_355 = arith.constant 0 : i32
      %lt3A_356 = arith.cmpi slt, %select_n3A_349, %lt3A_355 : i32
      %ne3A_357 = arith.xori %lt3A_354, %lt3A_356 : i1
      %and3A_358 = arith.andi %ne3A_357, %ne3A_352 : i1
      %add3A_359 = arith.addi %rem3A_350, %select_n3A_349 : i32
      %select_n3A_360 = arith.select %and3A_358, %add3A_359, %rem3A_350 : i32
      %mul3A_361 = arith.constant 2048 : i32
      %mul3A_362 = arith.muli %select_n3A_360, %mul3A_361 : i32
      %parallel_loop3A_363 = arith.constant 0 : i32
      %parallel_loop3A_364 = arith.constant 128 : i32
      %parallel_loop3A_365 = arith.constant 1 : i32
      scf.for %parallel_loop3A_544 = %parallel_loop3A_363 to %parallel_loop3A_364 step %parallel_loop3A_365  : i32 {
        %parallel_loop3A_545 = arith.constant 16 : i32
        %parallel_loop3A_546 = arith.muli %parallel_loop3A_544, %parallel_loop3A_545 : i32
        %parallel_loop3A_547 = arith.addi %mul3A_362, %parallel_loop3A_546 : i32
        %parallel_loop3A_548 = arith.constant 16 : i32
        %parallel_loop3A_549 = arith.muli %parallel_loop3A_544, %parallel_loop3A_548 : i32
        %parallel_loop3A_550 = arith.index_cast %parallel_loop3A_549 : i32 to index
        %parallel_loop3A_551 = tpu.vector_load %arg8[%parallel_loop3A_550] {strides = array<i32>} : memref<2048xi32, #tpu.memory_space<vmem>>, vector<16xi32>,
        %parallel_loop3A_552 = tpu.vector_load_idx %arg5[%parallel_loop3A_551] : memref<100000xf32, #tpu.memory_space<vmem>>[vector<16xi32>], vector<16xf32>,
        %parallel_loop3A_553 = vector.bitcast %parallel_loop3A_552 : vector<16xf32> to vector<16xi32>
        %parallel_loop3A_554 = arith.constant -65536 : i32
        %parallel_loop3A_555 = vector.broadcast %parallel_loop3A_554 : i32 to vector<16xi32>
        %parallel_loop3A_556 = arith.andi %parallel_loop3A_553, %parallel_loop3A_555 : vector<16xi32>
        %parallel_loop3A_557 = vector.bitcast %parallel_loop3A_556 : vector<16xi32> to vector<16xf32>
        %parallel_loop3A_558 = arith.constant 16 : i32
        %parallel_loop3A_559 = vector.broadcast %parallel_loop3A_558 : i32 to vector<16xi32>
        %parallel_loop3A_560 = arith.shli %parallel_loop3A_553, %parallel_loop3A_559 : vector<16xi32>
        %parallel_loop3A_561 = vector.bitcast %parallel_loop3A_560 : vector<16xi32> to vector<16xf32>
        %parallel_loop3A_562 = arith.index_cast %parallel_loop3A_547 : i32 to index
        %parallel_loop3A_563 = tpu.vector_load %arg11[%parallel_loop3A_562] {strides = array<i32>} : memref<8192xf32, #tpu.memory_space<vmem>>, vector<16xf32>,
        tpu.vector_store %arg11[%parallel_loop3A_562], %parallel_loop3A_557 {add = true, strides = array<i32>} : memref<8192xf32, #tpu.memory_space<vmem>>, vector<16xf32>,
        %parallel_loop3A_564 = arith.index_cast %parallel_loop3A_547 : i32 to index
        %parallel_loop3A_565 = tpu.vector_load %arg12[%parallel_loop3A_564] {strides = array<i32>} : memref<8192xf32, #tpu.memory_space<vmem>>, vector<16xf32>,
        tpu.vector_store %arg12[%parallel_loop3A_564], %parallel_loop3A_561 {add = true, strides = array<i32>} : memref<8192xf32, #tpu.memory_space<vmem>>, vector<16xf32>,
      } {sc.loop_unroll_factor = 8 : i64, sc.parallel_access}
      %add3A_366 = arith.constant 2 : i32
      %add3A_367 = arith.addi %mul3A_207, %add3A_366 : i32
      %add3A_368 = arith.constant 5 : i32
      %add3A_369 = arith.addi %add3A_367, %add3A_368 : i32
      %jit3A_370 = arith.constant 4 : i32
      %div3A_371 = arith.divsi %add3A_369, %jit3A_370 : i32
      %sign3A_372 = arith.constant 0 : i32
      %sign3A_373 = arith.cmpi sgt, %add3A_369, %sign3A_372 : i32
      %sign3A_374 = arith.extui %sign3A_373 : i1 to i32
      %sign3A_375 = arith.constant 0 : i32
      %sign3A_376 = arith.cmpi slt, %add3A_369, %sign3A_375 : i32
      %sign3A_377 = arith.extui %sign3A_376 : i1 to i32
      %sign3A_378 = arith.subi %sign3A_374, %sign3A_377 : i32
      %sign3A_379 = arith.constant 0 : i32
      %sign3A_380 = arith.cmpi sgt, %jit3A_370, %sign3A_379 : i32
      %sign3A_381 = arith.extui %sign3A_380 : i1 to i32
      %sign3A_382 = arith.constant 0 : i32
      %sign3A_383 = arith.cmpi slt, %jit3A_370, %sign3A_382 : i32
      %sign3A_384 = arith.extui %sign3A_383 : i1 to i32
      %sign3A_385 = arith.subi %sign3A_381, %sign3A_384 : i32
      %ne3A_386 = arith.cmpi ne, %sign3A_378, %sign3A_385 : i32
      %rem3A_387 = arith.remsi %add3A_369, %jit3A_370 : i32
      %ne3A_388 = arith.constant 0 : i32
      %ne3A_389 = arith.cmpi ne, %rem3A_387, %ne3A_388 : i32
      %and3A_390 = arith.andi %ne3A_386, %ne3A_389 : i1
      %sub3A_391 = arith.constant 1 : i32
      %sub3A_392 = arith.subi %div3A_371, %sub3A_391 : i32
      %select_n3A_393 = arith.select %and3A_390, %sub3A_392, %div3A_371 : i32
      %mul3A_394 = arith.constant 4 : i32
      %mul3A_395 = arith.muli %select_n3A_393, %mul3A_394 : i32
      %sub3A_396 = arith.subi %add3A_369, %mul3A_395 : i32
      %mul3A_397 = arith.constant 2048 : i32
      %mul3A_398 = arith.muli %sub3A_396, %mul3A_397 : i32
      %add3A_399 = arith.constant 0 : i32
      %add3A_400 = arith.addi %add3A_399, %mul3A_398 : i32
      %dma_start3A_401 = tpu.memref_slice %arg2[%select_n3A_393, %add3A_400] : memref<20x16384xi32, #tpu.memory_space<hbm>> -> memref<1x2048xi32, #tpu.memory_space<hbm>>
      %dma_start3A_402 = tpu.memref_squeeze %dma_start3A_401 : memref<1x2048xi32, #tpu.memory_space<hbm>> -> memref<2048xi32, #tpu.memory_space<hbm>>
      %dma_start3A_403 = tpu.memref_slice %arg2[%select_n3A_393, %add3A_400] : memref<20x16384xi32, #tpu.memory_space<hbm>> -> memref<1x2048xi32, #tpu.memory_space<hbm>>
      %dma_start3A_404 = tpu.memref_squeeze %dma_start3A_403 : memref<1x2048xi32, #tpu.memory_space<hbm>> -> memref<2048xi32, #tpu.memory_space<hbm>>
      tpu.enqueue_dma source(%dma_start3A_404 : memref<2048xi32, #tpu.memory_space<hbm>>) target(%arg8 : memref<2048xi32, #tpu.memory_space<vmem>>) target_semaphore(%arg16 : memref<!tpu.dma_semaphore, #tpu.memory_space<semaphore_mem>>)
      %dma_wait3A_405 = arith.constant 0 : i32
      %dma_wait3A_406 = arith.constant 0 : i32
      %dma_wait3A_407 = tpu.memref_slice %arg2[%dma_wait3A_405, %dma_wait3A_406] : memref<20x16384xi32, #tpu.memory_space<hbm>> -> memref<1x2048xi32, #tpu.memory_space<hbm>>
      %dma_wait3A_408 = tpu.memref_squeeze %dma_wait3A_407 : memref<1x2048xi32, #tpu.memory_space<hbm>> -> memref<2048xi32, #tpu.memory_space<hbm>>
      %dma_wait3A_409 = arith.constant 0 : i32
      %dma_wait3A_410 = tpu.memref_slice %arg2[%dma_wait3A_405, %dma_wait3A_409] : memref<20x16384xi32, #tpu.memory_space<hbm>> -> memref<1x2048xi32, #tpu.memory_space<hbm>>
      %dma_wait3A_411 = tpu.memref_squeeze %dma_wait3A_410 : memref<1x2048xi32, #tpu.memory_space<hbm>> -> memref<2048xi32, #tpu.memory_space<hbm>>
      tpu.wait_dma2 semaphore(%arg17 : memref<!tpu.dma_semaphore, #tpu.memory_space<semaphore_mem>>) src(%dma_wait3A_411 : memref<2048xi32, #tpu.memory_space<hbm>>) dst(%arg9 : memref<2048xi32, #tpu.memory_space<vmem>>)
      %add3A_412 = arith.constant 3 : i32
      %add3A_413 = arith.addi %mul3A_207, %add3A_412 : i32
      %jit3A_414 = arith.constant 4 : i32
      %eq3A_415 = arith.constant 0 : i32
      %eq3A_416 = arith.cmpi eq, %jit3A_414, %eq3A_415 : i32
      %jit3A_417 = arith.constant 1 : i32
      %select_n3A_418 = arith.select %eq3A_416, %jit3A_417, %jit3A_414 : i32
      %rem3A_419 = arith.remsi %add3A_413, %select_n3A_418 : i32
      %ne3A_420 = arith.constant 0 : i32
      %ne3A_421 = arith.cmpi ne, %rem3A_419, %ne3A_420 : i32
      %lt3A_422 = arith.constant 0 : i32
      %lt3A_423 = arith.cmpi slt, %rem3A_419, %lt3A_422 : i32
      %lt3A_424 = arith.constant 0 : i32
      %lt3A_425 = arith.cmpi slt, %select_n3A_418, %lt3A_424 : i32
      %ne3A_426 = arith.xori %lt3A_423, %lt3A_425 : i1
      %and3A_427 = arith.andi %ne3A_426, %ne3A_421 : i1
      %add3A_428 = arith.addi %rem3A_419, %select_n3A_418 : i32
      %select_n3A_429 = arith.select %and3A_427, %add3A_428, %rem3A_419 : i32
      %mul3A_430 = arith.constant 2048 : i32
      %mul3A_431 = arith.muli %select_n3A_429, %mul3A_430 : i32
      %parallel_loop3A_432 = arith.constant 0 : i32
      %parallel_loop3A_433 = arith.constant 128 : i32
      %parallel_loop3A_434 = arith.constant 1 : i32
      scf.for %parallel_loop3A_544 = %parallel_loop3A_432 to %parallel_loop3A_433 step %parallel_loop3A_434  : i32 {
        %parallel_loop3A_545 = arith.constant 16 : i32
        %parallel_loop3A_546 = arith.muli %parallel_loop3A_544, %parallel_loop3A_545 : i32
        %parallel_loop3A_547 = arith.addi %mul3A_431, %parallel_loop3A_546 : i32
        %parallel_loop3A_548 = arith.constant 16 : i32
        %parallel_loop3A_549 = arith.muli %parallel_loop3A_544, %parallel_loop3A_548 : i32
        %parallel_loop3A_550 = arith.index_cast %parallel_loop3A_549 : i32 to index
        %parallel_loop3A_551 = tpu.vector_load %arg9[%parallel_loop3A_550] {strides = array<i32>} : memref<2048xi32, #tpu.memory_space<vmem>>, vector<16xi32>,
        %parallel_loop3A_552 = tpu.vector_load_idx %arg5[%parallel_loop3A_551] : memref<100000xf32, #tpu.memory_space<vmem>>[vector<16xi32>], vector<16xf32>,
        %parallel_loop3A_553 = vector.bitcast %parallel_loop3A_552 : vector<16xf32> to vector<16xi32>
        %parallel_loop3A_554 = arith.constant -65536 : i32
        %parallel_loop3A_555 = vector.broadcast %parallel_loop3A_554 : i32 to vector<16xi32>
        %parallel_loop3A_556 = arith.andi %parallel_loop3A_553, %parallel_loop3A_555 : vector<16xi32>
        %parallel_loop3A_557 = vector.bitcast %parallel_loop3A_556 : vector<16xi32> to vector<16xf32>
        %parallel_loop3A_558 = arith.constant 16 : i32
        %parallel_loop3A_559 = vector.broadcast %parallel_loop3A_558 : i32 to vector<16xi32>
        %parallel_loop3A_560 = arith.shli %parallel_loop3A_553, %parallel_loop3A_559 : vector<16xi32>
        %parallel_loop3A_561 = vector.bitcast %parallel_loop3A_560 : vector<16xi32> to vector<16xf32>
        %parallel_loop3A_562 = arith.index_cast %parallel_loop3A_547 : i32 to index
        %parallel_loop3A_563 = tpu.vector_load %arg11[%parallel_loop3A_562] {strides = array<i32>} : memref<8192xf32, #tpu.memory_space<vmem>>, vector<16xf32>,
        tpu.vector_store %arg11[%parallel_loop3A_562], %parallel_loop3A_557 {add = true, strides = array<i32>} : memref<8192xf32, #tpu.memory_space<vmem>>, vector<16xf32>,
        %parallel_loop3A_564 = arith.index_cast %parallel_loop3A_547 : i32 to index
        %parallel_loop3A_565 = tpu.vector_load %arg12[%parallel_loop3A_564] {strides = array<i32>} : memref<8192xf32, #tpu.memory_space<vmem>>, vector<16xf32>,
        tpu.vector_store %arg12[%parallel_loop3A_564], %parallel_loop3A_561 {add = true, strides = array<i32>} : memref<8192xf32, #tpu.memory_space<vmem>>, vector<16xf32>,
      } {sc.loop_unroll_factor = 8 : i64, sc.parallel_access}
      %add3A_435 = arith.constant 3 : i32
      %add3A_436 = arith.addi %mul3A_207, %add3A_435 : i32
      %add3A_437 = arith.constant 5 : i32
      %add3A_438 = arith.addi %add3A_436, %add3A_437 : i32
      %jit3A_439 = arith.constant 4 : i32
      %div3A_440 = arith.divsi %add3A_438, %jit3A_439 : i32
      %sign3A_441 = arith.constant 0 : i32
      %sign3A_442 = arith.cmpi sgt, %add3A_438, %sign3A_441 : i32
      %sign3A_443 = arith.extui %sign3A_442 : i1 to i32
      %sign3A_444 = arith.constant 0 : i32
      %sign3A_445 = arith.cmpi slt, %add3A_438, %sign3A_444 : i32
      %sign3A_446 = arith.extui %sign3A_445 : i1 to i32
      %sign3A_447 = arith.subi %sign3A_443, %sign3A_446 : i32
      %sign3A_448 = arith.constant 0 : i32
      %sign3A_449 = arith.cmpi sgt, %jit3A_439, %sign3A_448 : i32
      %sign3A_450 = arith.extui %sign3A_449 : i1 to i32
      %sign3A_451 = arith.constant 0 : i32
      %sign3A_452 = arith.cmpi slt, %jit3A_439, %sign3A_451 : i32
      %sign3A_453 = arith.extui %sign3A_452 : i1 to i32
      %sign3A_454 = arith.subi %sign3A_450, %sign3A_453 : i32
      %ne3A_455 = arith.cmpi ne, %sign3A_447, %sign3A_454 : i32
      %rem3A_456 = arith.remsi %add3A_438, %jit3A_439 : i32
      %ne3A_457 = arith.constant 0 : i32
      %ne3A_458 = arith.cmpi ne, %rem3A_456, %ne3A_457 : i32
      %and3A_459 = arith.andi %ne3A_455, %ne3A_458 : i1
      %sub3A_460 = arith.constant 1 : i32
      %sub3A_461 = arith.subi %div3A_440, %sub3A_460 : i32
      %select_n3A_462 = arith.select %and3A_459, %sub3A_461, %div3A_440 : i32
      %mul3A_463 = arith.constant 4 : i32
      %mul3A_464 = arith.muli %select_n3A_462, %mul3A_463 : i32
      %sub3A_465 = arith.subi %add3A_438, %mul3A_464 : i32
      %mul3A_466 = arith.constant 2048 : i32
      %mul3A_467 = arith.muli %sub3A_465, %mul3A_466 : i32
      %add3A_468 = arith.constant 0 : i32
      %add3A_469 = arith.addi %add3A_468, %mul3A_467 : i32
      %dma_start3A_470 = tpu.memref_slice %arg2[%select_n3A_462, %add3A_469] : memref<20x16384xi32, #tpu.memory_space<hbm>> -> memref<1x2048xi32, #tpu.memory_space<hbm>>
      %dma_start3A_471 = tpu.memref_squeeze %dma_start3A_470 : memref<1x2048xi32, #tpu.memory_space<hbm>> -> memref<2048xi32, #tpu.memory_space<hbm>>
      %dma_start3A_472 = tpu.memref_slice %arg2[%select_n3A_462, %add3A_469] : memref<20x16384xi32, #tpu.memory_space<hbm>> -> memref<1x2048xi32, #tpu.memory_space<hbm>>
      %dma_start3A_473 = tpu.memref_squeeze %dma_start3A_472 : memref<1x2048xi32, #tpu.memory_space<hbm>> -> memref<2048xi32, #tpu.memory_space<hbm>>
      tpu.enqueue_dma source(%dma_start3A_473 : memref<2048xi32, #tpu.memory_space<hbm>>) target(%arg9 : memref<2048xi32, #tpu.memory_space<vmem>>) target_semaphore(%arg17 : memref<!tpu.dma_semaphore, #tpu.memory_space<semaphore_mem>>)
      %dma_wait3A_474 = arith.constant 0 : i32
      %dma_wait3A_475 = arith.constant 0 : i32
      %dma_wait3A_476 = tpu.memref_slice %arg2[%dma_wait3A_474, %dma_wait3A_475] : memref<20x16384xi32, #tpu.memory_space<hbm>> -> memref<1x2048xi32, #tpu.memory_space<hbm>>
      %dma_wait3A_477 = tpu.memref_squeeze %dma_wait3A_476 : memref<1x2048xi32, #tpu.memory_space<hbm>> -> memref<2048xi32, #tpu.memory_space<hbm>>
      %dma_wait3A_478 = arith.constant 0 : i32
      %dma_wait3A_479 = tpu.memref_slice %arg2[%dma_wait3A_474, %dma_wait3A_478] : memref<20x16384xi32, #tpu.memory_space<hbm>> -> memref<1x2048xi32, #tpu.memory_space<hbm>>
      %dma_wait3A_480 = tpu.memref_squeeze %dma_wait3A_479 : memref<1x2048xi32, #tpu.memory_space<hbm>> -> memref<2048xi32, #tpu.memory_space<hbm>>
      tpu.wait_dma2 semaphore(%arg18 : memref<!tpu.dma_semaphore, #tpu.memory_space<semaphore_mem>>) src(%dma_wait3A_480 : memref<2048xi32, #tpu.memory_space<hbm>>) dst(%arg10 : memref<2048xi32, #tpu.memory_space<vmem>>)
      %add3A_481 = arith.constant 4 : i32
      %add3A_482 = arith.addi %mul3A_207, %add3A_481 : i32
      %jit3A_483 = arith.constant 4 : i32
      %eq3A_484 = arith.constant 0 : i32
      %eq3A_485 = arith.cmpi eq, %jit3A_483, %eq3A_484 : i32
      %jit3A_486 = arith.constant 1 : i32
      %select_n3A_487 = arith.select %eq3A_485, %jit3A_486, %jit3A_483 : i32
      %rem3A_488 = arith.remsi %add3A_482, %select_n3A_487 : i32
      %ne3A_489 = arith.constant 0 : i32
      %ne3A_490 = arith.cmpi ne, %rem3A_488, %ne3A_489 : i32
      %lt3A_491 = arith.constant 0 : i32
      %lt3A_492 = arith.cmpi slt, %rem3A_488, %lt3A_491 : i32
      %lt3A_493 = arith.constant 0 : i32
      %lt3A_494 = arith.cmpi slt, %select_n3A_487, %lt3A_493 : i32
      %ne3A_495 = arith.xori %lt3A_492, %lt3A_494 : i1
      %and3A_496 = arith.andi %ne3A_495, %ne3A_490 : i1
      %add3A_497 = arith.addi %rem3A_488, %select_n3A_487 : i32
      %select_n3A_498 = arith.select %and3A_496, %add3A_497, %rem3A_488 : i32
      %mul3A_499 = arith.constant 2048 : i32
      %mul3A_500 = arith.muli %select_n3A_498, %mul3A_499 : i32
      %parallel_loop3A_501 = arith.constant 0 : i32
      %parallel_loop3A_502 = arith.constant 128 : i32
      %parallel_loop3A_503 = arith.constant 1 : i32
      scf.for %parallel_loop3A_544 = %parallel_loop3A_501 to %parallel_loop3A_502 step %parallel_loop3A_503  : i32 {
        %parallel_loop3A_545 = arith.constant 16 : i32
        %parallel_loop3A_546 = arith.muli %parallel_loop3A_544, %parallel_loop3A_545 : i32
        %parallel_loop3A_547 = arith.addi %mul3A_500, %parallel_loop3A_546 : i32
        %parallel_loop3A_548 = arith.constant 16 : i32
        %parallel_loop3A_549 = arith.muli %parallel_loop3A_544, %parallel_loop3A_548 : i32
        %parallel_loop3A_550 = arith.index_cast %parallel_loop3A_549 : i32 to index
        %parallel_loop3A_551 = tpu.vector_load %arg10[%parallel_loop3A_550] {strides = array<i32>} : memref<2048xi32, #tpu.memory_space<vmem>>, vector<16xi32>,
        %parallel_loop3A_552 = tpu.vector_load_idx %arg5[%parallel_loop3A_551] : memref<100000xf32, #tpu.memory_space<vmem>>[vector<16xi32>], vector<16xf32>,
        %parallel_loop3A_553 = vector.bitcast %parallel_loop3A_552 : vector<16xf32> to vector<16xi32>
        %parallel_loop3A_554 = arith.constant -65536 : i32
        %parallel_loop3A_555 = vector.broadcast %parallel_loop3A_554 : i32 to vector<16xi32>
        %parallel_loop3A_556 = arith.andi %parallel_loop3A_553, %parallel_loop3A_555 : vector<16xi32>
        %parallel_loop3A_557 = vector.bitcast %parallel_loop3A_556 : vector<16xi32> to vector<16xf32>
        %parallel_loop3A_558 = arith.constant 16 : i32
        %parallel_loop3A_559 = vector.broadcast %parallel_loop3A_558 : i32 to vector<16xi32>
        %parallel_loop3A_560 = arith.shli %parallel_loop3A_553, %parallel_loop3A_559 : vector<16xi32>
        %parallel_loop3A_561 = vector.bitcast %parallel_loop3A_560 : vector<16xi32> to vector<16xf32>
        %parallel_loop3A_562 = arith.index_cast %parallel_loop3A_547 : i32 to index
        %parallel_loop3A_563 = tpu.vector_load %arg11[%parallel_loop3A_562] {strides = array<i32>} : memref<8192xf32, #tpu.memory_space<vmem>>, vector<16xf32>,
        tpu.vector_store %arg11[%parallel_loop3A_562], %parallel_loop3A_557 {add = true, strides = array<i32>} : memref<8192xf32, #tpu.memory_space<vmem>>, vector<16xf32>,
        %parallel_loop3A_564 = arith.index_cast %parallel_loop3A_547 : i32 to index
        %parallel_loop3A_565 = tpu.vector_load %arg12[%parallel_loop3A_564] {strides = array<i32>} : memref<8192xf32, #tpu.memory_space<vmem>>, vector<16xf32>,
        tpu.vector_store %arg12[%parallel_loop3A_564], %parallel_loop3A_561 {add = true, strides = array<i32>} : memref<8192xf32, #tpu.memory_space<vmem>>, vector<16xf32>,
      } {sc.loop_unroll_factor = 8 : i64, sc.parallel_access}
      %add3A_504 = arith.constant 4 : i32
      %add3A_505 = arith.addi %mul3A_207, %add3A_504 : i32
      %add3A_506 = arith.constant 5 : i32
      %add3A_507 = arith.addi %add3A_505, %add3A_506 : i32
      %jit3A_508 = arith.constant 4 : i32
      %div3A_509 = arith.divsi %add3A_507, %jit3A_508 : i32
      %sign3A_510 = arith.constant 0 : i32
      %sign3A_511 = arith.cmpi sgt, %add3A_507, %sign3A_510 : i32
      %sign3A_512 = arith.extui %sign3A_511 : i1 to i32
      %sign3A_513 = arith.constant 0 : i32
      %sign3A_514 = arith.cmpi slt, %add3A_507, %sign3A_513 : i32
      %sign3A_515 = arith.extui %sign3A_514 : i1 to i32
      %sign3A_516 = arith.subi %sign3A_512, %sign3A_515 : i32
      %sign3A_517 = arith.constant 0 : i32
      %sign3A_518 = arith.cmpi sgt, %jit3A_508, %sign3A_517 : i32
      %sign3A_519 = arith.extui %sign3A_518 : i1 to i32
      %sign3A_520 = arith.constant 0 : i32
      %sign3A_521 = arith.cmpi slt, %jit3A_508, %sign3A_520 : i32
      %sign3A_522 = arith.extui %sign3A_521 : i1 to i32
      %sign3A_523 = arith.subi %sign3A_519, %sign3A_522 : i32
      %ne3A_524 = arith.cmpi ne, %sign3A_516, %sign3A_523 : i32
      %rem3A_525 = arith.remsi %add3A_507, %jit3A_508 : i32
      %ne3A_526 = arith.constant 0 : i32
      %ne3A_527 = arith.cmpi ne, %rem3A_525, %ne3A_526 : i32
      %and3A_528 = arith.andi %ne3A_524, %ne3A_527 : i1
      %sub3A_529 = arith.constant 1 : i32
      %sub3A_530 = arith.subi %div3A_509, %sub3A_529 : i32
      %select_n3A_531 = arith.select %and3A_528, %sub3A_530, %div3A_509 : i32
      %mul3A_532 = arith.constant 4 : i32
      %mul3A_533 = arith.muli %select_n3A_531, %mul3A_532 : i32
      %sub3A_534 = arith.subi %add3A_507, %mul3A_533 : i32
      %mul3A_535 = arith.constant 2048 : i32
      %mul3A_536 = arith.muli %sub3A_534, %mul3A_535 : i32
      %add3A_537 = arith.constant 0 : i32
      %add3A_538 = arith.addi %add3A_537, %mul3A_536 : i32
      %dma_start3A_539 = tpu.memref_slice %arg2[%select_n3A_531, %add3A_538] : memref<20x16384xi32, #tpu.memory_space<hbm>> -> memref<1x2048xi32, #tpu.memory_space<hbm>>
      %dma_start3A_540 = tpu.memref_squeeze %dma_start3A_539 : memref<1x2048xi32, #tpu.memory_space<hbm>> -> memref<2048xi32, #tpu.memory_space<hbm>>
      %dma_start3A_541 = tpu.memref_slice %arg2[%select_n3A_531, %add3A_538] : memref<20x16384xi32, #tpu.memory_space<hbm>> -> memref<1x2048xi32, #tpu.memory_space<hbm>>
      %dma_start3A_542 = tpu.memref_squeeze %dma_start3A_541 : memref<1x2048xi32, #tpu.memory_space<hbm>> -> memref<2048xi32, #tpu.memory_space<hbm>>
      tpu.enqueue_dma source(%dma_start3A_542 : memref<2048xi32, #tpu.memory_space<hbm>>) target(%arg10 : memref<2048xi32, #tpu.memory_space<vmem>>) target_semaphore(%arg18 : memref<!tpu.dma_semaphore, #tpu.memory_space<semaphore_mem>>)
      %scan3A_543 = arith.constant 0 : i32
      scf.yield %scan3A_543 : i32
    }
    %scan3A_54 = arith.constant 15 : i32
    %dma_wait3A_55 = arith.constant 0 : i32
    %dma_wait3A_56 = arith.constant 0 : i32
    %dma_wait3A_57 = tpu.memref_slice %arg2[%dma_wait3A_55, %dma_wait3A_56] : memref<20x16384xi32, #tpu.memory_space<hbm>> -> memref<1x2048xi32, #tpu.memory_space<hbm>>
    %dma_wait3A_58 = tpu.memref_squeeze %dma_wait3A_57 : memref<1x2048xi32, #tpu.memory_space<hbm>> -> memref<2048xi32, #tpu.memory_space<hbm>>
    %dma_wait3A_59 = arith.constant 0 : i32
    %dma_wait3A_60 = tpu.memref_slice %arg2[%dma_wait3A_55, %dma_wait3A_59] : memref<20x16384xi32, #tpu.memory_space<hbm>> -> memref<1x2048xi32, #tpu.memory_space<hbm>>
    %dma_wait3A_61 = tpu.memref_squeeze %dma_wait3A_60 : memref<1x2048xi32, #tpu.memory_space<hbm>> -> memref<2048xi32, #tpu.memory_space<hbm>>
    tpu.wait_dma2 semaphore(%arg14 : memref<!tpu.dma_semaphore, #tpu.memory_space<semaphore_mem>>) src(%dma_wait3A_61 : memref<2048xi32, #tpu.memory_space<hbm>>) dst(%arg6 : memref<2048xi32, #tpu.memory_space<vmem>>)
    %parallel_loop3A_62 = arith.constant 0 : i32
    %parallel_loop3A_63 = arith.constant 128 : i32
    %parallel_loop3A_64 = arith.constant 1 : i32
    scf.for %parallel_loop3A_204 = %parallel_loop3A_62 to %parallel_loop3A_63 step %parallel_loop3A_64  : i32 {
      %parallel_loop3A_205 = arith.constant 16 : i32
      %parallel_loop3A_206 = arith.muli %parallel_loop3A_204, %parallel_loop3A_205 : i32
      %parallel_loop3A_207 = arith.constant 6144 : i32
      %parallel_loop3A_208 = arith.addi %parallel_loop3A_207, %parallel_loop3A_206 : i32
      %parallel_loop3A_209 = arith.constant 16 : i32
      %parallel_loop3A_210 = arith.muli %parallel_loop3A_204, %parallel_loop3A_209 : i32
      %parallel_loop3A_211 = arith.index_cast %parallel_loop3A_210 : i32 to index
      %parallel_loop3A_212 = tpu.vector_load %arg6[%parallel_loop3A_211] {strides = array<i32>} : memref<2048xi32, #tpu.memory_space<vmem>>, vector<16xi32>,
      %parallel_loop3A_213 = tpu.vector_load_idx %arg5[%parallel_loop3A_212] : memref<100000xf32, #tpu.memory_space<vmem>>[vector<16xi32>], vector<16xf32>,
      %parallel_loop3A_214 = vector.bitcast %parallel_loop3A_213 : vector<16xf32> to vector<16xi32>
      %parallel_loop3A_215 = arith.constant -65536 : i32
      %parallel_loop3A_216 = vector.broadcast %parallel_loop3A_215 : i32 to vector<16xi32>
      %parallel_loop3A_217 = arith.andi %parallel_loop3A_214, %parallel_loop3A_216 : vector<16xi32>
      %parallel_loop3A_218 = vector.bitcast %parallel_loop3A_217 : vector<16xi32> to vector<16xf32>
      %parallel_loop3A_219 = arith.constant 16 : i32
      %parallel_loop3A_220 = vector.broadcast %parallel_loop3A_219 : i32 to vector<16xi32>
      %parallel_loop3A_221 = arith.shli %parallel_loop3A_214, %parallel_loop3A_220 : vector<16xi32>
      %parallel_loop3A_222 = vector.bitcast %parallel_loop3A_221 : vector<16xi32> to vector<16xf32>
      %parallel_loop3A_223 = arith.index_cast %parallel_loop3A_208 : i32 to index
      %parallel_loop3A_224 = tpu.vector_load %arg11[%parallel_loop3A_223] {strides = array<i32>} : memref<8192xf32, #tpu.memory_space<vmem>>, vector<16xf32>,
      tpu.vector_store %arg11[%parallel_loop3A_223], %parallel_loop3A_218 {add = true, strides = array<i32>} : memref<8192xf32, #tpu.memory_space<vmem>>, vector<16xf32>,
      %parallel_loop3A_225 = arith.index_cast %parallel_loop3A_208 : i32 to index
      %parallel_loop3A_226 = tpu.vector_load %arg12[%parallel_loop3A_225] {strides = array<i32>} : memref<8192xf32, #tpu.memory_space<vmem>>, vector<16xf32>,
      tpu.vector_store %arg12[%parallel_loop3A_225], %parallel_loop3A_222 {add = true, strides = array<i32>} : memref<8192xf32, #tpu.memory_space<vmem>>, vector<16xf32>,
    } {sc.loop_unroll_factor = 8 : i64, sc.parallel_access}
    %dma_wait3A_65 = arith.constant 0 : i32
    %dma_wait3A_66 = arith.constant 0 : i32
    %dma_wait3A_67 = tpu.memref_slice %arg2[%dma_wait3A_65, %dma_wait3A_66] : memref<20x16384xi32, #tpu.memory_space<hbm>> -> memref<1x2048xi32, #tpu.memory_space<hbm>>
    %dma_wait3A_68 = tpu.memref_squeeze %dma_wait3A_67 : memref<1x2048xi32, #tpu.memory_space<hbm>> -> memref<2048xi32, #tpu.memory_space<hbm>>
    %dma_wait3A_69 = arith.constant 0 : i32
    %dma_wait3A_70 = tpu.memref_slice %arg2[%dma_wait3A_65, %dma_wait3A_69] : memref<20x16384xi32, #tpu.memory_space<hbm>> -> memref<1x2048xi32, #tpu.memory_space<hbm>>
    %dma_wait3A_71 = tpu.memref_squeeze %dma_wait3A_70 : memref<1x2048xi32, #tpu.memory_space<hbm>> -> memref<2048xi32, #tpu.memory_space<hbm>>
    tpu.wait_dma2 semaphore(%arg15 : memref<!tpu.dma_semaphore, #tpu.memory_space<semaphore_mem>>) src(%dma_wait3A_71 : memref<2048xi32, #tpu.memory_space<hbm>>) dst(%arg7 : memref<2048xi32, #tpu.memory_space<vmem>>)
    %parallel_loop3A_72 = arith.constant 0 : i32
    %parallel_loop3A_73 = arith.constant 128 : i32
    %parallel_loop3A_74 = arith.constant 1 : i32
    scf.for %parallel_loop3A_204 = %parallel_loop3A_72 to %parallel_loop3A_73 step %parallel_loop3A_74  : i32 {
      %parallel_loop3A_205 = arith.constant 16 : i32
      %parallel_loop3A_206 = arith.muli %parallel_loop3A_204, %parallel_loop3A_205 : i32
      %parallel_loop3A_207 = arith.constant 0 : i32
      %parallel_loop3A_208 = arith.addi %parallel_loop3A_207, %parallel_loop3A_206 : i32
      %parallel_loop3A_209 = arith.constant 16 : i32
      %parallel_loop3A_210 = arith.muli %parallel_loop3A_204, %parallel_loop3A_209 : i32
      %parallel_loop3A_211 = arith.index_cast %parallel_loop3A_210 : i32 to index
      %parallel_loop3A_212 = tpu.vector_load %arg7[%parallel_loop3A_211] {strides = array<i32>} : memref<2048xi32, #tpu.memory_space<vmem>>, vector<16xi32>,
      %parallel_loop3A_213 = tpu.vector_load_idx %arg5[%parallel_loop3A_212] : memref<100000xf32, #tpu.memory_space<vmem>>[vector<16xi32>], vector<16xf32>,
      %parallel_loop3A_214 = vector.bitcast %parallel_loop3A_213 : vector<16xf32> to vector<16xi32>
      %parallel_loop3A_215 = arith.constant -65536 : i32
      %parallel_loop3A_216 = vector.broadcast %parallel_loop3A_215 : i32 to vector<16xi32>
      %parallel_loop3A_217 = arith.andi %parallel_loop3A_214, %parallel_loop3A_216 : vector<16xi32>
      %parallel_loop3A_218 = vector.bitcast %parallel_loop3A_217 : vector<16xi32> to vector<16xf32>
      %parallel_loop3A_219 = arith.constant 16 : i32
      %parallel_loop3A_220 = vector.broadcast %parallel_loop3A_219 : i32 to vector<16xi32>
      %parallel_loop3A_221 = arith.shli %parallel_loop3A_214, %parallel_loop3A_220 : vector<16xi32>
      %parallel_loop3A_222 = vector.bitcast %parallel_loop3A_221 : vector<16xi32> to vector<16xf32>
      %parallel_loop3A_223 = arith.index_cast %parallel_loop3A_208 : i32 to index
      %parallel_loop3A_224 = tpu.vector_load %arg11[%parallel_loop3A_223] {strides = array<i32>} : memref<8192xf32, #tpu.memory_space<vmem>>, vector<16xf32>,
      tpu.vector_store %arg11[%parallel_loop3A_223], %parallel_loop3A_218 {add = true, strides = array<i32>} : memref<8192xf32, #tpu.memory_space<vmem>>, vector<16xf32>,
      %parallel_loop3A_225 = arith.index_cast %parallel_loop3A_208 : i32 to index
      %parallel_loop3A_226 = tpu.vector_load %arg12[%parallel_loop3A_225] {strides = array<i32>} : memref<8192xf32, #tpu.memory_space<vmem>>, vector<16xf32>,
      tpu.vector_store %arg12[%parallel_loop3A_225], %parallel_loop3A_222 {add = true, strides = array<i32>} : memref<8192xf32, #tpu.memory_space<vmem>>, vector<16xf32>,
    } {sc.loop_unroll_factor = 8 : i64, sc.parallel_access}
    %dma_wait3A_75 = arith.constant 0 : i32
    %dma_wait3A_76 = arith.constant 0 : i32
    %dma_wait3A_77 = tpu.memref_slice %arg2[%dma_wait3A_75, %dma_wait3A_76] : memref<20x16384xi32, #tpu.memory_space<hbm>> -> memref<1x2048xi32, #tpu.memory_space<hbm>>
    %dma_wait3A_78 = tpu.memref_squeeze %dma_wait3A_77 : memref<1x2048xi32, #tpu.memory_space<hbm>> -> memref<2048xi32, #tpu.memory_space<hbm>>
    %dma_wait3A_79 = arith.constant 0 : i32
    %dma_wait3A_80 = tpu.memref_slice %arg2[%dma_wait3A_75, %dma_wait3A_79] : memref<20x16384xi32, #tpu.memory_space<hbm>> -> memref<1x2048xi32, #tpu.memory_space<hbm>>
    %dma_wait3A_81 = tpu.memref_squeeze %dma_wait3A_80 : memref<1x2048xi32, #tpu.memory_space<hbm>> -> memref<2048xi32, #tpu.memory_space<hbm>>
    tpu.wait_dma2 semaphore(%arg16 : memref<!tpu.dma_semaphore, #tpu.memory_space<semaphore_mem>>) src(%dma_wait3A_81 : memref<2048xi32, #tpu.memory_space<hbm>>) dst(%arg8 : memref<2048xi32, #tpu.memory_space<vmem>>)
    %parallel_loop3A_82 = arith.constant 0 : i32
    %parallel_loop3A_83 = arith.constant 128 : i32
    %parallel_loop3A_84 = arith.constant 1 : i32
    scf.for %parallel_loop3A_204 = %parallel_loop3A_82 to %parallel_loop3A_83 step %parallel_loop3A_84  : i32 {
      %parallel_loop3A_205 = arith.constant 16 : i32
      %parallel_loop3A_206 = arith.muli %parallel_loop3A_204, %parallel_loop3A_205 : i32
      %parallel_loop3A_207 = arith.constant 2048 : i32
      %parallel_loop3A_208 = arith.addi %parallel_loop3A_207, %parallel_loop3A_206 : i32
      %parallel_loop3A_209 = arith.constant 16 : i32
      %parallel_loop3A_210 = arith.muli %parallel_loop3A_204, %parallel_loop3A_209 : i32
      %parallel_loop3A_211 = arith.index_cast %parallel_loop3A_210 : i32 to index
      %parallel_loop3A_212 = tpu.vector_load %arg8[%parallel_loop3A_211] {strides = array<i32>} : memref<2048xi32, #tpu.memory_space<vmem>>, vector<16xi32>,
      %parallel_loop3A_213 = tpu.vector_load_idx %arg5[%parallel_loop3A_212] : memref<100000xf32, #tpu.memory_space<vmem>>[vector<16xi32>], vector<16xf32>,
      %parallel_loop3A_214 = vector.bitcast %parallel_loop3A_213 : vector<16xf32> to vector<16xi32>
      %parallel_loop3A_215 = arith.constant -65536 : i32
      %parallel_loop3A_216 = vector.broadcast %parallel_loop3A_215 : i32 to vector<16xi32>
      %parallel_loop3A_217 = arith.andi %parallel_loop3A_214, %parallel_loop3A_216 : vector<16xi32>
      %parallel_loop3A_218 = vector.bitcast %parallel_loop3A_217 : vector<16xi32> to vector<16xf32>
      %parallel_loop3A_219 = arith.constant 16 : i32
      %parallel_loop3A_220 = vector.broadcast %parallel_loop3A_219 : i32 to vector<16xi32>
      %parallel_loop3A_221 = arith.shli %parallel_loop3A_214, %parallel_loop3A_220 : vector<16xi32>
      %parallel_loop3A_222 = vector.bitcast %parallel_loop3A_221 : vector<16xi32> to vector<16xf32>
      %parallel_loop3A_223 = arith.index_cast %parallel_loop3A_208 : i32 to index
      %parallel_loop3A_224 = tpu.vector_load %arg11[%parallel_loop3A_223] {strides = array<i32>} : memref<8192xf32, #tpu.memory_space<vmem>>, vector<16xf32>,
      tpu.vector_store %arg11[%parallel_loop3A_223], %parallel_loop3A_218 {add = true, strides = array<i32>} : memref<8192xf32, #tpu.memory_space<vmem>>, vector<16xf32>,
      %parallel_loop3A_225 = arith.index_cast %parallel_loop3A_208 : i32 to index
      %parallel_loop3A_226 = tpu.vector_load %arg12[%parallel_loop3A_225] {strides = array<i32>} : memref<8192xf32, #tpu.memory_space<vmem>>, vector<16xf32>,
      tpu.vector_store %arg12[%parallel_loop3A_225], %parallel_loop3A_222 {add = true, strides = array<i32>} : memref<8192xf32, #tpu.memory_space<vmem>>, vector<16xf32>,
    } {sc.loop_unroll_factor = 8 : i64, sc.parallel_access}
    %dma_wait3A_85 = arith.constant 0 : i32
    %dma_wait3A_86 = arith.constant 0 : i32
    %dma_wait3A_87 = tpu.memref_slice %arg2[%dma_wait3A_85, %dma_wait3A_86] : memref<20x16384xi32, #tpu.memory_space<hbm>> -> memref<1x2048xi32, #tpu.memory_space<hbm>>
    %dma_wait3A_88 = tpu.memref_squeeze %dma_wait3A_87 : memref<1x2048xi32, #tpu.memory_space<hbm>> -> memref<2048xi32, #tpu.memory_space<hbm>>
    %dma_wait3A_89 = arith.constant 0 : i32
    %dma_wait3A_90 = tpu.memref_slice %arg2[%dma_wait3A_85, %dma_wait3A_89] : memref<20x16384xi32, #tpu.memory_space<hbm>> -> memref<1x2048xi32, #tpu.memory_space<hbm>>
    %dma_wait3A_91 = tpu.memref_squeeze %dma_wait3A_90 : memref<1x2048xi32, #tpu.memory_space<hbm>> -> memref<2048xi32, #tpu.memory_space<hbm>>
    tpu.wait_dma2 semaphore(%arg17 : memref<!tpu.dma_semaphore, #tpu.memory_space<semaphore_mem>>) src(%dma_wait3A_91 : memref<2048xi32, #tpu.memory_space<hbm>>) dst(%arg9 : memref<2048xi32, #tpu.memory_space<vmem>>)
    %parallel_loop3A_92 = arith.constant 0 : i32
    %parallel_loop3A_93 = arith.constant 128 : i32
    %parallel_loop3A_94 = arith.constant 1 : i32
    scf.for %parallel_loop3A_204 = %parallel_loop3A_92 to %parallel_loop3A_93 step %parallel_loop3A_94  : i32 {
      %parallel_loop3A_205 = arith.constant 16 : i32
      %parallel_loop3A_206 = arith.muli %parallel_loop3A_204, %parallel_loop3A_205 : i32
      %parallel_loop3A_207 = arith.constant 4096 : i32
      %parallel_loop3A_208 = arith.addi %parallel_loop3A_207, %parallel_loop3A_206 : i32
      %parallel_loop3A_209 = arith.constant 16 : i32
      %parallel_loop3A_210 = arith.muli %parallel_loop3A_204, %parallel_loop3A_209 : i32
      %parallel_loop3A_211 = arith.index_cast %parallel_loop3A_210 : i32 to index
      %parallel_loop3A_212 = tpu.vector_load %arg9[%parallel_loop3A_211] {strides = array<i32>} : memref<2048xi32, #tpu.memory_space<vmem>>, vector<16xi32>,
      %parallel_loop3A_213 = tpu.vector_load_idx %arg5[%parallel_loop3A_212] : memref<100000xf32, #tpu.memory_space<vmem>>[vector<16xi32>], vector<16xf32>,
      %parallel_loop3A_214 = vector.bitcast %parallel_loop3A_213 : vector<16xf32> to vector<16xi32>
      %parallel_loop3A_215 = arith.constant -65536 : i32
      %parallel_loop3A_216 = vector.broadcast %parallel_loop3A_215 : i32 to vector<16xi32>
      %parallel_loop3A_217 = arith.andi %parallel_loop3A_214, %parallel_loop3A_216 : vector<16xi32>
      %parallel_loop3A_218 = vector.bitcast %parallel_loop3A_217 : vector<16xi32> to vector<16xf32>
      %parallel_loop3A_219 = arith.constant 16 : i32
      %parallel_loop3A_220 = vector.broadcast %parallel_loop3A_219 : i32 to vector<16xi32>
      %parallel_loop3A_221 = arith.shli %parallel_loop3A_214, %parallel_loop3A_220 : vector<16xi32>
      %parallel_loop3A_222 = vector.bitcast %parallel_loop3A_221 : vector<16xi32> to vector<16xf32>
      %parallel_loop3A_223 = arith.index_cast %parallel_loop3A_208 : i32 to index
      %parallel_loop3A_224 = tpu.vector_load %arg11[%parallel_loop3A_223] {strides = array<i32>} : memref<8192xf32, #tpu.memory_space<vmem>>, vector<16xf32>,
      tpu.vector_store %arg11[%parallel_loop3A_223], %parallel_loop3A_218 {add = true, strides = array<i32>} : memref<8192xf32, #tpu.memory_space<vmem>>, vector<16xf32>,
      %parallel_loop3A_225 = arith.index_cast %parallel_loop3A_208 : i32 to index
      %parallel_loop3A_226 = tpu.vector_load %arg12[%parallel_loop3A_225] {strides = array<i32>} : memref<8192xf32, #tpu.memory_space<vmem>>, vector<16xf32>,
      tpu.vector_store %arg12[%parallel_loop3A_225], %parallel_loop3A_222 {add = true, strides = array<i32>} : memref<8192xf32, #tpu.memory_space<vmem>>, vector<16xf32>,
    } {sc.loop_unroll_factor = 8 : i64, sc.parallel_access}
    %dma_wait3A_95 = arith.constant 0 : i32
    %dma_wait3A_96 = arith.constant 0 : i32
    %dma_wait3A_97 = tpu.memref_slice %arg2[%dma_wait3A_95, %dma_wait3A_96] : memref<20x16384xi32, #tpu.memory_space<hbm>> -> memref<1x2048xi32, #tpu.memory_space<hbm>>
    %dma_wait3A_98 = tpu.memref_squeeze %dma_wait3A_97 : memref<1x2048xi32, #tpu.memory_space<hbm>> -> memref<2048xi32, #tpu.memory_space<hbm>>
    %dma_wait3A_99 = arith.constant 0 : i32
    %dma_wait3A_100 = tpu.memref_slice %arg2[%dma_wait3A_95, %dma_wait3A_99] : memref<20x16384xi32, #tpu.memory_space<hbm>> -> memref<1x2048xi32, #tpu.memory_space<hbm>>
    %dma_wait3A_101 = tpu.memref_squeeze %dma_wait3A_100 : memref<1x2048xi32, #tpu.memory_space<hbm>> -> memref<2048xi32, #tpu.memory_space<hbm>>
    tpu.wait_dma2 semaphore(%arg18 : memref<!tpu.dma_semaphore, #tpu.memory_space<semaphore_mem>>) src(%dma_wait3A_101 : memref<2048xi32, #tpu.memory_space<hbm>>) dst(%arg10 : memref<2048xi32, #tpu.memory_space<vmem>>)
    %parallel_loop3A_102 = arith.constant 0 : i32
    %parallel_loop3A_103 = arith.constant 128 : i32
    %parallel_loop3A_104 = arith.constant 1 : i32
    scf.for %parallel_loop3A_204 = %parallel_loop3A_102 to %parallel_loop3A_103 step %parallel_loop3A_104  : i32 {
      %parallel_loop3A_205 = arith.constant 16 : i32
      %parallel_loop3A_206 = arith.muli %parallel_loop3A_204, %parallel_loop3A_205 : i32
      %parallel_loop3A_207 = arith.constant 6144 : i32
      %parallel_loop3A_208 = arith.addi %parallel_loop3A_207, %parallel_loop3A_206 : i32
      %parallel_loop3A_209 = arith.constant 16 : i32
      %parallel_loop3A_210 = arith.muli %parallel_loop3A_204, %parallel_loop3A_209 : i32
      %parallel_loop3A_211 = arith.index_cast %parallel_loop3A_210 : i32 to index
      %parallel_loop3A_212 = tpu.vector_load %arg10[%parallel_loop3A_211] {strides = array<i32>} : memref<2048xi32, #tpu.memory_space<vmem>>, vector<16xi32>,
      %parallel_loop3A_213 = tpu.vector_load_idx %arg5[%parallel_loop3A_212] : memref<100000xf32, #tpu.memory_space<vmem>>[vector<16xi32>], vector<16xf32>,
      %parallel_loop3A_214 = vector.bitcast %parallel_loop3A_213 : vector<16xf32> to vector<16xi32>
      %parallel_loop3A_215 = arith.constant -65536 : i32
      %parallel_loop3A_216 = vector.broadcast %parallel_loop3A_215 : i32 to vector<16xi32>
      %parallel_loop3A_217 = arith.andi %parallel_loop3A_214, %parallel_loop3A_216 : vector<16xi32>
      %parallel_loop3A_218 = vector.bitcast %parallel_loop3A_217 : vector<16xi32> to vector<16xf32>
      %parallel_loop3A_219 = arith.constant 16 : i32
      %parallel_loop3A_220 = vector.broadcast %parallel_loop3A_219 : i32 to vector<16xi32>
      %parallel_loop3A_221 = arith.shli %parallel_loop3A_214, %parallel_loop3A_220 : vector<16xi32>
      %parallel_loop3A_222 = vector.bitcast %parallel_loop3A_221 : vector<16xi32> to vector<16xf32>
      %parallel_loop3A_223 = arith.index_cast %parallel_loop3A_208 : i32 to index
      %parallel_loop3A_224 = tpu.vector_load %arg11[%parallel_loop3A_223] {strides = array<i32>} : memref<8192xf32, #tpu.memory_space<vmem>>, vector<16xf32>,
      tpu.vector_store %arg11[%parallel_loop3A_223], %parallel_loop3A_218 {add = true, strides = array<i32>} : memref<8192xf32, #tpu.memory_space<vmem>>, vector<16xf32>,
      %parallel_loop3A_225 = arith.index_cast %parallel_loop3A_208 : i32 to index
      %parallel_loop3A_226 = tpu.vector_load %arg12[%parallel_loop3A_225] {strides = array<i32>} : memref<8192xf32, #tpu.memory_space<vmem>>, vector<16xf32>,
      tpu.vector_store %arg12[%parallel_loop3A_225], %parallel_loop3A_222 {add = true, strides = array<i32>} : memref<8192xf32, #tpu.memory_space<vmem>>, vector<16xf32>,
    } {sc.loop_unroll_factor = 8 : i64, sc.parallel_access}
    "tpu.region"() ({
      %run_scoped3A = tpu.sem_alloc : memref<!tpu.dma_semaphore, #tpu.memory_space<semaphore_mem>>
      %dma_start3A_204 = arith.constant 0 : i32
      %dma_start3A_205 = tpu.memref_slice %arg4[%add3A, %dma_start3A_204] : memref<64x16384xf32, #tpu.memory_space<hbm>> -> memref<1x8192xf32, #tpu.memory_space<hbm>>
      %dma_start3A_206 = tpu.memref_squeeze %dma_start3A_205 : memref<1x8192xf32, #tpu.memory_space<hbm>> -> memref<8192xf32, #tpu.memory_space<hbm>>
      %dma_start3A_207 = arith.constant 0 : i32
      %dma_start3A_208 = tpu.memref_slice %arg4[%add3A, %dma_start3A_207] : memref<64x16384xf32, #tpu.memory_space<hbm>> -> memref<1x8192xf32, #tpu.memory_space<hbm>>
      %dma_start3A_209 = tpu.memref_squeeze %dma_start3A_208 : memref<1x8192xf32, #tpu.memory_space<hbm>> -> memref<8192xf32, #tpu.memory_space<hbm>>
      tpu.enqueue_dma source(%arg11 : memref<8192xf32, #tpu.memory_space<vmem>>) target(%dma_start3A_209 : memref<8192xf32, #tpu.memory_space<hbm>>) target_semaphore(%run_scoped3A : memref<!tpu.dma_semaphore, #tpu.memory_space<semaphore_mem>>)
      %dma_wait3A_210 = arith.constant 0 : i32
      %dma_wait3A_211 = tpu.memref_slice %arg4[%add3A, %dma_wait3A_210] : memref<64x16384xf32, #tpu.memory_space<hbm>> -> memref<1x8192xf32, #tpu.memory_space<hbm>>
      %dma_wait3A_212 = tpu.memref_squeeze %dma_wait3A_211 : memref<1x8192xf32, #tpu.memory_space<hbm>> -> memref<8192xf32, #tpu.memory_space<hbm>>
      %dma_wait3A_213 = arith.constant 0 : i32
      %dma_wait3A_214 = tpu.memref_slice %arg4[%add3A, %dma_wait3A_213] : memref<64x16384xf32, #tpu.memory_space<hbm>> -> memref<1x8192xf32, #tpu.memory_space<hbm>>
      %dma_wait3A_215 = tpu.memref_squeeze %dma_wait3A_214 : memref<1x8192xf32, #tpu.memory_space<hbm>> -> memref<8192xf32, #tpu.memory_space<hbm>>
      tpu.wait_dma2 semaphore(%run_scoped3A : memref<!tpu.dma_semaphore, #tpu.memory_space<semaphore_mem>>) src(%arg11 : memref<8192xf32, #tpu.memory_space<vmem>>) dst(%dma_wait3A_215 : memref<8192xf32, #tpu.memory_space<hbm>>)
      tpu.yield
    }) : () -> ()
    %add3A_105 = arith.constant 32 : i32
    %add3A_106 = arith.addi %add3A, %add3A_105 : i32
    "tpu.region"() ({
      %run_scoped3A = tpu.sem_alloc : memref<!tpu.dma_semaphore, #tpu.memory_space<semaphore_mem>>
      %dma_start3A_204 = arith.constant 0 : i32
      %dma_start3A_205 = tpu.memref_slice %arg4[%add3A_106, %dma_start3A_204] : memref<64x16384xf32, #tpu.memory_space<hbm>> -> memref<1x8192xf32, #tpu.memory_space<hbm>>
      %dma_start3A_206 = tpu.memref_squeeze %dma_start3A_205 : memref<1x8192xf32, #tpu.memory_space<hbm>> -> memref<8192xf32, #tpu.memory_space<hbm>>
      %dma_start3A_207 = arith.constant 0 : i32
      %dma_start3A_208 = tpu.memref_slice %arg4[%add3A_106, %dma_start3A_207] : memref<64x16384xf32, #tpu.memory_space<hbm>> -> memref<1x8192xf32, #tpu.memory_space<hbm>>
      %dma_start3A_209 = tpu.memref_squeeze %dma_start3A_208 : memref<1x8192xf32, #tpu.memory_space<hbm>> -> memref<8192xf32, #tpu.memory_space<hbm>>
      tpu.enqueue_dma source(%arg12 : memref<8192xf32, #tpu.memory_space<vmem>>) target(%dma_start3A_209 : memref<8192xf32, #tpu.memory_space<hbm>>) target_semaphore(%run_scoped3A : memref<!tpu.dma_semaphore, #tpu.memory_space<semaphore_mem>>)
      %dma_wait3A_210 = arith.constant 0 : i32
      %dma_wait3A_211 = tpu.memref_slice %arg4[%add3A_106, %dma_wait3A_210] : memref<64x16384xf32, #tpu.memory_space<hbm>> -> memref<1x8192xf32, #tpu.memory_space<hbm>>
      %dma_wait3A_212 = tpu.memref_squeeze %dma_wait3A_211 : memref<1x8192xf32, #tpu.memory_space<hbm>> -> memref<8192xf32, #tpu.memory_space<hbm>>
      %dma_wait3A_213 = arith.constant 0 : i32
      %dma_wait3A_214 = tpu.memref_slice %arg4[%add3A_106, %dma_wait3A_213] : memref<64x16384xf32, #tpu.memory_space<hbm>> -> memref<1x8192xf32, #tpu.memory_space<hbm>>
      %dma_wait3A_215 = tpu.memref_squeeze %dma_wait3A_214 : memref<1x8192xf32, #tpu.memory_space<hbm>> -> memref<8192xf32, #tpu.memory_space<hbm>>
      tpu.wait_dma2 semaphore(%run_scoped3A : memref<!tpu.dma_semaphore, #tpu.memory_space<semaphore_mem>>) src(%arg12 : memref<8192xf32, #tpu.memory_space<vmem>>) dst(%dma_wait3A_215 : memref<8192xf32, #tpu.memory_space<hbm>>)
      tpu.yield
    }) : () -> ()
    %parallel_loop3A_107 = arith.constant 0 : i32
    %parallel_loop3A_108 = arith.constant 512 : i32
    %parallel_loop3A_109 = arith.constant 1 : i32
    scf.for %parallel_loop3A_204 = %parallel_loop3A_107 to %parallel_loop3A_108 step %parallel_loop3A_109  : i32 {
      %parallel_loop3A_205 = arith.constant 16 : i32
      %parallel_loop3A_206 = arith.muli %parallel_loop3A_204, %parallel_loop3A_205 : i32
      %parallel_loop3A_207 = arith.index_cast %parallel_loop3A_206 : i32 to index
      %parallel_loop3A_208 = tpu.vector_load %arg11[%parallel_loop3A_207] {strides = array<i32>} : memref<8192xf32, #tpu.memory_space<vmem>>, vector<16xf32>,
      tpu.vector_store %arg11[%parallel_loop3A_207], %broadcast_in_dim3A_11 {strides = array<i32>} : memref<8192xf32, #tpu.memory_space<vmem>>, vector<16xf32>,
      %parallel_loop3A_209 = arith.constant 16 : i32
      %parallel_loop3A_210 = arith.muli %parallel_loop3A_204, %parallel_loop3A_209 : i32
      %parallel_loop3A_211 = arith.index_cast %parallel_loop3A_210 : i32 to index
      %parallel_loop3A_212 = tpu.vector_load %arg12[%parallel_loop3A_211] {strides = array<i32>} : memref<8192xf32, #tpu.memory_space<vmem>>, vector<16xf32>,
      tpu.vector_store %arg12[%parallel_loop3A_211], %broadcast_in_dim3A_11 {strides = array<i32>} : memref<8192xf32, #tpu.memory_space<vmem>>, vector<16xf32>,
    } {sc.loop_unroll_factor = 4 : i64, sc.parallel_access}
    %dma_start3A_110 = arith.constant 0 : i32
    %dma_start3A_111 = arith.constant 8192 : i32
    %dma_start3A_112 = tpu.memref_slice %arg2[%dma_start3A_110, %dma_start3A_111] : memref<20x16384xi32, #tpu.memory_space<hbm>> -> memref<1x2048xi32, #tpu.memory_space<hbm>>
    %dma_start3A_113 = tpu.memref_squeeze %dma_start3A_112 : memref<1x2048xi32, #tpu.memory_space<hbm>> -> memref<2048xi32, #tpu.memory_space<hbm>>
    %dma_start3A_114 = arith.constant 8192 : i32
    %dma_start3A_115 = tpu.memref_slice %arg2[%dma_start3A_110, %dma_start3A_114] : memref<20x16384xi32, #tpu.memory_space<hbm>> -> memref<1x2048xi32, #tpu.memory_space<hbm>>
    %dma_start3A_116 = tpu.memref_squeeze %dma_start3A_115 : memref<1x2048xi32, #tpu.memory_space<hbm>> -> memref<2048xi32, #tpu.memory_space<hbm>>
    tpu.enqueue_dma source(%dma_start3A_116 : memref<2048xi32, #tpu.memory_space<hbm>>) target(%arg6 : memref<2048xi32, #tpu.memory_space<vmem>>) target_semaphore(%arg14 : memref<!tpu.dma_semaphore, #tpu.memory_space<semaphore_mem>>)
    %dma_start3A_117 = arith.constant 0 : i32
    %dma_start3A_118 = arith.constant 10240 : i32
    %dma_start3A_119 = tpu.memref_slice %arg2[%dma_start3A_117, %dma_start3A_118] : memref<20x16384xi32, #tpu.memory_space<hbm>> -> memref<1x2048xi32, #tpu.memory_space<hbm>>
    %dma_start3A_120 = tpu.memref_squeeze %dma_start3A_119 : memref<1x2048xi32, #tpu.memory_space<hbm>> -> memref<2048xi32, #tpu.memory_space<hbm>>
    %dma_start3A_121 = arith.constant 10240 : i32
    %dma_start3A_122 = tpu.memref_slice %arg2[%dma_start3A_117, %dma_start3A_121] : memref<20x16384xi32, #tpu.memory_space<hbm>> -> memref<1x2048xi32, #tpu.memory_space<hbm>>
    %dma_start3A_123 = tpu.memref_squeeze %dma_start3A_122 : memref<1x2048xi32, #tpu.memory_space<hbm>> -> memref<2048xi32, #tpu.memory_space<hbm>>
    tpu.enqueue_dma source(%dma_start3A_123 : memref<2048xi32, #tpu.memory_space<hbm>>) target(%arg7 : memref<2048xi32, #tpu.memory_space<vmem>>) target_semaphore(%arg15 : memref<!tpu.dma_semaphore, #tpu.memory_space<semaphore_mem>>)
    %dma_start3A_124 = arith.constant 0 : i32
    %dma_start3A_125 = arith.constant 12288 : i32
    %dma_start3A_126 = tpu.memref_slice %arg2[%dma_start3A_124, %dma_start3A_125] : memref<20x16384xi32, #tpu.memory_space<hbm>> -> memref<1x2048xi32, #tpu.memory_space<hbm>>
    %dma_start3A_127 = tpu.memref_squeeze %dma_start3A_126 : memref<1x2048xi32, #tpu.memory_space<hbm>> -> memref<2048xi32, #tpu.memory_space<hbm>>
    %dma_start3A_128 = arith.constant 12288 : i32
    %dma_start3A_129 = tpu.memref_slice %arg2[%dma_start3A_124, %dma_start3A_128] : memref<20x16384xi32, #tpu.memory_space<hbm>> -> memref<1x2048xi32, #tpu.memory_space<hbm>>
    %dma_start3A_130 = tpu.memref_squeeze %dma_start3A_129 : memref<1x2048xi32, #tpu.memory_space<hbm>> -> memref<2048xi32, #tpu.memory_space<hbm>>
    tpu.enqueue_dma source(%dma_start3A_130 : memref<2048xi32, #tpu.memory_space<hbm>>) target(%arg8 : memref<2048xi32, #tpu.memory_space<vmem>>) target_semaphore(%arg16 : memref<!tpu.dma_semaphore, #tpu.memory_space<semaphore_mem>>)
    %dma_start3A_131 = arith.constant 0 : i32
    %dma_start3A_132 = arith.constant 14336 : i32
    %dma_start3A_133 = tpu.memref_slice %arg2[%dma_start3A_131, %dma_start3A_132] : memref<20x16384xi32, #tpu.memory_space<hbm>> -> memref<1x2048xi32, #tpu.memory_space<hbm>>
    %dma_start3A_134 = tpu.memref_squeeze %dma_start3A_133 : memref<1x2048xi32, #tpu.memory_space<hbm>> -> memref<2048xi32, #tpu.memory_space<hbm>>
    %dma_start3A_135 = arith.constant 14336 : i32
    %dma_start3A_136 = tpu.memref_slice %arg2[%dma_start3A_131, %dma_start3A_135] : memref<20x16384xi32, #tpu.memory_space<hbm>> -> memref<1x2048xi32, #tpu.memory_space<hbm>>
    %dma_start3A_137 = tpu.memref_squeeze %dma_start3A_136 : memref<1x2048xi32, #tpu.memory_space<hbm>> -> memref<2048xi32, #tpu.memory_space<hbm>>
    tpu.enqueue_dma source(%dma_start3A_137 : memref<2048xi32, #tpu.memory_space<hbm>>) target(%arg9 : memref<2048xi32, #tpu.memory_space<vmem>>) target_semaphore(%arg17 : memref<!tpu.dma_semaphore, #tpu.memory_space<semaphore_mem>>)
    %dma_start3A_138 = arith.constant 1 : i32
    %dma_start3A_139 = arith.constant 8192 : i32
    %dma_start3A_140 = tpu.memref_slice %arg2[%dma_start3A_138, %dma_start3A_139] : memref<20x16384xi32, #tpu.memory_space<hbm>> -> memref<1x2048xi32, #tpu.memory_space<hbm>>
    %dma_start3A_141 = tpu.memref_squeeze %dma_start3A_140 : memref<1x2048xi32, #tpu.memory_space<hbm>> -> memref<2048xi32, #tpu.memory_space<hbm>>
    %dma_start3A_142 = arith.constant 8192 : i32
    %dma_start3A_143 = tpu.memref_slice %arg2[%dma_start3A_138, %dma_start3A_142] : memref<20x16384xi32, #tpu.memory_space<hbm>> -> memref<1x2048xi32, #tpu.memory_space<hbm>>
    %dma_start3A_144 = tpu.memref_squeeze %dma_start3A_143 : memref<1x2048xi32, #tpu.memory_space<hbm>> -> memref<2048xi32, #tpu.memory_space<hbm>>
    tpu.enqueue_dma source(%dma_start3A_144 : memref<2048xi32, #tpu.memory_space<hbm>>) target(%arg10 : memref<2048xi32, #tpu.memory_space<vmem>>) target_semaphore(%arg18 : memref<!tpu.dma_semaphore, #tpu.memory_space<semaphore_mem>>)
    %scan3A_145 = arith.constant 0 : i32
    %scan3A_146 = arith.constant 0 : i32
    %scan3A_147 = arith.constant 15 : i32
    %scan3A_148 = arith.addi %scan3A_146, %scan3A_147 : i32
    %scan3A_149 = arith.constant 1 : i32
    %scan3A_150 = scf.for %scan3A_204 = %scan3A_146 to %scan3A_148 step %scan3A_149 iter_args(%scan3A_205 = %scan3A_145) -> (i32)  : i32 {
      %mul3A_206 = arith.constant 5 : i32
      %mul3A_207 = arith.muli %mul3A_206, %scan3A_204 : i32
      %dma_wait3A_208 = arith.constant 0 : i32
      %dma_wait3A_209 = arith.constant 0 : i32
      %dma_wait3A_210 = tpu.memref_slice %arg2[%dma_wait3A_208, %dma_wait3A_209] : memref<20x16384xi32, #tpu.memory_space<hbm>> -> memref<1x2048xi32, #tpu.memory_space<hbm>>
      %dma_wait3A_211 = tpu.memref_squeeze %dma_wait3A_210 : memref<1x2048xi32, #tpu.memory_space<hbm>> -> memref<2048xi32, #tpu.memory_space<hbm>>
      %dma_wait3A_212 = arith.constant 0 : i32
      %dma_wait3A_213 = tpu.memref_slice %arg2[%dma_wait3A_208, %dma_wait3A_212] : memref<20x16384xi32, #tpu.memory_space<hbm>> -> memref<1x2048xi32, #tpu.memory_space<hbm>>
      %dma_wait3A_214 = tpu.memref_squeeze %dma_wait3A_213 : memref<1x2048xi32, #tpu.memory_space<hbm>> -> memref<2048xi32, #tpu.memory_space<hbm>>
      tpu.wait_dma2 semaphore(%arg14 : memref<!tpu.dma_semaphore, #tpu.memory_space<semaphore_mem>>) src(%dma_wait3A_214 : memref<2048xi32, #tpu.memory_space<hbm>>) dst(%arg6 : memref<2048xi32, #tpu.memory_space<vmem>>)
      %add3A_215 = arith.constant 0 : i32
      %add3A_216 = arith.addi %mul3A_207, %add3A_215 : i32
      %jit3A = arith.constant 4 : i32
      %eq3A = arith.constant 0 : i32
      %eq3A_217 = arith.cmpi eq, %jit3A, %eq3A : i32
      %jit3A_218 = arith.constant 1 : i32
      %select_n3A = arith.select %eq3A_217, %jit3A_218, %jit3A : i32
      %rem3A = arith.remsi %add3A_216, %select_n3A : i32
      %ne3A = arith.constant 0 : i32
      %ne3A_219 = arith.cmpi ne, %rem3A, %ne3A : i32
      %lt3A = arith.constant 0 : i32
      %lt3A_220 = arith.cmpi slt, %rem3A, %lt3A : i32
      %lt3A_221 = arith.constant 0 : i32
      %lt3A_222 = arith.cmpi slt, %select_n3A, %lt3A_221 : i32
      %ne3A_223 = arith.xori %lt3A_220, %lt3A_222 : i1
      %and3A = arith.andi %ne3A_223, %ne3A_219 : i1
      %add3A_224 = arith.addi %rem3A, %select_n3A : i32
      %select_n3A_225 = arith.select %and3A, %add3A_224, %rem3A : i32
      %mul3A_226 = arith.constant 2048 : i32
      %mul3A_227 = arith.muli %select_n3A_225, %mul3A_226 : i32
      %parallel_loop3A_228 = arith.constant 0 : i32
      %parallel_loop3A_229 = arith.constant 128 : i32
      %parallel_loop3A_230 = arith.constant 1 : i32
      scf.for %parallel_loop3A_544 = %parallel_loop3A_228 to %parallel_loop3A_229 step %parallel_loop3A_230  : i32 {
        %parallel_loop3A_545 = arith.constant 16 : i32
        %parallel_loop3A_546 = arith.muli %parallel_loop3A_544, %parallel_loop3A_545 : i32
        %parallel_loop3A_547 = arith.addi %mul3A_227, %parallel_loop3A_546 : i32
        %parallel_loop3A_548 = arith.constant 16 : i32
        %parallel_loop3A_549 = arith.muli %parallel_loop3A_544, %parallel_loop3A_548 : i32
        %parallel_loop3A_550 = arith.index_cast %parallel_loop3A_549 : i32 to index
        %parallel_loop3A_551 = tpu.vector_load %arg6[%parallel_loop3A_550] {strides = array<i32>} : memref<2048xi32, #tpu.memory_space<vmem>>, vector<16xi32>,
        %parallel_loop3A_552 = tpu.vector_load_idx %arg5[%parallel_loop3A_551] : memref<100000xf32, #tpu.memory_space<vmem>>[vector<16xi32>], vector<16xf32>,
        %parallel_loop3A_553 = vector.bitcast %parallel_loop3A_552 : vector<16xf32> to vector<16xi32>
        %parallel_loop3A_554 = arith.constant -65536 : i32
        %parallel_loop3A_555 = vector.broadcast %parallel_loop3A_554 : i32 to vector<16xi32>
        %parallel_loop3A_556 = arith.andi %parallel_loop3A_553, %parallel_loop3A_555 : vector<16xi32>
        %parallel_loop3A_557 = vector.bitcast %parallel_loop3A_556 : vector<16xi32> to vector<16xf32>
        %parallel_loop3A_558 = arith.constant 16 : i32
        %parallel_loop3A_559 = vector.broadcast %parallel_loop3A_558 : i32 to vector<16xi32>
        %parallel_loop3A_560 = arith.shli %parallel_loop3A_553, %parallel_loop3A_559 : vector<16xi32>
        %parallel_loop3A_561 = vector.bitcast %parallel_loop3A_560 : vector<16xi32> to vector<16xf32>
        %parallel_loop3A_562 = arith.index_cast %parallel_loop3A_547 : i32 to index
        %parallel_loop3A_563 = tpu.vector_load %arg11[%parallel_loop3A_562] {strides = array<i32>} : memref<8192xf32, #tpu.memory_space<vmem>>, vector<16xf32>,
        tpu.vector_store %arg11[%parallel_loop3A_562], %parallel_loop3A_557 {add = true, strides = array<i32>} : memref<8192xf32, #tpu.memory_space<vmem>>, vector<16xf32>,
        %parallel_loop3A_564 = arith.index_cast %parallel_loop3A_547 : i32 to index
        %parallel_loop3A_565 = tpu.vector_load %arg12[%parallel_loop3A_564] {strides = array<i32>} : memref<8192xf32, #tpu.memory_space<vmem>>, vector<16xf32>,
        tpu.vector_store %arg12[%parallel_loop3A_564], %parallel_loop3A_561 {add = true, strides = array<i32>} : memref<8192xf32, #tpu.memory_space<vmem>>, vector<16xf32>,
      } {sc.loop_unroll_factor = 8 : i64, sc.parallel_access}
      %add3A_231 = arith.constant 0 : i32
      %add3A_232 = arith.addi %mul3A_207, %add3A_231 : i32
      %add3A_233 = arith.constant 5 : i32
      %add3A_234 = arith.addi %add3A_232, %add3A_233 : i32
      %jit3A_235 = arith.constant 4 : i32
      %div3A = arith.divsi %add3A_234, %jit3A_235 : i32
      %sign3A = arith.constant 0 : i32
      %sign3A_236 = arith.cmpi sgt, %add3A_234, %sign3A : i32
      %sign3A_237 = arith.extui %sign3A_236 : i1 to i32
      %sign3A_238 = arith.constant 0 : i32
      %sign3A_239 = arith.cmpi slt, %add3A_234, %sign3A_238 : i32
      %sign3A_240 = arith.extui %sign3A_239 : i1 to i32
      %sign3A_241 = arith.subi %sign3A_237, %sign3A_240 : i32
      %sign3A_242 = arith.constant 0 : i32
      %sign3A_243 = arith.cmpi sgt, %jit3A_235, %sign3A_242 : i32
      %sign3A_244 = arith.extui %sign3A_243 : i1 to i32
      %sign3A_245 = arith.constant 0 : i32
      %sign3A_246 = arith.cmpi slt, %jit3A_235, %sign3A_245 : i32
      %sign3A_247 = arith.extui %sign3A_246 : i1 to i32
      %sign3A_248 = arith.subi %sign3A_244, %sign3A_247 : i32
      %ne3A_249 = arith.cmpi ne, %sign3A_241, %sign3A_248 : i32
      %rem3A_250 = arith.remsi %add3A_234, %jit3A_235 : i32
      %ne3A_251 = arith.constant 0 : i32
      %ne3A_252 = arith.cmpi ne, %rem3A_250, %ne3A_251 : i32
      %and3A_253 = arith.andi %ne3A_249, %ne3A_252 : i1
      %sub3A = arith.constant 1 : i32
      %sub3A_254 = arith.subi %div3A, %sub3A : i32
      %select_n3A_255 = arith.select %and3A_253, %sub3A_254, %div3A : i32
      %mul3A_256 = arith.constant 4 : i32
      %mul3A_257 = arith.muli %select_n3A_255, %mul3A_256 : i32
      %sub3A_258 = arith.subi %add3A_234, %mul3A_257 : i32
      %mul3A_259 = arith.constant 2048 : i32
      %mul3A_260 = arith.muli %sub3A_258, %mul3A_259 : i32
      %add3A_261 = arith.constant 8192 : i32
      %add3A_262 = arith.addi %add3A_261, %mul3A_260 : i32
      %dma_start3A_263 = tpu.memref_slice %arg2[%select_n3A_255, %add3A_262] : memref<20x16384xi32, #tpu.memory_space<hbm>> -> memref<1x2048xi32, #tpu.memory_space<hbm>>
      %dma_start3A_264 = tpu.memref_squeeze %dma_start3A_263 : memref<1x2048xi32, #tpu.memory_space<hbm>> -> memref<2048xi32, #tpu.memory_space<hbm>>
      %dma_start3A_265 = tpu.memref_slice %arg2[%select_n3A_255, %add3A_262] : memref<20x16384xi32, #tpu.memory_space<hbm>> -> memref<1x2048xi32, #tpu.memory_space<hbm>>
      %dma_start3A_266 = tpu.memref_squeeze %dma_start3A_265 : memref<1x2048xi32, #tpu.memory_space<hbm>> -> memref<2048xi32, #tpu.memory_space<hbm>>
      tpu.enqueue_dma source(%dma_start3A_266 : memref<2048xi32, #tpu.memory_space<hbm>>) target(%arg6 : memref<2048xi32, #tpu.memory_space<vmem>>) target_semaphore(%arg14 : memref<!tpu.dma_semaphore, #tpu.memory_space<semaphore_mem>>)
      %dma_wait3A_267 = arith.constant 0 : i32
      %dma_wait3A_268 = arith.constant 0 : i32
      %dma_wait3A_269 = tpu.memref_slice %arg2[%dma_wait3A_267, %dma_wait3A_268] : memref<20x16384xi32, #tpu.memory_space<hbm>> -> memref<1x2048xi32, #tpu.memory_space<hbm>>
      %dma_wait3A_270 = tpu.memref_squeeze %dma_wait3A_269 : memref<1x2048xi32, #tpu.memory_space<hbm>> -> memref<2048xi32, #tpu.memory_space<hbm>>
      %dma_wait3A_271 = arith.constant 0 : i32
      %dma_wait3A_272 = tpu.memref_slice %arg2[%dma_wait3A_267, %dma_wait3A_271] : memref<20x16384xi32, #tpu.memory_space<hbm>> -> memref<1x2048xi32, #tpu.memory_space<hbm>>
      %dma_wait3A_273 = tpu.memref_squeeze %dma_wait3A_272 : memref<1x2048xi32, #tpu.memory_space<hbm>> -> memref<2048xi32, #tpu.memory_space<hbm>>
      tpu.wait_dma2 semaphore(%arg15 : memref<!tpu.dma_semaphore, #tpu.memory_space<semaphore_mem>>) src(%dma_wait3A_273 : memref<2048xi32, #tpu.memory_space<hbm>>) dst(%arg7 : memref<2048xi32, #tpu.memory_space<vmem>>)
      %add3A_274 = arith.constant 1 : i32
      %add3A_275 = arith.addi %mul3A_207, %add3A_274 : i32
      %jit3A_276 = arith.constant 4 : i32
      %eq3A_277 = arith.constant 0 : i32
      %eq3A_278 = arith.cmpi eq, %jit3A_276, %eq3A_277 : i32
      %jit3A_279 = arith.constant 1 : i32
      %select_n3A_280 = arith.select %eq3A_278, %jit3A_279, %jit3A_276 : i32
      %rem3A_281 = arith.remsi %add3A_275, %select_n3A_280 : i32
      %ne3A_282 = arith.constant 0 : i32
      %ne3A_283 = arith.cmpi ne, %rem3A_281, %ne3A_282 : i32
      %lt3A_284 = arith.constant 0 : i32
      %lt3A_285 = arith.cmpi slt, %rem3A_281, %lt3A_284 : i32
      %lt3A_286 = arith.constant 0 : i32
      %lt3A_287 = arith.cmpi slt, %select_n3A_280, %lt3A_286 : i32
      %ne3A_288 = arith.xori %lt3A_285, %lt3A_287 : i1
      %and3A_289 = arith.andi %ne3A_288, %ne3A_283 : i1
      %add3A_290 = arith.addi %rem3A_281, %select_n3A_280 : i32
      %select_n3A_291 = arith.select %and3A_289, %add3A_290, %rem3A_281 : i32
      %mul3A_292 = arith.constant 2048 : i32
      %mul3A_293 = arith.muli %select_n3A_291, %mul3A_292 : i32
      %parallel_loop3A_294 = arith.constant 0 : i32
      %parallel_loop3A_295 = arith.constant 128 : i32
      %parallel_loop3A_296 = arith.constant 1 : i32
      scf.for %parallel_loop3A_544 = %parallel_loop3A_294 to %parallel_loop3A_295 step %parallel_loop3A_296  : i32 {
        %parallel_loop3A_545 = arith.constant 16 : i32
        %parallel_loop3A_546 = arith.muli %parallel_loop3A_544, %parallel_loop3A_545 : i32
        %parallel_loop3A_547 = arith.addi %mul3A_293, %parallel_loop3A_546 : i32
        %parallel_loop3A_548 = arith.constant 16 : i32
        %parallel_loop3A_549 = arith.muli %parallel_loop3A_544, %parallel_loop3A_548 : i32
        %parallel_loop3A_550 = arith.index_cast %parallel_loop3A_549 : i32 to index
        %parallel_loop3A_551 = tpu.vector_load %arg7[%parallel_loop3A_550] {strides = array<i32>} : memref<2048xi32, #tpu.memory_space<vmem>>, vector<16xi32>,
        %parallel_loop3A_552 = tpu.vector_load_idx %arg5[%parallel_loop3A_551] : memref<100000xf32, #tpu.memory_space<vmem>>[vector<16xi32>], vector<16xf32>,
        %parallel_loop3A_553 = vector.bitcast %parallel_loop3A_552 : vector<16xf32> to vector<16xi32>
        %parallel_loop3A_554 = arith.constant -65536 : i32
        %parallel_loop3A_555 = vector.broadcast %parallel_loop3A_554 : i32 to vector<16xi32>
        %parallel_loop3A_556 = arith.andi %parallel_loop3A_553, %parallel_loop3A_555 : vector<16xi32>
        %parallel_loop3A_557 = vector.bitcast %parallel_loop3A_556 : vector<16xi32> to vector<16xf32>
        %parallel_loop3A_558 = arith.constant 16 : i32
        %parallel_loop3A_559 = vector.broadcast %parallel_loop3A_558 : i32 to vector<16xi32>
        %parallel_loop3A_560 = arith.shli %parallel_loop3A_553, %parallel_loop3A_559 : vector<16xi32>
        %parallel_loop3A_561 = vector.bitcast %parallel_loop3A_560 : vector<16xi32> to vector<16xf32>
        %parallel_loop3A_562 = arith.index_cast %parallel_loop3A_547 : i32 to index
        %parallel_loop3A_563 = tpu.vector_load %arg11[%parallel_loop3A_562] {strides = array<i32>} : memref<8192xf32, #tpu.memory_space<vmem>>, vector<16xf32>,
        tpu.vector_store %arg11[%parallel_loop3A_562], %parallel_loop3A_557 {add = true, strides = array<i32>} : memref<8192xf32, #tpu.memory_space<vmem>>, vector<16xf32>,
        %parallel_loop3A_564 = arith.index_cast %parallel_loop3A_547 : i32 to index
        %parallel_loop3A_565 = tpu.vector_load %arg12[%parallel_loop3A_564] {strides = array<i32>} : memref<8192xf32, #tpu.memory_space<vmem>>, vector<16xf32>,
        tpu.vector_store %arg12[%parallel_loop3A_564], %parallel_loop3A_561 {add = true, strides = array<i32>} : memref<8192xf32, #tpu.memory_space<vmem>>, vector<16xf32>,
      } {sc.loop_unroll_factor = 8 : i64, sc.parallel_access}
      %add3A_297 = arith.constant 1 : i32
      %add3A_298 = arith.addi %mul3A_207, %add3A_297 : i32
      %add3A_299 = arith.constant 5 : i32
      %add3A_300 = arith.addi %add3A_298, %add3A_299 : i32
      %jit3A_301 = arith.constant 4 : i32
      %div3A_302 = arith.divsi %add3A_300, %jit3A_301 : i32
      %sign3A_303 = arith.constant 0 : i32
      %sign3A_304 = arith.cmpi sgt, %add3A_300, %sign3A_303 : i32
      %sign3A_305 = arith.extui %sign3A_304 : i1 to i32
      %sign3A_306 = arith.constant 0 : i32
      %sign3A_307 = arith.cmpi slt, %add3A_300, %sign3A_306 : i32
      %sign3A_308 = arith.extui %sign3A_307 : i1 to i32
      %sign3A_309 = arith.subi %sign3A_305, %sign3A_308 : i32
      %sign3A_310 = arith.constant 0 : i32
      %sign3A_311 = arith.cmpi sgt, %jit3A_301, %sign3A_310 : i32
      %sign3A_312 = arith.extui %sign3A_311 : i1 to i32
      %sign3A_313 = arith.constant 0 : i32
      %sign3A_314 = arith.cmpi slt, %jit3A_301, %sign3A_313 : i32
      %sign3A_315 = arith.extui %sign3A_314 : i1 to i32
      %sign3A_316 = arith.subi %sign3A_312, %sign3A_315 : i32
      %ne3A_317 = arith.cmpi ne, %sign3A_309, %sign3A_316 : i32
      %rem3A_318 = arith.remsi %add3A_300, %jit3A_301 : i32
      %ne3A_319 = arith.constant 0 : i32
      %ne3A_320 = arith.cmpi ne, %rem3A_318, %ne3A_319 : i32
      %and3A_321 = arith.andi %ne3A_317, %ne3A_320 : i1
      %sub3A_322 = arith.constant 1 : i32
      %sub3A_323 = arith.subi %div3A_302, %sub3A_322 : i32
      %select_n3A_324 = arith.select %and3A_321, %sub3A_323, %div3A_302 : i32
      %mul3A_325 = arith.constant 4 : i32
      %mul3A_326 = arith.muli %select_n3A_324, %mul3A_325 : i32
      %sub3A_327 = arith.subi %add3A_300, %mul3A_326 : i32
      %mul3A_328 = arith.constant 2048 : i32
      %mul3A_329 = arith.muli %sub3A_327, %mul3A_328 : i32
      %add3A_330 = arith.constant 8192 : i32
      %add3A_331 = arith.addi %add3A_330, %mul3A_329 : i32
      %dma_start3A_332 = tpu.memref_slice %arg2[%select_n3A_324, %add3A_331] : memref<20x16384xi32, #tpu.memory_space<hbm>> -> memref<1x2048xi32, #tpu.memory_space<hbm>>
      %dma_start3A_333 = tpu.memref_squeeze %dma_start3A_332 : memref<1x2048xi32, #tpu.memory_space<hbm>> -> memref<2048xi32, #tpu.memory_space<hbm>>
      %dma_start3A_334 = tpu.memref_slice %arg2[%select_n3A_324, %add3A_331] : memref<20x16384xi32, #tpu.memory_space<hbm>> -> memref<1x2048xi32, #tpu.memory_space<hbm>>
      %dma_start3A_335 = tpu.memref_squeeze %dma_start3A_334 : memref<1x2048xi32, #tpu.memory_space<hbm>> -> memref<2048xi32, #tpu.memory_space<hbm>>
      tpu.enqueue_dma source(%dma_start3A_335 : memref<2048xi32, #tpu.memory_space<hbm>>) target(%arg7 : memref<2048xi32, #tpu.memory_space<vmem>>) target_semaphore(%arg15 : memref<!tpu.dma_semaphore, #tpu.memory_space<semaphore_mem>>)
      %dma_wait3A_336 = arith.constant 0 : i32
      %dma_wait3A_337 = arith.constant 0 : i32
      %dma_wait3A_338 = tpu.memref_slice %arg2[%dma_wait3A_336, %dma_wait3A_337] : memref<20x16384xi32, #tpu.memory_space<hbm>> -> memref<1x2048xi32, #tpu.memory_space<hbm>>
      %dma_wait3A_339 = tpu.memref_squeeze %dma_wait3A_338 : memref<1x2048xi32, #tpu.memory_space<hbm>> -> memref<2048xi32, #tpu.memory_space<hbm>>
      %dma_wait3A_340 = arith.constant 0 : i32
      %dma_wait3A_341 = tpu.memref_slice %arg2[%dma_wait3A_336, %dma_wait3A_340] : memref<20x16384xi32, #tpu.memory_space<hbm>> -> memref<1x2048xi32, #tpu.memory_space<hbm>>
      %dma_wait3A_342 = tpu.memref_squeeze %dma_wait3A_341 : memref<1x2048xi32, #tpu.memory_space<hbm>> -> memref<2048xi32, #tpu.memory_space<hbm>>
      tpu.wait_dma2 semaphore(%arg16 : memref<!tpu.dma_semaphore, #tpu.memory_space<semaphore_mem>>) src(%dma_wait3A_342 : memref<2048xi32, #tpu.memory_space<hbm>>) dst(%arg8 : memref<2048xi32, #tpu.memory_space<vmem>>)
      %add3A_343 = arith.constant 2 : i32
      %add3A_344 = arith.addi %mul3A_207, %add3A_343 : i32
      %jit3A_345 = arith.constant 4 : i32
      %eq3A_346 = arith.constant 0 : i32
      %eq3A_347 = arith.cmpi eq, %jit3A_345, %eq3A_346 : i32
      %jit3A_348 = arith.constant 1 : i32
      %select_n3A_349 = arith.select %eq3A_347, %jit3A_348, %jit3A_345 : i32
      %rem3A_350 = arith.remsi %add3A_344, %select_n3A_349 : i32
      %ne3A_351 = arith.constant 0 : i32
      %ne3A_352 = arith.cmpi ne, %rem3A_350, %ne3A_351 : i32
      %lt3A_353 = arith.constant 0 : i32
      %lt3A_354 = arith.cmpi slt, %rem3A_350, %lt3A_353 : i32
      %lt3A_355 = arith.constant 0 : i32
      %lt3A_356 = arith.cmpi slt, %select_n3A_349, %lt3A_355 : i32
      %ne3A_357 = arith.xori %lt3A_354, %lt3A_356 : i1
      %and3A_358 = arith.andi %ne3A_357, %ne3A_352 : i1
      %add3A_359 = arith.addi %rem3A_350, %select_n3A_349 : i32
      %select_n3A_360 = arith.select %and3A_358, %add3A_359, %rem3A_350 : i32
      %mul3A_361 = arith.constant 2048 : i32
      %mul3A_362 = arith.muli %select_n3A_360, %mul3A_361 : i32
      %parallel_loop3A_363 = arith.constant 0 : i32
      %parallel_loop3A_364 = arith.constant 128 : i32
      %parallel_loop3A_365 = arith.constant 1 : i32
      scf.for %parallel_loop3A_544 = %parallel_loop3A_363 to %parallel_loop3A_364 step %parallel_loop3A_365  : i32 {
        %parallel_loop3A_545 = arith.constant 16 : i32
        %parallel_loop3A_546 = arith.muli %parallel_loop3A_544, %parallel_loop3A_545 : i32
        %parallel_loop3A_547 = arith.addi %mul3A_362, %parallel_loop3A_546 : i32
        %parallel_loop3A_548 = arith.constant 16 : i32
        %parallel_loop3A_549 = arith.muli %parallel_loop3A_544, %parallel_loop3A_548 : i32
        %parallel_loop3A_550 = arith.index_cast %parallel_loop3A_549 : i32 to index
        %parallel_loop3A_551 = tpu.vector_load %arg8[%parallel_loop3A_550] {strides = array<i32>} : memref<2048xi32, #tpu.memory_space<vmem>>, vector<16xi32>,
        %parallel_loop3A_552 = tpu.vector_load_idx %arg5[%parallel_loop3A_551] : memref<100000xf32, #tpu.memory_space<vmem>>[vector<16xi32>], vector<16xf32>,
        %parallel_loop3A_553 = vector.bitcast %parallel_loop3A_552 : vector<16xf32> to vector<16xi32>
        %parallel_loop3A_554 = arith.constant -65536 : i32
        %parallel_loop3A_555 = vector.broadcast %parallel_loop3A_554 : i32 to vector<16xi32>
        %parallel_loop3A_556 = arith.andi %parallel_loop3A_553, %parallel_loop3A_555 : vector<16xi32>
        %parallel_loop3A_557 = vector.bitcast %parallel_loop3A_556 : vector<16xi32> to vector<16xf32>
        %parallel_loop3A_558 = arith.constant 16 : i32
        %parallel_loop3A_559 = vector.broadcast %parallel_loop3A_558 : i32 to vector<16xi32>
        %parallel_loop3A_560 = arith.shli %parallel_loop3A_553, %parallel_loop3A_559 : vector<16xi32>
        %parallel_loop3A_561 = vector.bitcast %parallel_loop3A_560 : vector<16xi32> to vector<16xf32>
        %parallel_loop3A_562 = arith.index_cast %parallel_loop3A_547 : i32 to index
        %parallel_loop3A_563 = tpu.vector_load %arg11[%parallel_loop3A_562] {strides = array<i32>} : memref<8192xf32, #tpu.memory_space<vmem>>, vector<16xf32>,
        tpu.vector_store %arg11[%parallel_loop3A_562], %parallel_loop3A_557 {add = true, strides = array<i32>} : memref<8192xf32, #tpu.memory_space<vmem>>, vector<16xf32>,
        %parallel_loop3A_564 = arith.index_cast %parallel_loop3A_547 : i32 to index
        %parallel_loop3A_565 = tpu.vector_load %arg12[%parallel_loop3A_564] {strides = array<i32>} : memref<8192xf32, #tpu.memory_space<vmem>>, vector<16xf32>,
        tpu.vector_store %arg12[%parallel_loop3A_564], %parallel_loop3A_561 {add = true, strides = array<i32>} : memref<8192xf32, #tpu.memory_space<vmem>>, vector<16xf32>,
      } {sc.loop_unroll_factor = 8 : i64, sc.parallel_access}
      %add3A_366 = arith.constant 2 : i32
      %add3A_367 = arith.addi %mul3A_207, %add3A_366 : i32
      %add3A_368 = arith.constant 5 : i32
      %add3A_369 = arith.addi %add3A_367, %add3A_368 : i32
      %jit3A_370 = arith.constant 4 : i32
      %div3A_371 = arith.divsi %add3A_369, %jit3A_370 : i32
      %sign3A_372 = arith.constant 0 : i32
      %sign3A_373 = arith.cmpi sgt, %add3A_369, %sign3A_372 : i32
      %sign3A_374 = arith.extui %sign3A_373 : i1 to i32
      %sign3A_375 = arith.constant 0 : i32
      %sign3A_376 = arith.cmpi slt, %add3A_369, %sign3A_375 : i32
      %sign3A_377 = arith.extui %sign3A_376 : i1 to i32
      %sign3A_378 = arith.subi %sign3A_374, %sign3A_377 : i32
      %sign3A_379 = arith.constant 0 : i32
      %sign3A_380 = arith.cmpi sgt, %jit3A_370, %sign3A_379 : i32
      %sign3A_381 = arith.extui %sign3A_380 : i1 to i32
      %sign3A_382 = arith.constant 0 : i32
      %sign3A_383 = arith.cmpi slt, %jit3A_370, %sign3A_382 : i32
      %sign3A_384 = arith.extui %sign3A_383 : i1 to i32
      %sign3A_385 = arith.subi %sign3A_381, %sign3A_384 : i32
      %ne3A_386 = arith.cmpi ne, %sign3A_378, %sign3A_385 : i32
      %rem3A_387 = arith.remsi %add3A_369, %jit3A_370 : i32
      %ne3A_388 = arith.constant 0 : i32
      %ne3A_389 = arith.cmpi ne, %rem3A_387, %ne3A_388 : i32
      %and3A_390 = arith.andi %ne3A_386, %ne3A_389 : i1
      %sub3A_391 = arith.constant 1 : i32
      %sub3A_392 = arith.subi %div3A_371, %sub3A_391 : i32
      %select_n3A_393 = arith.select %and3A_390, %sub3A_392, %div3A_371 : i32
      %mul3A_394 = arith.constant 4 : i32
      %mul3A_395 = arith.muli %select_n3A_393, %mul3A_394 : i32
      %sub3A_396 = arith.subi %add3A_369, %mul3A_395 : i32
      %mul3A_397 = arith.constant 2048 : i32
      %mul3A_398 = arith.muli %sub3A_396, %mul3A_397 : i32
      %add3A_399 = arith.constant 8192 : i32
      %add3A_400 = arith.addi %add3A_399, %mul3A_398 : i32
      %dma_start3A_401 = tpu.memref_slice %arg2[%select_n3A_393, %add3A_400] : memref<20x16384xi32, #tpu.memory_space<hbm>> -> memref<1x2048xi32, #tpu.memory_space<hbm>>
      %dma_start3A_402 = tpu.memref_squeeze %dma_start3A_401 : memref<1x2048xi32, #tpu.memory_space<hbm>> -> memref<2048xi32, #tpu.memory_space<hbm>>
      %dma_start3A_403 = tpu.memref_slice %arg2[%select_n3A_393, %add3A_400] : memref<20x16384xi32, #tpu.memory_space<hbm>> -> memref<1x2048xi32, #tpu.memory_space<hbm>>
      %dma_start3A_404 = tpu.memref_squeeze %dma_start3A_403 : memref<1x2048xi32, #tpu.memory_space<hbm>> -> memref<2048xi32, #tpu.memory_space<hbm>>
      tpu.enqueue_dma source(%dma_start3A_404 : memref<2048xi32, #tpu.memory_space<hbm>>) target(%arg8 : memref<2048xi32, #tpu.memory_space<vmem>>) target_semaphore(%arg16 : memref<!tpu.dma_semaphore, #tpu.memory_space<semaphore_mem>>)
      %dma_wait3A_405 = arith.constant 0 : i32
      %dma_wait3A_406 = arith.constant 0 : i32
      %dma_wait3A_407 = tpu.memref_slice %arg2[%dma_wait3A_405, %dma_wait3A_406] : memref<20x16384xi32, #tpu.memory_space<hbm>> -> memref<1x2048xi32, #tpu.memory_space<hbm>>
      %dma_wait3A_408 = tpu.memref_squeeze %dma_wait3A_407 : memref<1x2048xi32, #tpu.memory_space<hbm>> -> memref<2048xi32, #tpu.memory_space<hbm>>
      %dma_wait3A_409 = arith.constant 0 : i32
      %dma_wait3A_410 = tpu.memref_slice %arg2[%dma_wait3A_405, %dma_wait3A_409] : memref<20x16384xi32, #tpu.memory_space<hbm>> -> memref<1x2048xi32, #tpu.memory_space<hbm>>
      %dma_wait3A_411 = tpu.memref_squeeze %dma_wait3A_410 : memref<1x2048xi32, #tpu.memory_space<hbm>> -> memref<2048xi32, #tpu.memory_space<hbm>>
      tpu.wait_dma2 semaphore(%arg17 : memref<!tpu.dma_semaphore, #tpu.memory_space<semaphore_mem>>) src(%dma_wait3A_411 : memref<2048xi32, #tpu.memory_space<hbm>>) dst(%arg9 : memref<2048xi32, #tpu.memory_space<vmem>>)
      %add3A_412 = arith.constant 3 : i32
      %add3A_413 = arith.addi %mul3A_207, %add3A_412 : i32
      %jit3A_414 = arith.constant 4 : i32
      %eq3A_415 = arith.constant 0 : i32
      %eq3A_416 = arith.cmpi eq, %jit3A_414, %eq3A_415 : i32
      %jit3A_417 = arith.constant 1 : i32
      %select_n3A_418 = arith.select %eq3A_416, %jit3A_417, %jit3A_414 : i32
      %rem3A_419 = arith.remsi %add3A_413, %select_n3A_418 : i32
      %ne3A_420 = arith.constant 0 : i32
      %ne3A_421 = arith.cmpi ne, %rem3A_419, %ne3A_420 : i32
      %lt3A_422 = arith.constant 0 : i32
      %lt3A_423 = arith.cmpi slt, %rem3A_419, %lt3A_422 : i32
      %lt3A_424 = arith.constant 0 : i32
      %lt3A_425 = arith.cmpi slt, %select_n3A_418, %lt3A_424 : i32
      %ne3A_426 = arith.xori %lt3A_423, %lt3A_425 : i1
      %and3A_427 = arith.andi %ne3A_426, %ne3A_421 : i1
      %add3A_428 = arith.addi %rem3A_419, %select_n3A_418 : i32
      %select_n3A_429 = arith.select %and3A_427, %add3A_428, %rem3A_419 : i32
      %mul3A_430 = arith.constant 2048 : i32
      %mul3A_431 = arith.muli %select_n3A_429, %mul3A_430 : i32
      %parallel_loop3A_432 = arith.constant 0 : i32
      %parallel_loop3A_433 = arith.constant 128 : i32
      %parallel_loop3A_434 = arith.constant 1 : i32
      scf.for %parallel_loop3A_544 = %parallel_loop3A_432 to %parallel_loop3A_433 step %parallel_loop3A_434  : i32 {
        %parallel_loop3A_545 = arith.constant 16 : i32
        %parallel_loop3A_546 = arith.muli %parallel_loop3A_544, %parallel_loop3A_545 : i32
        %parallel_loop3A_547 = arith.addi %mul3A_431, %parallel_loop3A_546 : i32
        %parallel_loop3A_548 = arith.constant 16 : i32
        %parallel_loop3A_549 = arith.muli %parallel_loop3A_544, %parallel_loop3A_548 : i32
        %parallel_loop3A_550 = arith.index_cast %parallel_loop3A_549 : i32 to index
        %parallel_loop3A_551 = tpu.vector_load %arg9[%parallel_loop3A_550] {strides = array<i32>} : memref<2048xi32, #tpu.memory_space<vmem>>, vector<16xi32>,
        %parallel_loop3A_552 = tpu.vector_load_idx %arg5[%parallel_loop3A_551] : memref<100000xf32, #tpu.memory_space<vmem>>[vector<16xi32>], vector<16xf32>,
        %parallel_loop3A_553 = vector.bitcast %parallel_loop3A_552 : vector<16xf32> to vector<16xi32>
        %parallel_loop3A_554 = arith.constant -65536 : i32
        %parallel_loop3A_555 = vector.broadcast %parallel_loop3A_554 : i32 to vector<16xi32>
        %parallel_loop3A_556 = arith.andi %parallel_loop3A_553, %parallel_loop3A_555 : vector<16xi32>
        %parallel_loop3A_557 = vector.bitcast %parallel_loop3A_556 : vector<16xi32> to vector<16xf32>
        %parallel_loop3A_558 = arith.constant 16 : i32
        %parallel_loop3A_559 = vector.broadcast %parallel_loop3A_558 : i32 to vector<16xi32>
        %parallel_loop3A_560 = arith.shli %parallel_loop3A_553, %parallel_loop3A_559 : vector<16xi32>
        %parallel_loop3A_561 = vector.bitcast %parallel_loop3A_560 : vector<16xi32> to vector<16xf32>
        %parallel_loop3A_562 = arith.index_cast %parallel_loop3A_547 : i32 to index
        %parallel_loop3A_563 = tpu.vector_load %arg11[%parallel_loop3A_562] {strides = array<i32>} : memref<8192xf32, #tpu.memory_space<vmem>>, vector<16xf32>,
        tpu.vector_store %arg11[%parallel_loop3A_562], %parallel_loop3A_557 {add = true, strides = array<i32>} : memref<8192xf32, #tpu.memory_space<vmem>>, vector<16xf32>,
        %parallel_loop3A_564 = arith.index_cast %parallel_loop3A_547 : i32 to index
        %parallel_loop3A_565 = tpu.vector_load %arg12[%parallel_loop3A_564] {strides = array<i32>} : memref<8192xf32, #tpu.memory_space<vmem>>, vector<16xf32>,
        tpu.vector_store %arg12[%parallel_loop3A_564], %parallel_loop3A_561 {add = true, strides = array<i32>} : memref<8192xf32, #tpu.memory_space<vmem>>, vector<16xf32>,
      } {sc.loop_unroll_factor = 8 : i64, sc.parallel_access}
      %add3A_435 = arith.constant 3 : i32
      %add3A_436 = arith.addi %mul3A_207, %add3A_435 : i32
      %add3A_437 = arith.constant 5 : i32
      %add3A_438 = arith.addi %add3A_436, %add3A_437 : i32
      %jit3A_439 = arith.constant 4 : i32
      %div3A_440 = arith.divsi %add3A_438, %jit3A_439 : i32
      %sign3A_441 = arith.constant 0 : i32
      %sign3A_442 = arith.cmpi sgt, %add3A_438, %sign3A_441 : i32
      %sign3A_443 = arith.extui %sign3A_442 : i1 to i32
      %sign3A_444 = arith.constant 0 : i32
      %sign3A_445 = arith.cmpi slt, %add3A_438, %sign3A_444 : i32
      %sign3A_446 = arith.extui %sign3A_445 : i1 to i32
      %sign3A_447 = arith.subi %sign3A_443, %sign3A_446 : i32
      %sign3A_448 = arith.constant 0 : i32
      %sign3A_449 = arith.cmpi sgt, %jit3A_439, %sign3A_448 : i32
      %sign3A_450 = arith.extui %sign3A_449 : i1 to i32
      %sign3A_451 = arith.constant 0 : i32
      %sign3A_452 = arith.cmpi slt, %jit3A_439, %sign3A_451 : i32
      %sign3A_453 = arith.extui %sign3A_452 : i1 to i32
      %sign3A_454 = arith.subi %sign3A_450, %sign3A_453 : i32
      %ne3A_455 = arith.cmpi ne, %sign3A_447, %sign3A_454 : i32
      %rem3A_456 = arith.remsi %add3A_438, %jit3A_439 : i32
      %ne3A_457 = arith.constant 0 : i32
      %ne3A_458 = arith.cmpi ne, %rem3A_456, %ne3A_457 : i32
      %and3A_459 = arith.andi %ne3A_455, %ne3A_458 : i1
      %sub3A_460 = arith.constant 1 : i32
      %sub3A_461 = arith.subi %div3A_440, %sub3A_460 : i32
      %select_n3A_462 = arith.select %and3A_459, %sub3A_461, %div3A_440 : i32
      %mul3A_463 = arith.constant 4 : i32
      %mul3A_464 = arith.muli %select_n3A_462, %mul3A_463 : i32
      %sub3A_465 = arith.subi %add3A_438, %mul3A_464 : i32
      %mul3A_466 = arith.constant 2048 : i32
      %mul3A_467 = arith.muli %sub3A_465, %mul3A_466 : i32
      %add3A_468 = arith.constant 8192 : i32
      %add3A_469 = arith.addi %add3A_468, %mul3A_467 : i32
      %dma_start3A_470 = tpu.memref_slice %arg2[%select_n3A_462, %add3A_469] : memref<20x16384xi32, #tpu.memory_space<hbm>> -> memref<1x2048xi32, #tpu.memory_space<hbm>>
      %dma_start3A_471 = tpu.memref_squeeze %dma_start3A_470 : memref<1x2048xi32, #tpu.memory_space<hbm>> -> memref<2048xi32, #tpu.memory_space<hbm>>
      %dma_start3A_472 = tpu.memref_slice %arg2[%select_n3A_462, %add3A_469] : memref<20x16384xi32, #tpu.memory_space<hbm>> -> memref<1x2048xi32, #tpu.memory_space<hbm>>
      %dma_start3A_473 = tpu.memref_squeeze %dma_start3A_472 : memref<1x2048xi32, #tpu.memory_space<hbm>> -> memref<2048xi32, #tpu.memory_space<hbm>>
      tpu.enqueue_dma source(%dma_start3A_473 : memref<2048xi32, #tpu.memory_space<hbm>>) target(%arg9 : memref<2048xi32, #tpu.memory_space<vmem>>) target_semaphore(%arg17 : memref<!tpu.dma_semaphore, #tpu.memory_space<semaphore_mem>>)
      %dma_wait3A_474 = arith.constant 0 : i32
      %dma_wait3A_475 = arith.constant 0 : i32
      %dma_wait3A_476 = tpu.memref_slice %arg2[%dma_wait3A_474, %dma_wait3A_475] : memref<20x16384xi32, #tpu.memory_space<hbm>> -> memref<1x2048xi32, #tpu.memory_space<hbm>>
      %dma_wait3A_477 = tpu.memref_squeeze %dma_wait3A_476 : memref<1x2048xi32, #tpu.memory_space<hbm>> -> memref<2048xi32, #tpu.memory_space<hbm>>
      %dma_wait3A_478 = arith.constant 0 : i32
      %dma_wait3A_479 = tpu.memref_slice %arg2[%dma_wait3A_474, %dma_wait3A_478] : memref<20x16384xi32, #tpu.memory_space<hbm>> -> memref<1x2048xi32, #tpu.memory_space<hbm>>
      %dma_wait3A_480 = tpu.memref_squeeze %dma_wait3A_479 : memref<1x2048xi32, #tpu.memory_space<hbm>> -> memref<2048xi32, #tpu.memory_space<hbm>>
      tpu.wait_dma2 semaphore(%arg18 : memref<!tpu.dma_semaphore, #tpu.memory_space<semaphore_mem>>) src(%dma_wait3A_480 : memref<2048xi32, #tpu.memory_space<hbm>>) dst(%arg10 : memref<2048xi32, #tpu.memory_space<vmem>>)
      %add3A_481 = arith.constant 4 : i32
      %add3A_482 = arith.addi %mul3A_207, %add3A_481 : i32
      %jit3A_483 = arith.constant 4 : i32
      %eq3A_484 = arith.constant 0 : i32
      %eq3A_485 = arith.cmpi eq, %jit3A_483, %eq3A_484 : i32
      %jit3A_486 = arith.constant 1 : i32
      %select_n3A_487 = arith.select %eq3A_485, %jit3A_486, %jit3A_483 : i32
      %rem3A_488 = arith.remsi %add3A_482, %select_n3A_487 : i32
      %ne3A_489 = arith.constant 0 : i32
      %ne3A_490 = arith.cmpi ne, %rem3A_488, %ne3A_489 : i32
      %lt3A_491 = arith.constant 0 : i32
      %lt3A_492 = arith.cmpi slt, %rem3A_488, %lt3A_491 : i32
      %lt3A_493 = arith.constant 0 : i32
      %lt3A_494 = arith.cmpi slt, %select_n3A_487, %lt3A_493 : i32
      %ne3A_495 = arith.xori %lt3A_492, %lt3A_494 : i1
      %and3A_496 = arith.andi %ne3A_495, %ne3A_490 : i1
      %add3A_497 = arith.addi %rem3A_488, %select_n3A_487 : i32
      %select_n3A_498 = arith.select %and3A_496, %add3A_497, %rem3A_488 : i32
      %mul3A_499 = arith.constant 2048 : i32
      %mul3A_500 = arith.muli %select_n3A_498, %mul3A_499 : i32
      %parallel_loop3A_501 = arith.constant 0 : i32
      %parallel_loop3A_502 = arith.constant 128 : i32
      %parallel_loop3A_503 = arith.constant 1 : i32
      scf.for %parallel_loop3A_544 = %parallel_loop3A_501 to %parallel_loop3A_502 step %parallel_loop3A_503  : i32 {
        %parallel_loop3A_545 = arith.constant 16 : i32
        %parallel_loop3A_546 = arith.muli %parallel_loop3A_544, %parallel_loop3A_545 : i32
        %parallel_loop3A_547 = arith.addi %mul3A_500, %parallel_loop3A_546 : i32
        %parallel_loop3A_548 = arith.constant 16 : i32
        %parallel_loop3A_549 = arith.muli %parallel_loop3A_544, %parallel_loop3A_548 : i32
        %parallel_loop3A_550 = arith.index_cast %parallel_loop3A_549 : i32 to index
        %parallel_loop3A_551 = tpu.vector_load %arg10[%parallel_loop3A_550] {strides = array<i32>} : memref<2048xi32, #tpu.memory_space<vmem>>, vector<16xi32>,
        %parallel_loop3A_552 = tpu.vector_load_idx %arg5[%parallel_loop3A_551] : memref<100000xf32, #tpu.memory_space<vmem>>[vector<16xi32>], vector<16xf32>,
        %parallel_loop3A_553 = vector.bitcast %parallel_loop3A_552 : vector<16xf32> to vector<16xi32>
        %parallel_loop3A_554 = arith.constant -65536 : i32
        %parallel_loop3A_555 = vector.broadcast %parallel_loop3A_554 : i32 to vector<16xi32>
        %parallel_loop3A_556 = arith.andi %parallel_loop3A_553, %parallel_loop3A_555 : vector<16xi32>
        %parallel_loop3A_557 = vector.bitcast %parallel_loop3A_556 : vector<16xi32> to vector<16xf32>
        %parallel_loop3A_558 = arith.constant 16 : i32
        %parallel_loop3A_559 = vector.broadcast %parallel_loop3A_558 : i32 to vector<16xi32>
        %parallel_loop3A_560 = arith.shli %parallel_loop3A_553, %parallel_loop3A_559 : vector<16xi32>
        %parallel_loop3A_561 = vector.bitcast %parallel_loop3A_560 : vector<16xi32> to vector<16xf32>
        %parallel_loop3A_562 = arith.index_cast %parallel_loop3A_547 : i32 to index
        %parallel_loop3A_563 = tpu.vector_load %arg11[%parallel_loop3A_562] {strides = array<i32>} : memref<8192xf32, #tpu.memory_space<vmem>>, vector<16xf32>,
        tpu.vector_store %arg11[%parallel_loop3A_562], %parallel_loop3A_557 {add = true, strides = array<i32>} : memref<8192xf32, #tpu.memory_space<vmem>>, vector<16xf32>,
        %parallel_loop3A_564 = arith.index_cast %parallel_loop3A_547 : i32 to index
        %parallel_loop3A_565 = tpu.vector_load %arg12[%parallel_loop3A_564] {strides = array<i32>} : memref<8192xf32, #tpu.memory_space<vmem>>, vector<16xf32>,
        tpu.vector_store %arg12[%parallel_loop3A_564], %parallel_loop3A_561 {add = true, strides = array<i32>} : memref<8192xf32, #tpu.memory_space<vmem>>, vector<16xf32>,
      } {sc.loop_unroll_factor = 8 : i64, sc.parallel_access}
      %add3A_504 = arith.constant 4 : i32
      %add3A_505 = arith.addi %mul3A_207, %add3A_504 : i32
      %add3A_506 = arith.constant 5 : i32
      %add3A_507 = arith.addi %add3A_505, %add3A_506 : i32
      %jit3A_508 = arith.constant 4 : i32
      %div3A_509 = arith.divsi %add3A_507, %jit3A_508 : i32
      %sign3A_510 = arith.constant 0 : i32
      %sign3A_511 = arith.cmpi sgt, %add3A_507, %sign3A_510 : i32
      %sign3A_512 = arith.extui %sign3A_511 : i1 to i32
      %sign3A_513 = arith.constant 0 : i32
      %sign3A_514 = arith.cmpi slt, %add3A_507, %sign3A_513 : i32
      %sign3A_515 = arith.extui %sign3A_514 : i1 to i32
      %sign3A_516 = arith.subi %sign3A_512, %sign3A_515 : i32
      %sign3A_517 = arith.constant 0 : i32
      %sign3A_518 = arith.cmpi sgt, %jit3A_508, %sign3A_517 : i32
      %sign3A_519 = arith.extui %sign3A_518 : i1 to i32
      %sign3A_520 = arith.constant 0 : i32
      %sign3A_521 = arith.cmpi slt, %jit3A_508, %sign3A_520 : i32
      %sign3A_522 = arith.extui %sign3A_521 : i1 to i32
      %sign3A_523 = arith.subi %sign3A_519, %sign3A_522 : i32
      %ne3A_524 = arith.cmpi ne, %sign3A_516, %sign3A_523 : i32
      %rem3A_525 = arith.remsi %add3A_507, %jit3A_508 : i32
      %ne3A_526 = arith.constant 0 : i32
      %ne3A_527 = arith.cmpi ne, %rem3A_525, %ne3A_526 : i32
      %and3A_528 = arith.andi %ne3A_524, %ne3A_527 : i1
      %sub3A_529 = arith.constant 1 : i32
      %sub3A_530 = arith.subi %div3A_509, %sub3A_529 : i32
      %select_n3A_531 = arith.select %and3A_528, %sub3A_530, %div3A_509 : i32
      %mul3A_532 = arith.constant 4 : i32
      %mul3A_533 = arith.muli %select_n3A_531, %mul3A_532 : i32
      %sub3A_534 = arith.subi %add3A_507, %mul3A_533 : i32
      %mul3A_535 = arith.constant 2048 : i32
      %mul3A_536 = arith.muli %sub3A_534, %mul3A_535 : i32
      %add3A_537 = arith.constant 8192 : i32
      %add3A_538 = arith.addi %add3A_537, %mul3A_536 : i32
      %dma_start3A_539 = tpu.memref_slice %arg2[%select_n3A_531, %add3A_538] : memref<20x16384xi32, #tpu.memory_space<hbm>> -> memref<1x2048xi32, #tpu.memory_space<hbm>>
      %dma_start3A_540 = tpu.memref_squeeze %dma_start3A_539 : memref<1x2048xi32, #tpu.memory_space<hbm>> -> memref<2048xi32, #tpu.memory_space<hbm>>
      %dma_start3A_541 = tpu.memref_slice %arg2[%select_n3A_531, %add3A_538] : memref<20x16384xi32, #tpu.memory_space<hbm>> -> memref<1x2048xi32, #tpu.memory_space<hbm>>
      %dma_start3A_542 = tpu.memref_squeeze %dma_start3A_541 : memref<1x2048xi32, #tpu.memory_space<hbm>> -> memref<2048xi32, #tpu.memory_space<hbm>>
      tpu.enqueue_dma source(%dma_start3A_542 : memref<2048xi32, #tpu.memory_space<hbm>>) target(%arg10 : memref<2048xi32, #tpu.memory_space<vmem>>) target_semaphore(%arg18 : memref<!tpu.dma_semaphore, #tpu.memory_space<semaphore_mem>>)
      %scan3A_543 = arith.constant 0 : i32
      scf.yield %scan3A_543 : i32
    }
    %scan3A_151 = arith.constant 15 : i32
    %dma_wait3A_152 = arith.constant 0 : i32
    %dma_wait3A_153 = arith.constant 0 : i32
    %dma_wait3A_154 = tpu.memref_slice %arg2[%dma_wait3A_152, %dma_wait3A_153] : memref<20x16384xi32, #tpu.memory_space<hbm>> -> memref<1x2048xi32, #tpu.memory_space<hbm>>
    %dma_wait3A_155 = tpu.memref_squeeze %dma_wait3A_154 : memref<1x2048xi32, #tpu.memory_space<hbm>> -> memref<2048xi32, #tpu.memory_space<hbm>>
    %dma_wait3A_156 = arith.constant 0 : i32
    %dma_wait3A_157 = tpu.memref_slice %arg2[%dma_wait3A_152, %dma_wait3A_156] : memref<20x16384xi32, #tpu.memory_space<hbm>> -> memref<1x2048xi32, #tpu.memory_space<hbm>>
    %dma_wait3A_158 = tpu.memref_squeeze %dma_wait3A_157 : memref<1x2048xi32, #tpu.memory_space<hbm>> -> memref<2048xi32, #tpu.memory_space<hbm>>
    tpu.wait_dma2 semaphore(%arg14 : memref<!tpu.dma_semaphore, #tpu.memory_space<semaphore_mem>>) src(%dma_wait3A_158 : memref<2048xi32, #tpu.memory_space<hbm>>) dst(%arg6 : memref<2048xi32, #tpu.memory_space<vmem>>)
    %parallel_loop3A_159 = arith.constant 0 : i32
    %parallel_loop3A_160 = arith.constant 128 : i32
    %parallel_loop3A_161 = arith.constant 1 : i32
    scf.for %parallel_loop3A_204 = %parallel_loop3A_159 to %parallel_loop3A_160 step %parallel_loop3A_161  : i32 {
      %parallel_loop3A_205 = arith.constant 16 : i32
      %parallel_loop3A_206 = arith.muli %parallel_loop3A_204, %parallel_loop3A_205 : i32
      %parallel_loop3A_207 = arith.constant 6144 : i32
      %parallel_loop3A_208 = arith.addi %parallel_loop3A_207, %parallel_loop3A_206 : i32
      %parallel_loop3A_209 = arith.constant 16 : i32
      %parallel_loop3A_210 = arith.muli %parallel_loop3A_204, %parallel_loop3A_209 : i32
      %parallel_loop3A_211 = arith.index_cast %parallel_loop3A_210 : i32 to index
      %parallel_loop3A_212 = tpu.vector_load %arg6[%parallel_loop3A_211] {strides = array<i32>} : memref<2048xi32, #tpu.memory_space<vmem>>, vector<16xi32>,
      %parallel_loop3A_213 = tpu.vector_load_idx %arg5[%parallel_loop3A_212] : memref<100000xf32, #tpu.memory_space<vmem>>[vector<16xi32>], vector<16xf32>,
      %parallel_loop3A_214 = vector.bitcast %parallel_loop3A_213 : vector<16xf32> to vector<16xi32>
      %parallel_loop3A_215 = arith.constant -65536 : i32
      %parallel_loop3A_216 = vector.broadcast %parallel_loop3A_215 : i32 to vector<16xi32>
      %parallel_loop3A_217 = arith.andi %parallel_loop3A_214, %parallel_loop3A_216 : vector<16xi32>
      %parallel_loop3A_218 = vector.bitcast %parallel_loop3A_217 : vector<16xi32> to vector<16xf32>
      %parallel_loop3A_219 = arith.constant 16 : i32
      %parallel_loop3A_220 = vector.broadcast %parallel_loop3A_219 : i32 to vector<16xi32>
      %parallel_loop3A_221 = arith.shli %parallel_loop3A_214, %parallel_loop3A_220 : vector<16xi32>
      %parallel_loop3A_222 = vector.bitcast %parallel_loop3A_221 : vector<16xi32> to vector<16xf32>
      %parallel_loop3A_223 = arith.index_cast %parallel_loop3A_208 : i32 to index
      %parallel_loop3A_224 = tpu.vector_load %arg11[%parallel_loop3A_223] {strides = array<i32>} : memref<8192xf32, #tpu.memory_space<vmem>>, vector<16xf32>,
      tpu.vector_store %arg11[%parallel_loop3A_223], %parallel_loop3A_218 {add = true, strides = array<i32>} : memref<8192xf32, #tpu.memory_space<vmem>>, vector<16xf32>,
      %parallel_loop3A_225 = arith.index_cast %parallel_loop3A_208 : i32 to index
      %parallel_loop3A_226 = tpu.vector_load %arg12[%parallel_loop3A_225] {strides = array<i32>} : memref<8192xf32, #tpu.memory_space<vmem>>, vector<16xf32>,
      tpu.vector_store %arg12[%parallel_loop3A_225], %parallel_loop3A_222 {add = true, strides = array<i32>} : memref<8192xf32, #tpu.memory_space<vmem>>, vector<16xf32>,
    } {sc.loop_unroll_factor = 8 : i64, sc.parallel_access}
    %dma_wait3A_162 = arith.constant 0 : i32
    %dma_wait3A_163 = arith.constant 0 : i32
    %dma_wait3A_164 = tpu.memref_slice %arg2[%dma_wait3A_162, %dma_wait3A_163] : memref<20x16384xi32, #tpu.memory_space<hbm>> -> memref<1x2048xi32, #tpu.memory_space<hbm>>
    %dma_wait3A_165 = tpu.memref_squeeze %dma_wait3A_164 : memref<1x2048xi32, #tpu.memory_space<hbm>> -> memref<2048xi32, #tpu.memory_space<hbm>>
    %dma_wait3A_166 = arith.constant 0 : i32
    %dma_wait3A_167 = tpu.memref_slice %arg2[%dma_wait3A_162, %dma_wait3A_166] : memref<20x16384xi32, #tpu.memory_space<hbm>> -> memref<1x2048xi32, #tpu.memory_space<hbm>>
    %dma_wait3A_168 = tpu.memref_squeeze %dma_wait3A_167 : memref<1x2048xi32, #tpu.memory_space<hbm>> -> memref<2048xi32, #tpu.memory_space<hbm>>
    tpu.wait_dma2 semaphore(%arg15 : memref<!tpu.dma_semaphore, #tpu.memory_space<semaphore_mem>>) src(%dma_wait3A_168 : memref<2048xi32, #tpu.memory_space<hbm>>) dst(%arg7 : memref<2048xi32, #tpu.memory_space<vmem>>)
    %parallel_loop3A_169 = arith.constant 0 : i32
    %parallel_loop3A_170 = arith.constant 128 : i32
    %parallel_loop3A_171 = arith.constant 1 : i32
    scf.for %parallel_loop3A_204 = %parallel_loop3A_169 to %parallel_loop3A_170 step %parallel_loop3A_171  : i32 {
      %parallel_loop3A_205 = arith.constant 16 : i32
      %parallel_loop3A_206 = arith.muli %parallel_loop3A_204, %parallel_loop3A_205 : i32
      %parallel_loop3A_207 = arith.constant 0 : i32
      %parallel_loop3A_208 = arith.addi %parallel_loop3A_207, %parallel_loop3A_206 : i32
      %parallel_loop3A_209 = arith.constant 16 : i32
      %parallel_loop3A_210 = arith.muli %parallel_loop3A_204, %parallel_loop3A_209 : i32
      %parallel_loop3A_211 = arith.index_cast %parallel_loop3A_210 : i32 to index
      %parallel_loop3A_212 = tpu.vector_load %arg7[%parallel_loop3A_211] {strides = array<i32>} : memref<2048xi32, #tpu.memory_space<vmem>>, vector<16xi32>,
      %parallel_loop3A_213 = tpu.vector_load_idx %arg5[%parallel_loop3A_212] : memref<100000xf32, #tpu.memory_space<vmem>>[vector<16xi32>], vector<16xf32>,
      %parallel_loop3A_214 = vector.bitcast %parallel_loop3A_213 : vector<16xf32> to vector<16xi32>
      %parallel_loop3A_215 = arith.constant -65536 : i32
      %parallel_loop3A_216 = vector.broadcast %parallel_loop3A_215 : i32 to vector<16xi32>
      %parallel_loop3A_217 = arith.andi %parallel_loop3A_214, %parallel_loop3A_216 : vector<16xi32>
      %parallel_loop3A_218 = vector.bitcast %parallel_loop3A_217 : vector<16xi32> to vector<16xf32>
      %parallel_loop3A_219 = arith.constant 16 : i32
      %parallel_loop3A_220 = vector.broadcast %parallel_loop3A_219 : i32 to vector<16xi32>
      %parallel_loop3A_221 = arith.shli %parallel_loop3A_214, %parallel_loop3A_220 : vector<16xi32>
      %parallel_loop3A_222 = vector.bitcast %parallel_loop3A_221 : vector<16xi32> to vector<16xf32>
      %parallel_loop3A_223 = arith.index_cast %parallel_loop3A_208 : i32 to index
      %parallel_loop3A_224 = tpu.vector_load %arg11[%parallel_loop3A_223] {strides = array<i32>} : memref<8192xf32, #tpu.memory_space<vmem>>, vector<16xf32>,
      tpu.vector_store %arg11[%parallel_loop3A_223], %parallel_loop3A_218 {add = true, strides = array<i32>} : memref<8192xf32, #tpu.memory_space<vmem>>, vector<16xf32>,
      %parallel_loop3A_225 = arith.index_cast %parallel_loop3A_208 : i32 to index
      %parallel_loop3A_226 = tpu.vector_load %arg12[%parallel_loop3A_225] {strides = array<i32>} : memref<8192xf32, #tpu.memory_space<vmem>>, vector<16xf32>,
      tpu.vector_store %arg12[%parallel_loop3A_225], %parallel_loop3A_222 {add = true, strides = array<i32>} : memref<8192xf32, #tpu.memory_space<vmem>>, vector<16xf32>,
    } {sc.loop_unroll_factor = 8 : i64, sc.parallel_access}
    %dma_wait3A_172 = arith.constant 0 : i32
    %dma_wait3A_173 = arith.constant 0 : i32
    %dma_wait3A_174 = tpu.memref_slice %arg2[%dma_wait3A_172, %dma_wait3A_173] : memref<20x16384xi32, #tpu.memory_space<hbm>> -> memref<1x2048xi32, #tpu.memory_space<hbm>>
    %dma_wait3A_175 = tpu.memref_squeeze %dma_wait3A_174 : memref<1x2048xi32, #tpu.memory_space<hbm>> -> memref<2048xi32, #tpu.memory_space<hbm>>
    %dma_wait3A_176 = arith.constant 0 : i32
    %dma_wait3A_177 = tpu.memref_slice %arg2[%dma_wait3A_172, %dma_wait3A_176] : memref<20x16384xi32, #tpu.memory_space<hbm>> -> memref<1x2048xi32, #tpu.memory_space<hbm>>
    %dma_wait3A_178 = tpu.memref_squeeze %dma_wait3A_177 : memref<1x2048xi32, #tpu.memory_space<hbm>> -> memref<2048xi32, #tpu.memory_space<hbm>>
    tpu.wait_dma2 semaphore(%arg16 : memref<!tpu.dma_semaphore, #tpu.memory_space<semaphore_mem>>) src(%dma_wait3A_178 : memref<2048xi32, #tpu.memory_space<hbm>>) dst(%arg8 : memref<2048xi32, #tpu.memory_space<vmem>>)
    %parallel_loop3A_179 = arith.constant 0 : i32
    %parallel_loop3A_180 = arith.constant 128 : i32
    %parallel_loop3A_181 = arith.constant 1 : i32
    scf.for %parallel_loop3A_204 = %parallel_loop3A_179 to %parallel_loop3A_180 step %parallel_loop3A_181  : i32 {
      %parallel_loop3A_205 = arith.constant 16 : i32
      %parallel_loop3A_206 = arith.muli %parallel_loop3A_204, %parallel_loop3A_205 : i32
      %parallel_loop3A_207 = arith.constant 2048 : i32
      %parallel_loop3A_208 = arith.addi %parallel_loop3A_207, %parallel_loop3A_206 : i32
      %parallel_loop3A_209 = arith.constant 16 : i32
      %parallel_loop3A_210 = arith.muli %parallel_loop3A_204, %parallel_loop3A_209 : i32
      %parallel_loop3A_211 = arith.index_cast %parallel_loop3A_210 : i32 to index
      %parallel_loop3A_212 = tpu.vector_load %arg8[%parallel_loop3A_211] {strides = array<i32>} : memref<2048xi32, #tpu.memory_space<vmem>>, vector<16xi32>,
      %parallel_loop3A_213 = tpu.vector_load_idx %arg5[%parallel_loop3A_212] : memref<100000xf32, #tpu.memory_space<vmem>>[vector<16xi32>], vector<16xf32>,
      %parallel_loop3A_214 = vector.bitcast %parallel_loop3A_213 : vector<16xf32> to vector<16xi32>
      %parallel_loop3A_215 = arith.constant -65536 : i32
      %parallel_loop3A_216 = vector.broadcast %parallel_loop3A_215 : i32 to vector<16xi32>
      %parallel_loop3A_217 = arith.andi %parallel_loop3A_214, %parallel_loop3A_216 : vector<16xi32>
      %parallel_loop3A_218 = vector.bitcast %parallel_loop3A_217 : vector<16xi32> to vector<16xf32>
      %parallel_loop3A_219 = arith.constant 16 : i32
      %parallel_loop3A_220 = vector.broadcast %parallel_loop3A_219 : i32 to vector<16xi32>
      %parallel_loop3A_221 = arith.shli %parallel_loop3A_214, %parallel_loop3A_220 : vector<16xi32>
      %parallel_loop3A_222 = vector.bitcast %parallel_loop3A_221 : vector<16xi32> to vector<16xf32>
      %parallel_loop3A_223 = arith.index_cast %parallel_loop3A_208 : i32 to index
      %parallel_loop3A_224 = tpu.vector_load %arg11[%parallel_loop3A_223] {strides = array<i32>} : memref<8192xf32, #tpu.memory_space<vmem>>, vector<16xf32>,
      tpu.vector_store %arg11[%parallel_loop3A_223], %parallel_loop3A_218 {add = true, strides = array<i32>} : memref<8192xf32, #tpu.memory_space<vmem>>, vector<16xf32>,
      %parallel_loop3A_225 = arith.index_cast %parallel_loop3A_208 : i32 to index
      %parallel_loop3A_226 = tpu.vector_load %arg12[%parallel_loop3A_225] {strides = array<i32>} : memref<8192xf32, #tpu.memory_space<vmem>>, vector<16xf32>,
      tpu.vector_store %arg12[%parallel_loop3A_225], %parallel_loop3A_222 {add = true, strides = array<i32>} : memref<8192xf32, #tpu.memory_space<vmem>>, vector<16xf32>,
    } {sc.loop_unroll_factor = 8 : i64, sc.parallel_access}
    %dma_wait3A_182 = arith.constant 0 : i32
    %dma_wait3A_183 = arith.constant 0 : i32
    %dma_wait3A_184 = tpu.memref_slice %arg2[%dma_wait3A_182, %dma_wait3A_183] : memref<20x16384xi32, #tpu.memory_space<hbm>> -> memref<1x2048xi32, #tpu.memory_space<hbm>>
    %dma_wait3A_185 = tpu.memref_squeeze %dma_wait3A_184 : memref<1x2048xi32, #tpu.memory_space<hbm>> -> memref<2048xi32, #tpu.memory_space<hbm>>
    %dma_wait3A_186 = arith.constant 0 : i32
    %dma_wait3A_187 = tpu.memref_slice %arg2[%dma_wait3A_182, %dma_wait3A_186] : memref<20x16384xi32, #tpu.memory_space<hbm>> -> memref<1x2048xi32, #tpu.memory_space<hbm>>
    %dma_wait3A_188 = tpu.memref_squeeze %dma_wait3A_187 : memref<1x2048xi32, #tpu.memory_space<hbm>> -> memref<2048xi32, #tpu.memory_space<hbm>>
    tpu.wait_dma2 semaphore(%arg17 : memref<!tpu.dma_semaphore, #tpu.memory_space<semaphore_mem>>) src(%dma_wait3A_188 : memref<2048xi32, #tpu.memory_space<hbm>>) dst(%arg9 : memref<2048xi32, #tpu.memory_space<vmem>>)
    %parallel_loop3A_189 = arith.constant 0 : i32
    %parallel_loop3A_190 = arith.constant 128 : i32
    %parallel_loop3A_191 = arith.constant 1 : i32
    scf.for %parallel_loop3A_204 = %parallel_loop3A_189 to %parallel_loop3A_190 step %parallel_loop3A_191  : i32 {
      %parallel_loop3A_205 = arith.constant 16 : i32
      %parallel_loop3A_206 = arith.muli %parallel_loop3A_204, %parallel_loop3A_205 : i32
      %parallel_loop3A_207 = arith.constant 4096 : i32
      %parallel_loop3A_208 = arith.addi %parallel_loop3A_207, %parallel_loop3A_206 : i32
      %parallel_loop3A_209 = arith.constant 16 : i32
      %parallel_loop3A_210 = arith.muli %parallel_loop3A_204, %parallel_loop3A_209 : i32
      %parallel_loop3A_211 = arith.index_cast %parallel_loop3A_210 : i32 to index
      %parallel_loop3A_212 = tpu.vector_load %arg9[%parallel_loop3A_211] {strides = array<i32>} : memref<2048xi32, #tpu.memory_space<vmem>>, vector<16xi32>,
      %parallel_loop3A_213 = tpu.vector_load_idx %arg5[%parallel_loop3A_212] : memref<100000xf32, #tpu.memory_space<vmem>>[vector<16xi32>], vector<16xf32>,
      %parallel_loop3A_214 = vector.bitcast %parallel_loop3A_213 : vector<16xf32> to vector<16xi32>
      %parallel_loop3A_215 = arith.constant -65536 : i32
      %parallel_loop3A_216 = vector.broadcast %parallel_loop3A_215 : i32 to vector<16xi32>
      %parallel_loop3A_217 = arith.andi %parallel_loop3A_214, %parallel_loop3A_216 : vector<16xi32>
      %parallel_loop3A_218 = vector.bitcast %parallel_loop3A_217 : vector<16xi32> to vector<16xf32>
      %parallel_loop3A_219 = arith.constant 16 : i32
      %parallel_loop3A_220 = vector.broadcast %parallel_loop3A_219 : i32 to vector<16xi32>
      %parallel_loop3A_221 = arith.shli %parallel_loop3A_214, %parallel_loop3A_220 : vector<16xi32>
      %parallel_loop3A_222 = vector.bitcast %parallel_loop3A_221 : vector<16xi32> to vector<16xf32>
      %parallel_loop3A_223 = arith.index_cast %parallel_loop3A_208 : i32 to index
      %parallel_loop3A_224 = tpu.vector_load %arg11[%parallel_loop3A_223] {strides = array<i32>} : memref<8192xf32, #tpu.memory_space<vmem>>, vector<16xf32>,
      tpu.vector_store %arg11[%parallel_loop3A_223], %parallel_loop3A_218 {add = true, strides = array<i32>} : memref<8192xf32, #tpu.memory_space<vmem>>, vector<16xf32>,
      %parallel_loop3A_225 = arith.index_cast %parallel_loop3A_208 : i32 to index
      %parallel_loop3A_226 = tpu.vector_load %arg12[%parallel_loop3A_225] {strides = array<i32>} : memref<8192xf32, #tpu.memory_space<vmem>>, vector<16xf32>,
      tpu.vector_store %arg12[%parallel_loop3A_225], %parallel_loop3A_222 {add = true, strides = array<i32>} : memref<8192xf32, #tpu.memory_space<vmem>>, vector<16xf32>,
    } {sc.loop_unroll_factor = 8 : i64, sc.parallel_access}
    %dma_wait3A_192 = arith.constant 0 : i32
    %dma_wait3A_193 = arith.constant 0 : i32
    %dma_wait3A_194 = tpu.memref_slice %arg2[%dma_wait3A_192, %dma_wait3A_193] : memref<20x16384xi32, #tpu.memory_space<hbm>> -> memref<1x2048xi32, #tpu.memory_space<hbm>>
    %dma_wait3A_195 = tpu.memref_squeeze %dma_wait3A_194 : memref<1x2048xi32, #tpu.memory_space<hbm>> -> memref<2048xi32, #tpu.memory_space<hbm>>
    %dma_wait3A_196 = arith.constant 0 : i32
    %dma_wait3A_197 = tpu.memref_slice %arg2[%dma_wait3A_192, %dma_wait3A_196] : memref<20x16384xi32, #tpu.memory_space<hbm>> -> memref<1x2048xi32, #tpu.memory_space<hbm>>
    %dma_wait3A_198 = tpu.memref_squeeze %dma_wait3A_197 : memref<1x2048xi32, #tpu.memory_space<hbm>> -> memref<2048xi32, #tpu.memory_space<hbm>>
    tpu.wait_dma2 semaphore(%arg18 : memref<!tpu.dma_semaphore, #tpu.memory_space<semaphore_mem>>) src(%dma_wait3A_198 : memref<2048xi32, #tpu.memory_space<hbm>>) dst(%arg10 : memref<2048xi32, #tpu.memory_space<vmem>>)
    %parallel_loop3A_199 = arith.constant 0 : i32
    %parallel_loop3A_200 = arith.constant 128 : i32
    %parallel_loop3A_201 = arith.constant 1 : i32
    scf.for %parallel_loop3A_204 = %parallel_loop3A_199 to %parallel_loop3A_200 step %parallel_loop3A_201  : i32 {
      %parallel_loop3A_205 = arith.constant 16 : i32
      %parallel_loop3A_206 = arith.muli %parallel_loop3A_204, %parallel_loop3A_205 : i32
      %parallel_loop3A_207 = arith.constant 6144 : i32
      %parallel_loop3A_208 = arith.addi %parallel_loop3A_207, %parallel_loop3A_206 : i32
      %parallel_loop3A_209 = arith.constant 16 : i32
      %parallel_loop3A_210 = arith.muli %parallel_loop3A_204, %parallel_loop3A_209 : i32
      %parallel_loop3A_211 = arith.index_cast %parallel_loop3A_210 : i32 to index
      %parallel_loop3A_212 = tpu.vector_load %arg10[%parallel_loop3A_211] {strides = array<i32>} : memref<2048xi32, #tpu.memory_space<vmem>>, vector<16xi32>,
      %parallel_loop3A_213 = tpu.vector_load_idx %arg5[%parallel_loop3A_212] : memref<100000xf32, #tpu.memory_space<vmem>>[vector<16xi32>], vector<16xf32>,
      %parallel_loop3A_214 = vector.bitcast %parallel_loop3A_213 : vector<16xf32> to vector<16xi32>
      %parallel_loop3A_215 = arith.constant -65536 : i32
      %parallel_loop3A_216 = vector.broadcast %parallel_loop3A_215 : i32 to vector<16xi32>
      %parallel_loop3A_217 = arith.andi %parallel_loop3A_214, %parallel_loop3A_216 : vector<16xi32>
      %parallel_loop3A_218 = vector.bitcast %parallel_loop3A_217 : vector<16xi32> to vector<16xf32>
      %parallel_loop3A_219 = arith.constant 16 : i32
      %parallel_loop3A_220 = vector.broadcast %parallel_loop3A_219 : i32 to vector<16xi32>
      %parallel_loop3A_221 = arith.shli %parallel_loop3A_214, %parallel_loop3A_220 : vector<16xi32>
      %parallel_loop3A_222 = vector.bitcast %parallel_loop3A_221 : vector<16xi32> to vector<16xf32>
      %parallel_loop3A_223 = arith.index_cast %parallel_loop3A_208 : i32 to index
      %parallel_loop3A_224 = tpu.vector_load %arg11[%parallel_loop3A_223] {strides = array<i32>} : memref<8192xf32, #tpu.memory_space<vmem>>, vector<16xf32>,
      tpu.vector_store %arg11[%parallel_loop3A_223], %parallel_loop3A_218 {add = true, strides = array<i32>} : memref<8192xf32, #tpu.memory_space<vmem>>, vector<16xf32>,
      %parallel_loop3A_225 = arith.index_cast %parallel_loop3A_208 : i32 to index
      %parallel_loop3A_226 = tpu.vector_load %arg12[%parallel_loop3A_225] {strides = array<i32>} : memref<8192xf32, #tpu.memory_space<vmem>>, vector<16xf32>,
      tpu.vector_store %arg12[%parallel_loop3A_225], %parallel_loop3A_222 {add = true, strides = array<i32>} : memref<8192xf32, #tpu.memory_space<vmem>>, vector<16xf32>,
    } {sc.loop_unroll_factor = 8 : i64, sc.parallel_access}
    "tpu.region"() ({
      %run_scoped3A = tpu.sem_alloc : memref<!tpu.dma_semaphore, #tpu.memory_space<semaphore_mem>>
      %dma_start3A_204 = arith.constant 8192 : i32
      %dma_start3A_205 = tpu.memref_slice %arg4[%add3A, %dma_start3A_204] : memref<64x16384xf32, #tpu.memory_space<hbm>> -> memref<1x8192xf32, #tpu.memory_space<hbm>>
      %dma_start3A_206 = tpu.memref_squeeze %dma_start3A_205 : memref<1x8192xf32, #tpu.memory_space<hbm>> -> memref<8192xf32, #tpu.memory_space<hbm>>
      %dma_start3A_207 = arith.constant 8192 : i32
      %dma_start3A_208 = tpu.memref_slice %arg4[%add3A, %dma_start3A_207] : memref<64x16384xf32, #tpu.memory_space<hbm>> -> memref<1x8192xf32, #tpu.memory_space<hbm>>
      %dma_start3A_209 = tpu.memref_squeeze %dma_start3A_208 : memref<1x8192xf32, #tpu.memory_space<hbm>> -> memref<8192xf32, #tpu.memory_space<hbm>>
      tpu.enqueue_dma source(%arg11 : memref<8192xf32, #tpu.memory_space<vmem>>) target(%dma_start3A_209 : memref<8192xf32, #tpu.memory_space<hbm>>) target_semaphore(%run_scoped3A : memref<!tpu.dma_semaphore, #tpu.memory_space<semaphore_mem>>)
      %dma_wait3A_210 = arith.constant 8192 : i32
      %dma_wait3A_211 = tpu.memref_slice %arg4[%add3A, %dma_wait3A_210] : memref<64x16384xf32, #tpu.memory_space<hbm>> -> memref<1x8192xf32, #tpu.memory_space<hbm>>
      %dma_wait3A_212 = tpu.memref_squeeze %dma_wait3A_211 : memref<1x8192xf32, #tpu.memory_space<hbm>> -> memref<8192xf32, #tpu.memory_space<hbm>>
      %dma_wait3A_213 = arith.constant 8192 : i32
      %dma_wait3A_214 = tpu.memref_slice %arg4[%add3A, %dma_wait3A_213] : memref<64x16384xf32, #tpu.memory_space<hbm>> -> memref<1x8192xf32, #tpu.memory_space<hbm>>
      %dma_wait3A_215 = tpu.memref_squeeze %dma_wait3A_214 : memref<1x8192xf32, #tpu.memory_space<hbm>> -> memref<8192xf32, #tpu.memory_space<hbm>>
      tpu.wait_dma2 semaphore(%run_scoped3A : memref<!tpu.dma_semaphore, #tpu.memory_space<semaphore_mem>>) src(%arg11 : memref<8192xf32, #tpu.memory_space<vmem>>) dst(%dma_wait3A_215 : memref<8192xf32, #tpu.memory_space<hbm>>)
      tpu.yield
    }) : () -> ()
    %add3A_202 = arith.constant 32 : i32
    %add3A_203 = arith.addi %add3A, %add3A_202 : i32
    "tpu.region"() ({
      %run_scoped3A = tpu.sem_alloc : memref<!tpu.dma_semaphore, #tpu.memory_space<semaphore_mem>>
      %dma_start3A_204 = arith.constant 8192 : i32
      %dma_start3A_205 = tpu.memref_slice %arg4[%add3A_203, %dma_start3A_204] : memref<64x16384xf32, #tpu.memory_space<hbm>> -> memref<1x8192xf32, #tpu.memory_space<hbm>>
      %dma_start3A_206 = tpu.memref_squeeze %dma_start3A_205 : memref<1x8192xf32, #tpu.memory_space<hbm>> -> memref<8192xf32, #tpu.memory_space<hbm>>
      %dma_start3A_207 = arith.constant 8192 : i32
      %dma_start3A_208 = tpu.memref_slice %arg4[%add3A_203, %dma_start3A_207] : memref<64x16384xf32, #tpu.memory_space<hbm>> -> memref<1x8192xf32, #tpu.memory_space<hbm>>
      %dma_start3A_209 = tpu.memref_squeeze %dma_start3A_208 : memref<1x8192xf32, #tpu.memory_space<hbm>> -> memref<8192xf32, #tpu.memory_space<hbm>>
      tpu.enqueue_dma source(%arg12 : memref<8192xf32, #tpu.memory_space<vmem>>) target(%dma_start3A_209 : memref<8192xf32, #tpu.memory_space<hbm>>) target_semaphore(%run_scoped3A : memref<!tpu.dma_semaphore, #tpu.memory_space<semaphore_mem>>)
      %dma_wait3A_210 = arith.constant 8192 : i32
      %dma_wait3A_211 = tpu.memref_slice %arg4[%add3A_203, %dma_wait3A_210] : memref<64x16384xf32, #tpu.memory_space<hbm>> -> memref<1x8192xf32, #tpu.memory_space<hbm>>
      %dma_wait3A_212 = tpu.memref_squeeze %dma_wait3A_211 : memref<1x8192xf32, #tpu.memory_space<hbm>> -> memref<8192xf32, #tpu.memory_space<hbm>>
      %dma_wait3A_213 = arith.constant 8192 : i32
      %dma_wait3A_214 = tpu.memref_slice %arg4[%add3A_203, %dma_wait3A_213] : memref<64x16384xf32, #tpu.memory_space<hbm>> -> memref<1x8192xf32, #tpu.memory_space<hbm>>
      %dma_wait3A_215 = tpu.memref_squeeze %dma_wait3A_214 : memref<1x8192xf32, #tpu.memory_space<hbm>> -> memref<8192xf32, #tpu.memory_space<hbm>>
      tpu.wait_dma2 semaphore(%run_scoped3A : memref<!tpu.dma_semaphore, #tpu.memory_space<semaphore_mem>>) src(%arg12 : memref<8192xf32, #tpu.memory_space<vmem>>) dst(%dma_wait3A_215 : memref<8192xf32, #tpu.memory_space<hbm>>)
      tpu.yield
    }) : () -> ()
    return
  }
}

#map = affine_map<(d0, d1) -> (0)>
#map1 = affine_map<(d0, d1) -> (0, 0)>
module attributes {stable_mosaic.version = 14 : i64} {
  func.func @_sc_y_body(%arg0: i32, %arg1: i32, %arg2: memref<1024xi32, #tpu.memory_space<hbm>>, %arg3: memref<64x100000xf32, #tpu.memory_space<hbm>>, %arg4: memref<64x1024xf32, #tpu.memory_space<hbm>>, %arg5: memref<100000xf32, #tpu.memory_space<vmem>>, %arg6: memref<1024xi32, #tpu.memory_space<vmem>>, %arg7: memref<1024xf32, #tpu.memory_space<vmem>>, %arg8: memref<!tpu.dma_semaphore, #tpu.memory_space<semaphore_mem>>) attributes {dimension_semantics = [#tpu.dimension_semantics<core_parallel>, #tpu.dimension_semantics<subcore_parallel>], iteration_bounds = array<i64: 2, 16>, scalar_prefetch = 0 : i64, scratch_operands = 4 : i64, tpu.core_type = #tpu.core_type<sc_vector_subcore>, window_params = [{transform_indices = #map}, {transform_indices = #map1}, {transform_indices = #map1}]} {
    %mul3A = arith.constant 2 : i32
    %mul3A_0 = arith.muli %arg1, %mul3A : i32
    %add3A = arith.addi %mul3A_0, %arg0 : i32
    "tpu.region"() ({
      %run_scoped3A = tpu.sem_alloc : memref<!tpu.dma_semaphore, #tpu.memory_space<semaphore_mem>>
      tpu.enqueue_dma source(%arg2 : memref<1024xi32, #tpu.memory_space<hbm>>) target(%arg6 : memref<1024xi32, #tpu.memory_space<vmem>>) target_semaphore(%run_scoped3A : memref<!tpu.dma_semaphore, #tpu.memory_space<semaphore_mem>>)
      tpu.wait_dma2 semaphore(%run_scoped3A : memref<!tpu.dma_semaphore, #tpu.memory_space<semaphore_mem>>) src(%arg2 : memref<1024xi32, #tpu.memory_space<hbm>>) dst(%arg6 : memref<1024xi32, #tpu.memory_space<vmem>>)
      tpu.yield
    }) : () -> ()
    %add3A_1 = arith.constant 0 : i32
    %add3A_2 = arith.addi %add3A, %add3A_1 : i32
    %dma_start3A = arith.constant 0 : i32
    %dma_start3A_3 = tpu.memref_slice %arg3[%add3A_2, %dma_start3A] : memref<64x100000xf32, #tpu.memory_space<hbm>> -> memref<1x100000xf32, #tpu.memory_space<hbm>>
    %dma_start3A_4 = tpu.memref_squeeze %dma_start3A_3 : memref<1x100000xf32, #tpu.memory_space<hbm>> -> memref<100000xf32, #tpu.memory_space<hbm>>
    %dma_start3A_5 = arith.constant 0 : i32
    %dma_start3A_6 = tpu.memref_slice %arg3[%add3A_2, %dma_start3A_5] : memref<64x100000xf32, #tpu.memory_space<hbm>> -> memref<1x100000xf32, #tpu.memory_space<hbm>>
    %dma_start3A_7 = tpu.memref_squeeze %dma_start3A_6 : memref<1x100000xf32, #tpu.memory_space<hbm>> -> memref<100000xf32, #tpu.memory_space<hbm>>
    tpu.enqueue_dma source(%dma_start3A_7 : memref<100000xf32, #tpu.memory_space<hbm>>) target(%arg5 : memref<100000xf32, #tpu.memory_space<vmem>>) target_semaphore(%arg8 : memref<!tpu.dma_semaphore, #tpu.memory_space<semaphore_mem>>)
    %dma_wait3A = arith.constant 0 : i32
    %dma_wait3A_8 = tpu.memref_slice %arg3[%add3A_2, %dma_wait3A] : memref<64x100000xf32, #tpu.memory_space<hbm>> -> memref<1x100000xf32, #tpu.memory_space<hbm>>
    %dma_wait3A_9 = tpu.memref_squeeze %dma_wait3A_8 : memref<1x100000xf32, #tpu.memory_space<hbm>> -> memref<100000xf32, #tpu.memory_space<hbm>>
    %dma_wait3A_10 = arith.constant 0 : i32
    %dma_wait3A_11 = tpu.memref_slice %arg3[%add3A_2, %dma_wait3A_10] : memref<64x100000xf32, #tpu.memory_space<hbm>> -> memref<1x100000xf32, #tpu.memory_space<hbm>>
    %dma_wait3A_12 = tpu.memref_squeeze %dma_wait3A_11 : memref<1x100000xf32, #tpu.memory_space<hbm>> -> memref<100000xf32, #tpu.memory_space<hbm>>
    tpu.wait_dma2 semaphore(%arg8 : memref<!tpu.dma_semaphore, #tpu.memory_space<semaphore_mem>>) src(%dma_wait3A_12 : memref<100000xf32, #tpu.memory_space<hbm>>) dst(%arg5 : memref<100000xf32, #tpu.memory_space<vmem>>)
    %parallel_loop3A = arith.constant 0 : i32
    %parallel_loop3A_13 = arith.constant 64 : i32
    %parallel_loop3A_14 = arith.constant 1 : i32
    scf.for %parallel_loop3A_32 = %parallel_loop3A to %parallel_loop3A_13 step %parallel_loop3A_14  : i32 {
      %parallel_loop3A_33 = arith.constant 16 : i32
      %parallel_loop3A_34 = arith.muli %parallel_loop3A_32, %parallel_loop3A_33 : i32
      %parallel_loop3A_35 = arith.index_cast %parallel_loop3A_34 : i32 to index
      %parallel_loop3A_36 = tpu.vector_load %arg6[%parallel_loop3A_35] {strides = array<i32>} : memref<1024xi32, #tpu.memory_space<vmem>>, vector<16xi32>,
      %parallel_loop3A_37 = tpu.vector_load_idx %arg5[%parallel_loop3A_36] : memref<100000xf32, #tpu.memory_space<vmem>>[vector<16xi32>], vector<16xf32>,
      %parallel_loop3A_38 = arith.constant 5.000000e-02 : f32
      %parallel_loop3A_39 = vector.broadcast %parallel_loop3A_38 : f32 to vector<16xf32>
      %parallel_loop3A_40 = arith.mulf %parallel_loop3A_37, %parallel_loop3A_39 : vector<16xf32>
      %parallel_loop3A_41 = arith.index_cast %parallel_loop3A_34 : i32 to index
      %parallel_loop3A_42 = tpu.vector_load %arg7[%parallel_loop3A_41] {strides = array<i32>} : memref<1024xf32, #tpu.memory_space<vmem>>, vector<16xf32>,
      tpu.vector_store %arg7[%parallel_loop3A_41], %parallel_loop3A_40 {strides = array<i32>} : memref<1024xf32, #tpu.memory_space<vmem>>, vector<16xf32>,
    } {sc.loop_unroll_factor = 2 : i64, sc.parallel_access}
    "tpu.region"() ({
      %run_scoped3A = tpu.sem_alloc : memref<!tpu.dma_semaphore, #tpu.memory_space<semaphore_mem>>
      %dma_start3A_32 = arith.constant 0 : i32
      %dma_start3A_33 = tpu.memref_slice %arg4[%add3A_2, %dma_start3A_32] : memref<64x1024xf32, #tpu.memory_space<hbm>> -> memref<1x1024xf32, #tpu.memory_space<hbm>>
      %dma_start3A_34 = tpu.memref_squeeze %dma_start3A_33 : memref<1x1024xf32, #tpu.memory_space<hbm>> -> memref<1024xf32, #tpu.memory_space<hbm>>
      %dma_start3A_35 = arith.constant 0 : i32
      %dma_start3A_36 = tpu.memref_slice %arg4[%add3A_2, %dma_start3A_35] : memref<64x1024xf32, #tpu.memory_space<hbm>> -> memref<1x1024xf32, #tpu.memory_space<hbm>>
      %dma_start3A_37 = tpu.memref_squeeze %dma_start3A_36 : memref<1x1024xf32, #tpu.memory_space<hbm>> -> memref<1024xf32, #tpu.memory_space<hbm>>
      tpu.enqueue_dma source(%arg7 : memref<1024xf32, #tpu.memory_space<vmem>>) target(%dma_start3A_37 : memref<1024xf32, #tpu.memory_space<hbm>>) target_semaphore(%run_scoped3A : memref<!tpu.dma_semaphore, #tpu.memory_space<semaphore_mem>>)
      %dma_wait3A_38 = arith.constant 0 : i32
      %dma_wait3A_39 = tpu.memref_slice %arg4[%add3A_2, %dma_wait3A_38] : memref<64x1024xf32, #tpu.memory_space<hbm>> -> memref<1x1024xf32, #tpu.memory_space<hbm>>
      %dma_wait3A_40 = tpu.memref_squeeze %dma_wait3A_39 : memref<1x1024xf32, #tpu.memory_space<hbm>> -> memref<1024xf32, #tpu.memory_space<hbm>>
      %dma_wait3A_41 = arith.constant 0 : i32
      %dma_wait3A_42 = tpu.memref_slice %arg4[%add3A_2, %dma_wait3A_41] : memref<64x1024xf32, #tpu.memory_space<hbm>> -> memref<1x1024xf32, #tpu.memory_space<hbm>>
      %dma_wait3A_43 = tpu.memref_squeeze %dma_wait3A_42 : memref<1x1024xf32, #tpu.memory_space<hbm>> -> memref<1024xf32, #tpu.memory_space<hbm>>
      tpu.wait_dma2 semaphore(%run_scoped3A : memref<!tpu.dma_semaphore, #tpu.memory_space<semaphore_mem>>) src(%arg7 : memref<1024xf32, #tpu.memory_space<vmem>>) dst(%dma_wait3A_43 : memref<1024xf32, #tpu.memory_space<hbm>>)
      tpu.yield
    }) : () -> ()
    %add3A_15 = arith.constant 32 : i32
    %add3A_16 = arith.addi %add3A, %add3A_15 : i32
    %dma_start3A_17 = arith.constant 0 : i32
    %dma_start3A_18 = tpu.memref_slice %arg3[%add3A_16, %dma_start3A_17] : memref<64x100000xf32, #tpu.memory_space<hbm>> -> memref<1x100000xf32, #tpu.memory_space<hbm>>
    %dma_start3A_19 = tpu.memref_squeeze %dma_start3A_18 : memref<1x100000xf32, #tpu.memory_space<hbm>> -> memref<100000xf32, #tpu.memory_space<hbm>>
    %dma_start3A_20 = arith.constant 0 : i32
    %dma_start3A_21 = tpu.memref_slice %arg3[%add3A_16, %dma_start3A_20] : memref<64x100000xf32, #tpu.memory_space<hbm>> -> memref<1x100000xf32, #tpu.memory_space<hbm>>
    %dma_start3A_22 = tpu.memref_squeeze %dma_start3A_21 : memref<1x100000xf32, #tpu.memory_space<hbm>> -> memref<100000xf32, #tpu.memory_space<hbm>>
    tpu.enqueue_dma source(%dma_start3A_22 : memref<100000xf32, #tpu.memory_space<hbm>>) target(%arg5 : memref<100000xf32, #tpu.memory_space<vmem>>) target_semaphore(%arg8 : memref<!tpu.dma_semaphore, #tpu.memory_space<semaphore_mem>>)
    %dma_wait3A_23 = arith.constant 0 : i32
    %dma_wait3A_24 = tpu.memref_slice %arg3[%add3A_16, %dma_wait3A_23] : memref<64x100000xf32, #tpu.memory_space<hbm>> -> memref<1x100000xf32, #tpu.memory_space<hbm>>
    %dma_wait3A_25 = tpu.memref_squeeze %dma_wait3A_24 : memref<1x100000xf32, #tpu.memory_space<hbm>> -> memref<100000xf32, #tpu.memory_space<hbm>>
    %dma_wait3A_26 = arith.constant 0 : i32
    %dma_wait3A_27 = tpu.memref_slice %arg3[%add3A_16, %dma_wait3A_26] : memref<64x100000xf32, #tpu.memory_space<hbm>> -> memref<1x100000xf32, #tpu.memory_space<hbm>>
    %dma_wait3A_28 = tpu.memref_squeeze %dma_wait3A_27 : memref<1x100000xf32, #tpu.memory_space<hbm>> -> memref<100000xf32, #tpu.memory_space<hbm>>
    tpu.wait_dma2 semaphore(%arg8 : memref<!tpu.dma_semaphore, #tpu.memory_space<semaphore_mem>>) src(%dma_wait3A_28 : memref<100000xf32, #tpu.memory_space<hbm>>) dst(%arg5 : memref<100000xf32, #tpu.memory_space<vmem>>)
    %parallel_loop3A_29 = arith.constant 0 : i32
    %parallel_loop3A_30 = arith.constant 64 : i32
    %parallel_loop3A_31 = arith.constant 1 : i32
    scf.for %parallel_loop3A_32 = %parallel_loop3A_29 to %parallel_loop3A_30 step %parallel_loop3A_31  : i32 {
      %parallel_loop3A_33 = arith.constant 16 : i32
      %parallel_loop3A_34 = arith.muli %parallel_loop3A_32, %parallel_loop3A_33 : i32
      %parallel_loop3A_35 = arith.index_cast %parallel_loop3A_34 : i32 to index
      %parallel_loop3A_36 = tpu.vector_load %arg6[%parallel_loop3A_35] {strides = array<i32>} : memref<1024xi32, #tpu.memory_space<vmem>>, vector<16xi32>,
      %parallel_loop3A_37 = tpu.vector_load_idx %arg5[%parallel_loop3A_36] : memref<100000xf32, #tpu.memory_space<vmem>>[vector<16xi32>], vector<16xf32>,
      %parallel_loop3A_38 = arith.constant 5.000000e-02 : f32
      %parallel_loop3A_39 = vector.broadcast %parallel_loop3A_38 : f32 to vector<16xf32>
      %parallel_loop3A_40 = arith.mulf %parallel_loop3A_37, %parallel_loop3A_39 : vector<16xf32>
      %parallel_loop3A_41 = arith.index_cast %parallel_loop3A_34 : i32 to index
      %parallel_loop3A_42 = tpu.vector_load %arg7[%parallel_loop3A_41] {strides = array<i32>} : memref<1024xf32, #tpu.memory_space<vmem>>, vector<16xf32>,
      tpu.vector_store %arg7[%parallel_loop3A_41], %parallel_loop3A_40 {strides = array<i32>} : memref<1024xf32, #tpu.memory_space<vmem>>, vector<16xf32>,
    } {sc.loop_unroll_factor = 2 : i64, sc.parallel_access}
    "tpu.region"() ({
      %run_scoped3A = tpu.sem_alloc : memref<!tpu.dma_semaphore, #tpu.memory_space<semaphore_mem>>
      %dma_start3A_32 = arith.constant 0 : i32
      %dma_start3A_33 = tpu.memref_slice %arg4[%add3A_16, %dma_start3A_32] : memref<64x1024xf32, #tpu.memory_space<hbm>> -> memref<1x1024xf32, #tpu.memory_space<hbm>>
      %dma_start3A_34 = tpu.memref_squeeze %dma_start3A_33 : memref<1x1024xf32, #tpu.memory_space<hbm>> -> memref<1024xf32, #tpu.memory_space<hbm>>
      %dma_start3A_35 = arith.constant 0 : i32
      %dma_start3A_36 = tpu.memref_slice %arg4[%add3A_16, %dma_start3A_35] : memref<64x1024xf32, #tpu.memory_space<hbm>> -> memref<1x1024xf32, #tpu.memory_space<hbm>>
      %dma_start3A_37 = tpu.memref_squeeze %dma_start3A_36 : memref<1x1024xf32, #tpu.memory_space<hbm>> -> memref<1024xf32, #tpu.memory_space<hbm>>
      tpu.enqueue_dma source(%arg7 : memref<1024xf32, #tpu.memory_space<vmem>>) target(%dma_start3A_37 : memref<1024xf32, #tpu.memory_space<hbm>>) target_semaphore(%run_scoped3A : memref<!tpu.dma_semaphore, #tpu.memory_space<semaphore_mem>>)
      %dma_wait3A_38 = arith.constant 0 : i32
      %dma_wait3A_39 = tpu.memref_slice %arg4[%add3A_16, %dma_wait3A_38] : memref<64x1024xf32, #tpu.memory_space<hbm>> -> memref<1x1024xf32, #tpu.memory_space<hbm>>
      %dma_wait3A_40 = tpu.memref_squeeze %dma_wait3A_39 : memref<1x1024xf32, #tpu.memory_space<hbm>> -> memref<1024xf32, #tpu.memory_space<hbm>>
      %dma_wait3A_41 = arith.constant 0 : i32
      %dma_wait3A_42 = tpu.memref_slice %arg4[%add3A_16, %dma_wait3A_41] : memref<64x1024xf32, #tpu.memory_space<hbm>> -> memref<1x1024xf32, #tpu.memory_space<hbm>>
      %dma_wait3A_43 = tpu.memref_squeeze %dma_wait3A_42 : memref<1x1024xf32, #tpu.memory_space<hbm>> -> memref<1024xf32, #tpu.memory_space<hbm>>
      tpu.wait_dma2 semaphore(%run_scoped3A : memref<!tpu.dma_semaphore, #tpu.memory_space<semaphore_mem>>) src(%arg7 : memref<1024xf32, #tpu.memory_space<vmem>>) dst(%dma_wait3A_43 : memref<1024xf32, #tpu.memory_space<hbm>>)
      tpu.yield
    }) : () -> ()
    return
  }
}

module attributes {stable_mosaic.version = 14 : i64} {
  func.func @_pack_body(%arg0: i32, %arg1: memref<64x4096xf32, #tpu.memory_space<vmem>>, %arg2: memref<32x4096xf32, #tpu.memory_space<vmem>>) attributes {dimension_semantics = [#tpu.dimension_semantics<arbitrary>], iteration_bounds = array<i64: 25>, scalar_prefetch = 0 : i64, scratch_operands = 0 : i64, tpu.core_type = #tpu.core_type<tc>, window_params = [{transform_indices = @transform_0, window_bounds = array<i64: 64, 4096>}, {transform_indices = @transform_1, window_bounds = array<i64: 32, 4096>}]} {
    %get3A = arith.constant 0 : index
    %get3A_0 = arith.constant 0 : index
    %get3A_1 = vector.load %arg1[%get3A, %get3A_0] : memref<64x4096xf32, #tpu.memory_space<vmem>>, vector<32x4096xf32>
    %get3A_2 = arith.constant 32 : index
    %get3A_3 = arith.constant 0 : index
    %get3A_4 = vector.load %arg1[%get3A_2, %get3A_3] : memref<64x4096xf32, #tpu.memory_space<vmem>>, vector<32x4096xf32>
    %bitcast_convert_type3A = tpu.bitcast %get3A_1 : vector<32x4096xf32> -> vector<32x4096xi32>
    %add3A = arith.constant 32767 : i32
    %add3A_5 = vector.broadcast %add3A : i32 to vector<32x4096xi32>
    %add3A_6 = arith.addi %bitcast_convert_type3A, %add3A_5 : vector<32x4096xi32>
    %shift_right_logical3A = arith.constant 16 : i32
    %shift_right_logical3A_7 = vector.broadcast %shift_right_logical3A : i32 to vector<32x4096xi32>
    %shift_right_logical3A_8 = arith.shrui %bitcast_convert_type3A, %shift_right_logical3A_7 : vector<32x4096xi32>
    %and3A = arith.constant 1 : i32
    %and3A_9 = vector.broadcast %and3A : i32 to vector<32x4096xi32>
    %and3A_10 = arith.andi %shift_right_logical3A_8, %and3A_9 : vector<32x4096xi32>
    %add3A_11 = arith.addi %add3A_6, %and3A_10 : vector<32x4096xi32>
    %and3A_12 = arith.constant -65536 : i32
    %and3A_13 = vector.broadcast %and3A_12 : i32 to vector<32x4096xi32>
    %and3A_14 = arith.andi %add3A_11, %and3A_13 : vector<32x4096xi32>
    %bitcast_convert_type3A_15 = tpu.bitcast %get3A_4 : vector<32x4096xf32> -> vector<32x4096xi32>
    %add3A_16 = arith.constant 32767 : i32
    %add3A_17 = vector.broadcast %add3A_16 : i32 to vector<32x4096xi32>
    %add3A_18 = arith.addi %bitcast_convert_type3A_15, %add3A_17 : vector<32x4096xi32>
    %shift_right_logical3A_19 = arith.constant 16 : i32
    %shift_right_logical3A_20 = vector.broadcast %shift_right_logical3A_19 : i32 to vector<32x4096xi32>
    %shift_right_logical3A_21 = arith.shrui %bitcast_convert_type3A_15, %shift_right_logical3A_20 : vector<32x4096xi32>
    %and3A_22 = arith.constant 1 : i32
    %and3A_23 = vector.broadcast %and3A_22 : i32 to vector<32x4096xi32>
    %and3A_24 = arith.andi %shift_right_logical3A_21, %and3A_23 : vector<32x4096xi32>
    %add3A_25 = arith.addi %add3A_18, %and3A_24 : vector<32x4096xi32>
    %and3A_26 = arith.constant -65536 : i32
    %and3A_27 = vector.broadcast %and3A_26 : i32 to vector<32x4096xi32>
    %and3A_28 = arith.andi %add3A_25, %and3A_27 : vector<32x4096xi32>
    %shift_right_logical3A_29 = arith.constant 16 : i32
    %shift_right_logical3A_30 = vector.broadcast %shift_right_logical3A_29 : i32 to vector<32x4096xi32>
    %shift_right_logical3A_31 = arith.shrui %and3A_28, %shift_right_logical3A_30 : vector<32x4096xi32>
    %or3A = arith.ori %and3A_14, %shift_right_logical3A_31 : vector<32x4096xi32>
    %bitcast_convert_type3A_32 = tpu.bitcast %or3A : vector<32x4096xi32> -> vector<32x4096xf32>
    %swap3A = arith.constant 0 : index
    %swap3A_33 = arith.constant 0 : index
    %swap3A_34 = vector.load %arg2[%swap3A, %swap3A_33] : memref<32x4096xf32, #tpu.memory_space<vmem>>, vector<32x4096xf32>
    tpu.vector_store %arg2[%swap3A, %swap3A_33], %bitcast_convert_type3A_32 {strides = array<i32>} : memref<32x4096xf32, #tpu.memory_space<vmem>>, vector<32x4096xf32>,
    return
  }
  func.func @transform_0(%arg0: i32) -> (i32, i32) {
    %c0_i32 = arith.constant 0 : i32
    %c0_i32_0 = arith.constant 0 : i32
    return %c0_i32, %arg0 : i32, i32
  }
  func.func @transform_1(%arg0: i32) -> (i32, i32) {
    %c0_i32 = arith.constant 0 : i32
    %c0_i32_0 = arith.constant 0 : i32
    return %c0_i32, %arg0 : i32, i32
  }
}

module attributes {stable_mosaic.version = 14 : i64} {
  func.func @_tc_body(%arg0: i32, %arg1: memref<64x2048xf32, #tpu.memory_space<vmem>>, %arg2: memref<64x1024xf32, #tpu.memory_space<vmem>>, %arg3: memref<2048x1024xf32, #tpu.memory_space<vmem>>) attributes {dimension_semantics = [#tpu.dimension_semantics<arbitrary>], iteration_bounds = array<i64: 8>, scalar_prefetch = 0 : i64, scratch_operands = 0 : i64, tpu.core_type = #tpu.core_type<tc>, window_params = [{transform_indices = @transform_0, window_bounds = array<i64: 64, 2048>}, {pipeline_mode = #tpu.pipeline_mode<synchronous>, transform_indices = @transform_1, window_bounds = array<i64: 64, 1024>}, {transform_indices = @transform_2, window_bounds = array<i64: 2048, 1024>}]} {
    %get3A = arith.constant 0 : index
    %get3A_0 = arith.constant 0 : index
    %get3A_1 = vector.load %arg1[%get3A, %get3A_0] : memref<64x2048xf32, #tpu.memory_space<vmem>>, vector<64x2048xf32>
    %get3A_2 = arith.constant 0 : index
    %get3A_3 = arith.constant 0 : index
    %get3A_4 = vector.load %arg2[%get3A_2, %get3A_3] : memref<64x1024xf32, #tpu.memory_space<vmem>>, vector<64x1024xf32>
    %dot_general3A = arith.constant dense<0.000000e+00> : vector<2048x1024xf32>
    %dot_general3A_5 = tpu.matmul %get3A_1, %get3A_4, %dot_general3A {dimension_numbers = #tpu.dot_dimension_numbers<[0], [0], [1], [1], [0, 1, 1, 1], [], []>, transpose_lhs_hint = false} : vector<64x2048xf32>, vector<64x1024xf32>, vector<2048x1024xf32> -> vector<2048x1024xf32>
    %mul3A = arith.constant 5.000000e-01 : f32
    %mul3A_6 = vector.broadcast %mul3A : f32 to vector<2048x1024xf32>
    %mul3A_7 = arith.mulf %mul3A_6, %dot_general3A_5 : vector<2048x1024xf32>
    %tanh3A = math.tanh %mul3A_7 : vector<2048x1024xf32>
    %mul3A_8 = arith.constant 5.000000e-01 : f32
    %mul3A_9 = vector.broadcast %mul3A_8 : f32 to vector<2048x1024xf32>
    %mul3A_10 = arith.mulf %mul3A_9, %tanh3A : vector<2048x1024xf32>
    %add3A = arith.constant 5.000000e-01 : f32
    %add3A_11 = vector.broadcast %add3A : f32 to vector<2048x1024xf32>
    %add3A_12 = arith.addf %add3A_11, %mul3A_10 : vector<2048x1024xf32>
    %swap3A = arith.constant 0 : index
    %swap3A_13 = arith.constant 0 : index
    %swap3A_14 = vector.load %arg3[%swap3A, %swap3A_13] : memref<2048x1024xf32, #tpu.memory_space<vmem>>, vector<2048x1024xf32>
    tpu.vector_store %arg3[%swap3A, %swap3A_13], %add3A_12 {strides = array<i32>} : memref<2048x1024xf32, #tpu.memory_space<vmem>>, vector<2048x1024xf32>,
    return
  }
  func.func @transform_0(%arg0: i32) -> (i32, i32) {
    %c0_i32 = arith.constant 0 : i32
    %c0_i32_0 = arith.constant 0 : i32
    return %c0_i32, %arg0 : i32, i32
  }
  func.func @transform_1(%arg0: i32) -> (i32, i32) {
    %c0_i32 = arith.constant 0 : i32
    %c0_i32_0 = arith.constant 0 : i32
    %c0_i32_1 = arith.constant 0 : i32
    return %c0_i32, %c0_i32_0 : i32, i32
  }
  func.func @transform_2(%arg0: i32) -> (i32, i32) {
    %c0_i32 = arith.constant 0 : i32
    %c0_i32_0 = arith.constant 0 : i32
    return %arg0, %c0_i32 : i32, i32
  }
}

</mosaic_0001>

<sc_bundles>
// kernel: kernel.6.cloned.1.call-start
scs
__scs_entry_jumppad:
0x0: {  	(pc) =	sbr.rel $0x88, $3  }
0x1: {  	(tag) =	ssettag $0x0;
	lr =	simm.s32 $0x1  }
0x2: {  	[smem:$0x3F9D] =	sst lr;
	_ =	strace $0xD0000000  }
0x3: {  	_ = 	snop  }
0x4: {  	_ = 	snop  }
0x5: {  	_ = 	snop  }
0x6: {  	_ = 	snop  }
0x7: {  	_ = 	snop  }
__scs_overlays_trampoline_lowered:
0x8: {  	[smem:$0x3FAC] =	sst s0  }
0x9: {  	[smem:$0x3FAD] =	sst s1  }
0xa: {  	[smem:$0x3FAE] =	sst s2  }
0xb: {  	[smem:$0x3FAF] =	sst s3  }
0xc: {  	[smem:$0x3FB0] =	sst s4  }
0xd: {  	[smem:$0x3FB1] =	sst s5  }
0xe: {  	[smem:$0x3FB2] =	sst s6  }
0xf: {  	[smem:$0x3FB3] =	sst s7  }
0x10: {  	[smem:$0x3FB4] =	sst s8  }
0x11: {  	[smem:$0x3FB5] =	sst s9;
	s0 =	simm.s32 @!p0 $0x0  }
0x12: {  	s1 =	sld [smem:$0x3F9B];
	s0 =	simm.s32 @p0 $0x1  }
0x13: {  	[smem:$0x3FB6] =	sst s0;
	s0 =	simm.s32 @!p1 $0x0  }
0x14: {  	s2 =	sld [smem:$0x3F9A];
	s0 =	simm.s32 @p1 $0x1  }
0x15: {  	[smem:$0x3FB7] =	sst s0;
	s0 =	simm.s32 @!p2 $0x0  }
0x16: {  	s3 =	sld [smem:$0x3FDB];
	s0 =	simm.s32 @p2 $0x1  }
0x17: {  	s4 =	simm.s32 $0x1BF5;
	[smem:$0x3FB9] =	sst s0  }
0x18: {  	s0 =	sld [smem:$0x3F9C];
	_ =	swait.ge [sflag:s4], $0x0  }
0x19: {  	s7 =	sld [smem:$0x3F9D]  }
0x1a: {  	s8 =	sadd.s32 $0xFFFFE003, lr  }
0x1b: {  	s9 =	sadd.s32 $0xFFFFFEF7, lr;
	s5 =	simm.s32 $0xFFFFFFFF;
	p2 =	slt.u32 s8, $0xFFFFF086  }
0x1c: {  	p1 =	slt.u32 s9, $0xF7A;
	s5 =	simm.s32 @!p2 $0x0  }
0x1d: {  	s5 =	simm.s32 @p1 $0x1;
	p0 =	seq.s32 s7, s2  }
0x1e: {  	s7 =	smul.u32 @!p0 $0xF7A, s2;
	p2 =	seq.s32 @!p0 s5, $0x0  }
0x1f: {  	s9 =	smul.u32 $0xF7A, s1;
	s8 =	simm.s32 @!p0 $0x1BF5;
	p2 =	por !p2, p0  }
0x20: {  	[sflag:s8] =	ssyncset.s32 @!p0 $0xFFFFF086;
	s6 =	sadd.s32 @!p0 s3, s7;
	s7 =	simm.s32 @!p0 $0x108  }
0x21: {  	s3 =	sadd.s32 s3, s9;
	s6 =	sadd.s32 @!p0 $0x88, s6;
	s7 =	simm.s32 @p2 $0x1082  }
0x22: {  	[simem:s7], [sflag:s8] =	dma.local @!p0 [hbm:s6], $0xF7A  }
0x23: {  	s9 =	sor.u32 $0xD0000000, s2;
	s6 =	simm.s32 $0x108;
	_ =	swait.ge @!p0 [sflag:s8], $0x0  }
0x24: {  	s3 =	sadd.s32 $0x88, s3;
	s6 =	simm.s32 @!p1 $0x1082;
	[sflag:s4] =	ssyncset.s32 $0xFFFFF086  }
0x25: {  	[simem:s6], [sflag:s4] =	dma.local [hbm:s3], $0xF7A  }
0x26: {  	[smem:$0x3F9D] =	sst s1;
	(tag) =	ssettag s2;
	_ =	strace s9  }
0x27: {  	s1 =	sld [smem:$0x3FAD]  }
0x28: {  	s2 =	sld [smem:$0x3FAE]  }
0x29: {  	s4 =	sld [smem:$0x3FB0]  }
0x2a: {  	p0 =	seq.s32 s5, $0x0;
	s5 =	sld [smem:$0x3FB1]  }
0x2b: {  	s6 =	sld [smem:$0x3FB2]  }
0x2c: {  	s7 =	sld [smem:$0x3FB3]  }
0x2d: {  	s3 =	simm.s32 $0x108;
	s8 =	sld [smem:$0x3FB4]  }
0x2e: {  	s3 =	simm.s32 @!p0 $0x1082;
	s9 =	sld [smem:$0x3FB5]  }
0x2f: {  	lr =	sadd.s32 s0, s3;
	s0 =	sld [smem:$0x3FAC]  }
0x30: {  	s3 =	sld [smem:$0x3FAF]  }
0x31: {  	[smem:$0x3FB8] =	sst s10  }
0x32: {  	s10 =	sld [smem:$0x3FB6];
	_ =	sdelay $0x3  }
0x33: {  	p0 =	seq.s32 s10, $0x1;
	s10 =	sld [smem:$0x3FB8];
	_ =	sdelay $0x3  }
0x34: {  	[smem:$0x3FB8] =	sst s10  }
0x35: {  	s10 =	sld [smem:$0x3FB7];
	_ =	sdelay $0x3  }
0x36: {  	p1 =	seq.s32 s10, $0x1;
	s10 =	sld [smem:$0x3FB8];
	_ =	sdelay $0x3  }
0x37: {  	[smem:$0x3FB8] =	sst s10  }
0x38: {  	s10 =	sld [smem:$0x3FB9]  }
0x39: {  	_ = 	snop;
	(pc) =	sbr.ind lr, $3  }
0x3a: {  	_ = 	snop  }
0x3b: {  	_ = 	snop  }
0x3c: {  	p2 =	seq.s32 s10, $0x1;
	s10 =	sld [smem:$0x3FB8]  }
0x3d: {  	_ =	shalt  }
0x3e: {  	_ =	shalt  }
0x3f: {  	_ =	shalt  }
0x40: {  	_ =	shalt  }
0x41: {  	_ =	shalt  }
0x42: {  	_ =	shalt  }
0x43: {  	_ =	shalt  }
0x44: {  	_ =	shalt  }
0x45: {  	_ =	shalt  }
0x46: {  	_ =	shalt  }
0x47: {  	_ =	shalt  }
0x48: {  	_ =	shalt  }
0x49: {  	_ =	shalt  }
0x4a: {  	_ =	shalt  }
0x4b: {  	_ =	shalt  }
0x4c: {  	_ =	shalt  }
0x4d: {  	_ =	shalt  }
0x4e: {  	_ =	shalt  }
0x4f: {  	_ =	shalt  }
0x50: {  	_ =	shalt  }
0x51: {  	_ =	shalt  }
0x52: {  	_ =	shalt  }
0x53: {  	_ =	shalt  }
0x54: {  	_ =	shalt  }
0x55: {  	_ =	shalt  }
0x56: {  	_ =	shalt  }
0x57: {  	_ =	shalt  }
0x58: {  	_ =	shalt  }
0x59: {  	_ =	shalt  }
0x5a: {  	_ =	shalt  }
0x5b: {  	_ =	shalt  }
0x5c: {  	_ =	shalt  }
0x5d: {  	_ =	shalt  }
0x5e: {  	_ =	shalt  }
0x5f: {  	_ =	shalt  }
0x60: {  	_ =	shalt  }
0x61: {  	_ =	shalt  }
0x62: {  	_ =	shalt  }
0x63: {  	_ =	shalt  }
0x64: {  	_ =	shalt  }
0x65: {  	_ =	shalt  }
0x66: {  	_ =	shalt  }
0x67: {  	_ =	shalt  }
0x68: {  	_ =	shalt  }
0x69: {  	_ =	shalt  }
0x6a: {  	_ =	shalt  }
0x6b: {  	_ =	shalt  }
0x6c: {  	_ =	shalt  }
0x6d: {  	_ =	shalt  }
0x6e: {  	_ =	shalt  }
0x6f: {  	_ =	shalt  }
0x70: {  	_ =	shalt  }
0x71: {  	_ =	shalt  }
0x72: {  	_ =	shalt  }
0x73: {  	_ =	shalt  }
0x74: {  	_ =	shalt  }
0x75: {  	_ =	shalt  }
0x76: {  	_ =	shalt  }
0x77: {  	_ =	shalt  }
0x78: {  	_ =	shalt  }
0x79: {  	_ =	shalt  }
0x7a: {  	_ =	shalt  }
0x7b: {  	_ =	shalt  }
0x7c: {  	_ =	shalt  }
0x7d: {  	_ =	shalt  }
0x7e: {  	_ =	shalt  }
0x7f: {  	_ =	shalt  }
0x80: {  	_ =	shalt  }
0x81: {  	_ =	shalt  }
0x82: {  	_ =	shalt  }
0x83: {  	_ =	shalt  }
0x84: {  	_ =	shalt  }
0x85: {  	_ =	shalt  }
0x86: {  	_ =	shalt  }
0x87: {  	_ =	shalt  }
.Lfunc_end0:
.L_simem_size_0:
called_computation_lowered:
.L_overlay_start_0:
0x88: {  	s2 =	sld [smem:$0x3FD9]  }
0x89: {  	s3 =	sld [smem:$0x3FFE];
	_ =	sdelay $0x1  }
0x8a: {  	s1 =	srdreg.scid  }
0x8b: {  	s0 =	sand.u32 $0x1, s1  }
0x8c: {  	s17 =	sshll.u32 s0, $0xA;
	s2 =	sadd.s32 s3, s2  }
0x8d: {  	s2 =	sadd.s32 s2, s17  }
0x8e: {  	[smem:$0x3FC4] =	sst s2  }
0x8f: {  	_ = 	snop  }
0x90: {  	s2 =	sld [smem:$0x3FC8]  }
0x91: {  	s18 =	sld [smem:$0x3FC6];
	(tm) =	ssettm $0x1  }
0x92: {  	s4 =	sld [smem:$0x3FFB];
	_ =	sdelay $0x3  }
0x93: {  	_ =	strace s4  }
0x94: {  	s4 =	sld [smem:$0x3FFC];
	_ =	sdelay $0x3  }
0x95: {  	_ =	strace s4  }
0x96: {  	s4 =	sld [smem:$0x3FFD];
	_ =	sdelay $0x3  }
0x97: {  	_ =	strace s4  }
0x98: {  	_ =	strace $0x8FFFFFFF  }
0x99: {  	s19 =	sld [smem:$0x3FDB];
	_ =	sdelay $0x1  }
0x9a: {  	s5 =	simm.s32 $_scs_section_size  }
0x9b: {  	s6 =	simm.s32 $_size__tile_overlayer_lowered;
	s7 =	simm.s32 $_tile_overlayer_lowered  }
0x9c: {  	s22 =	simm.s32 $0x1BFF;
	s21 =	sshll.u32 s7, $0x1;
	s4 =	sadd.s32 s5, s19  }
0x9d: {  	s8 =	simm.s32 $0x0;
	s20 =	sshll.u32 s6, $0x1;
	s6 =	sadd.s32 s21, s4  }
0x9e: {  	[timem:s8], [sflag:s22] =	dma.local [hbm:s6], s20  }
0x9f: {  	_ =	swait.ge [sflag:s22], s20  }
0xa0: {  	s5 =	ssub.s32 $0x0, s20;
	[sflag:s22] =	ssyncset.done $0x0  }
0xa1: {  	[sflag:s22] =	ssyncadd.s32 s5;
	_ =	sdelay $0x1  }
0xa2: {  	s23 =	simm.s32 $0x1B8B  }
0xa3: {  	_ =	swait.ge [sflag:s23], $0x1  }
0xa4: {  	[sflag:s23] =	ssyncset.done $0x0  }
0xa5: {  	s25 =	simm.s32 $0x1B8E;
	s24 =	sld [smem:$0x3FFE];
	[sflag:s23] =	ssyncadd.s32 $0xFFFFFFFF  }
0xa6: {  	s26 =	simm.s32 $execute0_lowered;
	[smem:$0x3FD2] =	sst s25  }
0xa7: {  	s6 =	sshll.u32 s26, $0x1;
	_ =	strace $0x80000046;
	[dreg:$0x1] =	wrdreg $0xFFFFFFFF  }
0xa8: {  	s28 =	simm.s32 $_size_execute0_lowered;
	s4 =	sadd.s32 s4, s6;
	[dreg:$0x0] =	wrdreg $0x0  }
0xa9: {  	s6 =	sshll.u32 s28, $0x1;
	[dreg:$0x2] =	wrdreg s4  }
0xaa: {  	[dreg:$0x3] =	wrdreg s6  }
0xab: {  	[dreg:$0x4] =	wrdreg $0xC0  }
0xac: {  	_ =	task [dreg:s8], $0x5FFFF  }
0xad: {  	[dreg:$0x1] =	wrdreg $0xFFFFFFFF  }
0xae: {  	[dreg:$0x0] =	wrdreg $0x60  }
0xaf: {  	[dreg:$0x2] =	wrdreg s2  }
0xb0: {  	[dreg:$0x3] =	wrdreg s18  }
0xb1: {  	[dreg:$0x4] =	wrdreg s24  }
0xb2: {  	[dreg:$0x5] =	wrdreg $0x9  }
0xb3: {  	_ =	task.clear_ibuf [dreg:s8], $0x6FFFF;
	_ =	strace $0x90000046  }
0xb4: {  	s29 =	simm.s32 $0x9;
	_ =	strace $0x80000048  }
0xb5: {  	_ =	swait.ge [sflag:s29], $0x1  }
0xb6: {  	[sflag:s29] =	ssyncadd.s32 $0xFFFFFFFF  }
0xb7: {  	_ =	strace $0x90000048  }
0xb8: {  	_ =	sfence  }
0xb9: {  	s30 =	sld [smem:$0x0];
	_ =	sdelay $0x2  }
0xba: {  	s31 =	sshll.u32 s1, $0xD;
	s1 =	sshrl.u32 s1, $0x2  }
0xbb: {  	s3 =	sand.u32 $0x4000, s31;
	s1 =	sadd.s32 s1, s30  }
0xbc: {  	s0 =	sor.u32 s3, s0;
	s1 =	sshll.u32 s1, $0x11  }
0xbd: {  	s0 =	sor.u32 s1, s0  }
0xbe: {  	s0 =	sadd.s32 $0x8F2B, s0  }
0xbf: {  	[sflag:s0] =	ssyncadd.remote.s32 $0x1  }
0xc0: {  	_ =	sfence.sel $0xFFFF  }
0xc1: {  	[dreg:$0x0] =	wrdreg $0xFFFFFFFF;
	(pc) =	sbr.abs _section_cstart, $3  }
0xc2: {  	[dreg:$0x1] =	wrdreg $0xFFFFFFFF  }
0xc3: {  	_ =	task.clear_ibuf [dreg:s8], $0x2FFFF;
	_ =	strace $0x9FFFFFFF  }
0xc4: {  	(tm) =	ssettm $0x7FFFFFFF  }
0xc5: {  	_ =	shalt  }
tec
execute0_lowered:
.L_overlay_start_1:
0x0: {  	(tag) =	ssettag $0x1  }
0x1: {  	s1 =	rddreg [dreg:$0x0]  }
0x2: {  	s6 =	rddreg [dreg:$0x1]  }
0x3: {  	s4 =	rddreg [dreg:$0x2]  }
0x4: {  	s0 =	rddreg [dreg:$0x3];
	s3 =	simm.s32 $0x0  }
0x5: {  	s5 =	srdreg.scid;
	s2 =	stileid.u32;
	s13 =	simm.s32 $0x1  }
0x6: {  	s14 =	simm.s32 $0x18B00;
	s15 =	simm.s32 $0x0;
	[smem:$0x7FF] =	sst s3  }
0x7: {  	s5 =	sand.u32 $0x1, s5;
	s7 =	sshrl.u32 s2, $0x2;
	s8 =	sshll.u32 s2, $0x8  }
0x8: {  	s11 =	sadd.s32 $0xE00, s4;
	s9 =	sshll.u32 s5, $0x7;
	s8 =	sand.u32 $0x300, s8  }
0x9: {  	s10 =	smul.u32 $0xC3800, s7;
	_ =	strace $0x80000047;
	s24 =	ssub.s32 $0x2, s5  }
0xa: {  	s26 =	sor.u32 $0x4, s7;
	s29 =	sshll.u32 s7, $0xD;
	s8 =	sor.u32 s9, s8  }
0xb: {  	s28 =	sshrl.u32 s24, $0x1;
	s12 =	smul.u32 $0xC3800, s26;
	s25 =	sor.u32 s10, s8  }
0xc: {  	s9 =	sshll.u32 s26, $0xD;
	s10 =	ssub.s32 s24, s28;
	s5 =	sshrl.u32 s25, $0x3  }
0xd: {  	s30 =	sor.u32 s8, s12;
	s12 =	simm.s32 $0x400;
	s4 =	sadd.s32 s6, s5  }
0xe: {  	s5 =	sor.u32 s29, s8;
	s7 =	sshrl.u32 s30, $0x3;
	s8 =	sor.u32 s8, s9  }
0xf: {  	s9 =	simm.s32 $0x18700;
	s5 =	sshrl.u32 s5, $0x3;
	s6 =	sadd.s32 s6, s7  }
0x10: {  	s31 =	sshrl.u32 s8, $0x3;
	s8 =	smax.u32 s10, $0x1;
	s10 =	simm.s32 $0x2  }
0x11: {  	s5 =	sadd.s32 s11, s5;
	s7 =	sadd.s32 s11, s31;
	s11 =	simm.s32 $0x80  }
.LBB2_1:
0x12: {  	[tilespmem:s9], [sflag:$0x2] =	stream.linear.gather [hbm4b:s1+s3], $0x400, $0x38;
	[tilespmem:$0x18F00] =	vst v63  }
0x13: {  	_ =	swait.ge [sflag:s10], $0x400  }
0x14: {  	[sflag:s10] =	ssyncset.done $0x0  }
0x15: {  	[sflag:s10] =	ssyncadd.s32 $0xFFFFFC00  }
0x16: {  	[tilespmem:s3], [sflag:$0x1] =	stream.strided.gather [hbm4b:s4+s11], $0x18700, s12, s11, $0x38;
	[tilespmem:$0x18F00] =	vst v63  }
0x17: {  	_ =	swait.ge [sflag:s13], $0x18700  }
0x18: {  	[sflag:s13] =	ssyncset.done $0x0  }
0x19: {  	s16 =	simm.s32 $0x18710;
	[sflag:s13] =	ssyncadd.s32 $0xFFFE7900  }
0x1a: {  	v0 =	vld [tilespmem:s16+$0x0];
	_ =	sdelay $0x3  }
0x1b: {  	v1 =	vld [tilespmem:s16+$0xFFFFFFF0];
	_ =	sdelay $0x3  }
0x1c: {  	v0 =	vld.idx.msk [tilespmem:v0+s3+$0x0], $0xffff  }
0x1d: {  	s17 =	simm.s32 $0x18730  }
0x1e: {  	v2 =	vld [tilespmem:s17+$0x0];
	_ =	sdelay $0x1  }
0x1f: {  	v3 =	vld.idx.msk [tilespmem:v1+s3+$0x0], $0xffff  }
0x20: {  	v1 =	vmul.f32 $5.000000070e-02, v0;
	v0 =	vld [tilespmem:s17+$0xFFFFFFF0];
	_ =	sdelay $0x3  }
0x21: {  	s16 =	simm.s32 $0x18B10  }
0x22: {  	s18 =	simm.s32 $0x18750;
	s17 =	simm.s32 $0x2;
	[tilespmem:s16+$0x0] =	vst v1;
	v1 =	vld.idx.msk [tilespmem:v2+s3+$0x0], $0xffff;
	v2 =	vmul.f32 $5.000000070e-02, v3  }
.LBB2_2:
0x23: {  	v3 =	vld [tilespmem:s18+$0x0];
	s17 =	sadd.s32 $0x2, s17  }
0x24: {  	v4 =	vld [tilespmem:s18+$0xFFFFFFF0];
	p0 =	slt.u32 s17, $0x3E;
	[tilespmem:s16+$0xFFFFFFF0] =	vst v2  }
0x25: {  	v2 =	vld.idx.msk [tilespmem:v0+s3+$0x0], $0xffff;
	_ =	sdelay $0x1  }
.Ltmp0:
0x26: {  	(pc) =	sbr.rel @p0 .LBB2_2-.Ltmp0, $4  }
0x27: {  	v1 =	vmul.f32 $5.000000070e-02, v1  }
0x28: {  	s16 =	sadd.s32 $0x20, s16;
	v0 =	vmov v4  }
0x29: {  	[tilespmem:s16+$0x0] =	vst v1  }
0x2a: {  	s18 =	sadd.s32 $0x20, s18;
	v2 =	vmul.f32 $5.000000070e-02, v2;
	v1 =	vld.idx.msk [tilespmem:v3+s3+$0x0], $0xffff  }
0x2b: {  	_ =	sdelay $0x3  }
0x2c: {  	v0 =	vld.idx.msk [tilespmem:v0+s3+$0x0], $0xffff;
	_ =	sdelay $0x3  }
0x2d: {  	v1 =	vmul.f32 $5.000000070e-02, v1  }
0x2e: {  	s30 =	sadd.s32 $0x20, s16;
	[tilespmem:s16+$0xFFFFFFF0] =	vst v2;
	v0 =	vmul.f32 $5.000000070e-02, v0  }
0x2f: {  	[tilespmem:s30+$0x0] =	vst v1  }
0x30: {  	[tilespmem:s30+$0xFFFFFFF0] =	vst v0  }
0x31: {  	[hbm4b:s5+s11] =	stream.strided.scatter [tilespmem:s14], [sflag:$0x2], $0x400, s12, s11, $0x38;
	[tilespmem:$0x18F00] =	vst v63  }
0x32: {  	_ =	swait.ge [sflag:s10], $0x400  }
0x33: {  	[sflag:s10] =	ssyncset.done $0x0  }
0x34: {  	[sflag:s10] =	ssyncadd.s32 $0xFFFFFC00  }
0x35: {  	[tilespmem:s3], [sflag:$0x1] =	stream.strided.gather [hbm4b:s6+s11], $0x18700, s12, s11, $0x38;
	[tilespmem:$0x18F00] =	vst v63  }
0x36: {  	_ =	swait.ge [sflag:s13], $0x18700  }
0x37: {  	[sflag:s13] =	ssyncset.done $0x0  }
0x38: {  	s31 =	simm.s32 $0x18710;
	[sflag:s13] =	ssyncadd.s32 $0xFFFE7900  }
0x39: {  	v0 =	vld [tilespmem:s31+$0x0];
	_ =	sdelay $0x3  }
0x3a: {  	v1 =	vld [tilespmem:s31+$0xFFFFFFF0];
	_ =	sdelay $0x3  }
0x3b: {  	v0 =	vld.idx.msk [tilespmem:v0+s3+$0x0], $0xffff  }
0x3c: {  	s17 =	simm.s32 $0x18730  }
0x3d: {  	v2 =	vld [tilespmem:s17+$0x0];
	_ =	sdelay $0x1  }
0x3e: {  	v3 =	vld.idx.msk [tilespmem:v1+s3+$0x0], $0xffff  }
0x3f: {  	v1 =	vmul.f32 $5.000000070e-02, v0;
	v0 =	vld [tilespmem:s17+$0xFFFFFFF0];
	_ =	sdelay $0x3  }
0x40: {  	s16 =	simm.s32 $0x18B10  }
0x41: {  	s18 =	simm.s32 $0x18750;
	s17 =	simm.s32 $0x2;
	[tilespmem:s16+$0x0] =	vst v1;
	v1 =	vld.idx.msk [tilespmem:v2+s3+$0x0], $0xffff;
	v2 =	vmul.f32 $5.000000070e-02, v3  }
.LBB2_4:
0x42: {  	v3 =	vld [tilespmem:s18+$0x0];
	s17 =	sadd.s32 $0x2, s17  }
0x43: {  	v4 =	vld [tilespmem:s18+$0xFFFFFFF0];
	p0 =	slt.u32 s17, $0x3E;
	[tilespmem:s16+$0xFFFFFFF0] =	vst v2  }
0x44: {  	v2 =	vld.idx.msk [tilespmem:v0+s3+$0x0], $0xffff;
	_ =	sdelay $0x1  }
.Ltmp1:
0x45: {  	(pc) =	sbr.rel @p0 .LBB2_4-.Ltmp1, $4  }
0x46: {  	v1 =	vmul.f32 $5.000000070e-02, v1  }
0x47: {  	s16 =	sadd.s32 $0x20, s16;
	v0 =	vmov v4  }
0x48: {  	[tilespmem:s16+$0x0] =	vst v1  }
0x49: {  	s18 =	sadd.s32 $0x20, s18;
	v2 =	vmul.f32 $5.000000070e-02, v2;
	v1 =	vld.idx.msk [tilespmem:v3+s3+$0x0], $0xffff  }
0x4a: {  	_ =	sdelay $0x3  }
0x4b: {  	v0 =	vld.idx.msk [tilespmem:v0+s3+$0x0], $0xffff;
	_ =	sdelay $0x3  }
0x4c: {  	v1 =	vmul.f32 $5.000000070e-02, v1  }
0x4d: {  	s31 =	sadd.s32 $0x20, s16;
	s15 =	sadd.s32 $0x1, s15;
	[tilespmem:s16+$0xFFFFFFF0] =	vst v2;
	v0 =	vmul.f32 $5.000000070e-02, v0  }
0x4e: {  	p0 =	sne.s32 s15, s8;
	[tilespmem:s31+$0x0] =	vst v1  }
.Ltmp2:
0x4f: {  	[tilespmem:s31+$0xFFFFFFF0] =	vst v0;
	(pc) =	sbr.rel @p0 .LBB2_1-.Ltmp2, $4  }
0x50: {  	[hbm4b:s7+s11] =	stream.strided.scatter [tilespmem:s14], [sflag:$0x2], $0x400, s12, s11, $0x38;
	[tilespmem:$0x18F00] =	vst v63  }
0x51: {  	_ =	swait.ge [sflag:s10], $0x400  }
0x52: {  	[sflag:s10] =	ssyncset.done $0x0  }
0x53: {  	[sflag:s10] =	ssyncadd.s32 $0xFFFFFC00  }
0x54: {  	_ =	sfence.sel $0x180000  }
0x55: {  	[bflag:$0x0] =	sbarrier.arrive $0xFFFF  }
0x56: {  	p0 =	sne.s32 s2, $0x0;
	_ =	strace $0x90000047  }
0x57: {  	s0 =	sadd.s32 @!p0 $0x100000, s0;
	[bflag:$0x2] =	sbarrier.arrive $0xFFFF  }
0x58: {  	[sflag:s0] =	ssyncadd.tile.s32 @!p0 $0x1;
	_ =	shalt  }
.Lfunc_end2:
_tile_overlayer_lowered:
.L_overlay_start_2:
0x59: {  	(tag) =	ssettag $0x2  }
0x5a: {  	s0 =	rddreg [dreg:$0x0];
	s2 =	stileid.u32  }
0x5b: {  	s1 =	rddreg [dreg:$0x1];
	p0 =	sne.s32 s2, $0x0  }
0x5c: {  	s3 =	rddreg [dreg:$0x2];
	[bflag:$0x3] =	sbarrier.arrive $0xFFFF;
	s2 =	simm.s32 @!p0 $0x1C02  }
0x5d: {  	[timem:s3], [sflag:s2] =	dma.local @!p0 [hbm:s0], s1  }
0x5e: {  	s0 =	simm.s32 @!p0 $0x2  }
0x5f: {  	_ =	swait.ge @!p0 [sflag:s0], s1  }
0x60: {  	s1 =	ssub.s32 @!p0 $0x0, s1;
	[sflag:s0] =	ssyncset.done @!p0 $0x0  }
0x61: {  	[sflag:s0] =	ssyncadd.s32 @!p0 s1  }
0x62: {  	[bflag:$0x3] =	sbarrier.arrive $0xFFFF  }
0x63: {  	_ =	shalt  }

// kernel: kernel.9.cloned.1.call-start
scs
__scs_entry_jumppad:
0x0: {  	(pc) =	sbr.rel $0x88, $3  }
0x1: {  	(tag) =	ssettag $0x0;
	lr =	simm.s32 $0x1  }
0x2: {  	[smem:$0x3F9D] =	sst lr;
	_ =	strace $0xD0000000  }
0x3: {  	_ = 	snop  }
0x4: {  	_ = 	snop  }
0x5: {  	_ = 	snop  }
0x6: {  	_ = 	snop  }
0x7: {  	_ = 	snop  }
__scs_overlays_trampoline_lowered:
0x8: {  	[smem:$0x3FAC] =	sst s0  }
0x9: {  	[smem:$0x3FAD] =	sst s1  }
0xa: {  	[smem:$0x3FAE] =	sst s2  }
0xb: {  	[smem:$0x3FAF] =	sst s3  }
0xc: {  	[smem:$0x3FB0] =	sst s4  }
0xd: {  	[smem:$0x3FB1] =	sst s5  }
0xe: {  	[smem:$0x3FB2] =	sst s6  }
0xf: {  	[smem:$0x3FB3] =	sst s7  }
0x10: {  	[smem:$0x3FB4] =	sst s8  }
0x11: {  	[smem:$0x3FB5] =	sst s9;
	s0 =	simm.s32 @!p0 $0x0  }
0x12: {  	s1 =	sld [smem:$0x3F9B];
	s0 =	simm.s32 @p0 $0x1  }
0x13: {  	[smem:$0x3FB6] =	sst s0;
	s0 =	simm.s32 @!p1 $0x0  }
0x14: {  	s2 =	sld [smem:$0x3F9A];
	s0 =	simm.s32 @p1 $0x1  }
0x15: {  	[smem:$0x3FB7] =	sst s0;
	s0 =	simm.s32 @!p2 $0x0  }
0x16: {  	s3 =	sld [smem:$0x3FDB];
	s0 =	simm.s32 @p2 $0x1  }
0x17: {  	s4 =	simm.s32 $0x1BF5;
	[smem:$0x3FB9] =	sst s0  }
0x18: {  	s0 =	sld [smem:$0x3F9C];
	_ =	swait.ge [sflag:s4], $0x0  }
0x19: {  	s7 =	sld [smem:$0x3F9D]  }
0x1a: {  	s8 =	sadd.s32 $0xFFFFE003, lr  }
0x1b: {  	s9 =	sadd.s32 $0xFFFFFEF7, lr;
	s5 =	simm.s32 $0xFFFFFFFF;
	p2 =	slt.u32 s8, $0xFFFFF086  }
0x1c: {  	p1 =	slt.u32 s9, $0xF7A;
	s5 =	simm.s32 @!p2 $0x0  }
0x1d: {  	s5 =	simm.s32 @p1 $0x1;
	p0 =	seq.s32 s7, s2  }
0x1e: {  	s7 =	smul.u32 @!p0 $0xF7A, s2;
	p2 =	seq.s32 @!p0 s5, $0x0  }
0x1f: {  	s9 =	smul.u32 $0xF7A, s1;
	s8 =	simm.s32 @!p0 $0x1BF5;
	p2 =	por !p2, p0  }
0x20: {  	[sflag:s8] =	ssyncset.s32 @!p0 $0xFFFFF086;
	s6 =	sadd.s32 @!p0 s3, s7;
	s7 =	simm.s32 @!p0 $0x108  }
0x21: {  	s3 =	sadd.s32 s3, s9;
	s6 =	sadd.s32 @!p0 $0x88, s6;
	s7 =	simm.s32 @p2 $0x1082  }
0x22: {  	[simem:s7], [sflag:s8] =	dma.local @!p0 [hbm:s6], $0xF7A  }
0x23: {  	s9 =	sor.u32 $0xD0000000, s2;
	s6 =	simm.s32 $0x108;
	_ =	swait.ge @!p0 [sflag:s8], $0x0  }
0x24: {  	s3 =	sadd.s32 $0x88, s3;
	s6 =	simm.s32 @!p1 $0x1082;
	[sflag:s4] =	ssyncset.s32 $0xFFFFF086  }
0x25: {  	[simem:s6], [sflag:s4] =	dma.local [hbm:s3], $0xF7A  }
0x26: {  	[smem:$0x3F9D] =	sst s1;
	(tag) =	ssettag s2;
	_ =	strace s9  }
0x27: {  	s1 =	sld [smem:$0x3FAD]  }
0x28: {  	s2 =	sld [smem:$0x3FAE]  }
0x29: {  	s4 =	sld [smem:$0x3FB0]  }
0x2a: {  	p0 =	seq.s32 s5, $0x0;
	s5 =	sld [smem:$0x3FB1]  }
0x2b: {  	s6 =	sld [smem:$0x3FB2]  }
0x2c: {  	s7 =	sld [smem:$0x3FB3]  }
0x2d: {  	s3 =	simm.s32 $0x108;
	s8 =	sld [smem:$0x3FB4]  }
0x2e: {  	s3 =	simm.s32 @!p0 $0x1082;
	s9 =	sld [smem:$0x3FB5]  }
0x2f: {  	lr =	sadd.s32 s0, s3;
	s0 =	sld [smem:$0x3FAC]  }
0x30: {  	s3 =	sld [smem:$0x3FAF]  }
0x31: {  	[smem:$0x3FB8] =	sst s10  }
0x32: {  	s10 =	sld [smem:$0x3FB6];
	_ =	sdelay $0x3  }
0x33: {  	p0 =	seq.s32 s10, $0x1;
	s10 =	sld [smem:$0x3FB8];
	_ =	sdelay $0x3  }
0x34: {  	[smem:$0x3FB8] =	sst s10  }
0x35: {  	s10 =	sld [smem:$0x3FB7];
	_ =	sdelay $0x3  }
0x36: {  	p1 =	seq.s32 s10, $0x1;
	s10 =	sld [smem:$0x3FB8];
	_ =	sdelay $0x3  }
0x37: {  	[smem:$0x3FB8] =	sst s10  }
0x38: {  	s10 =	sld [smem:$0x3FB9]  }
0x39: {  	_ = 	snop;
	(pc) =	sbr.ind lr, $3  }
0x3a: {  	_ = 	snop  }
0x3b: {  	_ = 	snop  }
0x3c: {  	p2 =	seq.s32 s10, $0x1;
	s10 =	sld [smem:$0x3FB8]  }
0x3d: {  	_ =	shalt  }
0x3e: {  	_ =	shalt  }
0x3f: {  	_ =	shalt  }
0x40: {  	_ =	shalt  }
0x41: {  	_ =	shalt  }
0x42: {  	_ =	shalt  }
0x43: {  	_ =	shalt  }
0x44: {  	_ =	shalt  }
0x45: {  	_ =	shalt  }
0x46: {  	_ =	shalt  }
0x47: {  	_ =	shalt  }
0x48: {  	_ =	shalt  }
0x49: {  	_ =	shalt  }
0x4a: {  	_ =	shalt  }
0x4b: {  	_ =	shalt  }
0x4c: {  	_ =	shalt  }
0x4d: {  	_ =	shalt  }
0x4e: {  	_ =	shalt  }
0x4f: {  	_ =	shalt  }
0x50: {  	_ =	shalt  }
0x51: {  	_ =	shalt  }
0x52: {  	_ =	shalt  }
0x53: {  	_ =	shalt  }
0x54: {  	_ =	shalt  }
0x55: {  	_ =	shalt  }
0x56: {  	_ =	shalt  }
0x57: {  	_ =	shalt  }
0x58: {  	_ =	shalt  }
0x59: {  	_ =	shalt  }
0x5a: {  	_ =	shalt  }
0x5b: {  	_ =	shalt  }
0x5c: {  	_ =	shalt  }
0x5d: {  	_ =	shalt  }
0x5e: {  	_ =	shalt  }
0x5f: {  	_ =	shalt  }
0x60: {  	_ =	shalt  }
0x61: {  	_ =	shalt  }
0x62: {  	_ =	shalt  }
0x63: {  	_ =	shalt  }
0x64: {  	_ =	shalt  }
0x65: {  	_ =	shalt  }
0x66: {  	_ =	shalt  }
0x67: {  	_ =	shalt  }
0x68: {  	_ =	shalt  }
0x69: {  	_ =	shalt  }
0x6a: {  	_ =	shalt  }
0x6b: {  	_ =	shalt  }
0x6c: {  	_ =	shalt  }
0x6d: {  	_ =	shalt  }
0x6e: {  	_ =	shalt  }
0x6f: {  	_ =	shalt  }
0x70: {  	_ =	shalt  }
0x71: {  	_ =	shalt  }
0x72: {  	_ =	shalt  }
0x73: {  	_ =	shalt  }
0x74: {  	_ =	shalt  }
0x75: {  	_ =	shalt  }
0x76: {  	_ =	shalt  }
0x77: {  	_ =	shalt  }
0x78: {  	_ =	shalt  }
0x79: {  	_ =	shalt  }
0x7a: {  	_ =	shalt  }
0x7b: {  	_ =	shalt  }
0x7c: {  	_ =	shalt  }
0x7d: {  	_ =	shalt  }
0x7e: {  	_ =	shalt  }
0x7f: {  	_ =	shalt  }
0x80: {  	_ =	shalt  }
0x81: {  	_ =	shalt  }
0x82: {  	_ =	shalt  }
0x83: {  	_ =	shalt  }
0x84: {  	_ =	shalt  }
0x85: {  	_ =	shalt  }
0x86: {  	_ =	shalt  }
0x87: {  	_ =	shalt  }
.Lfunc_end0:
.L_simem_size_0:
called_computation.1_lowered:
.L_overlay_start_0:
0x88: {  	s2 =	sld [smem:$0x3FD9]  }
0x89: {  	s3 =	sld [smem:$0x3FFE];
	_ =	sdelay $0x1  }
0x8a: {  	s1 =	srdreg.scid  }
0x8b: {  	s0 =	sand.u32 $0x1, s1  }
0x8c: {  	s17 =	sshll.u32 s0, $0xA;
	s2 =	sadd.s32 s3, s2  }
0x8d: {  	s2 =	sadd.s32 s2, s17  }
0x8e: {  	[smem:$0x3FC4] =	sst s2  }
0x8f: {  	_ = 	snop  }
0x90: {  	s18 =	sld [smem:$0x3FC9]  }
0x91: {  	s4 =	sld [smem:$0x3FD0];
	(tm) =	ssettm $0x1  }
0x92: {  	s19 =	sld [smem:$0x3FFB];
	_ =	sdelay $0x3  }
0x93: {  	_ =	strace s19  }
0x94: {  	s2 =	sld [smem:$0x3FFC];
	_ =	sdelay $0x3  }
0x95: {  	_ =	strace s2  }
0x96: {  	s2 =	sld [smem:$0x3FFD];
	_ =	sdelay $0x3  }
0x97: {  	_ =	strace s2  }
0x98: {  	_ =	strace $0x8FFFFFFF  }
0x99: {  	s20 =	sld [smem:$0x3FDB];
	_ =	sdelay $0x1  }
0x9a: {  	s5 =	simm.s32 $_scs_section_size  }
0x9b: {  	s6 =	simm.s32 $_size__tile_overlayer_lowered;
	s7 =	simm.s32 $_tile_overlayer_lowered  }
0x9c: {  	s8 =	simm.s32 $0x1BFF;
	s21 =	sshll.u32 s7, $0x1;
	s5 =	sadd.s32 s5, s20  }
0x9d: {  	s22 =	simm.s32 $0x0;
	s6 =	sshll.u32 s6, $0x1;
	s7 =	sadd.s32 s21, s5  }
0x9e: {  	[timem:s22], [sflag:s8] =	dma.local [hbm:s7], s6  }
0x9f: {  	_ =	swait.ge [sflag:s8], s6  }
0xa0: {  	s6 =	ssub.s32 $0x0, s6;
	[sflag:s8] =	ssyncset.done $0x0  }
0xa1: {  	[sflag:s8] =	ssyncadd.s32 s6;
	_ =	sdelay $0x1  }
0xa2: {  	s23 =	simm.s32 $0x1B8B  }
0xa3: {  	_ =	swait.ge [sflag:s23], $0x1  }
0xa4: {  	[sflag:s23] =	ssyncset.done $0x0  }
0xa5: {  	[sflag:s23] =	ssyncadd.s32 $0xFFFFFFFF  }
0xa6: {  	s6 =	sld [smem:$0x0]  }
0xa7: {  	s7 =	sand.u32 $0xFFFFFFFE, s1  }
0xa8: {  	p0 =	sne.s32 s1, s7  }
0xa9: {  	s7 =	sshll.u32 @p0 s7, $0xE  }
0xaa: {  	s7 =	sadd.s32 @p0 $0x11B8D, s7;
	s8 =	sshll.u32 @p0 s6, $0x11  }
0xab: {  	s7 =	sor.u32 @p0 s8, s7  }
0xac: {  	[sflag:s7] =	ssyncadd.remote.s32 @p0 $0x1;
	_ =	sdelay $0x1  }
0xad: {  	s7 =	simm.s32 @p0 $0x1B8D  }
0xae: {  	_ =	swait.eq @p0 [sflag:s7], $0x1  }
0xaf: {  	[sflag:s7] =	ssyncadd.s32 @p0 $0xFFFFFFFF  }
0xb0: {  	s8 =	sshll.u32 @!p0 s1, $0xE  }
0xb1: {  	s8 =	sor.u32 @!p0 $0x4000, s8;
	s7 =	simm.s32 @!p0 $0x1B8D  }
0xb2: {  	s6 =	sshll.u32 @!p0 s6, $0x11;
	s8 =	sadd.s32 @!p0 $0x11B8D, s8;
	_ =	swait.eq @!p0 [sflag:s7], $0x1  }
0xb3: {  	s6 =	sor.u32 @!p0 s6, s8;
	[sflag:s7] =	ssyncadd.s32 @!p0 $0xFFFFFFFF  }
0xb4: {  	s25 =	simm.s32 $0x1B8E;
	s24 =	sld [smem:$0x3FFE];
	[sflag:s6] =	ssyncadd.remote.s32 @!p0 $0x1  }
0xb5: {  	s26 =	simm.s32 $execute0_lowered;
	[smem:$0x3FD2] =	sst s25  }
0xb6: {  	s7 =	sshll.u32 s26, $0x1;
	_ =	strace $0x80000049;
	[dreg:$0x1] =	wrdreg $0xFFFFFFFF  }
0xb7: {  	s28 =	simm.s32 $_size_execute0_lowered;
	s5 =	sadd.s32 s5, s7;
	[dreg:$0x0] =	wrdreg $0x0  }
0xb8: {  	s7 =	sshll.u32 s28, $0x1;
	[dreg:$0x2] =	wrdreg s5  }
0xb9: {  	[dreg:$0x3] =	wrdreg s7  }
0xba: {  	[dreg:$0x4] =	wrdreg $0xC0  }
0xbb: {  	_ =	task [dreg:s22], $0x5FFFF  }
0xbc: {  	[dreg:$0x1] =	wrdreg $0xFFFFFFFF  }
0xbd: {  	[dreg:$0x0] =	wrdreg $0x60  }
0xbe: {  	[dreg:$0x2] =	wrdreg s18  }
0xbf: {  	[dreg:$0x3] =	wrdreg s4  }
0xc0: {  	[dreg:$0x4] =	wrdreg s24  }
0xc1: {  	[dreg:$0x5] =	wrdreg $0xA  }
0xc2: {  	_ =	task.clear_ibuf [dreg:s22], $0x6FFFF;
	_ =	strace $0x90000049  }
0xc3: {  	s29 =	simm.s32 $0xA;
	_ =	strace $0x8000004B  }
0xc4: {  	_ =	swait.ge [sflag:s29], $0x1  }
0xc5: {  	[sflag:s29] =	ssyncadd.s32 $0xFFFFFFFF  }
0xc6: {  	_ =	strace $0x9000004B  }
0xc7: {  	_ =	sfence  }
0xc8: {  	s30 =	sld [smem:$0x0];
	_ =	sdelay $0x2  }
0xc9: {  	s31 =	sshll.u32 s1, $0xD;
	s1 =	sshrl.u32 s1, $0x2  }
0xca: {  	s4 =	sand.u32 $0x4000, s31;
	s1 =	sadd.s32 s1, s30  }
0xcb: {  	s0 =	sor.u32 s4, s0;
	s1 =	sshll.u32 s1, $0x11  }
0xcc: {  	s0 =	sor.u32 s1, s0  }
0xcd: {  	s0 =	sadd.s32 $0x8F2B, s0  }
0xce: {  	[sflag:s0] =	ssyncadd.remote.s32 $0x1  }
0xcf: {  	_ =	sfence.sel $0xFFFF  }
0xd0: {  	[dreg:$0x0] =	wrdreg $0xFFFFFFFF;
	(pc) =	sbr.abs _section_cstart, $3  }
0xd1: {  	[dreg:$0x1] =	wrdreg $0xFFFFFFFF  }
0xd2: {  	_ =	task.clear_ibuf [dreg:s22], $0x2FFFF;
	_ =	strace $0x9FFFFFFF  }
0xd3: {  	(tm) =	ssettm $0x7FFFFFFF  }
tec
execute0_lowered:
.L_overlay_start_1:
0x0: {  	(tag) =	ssettag $0x1  }
0x1: {  	s1 =	rddreg [dreg:$0x0]  }
0x2: {  	s0 =	rddreg [dreg:$0x1]  }
0x3: {  	s2 =	rddreg [dreg:$0x2]  }
0x4: {  	s3 =	simm.s32 $0x0;
	s4 =	srdreg.scid;
	s9 =	stileid.u32  }
0x5: {  	s28 =	simm.s32 $0x2;
	s29 =	simm.s32 $0x3;
	s30 =	simm.s32 $0x4  }
0x6: {  	s31 =	simm.s32 $0x5;
	[smem:$0x7FF] =	sst s3;
	s4 =	sand.u32 $0x1, s4  }
0x7: {  	s5 =	sshrl.u32 s9, $0x2;
	s6 =	sshll.u32 s9, $0x8;
	s15 =	sadd.s32 $0x800, s1  }
0x8: {  	s17 =	sadd.s32 $0x1000, s1;
	_ =	strace $0x8000004A;
	[dreg:$0x5] =	wrdreg s15  }
0x9: {  	s2 =	sadd.s32 $0x2E00, s2;
	s18 =	sadd.s32 $0x1800, s1;
	[dreg:$0x6] =	wrdreg s17  }
0xa: {  	s14 =	sshll.u32 s9, $0xF;
	s19 =	sadd.s32 $0x10, s1;
	[dreg:$0x7] =	wrdreg s18  }
0xb: {  	s21 =	sadd.s32 $0x2000, s1;
	s22 =	sadd.s32 $0x2800, s1;
	[dreg:$0x8] =	wrdreg s19  }
0xc: {  	s23 =	sadd.s32 $0x3000, s1;
	s24 =	sadd.s32 $0x3800, s1;
	[dreg:$0xb] =	wrdreg s21  }
0xd: {  	s25 =	sadd.s32 $0x2010, s1;
	s7 =	sshll.u32 s4, $0x7;
	[dreg:$0xc] =	wrdreg s22  }
0xe: {  	s6 =	sand.u32 $0x300, s6;
	s8 =	smul.u32 $0xC3800, s5;
	[dreg:$0xd] =	wrdreg s23  }
0xf: {  	s4 =	ssub.s32 $0x2, s4;
	s16 =	sand.u32 $0x60000, s14;
	[dreg:$0xe] =	wrdreg s24  }
0x10: {  	s5 =	sshll.u32 s5, $0x11;
	[dreg:$0xf] =	wrdreg s25;
	s6 =	sor.u32 s7, s6  }
0x11: {  	s19 =	simm.s32 $0x80;
	s22 =	simm.s32 $0x18700;
	s8 =	sor.u32 s8, s6  }
0x12: {  	s23 =	simm.s32 $0x18F00;
	s12 =	sshrl.u32 s4, $0x1;
	s13 =	sshrl.u32 s8, $0x3  }
0x13: {  	s24 =	simm.s32 $0x19700;
	s4 =	ssub.s32 s4, s12;
	s0 =	sadd.s32 s0, s13  }
0x14: {  	s5 =	sor.u32 s5, s6;
	[dreg:$0x4] =	wrdreg s0;
	s0 =	sor.u32 s16, s6  }
0x15: {  	s5 =	sshrl.u32 s5, $0x3;
	s26 =	smax.u32 s4, $0x1;
	s0 =	sshrl.u32 s0, $0x3  }
0x16: {  	[dreg:$0x12] =	wrdreg s26;
	s0 =	sadd.s32 s0, s2;
	s2 =	sadd.s32 s2, s5  }
0x17: {  	s25 =	simm.s32 $0x19F00;
	s20 =	sadd.s32 $0x10000, s0;
	[dreg:$0x9] =	wrdreg s2  }
0x18: {  	s26 =	simm.s32 $0x1A700;
	s2 =	sadd.s32 $0x2000, s2;
	[dreg:$0xa] =	wrdreg s20  }
0x19: {  	s5 =	simm.s32 $0x0;
	s0 =	sadd.s32 $0x12000, s0;
	[dreg:$0x10] =	wrdreg s2  }
0x1a: {  	v0 =	vimm.f32 $0.0e+00;
	[dreg:$0x11] =	wrdreg s0;
	s20 =	simm.s32 $0x400;
	s0 =	simm.s32 $0x6  }
.LBB2_1:
0x1b: {  	[dreg:$0x13] =	wrdreg s5  }
0x1c: {  	s2 =	rddreg [dreg:$0x4];
	s21 =	simm.s32 $0x1  }
0x1d: {  	[tilespmem:s3], [sflag:$0x1] =	stream.strided.gather [hbm4b:s2+s19], $0x18700, s20, s19, $0x38;
	[tilespmem:$0x1EF00] =	vst v63  }
0x1e: {  	_ =	swait.ge [sflag:s21], $0x18700  }
0x1f: {  	[sflag:s21] =	ssyncset.done $0x0  }
0x20: {  	s6 =	simm.s32 $0x1AF20;
	[sflag:s21] =	ssyncadd.s32 $0xFFFE7900  }
0x21: {  	[tilespmem:s6+$0xFFFFFFF0] =	vst v0  }
0x22: {  	[tilespmem:s6+$0x0] =	vst v0  }
0x23: {  	[tilespmem:s6+$0x10] =	vst v0  }
0x24: {  	s5 =	simm.s32 $0x1CF20;
	[tilespmem:s6+$0xFFFFFFE0] =	vst v0  }
0x25: {  	[tilespmem:s5+$0xFFFFFFF0] =	vst v0  }
0x26: {  	[tilespmem:s5+$0x0] =	vst v0  }
0x27: {  	[tilespmem:s5+$0x10] =	vst v0  }
0x28: {  	s7 =	simm.s32 $0x1AF60;
	s6 =	simm.s32 $0x0;
	[tilespmem:s5+$0xFFFFFFE0] =	vst v0  }
.LBB2_2:
0x29: {  	[tilespmem:s7+$0xFFFFFFF0] =	vst v0;
	s5 =	sadd.s32 $0x40, s5  }
0x2a: {  	s6 =	sadd.s32 $0x4, s6;
	[tilespmem:s5+$0xFFFFFFF0] =	vst v0  }
0x2b: {  	p0 =	slt.u32 s6, $0x1FC;
	[tilespmem:s7+$0x0] =	vst v0  }
.Ltmp0:
0x2c: {  	[tilespmem:s5+$0x0] =	vst v0;
	(pc) =	sbr.rel @p0 .LBB2_2-.Ltmp0, $4  }
0x2d: {  	[tilespmem:s7+$0x10] =	vst v0  }
0x2e: {  	[tilespmem:s5+$0x10] =	vst v0  }
0x2f: {  	[tilespmem:s7+$0xFFFFFFE0] =	vst v0  }
0x30: {  	s7 =	sadd.s32 $0x40, s7;
	[tilespmem:s5+$0xFFFFFFE0] =	vst v0  }
0x31: {  	[tilespmem:s22], [sflag:$0x2] =	stream.strided.gather [hbm4b:s1+s19], $0x800, s20, s19, $0x38;
	[tilespmem:$0x1EF00] =	vst v63  }
0x32: {  	s2 =	rddreg [dreg:$0x5]  }
0x33: {  	s17 =	rddreg [dreg:$0x6]  }
0x34: {  	[tilespmem:s23], [sflag:$0x3] =	stream.strided.gather [hbm4b:s2+s19], $0x800, s20, s19, $0x38;
	[tilespmem:$0x1EF00] =	vst v63  }
0x35: {  	s18 =	rddreg [dreg:$0x7]  }
0x36: {  	[tilespmem:s24], [sflag:$0x4] =	stream.strided.gather [hbm4b:s17+s19], $0x800, s20, s19, $0x38;
	[tilespmem:$0x1EF00] =	vst v63  }
0x37: {  	s21 =	rddreg [dreg:$0x8];
	s5 =	simm.s32 $0x0  }
0x38: {  	[tilespmem:s25], [sflag:$0x5] =	stream.strided.gather [hbm4b:s18+s19], $0x800, s20, s19, $0x38;
	[tilespmem:$0x1EF00] =	vst v63  }
0x39: {  	s6 =	simm.s32 $0x1;
	s7 =	simm.s32 $0x3;
	s8 =	simm.s32 $0x0  }
0x3a: {  	[tilespmem:s26], [sflag:$0x6] =	stream.strided.gather [hbm4b:s21+s19], $0x800, s20, s19, $0x38;
	[tilespmem:$0x1EF00] =	vst v63  }
.LBB2_4:
0x3b: {  	_ =	swait.ge [sflag:s28], $0x800  }
0x3c: {  	[sflag:s28] =	ssyncset.done $0x0  }
0x3d: {  	s9 =	simm.s32 $0x0;
	[sflag:s28] =	ssyncadd.s32 $0xFFFFF800  }
0x3e: {  	v1 =	vld [tilespmem:s9+$0x18770]  }
0x3f: {  	v2 =	vld [tilespmem:s9+$0x18700]  }
0x40: {  	v3 =	vld [tilespmem:s9+$0x18710]  }
0x41: {  	v4 =	vld [tilespmem:s9+$0x18720]  }
0x42: {  	v5 =	vld [tilespmem:s9+$0x18730]  }
0x43: {  	v6 =	vld [tilespmem:s9+$0x18740]  }
0x44: {  	v7 =	vld [tilespmem:s9+$0x18750]  }
0x45: {  	v8 =	vld [tilespmem:s9+$0x18760]  }
0x46: {  	v1 =	vld.idx.msk [tilespmem:v1+s3+$0x0], $0xffff  }
0x47: {  	v2 =	vld.idx.msk [tilespmem:v2+s3+$0x0], $0xffff  }
0x48: {  	v3 =	vld.idx.msk [tilespmem:v3+s3+$0x0], $0xffff  }
0x49: {  	v4 =	vld.idx.msk [tilespmem:v4+s3+$0x0], $0xffff  }
0x4a: {  	s2 =	sshll.u32 s5, $0xB;
	v5 =	vld.idx.msk [tilespmem:v5+s3+$0x0], $0xffff  }
0x4b: {  	s9 =	sand.u32 $0x1800, s2;
	v6 =	vld.idx.msk [tilespmem:v6+s3+$0x0], $0xffff  }
0x4c: {  	s10 =	sadd.s32 $0x1AF00, s9;
	v7 =	vld.idx.msk [tilespmem:v7+s3+$0x0], $0xffff  }
0x4d: {  	s11 =	sadd.s32 $0x1CF00, s9;
	s4 =	sadd.s32 $0x0, s10;
	v8 =	vld.idx.msk [tilespmem:v8+s3+$0x0], $0xffff;
	v9 =	vand.u32 $0xFFFF0000, v1  }
0x4e: {  	s18 =	sadd.s32 $0x0, s11;
	v1 =	vshll.u32 v1, $0x10;
	[tilespmem:s4+$0x70] =	vst.add.f32.msk $0xffff, v9  }
0x4f: {  	[tilespmem:s18+$0x70] =	vst.add.f32.msk $0xffff, v1;
	v1 =	vand.u32 $0xFFFF0000, v2  }
0x50: {  	v2 =	vshll.u32 v2, $0x10;
	[tilespmem:s4+$0x0] =	vst.add.f32.msk $0xffff, v1  }
0x51: {  	v1 =	vand.u32 $0xFFFF0000, v3;
	[tilespmem:s18+$0x0] =	vst.add.f32.msk $0xffff, v2  }
0x52: {  	v2 =	vshll.u32 v3, $0x10;
	[tilespmem:s4+$0x10] =	vst.add.f32.msk $0xffff, v1  }
0x53: {  	v1 =	vand.u32 $0xFFFF0000, v4;
	[tilespmem:s18+$0x10] =	vst.add.f32.msk $0xffff, v2  }
0x54: {  	v3 =	vand.u32 $0xFFFF0000, v8;
	[tilespmem:s4+$0x20] =	vst.add.f32.msk $0xffff, v1  }
0x55: {  	v2 =	vshll.u32 v4, $0x10;
	[tilespmem:s4+$0x60] =	vst.add.f32.msk $0xffff, v3  }
0x56: {  	v1 =	vand.u32 $0xFFFF0000, v5;
	[tilespmem:s18+$0x20] =	vst.add.f32.msk $0xffff, v2  }
0x57: {  	v2 =	vshll.u32 v5, $0x10;
	[tilespmem:s4+$0x30] =	vst.add.f32.msk $0xffff, v1  }
0x58: {  	v1 =	vand.u32 $0xFFFF0000, v6;
	[tilespmem:s18+$0x30] =	vst.add.f32.msk $0xffff, v2  }
0x59: {  	s12 =	sshll.u32 s7, $0xB;
	s15 =	sshll.u32 s6, $0xB;
	s21 =	sshll.u32 s8, $0xB;
	v2 =	vshll.u32 v6, $0x10;
	[tilespmem:s4+$0x40] =	vst.add.f32.msk $0xffff, v1  }
0x5a: {  	s12 =	sand.u32 $0x1800, s12;
	s17 =	sand.u32 $0x1800, s15;
	s15 =	sand.u32 $0x1800, s21;
	v1 =	vand.u32 $0xFFFF0000, v7;
	[tilespmem:s18+$0x40] =	vst.add.f32.msk $0xffff, v2  }
0x5b: {  	s13 =	sadd.s32 $0x1CF00, s12;
	s14 =	sadd.s32 $0x1AF00, s12;
	s16 =	sadd.s32 $0x1CF00, s17;
	v2 =	vshll.u32 v7, $0x10;
	[tilespmem:s4+$0x50] =	vst.add.f32.msk $0xffff, v1  }
0x5c: {  	s17 =	sadd.s32 $0x1AF00, s17;
	s12 =	simm.s32 $0x0;
	s9 =	simm.s32 $0x200;
	v1 =	vshll.u32 v8, $0x10;
	[tilespmem:s18+$0x50] =	vst.add.f32.msk $0xffff, v2  }
.LBB2_5:
0x5d: {  	s21 =	sshra.s32 s9, $0x2;
	[tilespmem:s18+$0x60] =	vst.add.f32.msk $0xffff, v1  }
0x5e: {  	s12 =	sadd.s32 $0x8, s12;
	v1 =	vld [tilespmem:s21+$0x18770]  }
0x5f: {  	p0 =	slt.u32 s12, $0x78;
	v2 =	vld [tilespmem:s21+$0x18700]  }
0x60: {  	v3 =	vld [tilespmem:s21+$0x18710]  }
0x61: {  	v4 =	vld [tilespmem:s21+$0x18720]  }
0x62: {  	v5 =	vld [tilespmem:s21+$0x18730]  }
0x63: {  	v6 =	vld [tilespmem:s21+$0x18740]  }
0x64: {  	v7 =	vld [tilespmem:s21+$0x18750]  }
0x65: {  	v8 =	vld [tilespmem:s21+$0x18760]  }
0x66: {  	v1 =	vld.idx.msk [tilespmem:v1+s3+$0x0], $0xffff  }
0x67: {  	v2 =	vld.idx.msk [tilespmem:v2+s3+$0x0], $0xffff  }
0x68: {  	v3 =	vld.idx.msk [tilespmem:v3+s3+$0x0], $0xffff  }
0x69: {  	v4 =	vld.idx.msk [tilespmem:v4+s3+$0x0], $0xffff  }
0x6a: {  	v5 =	vld.idx.msk [tilespmem:v5+s3+$0x0], $0xffff  }
0x6b: {  	v6 =	vld.idx.msk [tilespmem:v6+s3+$0x0], $0xffff  }
0x6c: {  	s2 =	sadd.s32 s21, s10;
	v9 =	vand.u32 $0xFFFF0000, v1;
	v7 =	vld.idx.msk [tilespmem:v7+s3+$0x0], $0xffff  }
0x6d: {  	s18 =	sadd.s32 s21, s11;
	v1 =	vshll.u32 v1, $0x10;
	v10 =	vand.u32 $0xFFFF0000, v2;
	v2 =	vshll.u32 v2, $0x10;
	[tilespmem:s2+$0x70] =	vst.add.f32.msk $0xffff, v9  }
0x6e: {  	v9 =	vand.u32 $0xFFFF0000, v3;
	v3 =	vshll.u32 v3, $0x10;
	[tilespmem:s18+$0x70] =	vst.add.f32.msk $0xffff, v1  }
0x6f: {  	v1 =	vand.u32 $0xFFFF0000, v4;
	v4 =	vshll.u32 v4, $0x10;
	v8 =	vld.idx.msk [tilespmem:v8+s3+$0x0], $0xffff  }
0x70: {  	[tilespmem:s2+$0x0] =	vst.add.f32.msk $0xffff, v10;
	v10 =	vand.u32 $0xFFFF0000, v5;
	v5 =	vshll.u32 v5, $0x10  }
0x71: {  	[tilespmem:s18+$0x0] =	vst.add.f32.msk $0xffff, v2;
	v2 =	vand.u32 $0xFFFF0000, v6;
	v6 =	vshll.u32 v6, $0x10  }
0x72: {  	[tilespmem:s2+$0x10] =	vst.add.f32.msk $0xffff, v9;
	v9 =	vand.u32 $0xFFFF0000, v7;
	v7 =	vshll.u32 v7, $0x10  }
0x73: {  	[tilespmem:s18+$0x10] =	vst.add.f32.msk $0xffff, v3  }
0x74: {  	[tilespmem:s2+$0x20] =	vst.add.f32.msk $0xffff, v1  }
0x75: {  	v3 =	vand.u32 $0xFFFF0000, v8;
	v1 =	vshll.u32 v8, $0x10;
	[tilespmem:s18+$0x20] =	vst.add.f32.msk $0xffff, v4  }
0x76: {  	[tilespmem:s2+$0x30] =	vst.add.f32.msk $0xffff, v10  }
0x77: {  	[tilespmem:s18+$0x30] =	vst.add.f32.msk $0xffff, v5  }
.Ltmp1:
0x78: {  	[tilespmem:s2+$0x40] =	vst.add.f32.msk $0xffff, v2;
	(pc) =	sbr.rel @p0 .LBB2_5-.Ltmp1, $4  }
0x79: {  	[tilespmem:s18+$0x40] =	vst.add.f32.msk $0xffff, v6  }
0x7a: {  	[tilespmem:s2+$0x50] =	vst.add.f32.msk $0xffff, v9  }
0x7b: {  	[tilespmem:s18+$0x50] =	vst.add.f32.msk $0xffff, v7  }
0x7c: {  	s9 =	sadd.s32 $0x200, s9;
	[tilespmem:s2+$0x60] =	vst.add.f32.msk $0xffff, v3  }
0x7d: {  	s12 =	smul.u32 $0x5, s8;
	_ =	sdelay $0x1  }
0x7e: {  	s2 =	sadd.s32 $0x5, s12  }
0x7f: {  	s9 =	sshll.u32 s2, $0xC;
	s21 =	sshll.u32 s2, $0xE  }
0x80: {  	s2 =	sshll.u32 s2, $0x5;
	s9 =	sand.u32 $0xE0000, s9;
	s21 =	sand.u32 $0xC000, s21  }
0x81: {  	s2 =	sand.u32 $0x380, s2;
	s9 =	sor.u32 s9, s21  }
0x82: {  	s2 =	sor.u32 s2, s9  }
0x83: {  	s2 =	sshrl.u32 s2, $0x3  }
0x84: {  	[tilespmem:s18+$0x60] =	vst.add.f32.msk $0xffff, v1;
	s2 =	sadd.s32 s1, s2  }
0x85: {  	[tilespmem:s22], [sflag:$0x2] =	stream.strided.gather [hbm4b:s2+s19], $0x800, s20, s19, $0x38;
	[tilespmem:$0x1EF00] =	vst v63  }
0x86: {  	_ =	swait.ge [sflag:s29], $0x800  }
0x87: {  	[sflag:s29] =	ssyncset.done $0x0  }
0x88: {  	s18 =	simm.s32 $0x0;
	[sflag:s29] =	ssyncadd.s32 $0xFFFFF800  }
0x89: {  	v1 =	vld [tilespmem:s18+$0x18F70]  }
0x8a: {  	v2 =	vld [tilespmem:s18+$0x18F00]  }
0x8b: {  	v3 =	vld [tilespmem:s18+$0x18F10]  }
0x8c: {  	v4 =	vld [tilespmem:s18+$0x18F20]  }
0x8d: {  	v5 =	vld [tilespmem:s18+$0x18F30]  }
0x8e: {  	v6 =	vld [tilespmem:s18+$0x18F40]  }
0x8f: {  	v7 =	vld [tilespmem:s18+$0x18F50]  }
0x90: {  	v8 =	vld [tilespmem:s18+$0x18F60]  }
0x91: {  	v1 =	vld.idx.msk [tilespmem:v1+s3+$0x0], $0xffff  }
0x92: {  	v2 =	vld.idx.msk [tilespmem:v2+s3+$0x0], $0xffff  }
0x93: {  	v3 =	vld.idx.msk [tilespmem:v3+s3+$0x0], $0xffff  }
0x94: {  	v4 =	vld.idx.msk [tilespmem:v4+s3+$0x0], $0xffff  }
0x95: {  	v5 =	vld.idx.msk [tilespmem:v5+s3+$0x0], $0xffff  }
0x96: {  	v6 =	vld.idx.msk [tilespmem:v6+s3+$0x0], $0xffff  }
0x97: {  	v7 =	vld.idx.msk [tilespmem:v7+s3+$0x0], $0xffff  }
0x98: {  	s21 =	sadd.s32 $0x0, s17;
	v8 =	vld.idx.msk [tilespmem:v8+s3+$0x0], $0xffff;
	v9 =	vand.u32 $0xFFFF0000, v1  }
0x99: {  	s18 =	sadd.s32 $0x0, s16;
	v1 =	vshll.u32 v1, $0x10;
	[tilespmem:s21+$0x70] =	vst.add.f32.msk $0xffff, v9  }
0x9a: {  	[tilespmem:s18+$0x70] =	vst.add.f32.msk $0xffff, v1;
	v1 =	vand.u32 $0xFFFF0000, v2  }
0x9b: {  	v2 =	vshll.u32 v2, $0x10;
	[tilespmem:s21+$0x0] =	vst.add.f32.msk $0xffff, v1  }
0x9c: {  	v1 =	vand.u32 $0xFFFF0000, v3;
	[tilespmem:s18+$0x0] =	vst.add.f32.msk $0xffff, v2  }
0x9d: {  	v2 =	vshll.u32 v3, $0x10;
	[tilespmem:s21+$0x10] =	vst.add.f32.msk $0xffff, v1  }
0x9e: {  	v1 =	vand.u32 $0xFFFF0000, v4;
	[tilespmem:s18+$0x10] =	vst.add.f32.msk $0xffff, v2  }
0x9f: {  	v3 =	vand.u32 $0xFFFF0000, v8;
	[tilespmem:s21+$0x20] =	vst.add.f32.msk $0xffff, v1  }
0xa0: {  	v2 =	vshll.u32 v4, $0x10;
	[tilespmem:s21+$0x60] =	vst.add.f32.msk $0xffff, v3  }
0xa1: {  	v1 =	vand.u32 $0xFFFF0000, v5;
	[tilespmem:s18+$0x20] =	vst.add.f32.msk $0xffff, v2  }
0xa2: {  	v2 =	vshll.u32 v5, $0x10;
	[tilespmem:s21+$0x30] =	vst.add.f32.msk $0xffff, v1  }
0xa3: {  	v1 =	vand.u32 $0xFFFF0000, v6;
	[tilespmem:s18+$0x30] =	vst.add.f32.msk $0xffff, v2  }
0xa4: {  	v2 =	vshll.u32 v6, $0x10;
	[tilespmem:s21+$0x40] =	vst.add.f32.msk $0xffff, v1  }
0xa5: {  	v1 =	vand.u32 $0xFFFF0000, v7;
	[tilespmem:s18+$0x40] =	vst.add.f32.msk $0xffff, v2  }
0xa6: {  	v2 =	vshll.u32 v7, $0x10;
	[tilespmem:s21+$0x50] =	vst.add.f32.msk $0xffff, v1  }
0xa7: {  	s9 =	simm.s32 $0x0;
	v1 =	vshll.u32 v8, $0x10;
	s21 =	simm.s32 $0x200;
	[tilespmem:s18+$0x50] =	vst.add.f32.msk $0xffff, v2  }
.LBB2_7:
0xa8: {  	s2 =	sshra.s32 s21, $0x2;
	[tilespmem:s18+$0x60] =	vst.add.f32.msk $0xffff, v1  }
0xa9: {  	s9 =	sadd.s32 $0x8, s9;
	v1 =	vld [tilespmem:s2+$0x18F70]  }
0xaa: {  	p0 =	slt.u32 s9, $0x78;
	v2 =	vld [tilespmem:s2+$0x18F00]  }
0xab: {  	v3 =	vld [tilespmem:s2+$0x18F10]  }
0xac: {  	v4 =	vld [tilespmem:s2+$0x18F20]  }
0xad: {  	v5 =	vld [tilespmem:s2+$0x18F30]  }
0xae: {  	v6 =	vld [tilespmem:s2+$0x18F40]  }
0xaf: {  	v7 =	vld [tilespmem:s2+$0x18F50]  }
0xb0: {  	v8 =	vld [tilespmem:s2+$0x18F60]  }
0xb1: {  	v1 =	vld.idx.msk [tilespmem:v1+s3+$0x0], $0xffff  }
0xb2: {  	v2 =	vld.idx.msk [tilespmem:v2+s3+$0x0], $0xffff  }
0xb3: {  	v3 =	vld.idx.msk [tilespmem:v3+s3+$0x0], $0xffff  }
0xb4: {  	v4 =	vld.idx.msk [tilespmem:v4+s3+$0x0], $0xffff  }
0xb5: {  	v5 =	vld.idx.msk [tilespmem:v5+s3+$0x0], $0xffff  }
0xb6: {  	v6 =	vld.idx.msk [tilespmem:v6+s3+$0x0], $0xffff  }
0xb7: {  	s4 =	sadd.s32 s2, s17;
	v9 =	vand.u32 $0xFFFF0000, v1;
	v7 =	vld.idx.msk [tilespmem:v7+s3+$0x0], $0xffff  }
0xb8: {  	s18 =	sadd.s32 s2, s16;
	v1 =	vshll.u32 v1, $0x10;
	v10 =	vand.u32 $0xFFFF0000, v2;
	v2 =	vshll.u32 v2, $0x10;
	[tilespmem:s4+$0x70] =	vst.add.f32.msk $0xffff, v9  }
0xb9: {  	v9 =	vand.u32 $0xFFFF0000, v3;
	v3 =	vshll.u32 v3, $0x10;
	[tilespmem:s18+$0x70] =	vst.add.f32.msk $0xffff, v1  }
0xba: {  	v1 =	vand.u32 $0xFFFF0000, v4;
	v4 =	vshll.u32 v4, $0x10;
	v8 =	vld.idx.msk [tilespmem:v8+s3+$0x0], $0xffff  }
0xbb: {  	[tilespmem:s4+$0x0] =	vst.add.f32.msk $0xffff, v10;
	v10 =	vand.u32 $0xFFFF0000, v5;
	v5 =	vshll.u32 v5, $0x10  }
0xbc: {  	[tilespmem:s18+$0x0] =	vst.add.f32.msk $0xffff, v2;
	v2 =	vand.u32 $0xFFFF0000, v6;
	v6 =	vshll.u32 v6, $0x10  }
0xbd: {  	[tilespmem:s4+$0x10] =	vst.add.f32.msk $0xffff, v9;
	v9 =	vand.u32 $0xFFFF0000, v7;
	v7 =	vshll.u32 v7, $0x10  }
0xbe: {  	[tilespmem:s18+$0x10] =	vst.add.f32.msk $0xffff, v3  }
0xbf: {  	[tilespmem:s4+$0x20] =	vst.add.f32.msk $0xffff, v1  }
0xc0: {  	v3 =	vand.u32 $0xFFFF0000, v8;
	v1 =	vshll.u32 v8, $0x10;
	[tilespmem:s18+$0x20] =	vst.add.f32.msk $0xffff, v4  }
0xc1: {  	[tilespmem:s4+$0x30] =	vst.add.f32.msk $0xffff, v10  }
0xc2: {  	[tilespmem:s18+$0x30] =	vst.add.f32.msk $0xffff, v5  }
.Ltmp2:
0xc3: {  	[tilespmem:s4+$0x40] =	vst.add.f32.msk $0xffff, v2;
	(pc) =	sbr.rel @p0 .LBB2_7-.Ltmp2, $4  }
0xc4: {  	[tilespmem:s18+$0x40] =	vst.add.f32.msk $0xffff, v6  }
0xc5: {  	[tilespmem:s4+$0x50] =	vst.add.f32.msk $0xffff, v9  }
0xc6: {  	[tilespmem:s18+$0x50] =	vst.add.f32.msk $0xffff, v7  }
0xc7: {  	s21 =	sadd.s32 $0x200, s21;
	[tilespmem:s4+$0x60] =	vst.add.f32.msk $0xffff, v3  }
0xc8: {  	s2 =	sadd.s32 $0x6, s12  }
0xc9: {  	s4 =	sshll.u32 s2, $0xC;
	s9 =	sshll.u32 s2, $0xE  }
0xca: {  	s2 =	sshll.u32 s2, $0x5;
	s4 =	sand.u32 $0xE0000, s4;
	s9 =	sand.u32 $0xC000, s9  }
0xcb: {  	s2 =	sand.u32 $0x380, s2;
	s4 =	sor.u32 s4, s9  }
0xcc: {  	s2 =	sor.u32 s2, s4  }
0xcd: {  	s2 =	sshrl.u32 s2, $0x3  }
0xce: {  	[tilespmem:s18+$0x60] =	vst.add.f32.msk $0xffff, v1;
	s2 =	sadd.s32 s1, s2  }
0xcf: {  	[tilespmem:s23], [sflag:$0x3] =	stream.strided.gather [hbm4b:s2+s19], $0x800, s20, s19, $0x38;
	[tilespmem:$0x1EF00] =	vst v63  }
0xd0: {  	_ =	swait.ge [sflag:s30], $0x800  }
0xd1: {  	[sflag:s30] =	ssyncset.done $0x0  }
0xd2: {  	s17 =	simm.s32 $0x0;
	[sflag:s30] =	ssyncadd.s32 $0xFFFFF800  }
0xd3: {  	v1 =	vld [tilespmem:s17+$0x19770]  }
0xd4: {  	v2 =	vld [tilespmem:s17+$0x19700]  }
0xd5: {  	v3 =	vld [tilespmem:s17+$0x19710]  }
0xd6: {  	v4 =	vld [tilespmem:s17+$0x19720]  }
0xd7: {  	v5 =	vld [tilespmem:s17+$0x19730]  }
0xd8: {  	v6 =	vld [tilespmem:s17+$0x19740]  }
0xd9: {  	v7 =	vld [tilespmem:s17+$0x19750]  }
0xda: {  	v8 =	vld [tilespmem:s17+$0x19760]  }
0xdb: {  	v1 =	vld.idx.msk [tilespmem:v1+s3+$0x0], $0xffff  }
0xdc: {  	v2 =	vld.idx.msk [tilespmem:v2+s3+$0x0], $0xffff  }
0xdd: {  	v3 =	vld.idx.msk [tilespmem:v3+s3+$0x0], $0xffff  }
0xde: {  	v4 =	vld.idx.msk [tilespmem:v4+s3+$0x0], $0xffff  }
0xdf: {  	v5 =	vld.idx.msk [tilespmem:v5+s3+$0x0], $0xffff  }
0xe0: {  	s18 =	sxor.u32 $0x1000, s15;
	v6 =	vld.idx.msk [tilespmem:v6+s3+$0x0], $0xffff  }
0xe1: {  	s15 =	sadd.s32 $0x1AF00, s18;
	v7 =	vld.idx.msk [tilespmem:v7+s3+$0x0], $0xffff  }
0xe2: {  	s16 =	sadd.s32 $0x1CF00, s18;
	s21 =	sadd.s32 $0x0, s15;
	v8 =	vld.idx.msk [tilespmem:v8+s3+$0x0], $0xffff;
	v9 =	vand.u32 $0xFFFF0000, v1  }
0xe3: {  	s17 =	sadd.s32 $0x0, s16;
	v1 =	vshll.u32 v1, $0x10;
	[tilespmem:s21+$0x70] =	vst.add.f32.msk $0xffff, v9  }
0xe4: {  	[tilespmem:s17+$0x70] =	vst.add.f32.msk $0xffff, v1;
	v1 =	vand.u32 $0xFFFF0000, v2  }
0xe5: {  	v2 =	vshll.u32 v2, $0x10;
	[tilespmem:s21+$0x0] =	vst.add.f32.msk $0xffff, v1  }
0xe6: {  	v1 =	vand.u32 $0xFFFF0000, v3;
	[tilespmem:s17+$0x0] =	vst.add.f32.msk $0xffff, v2  }
0xe7: {  	v2 =	vshll.u32 v3, $0x10;
	[tilespmem:s21+$0x10] =	vst.add.f32.msk $0xffff, v1  }
0xe8: {  	v1 =	vand.u32 $0xFFFF0000, v4;
	[tilespmem:s17+$0x10] =	vst.add.f32.msk $0xffff, v2  }
0xe9: {  	v3 =	vand.u32 $0xFFFF0000, v8;
	[tilespmem:s21+$0x20] =	vst.add.f32.msk $0xffff, v1  }
0xea: {  	v2 =	vshll.u32 v4, $0x10;
	[tilespmem:s21+$0x60] =	vst.add.f32.msk $0xffff, v3  }
0xeb: {  	v1 =	vand.u32 $0xFFFF0000, v5;
	[tilespmem:s17+$0x20] =	vst.add.f32.msk $0xffff, v2  }
0xec: {  	v2 =	vshll.u32 v5, $0x10;
	[tilespmem:s21+$0x30] =	vst.add.f32.msk $0xffff, v1  }
0xed: {  	v1 =	vand.u32 $0xFFFF0000, v6;
	[tilespmem:s17+$0x30] =	vst.add.f32.msk $0xffff, v2  }
0xee: {  	v2 =	vshll.u32 v6, $0x10;
	[tilespmem:s21+$0x40] =	vst.add.f32.msk $0xffff, v1  }
0xef: {  	v1 =	vand.u32 $0xFFFF0000, v7;
	[tilespmem:s17+$0x40] =	vst.add.f32.msk $0xffff, v2  }
0xf0: {  	v2 =	vshll.u32 v7, $0x10;
	[tilespmem:s21+$0x50] =	vst.add.f32.msk $0xffff, v1  }
0xf1: {  	s18 =	simm.s32 $0x200;
	s9 =	simm.s32 $0x0;
	v1 =	vshll.u32 v8, $0x10;
	[tilespmem:s17+$0x50] =	vst.add.f32.msk $0xffff, v2  }
.LBB2_9:
0xf2: {  	s2 =	sshra.s32 s18, $0x2;
	[tilespmem:s17+$0x60] =	vst.add.f32.msk $0xffff, v1  }
0xf3: {  	s9 =	sadd.s32 $0x8, s9;
	v1 =	vld [tilespmem:s2+$0x19770]  }
0xf4: {  	p0 =	slt.u32 s9, $0x78;
	v2 =	vld [tilespmem:s2+$0x19700]  }
0xf5: {  	v3 =	vld [tilespmem:s2+$0x19710]  }
0xf6: {  	v4 =	vld [tilespmem:s2+$0x19720]  }
0xf7: {  	v5 =	vld [tilespmem:s2+$0x19730]  }
0xf8: {  	v6 =	vld [tilespmem:s2+$0x19740]  }
0xf9: {  	v7 =	vld [tilespmem:s2+$0x19750]  }
0xfa: {  	v8 =	vld [tilespmem:s2+$0x19760]  }
0xfb: {  	v1 =	vld.idx.msk [tilespmem:v1+s3+$0x0], $0xffff  }
0xfc: {  	v2 =	vld.idx.msk [tilespmem:v2+s3+$0x0], $0xffff  }
0xfd: {  	v3 =	vld.idx.msk [tilespmem:v3+s3+$0x0], $0xffff  }
0xfe: {  	v4 =	vld.idx.msk [tilespmem:v4+s3+$0x0], $0xffff  }
0xff: {  	v5 =	vld.idx.msk [tilespmem:v5+s3+$0x0], $0xffff  }
0x100: {  	v6 =	vld.idx.msk [tilespmem:v6+s3+$0x0], $0xffff  }
0x101: {  	s4 =	sadd.s32 s2, s15;
	v9 =	vand.u32 $0xFFFF0000, v1;
	v7 =	vld.idx.msk [tilespmem:v7+s3+$0x0], $0xffff  }
0x102: {  	s17 =	sadd.s32 s2, s16;
	v1 =	vshll.u32 v1, $0x10;
	v10 =	vand.u32 $0xFFFF0000, v2;
	v2 =	vshll.u32 v2, $0x10;
	[tilespmem:s4+$0x70] =	vst.add.f32.msk $0xffff, v9  }
0x103: {  	v9 =	vand.u32 $0xFFFF0000, v3;
	v3 =	vshll.u32 v3, $0x10;
	[tilespmem:s17+$0x70] =	vst.add.f32.msk $0xffff, v1  }
0x104: {  	v1 =	vand.u32 $0xFFFF0000, v4;
	v4 =	vshll.u32 v4, $0x10;
	v8 =	vld.idx.msk [tilespmem:v8+s3+$0x0], $0xffff  }
0x105: {  	[tilespmem:s4+$0x0] =	vst.add.f32.msk $0xffff, v10;
	v10 =	vand.u32 $0xFFFF0000, v5;
	v5 =	vshll.u32 v5, $0x10  }
0x106: {  	[tilespmem:s17+$0x0] =	vst.add.f32.msk $0xffff, v2;
	v2 =	vand.u32 $0xFFFF0000, v6;
	v6 =	vshll.u32 v6, $0x10  }
0x107: {  	[tilespmem:s4+$0x10] =	vst.add.f32.msk $0xffff, v9;
	v9 =	vand.u32 $0xFFFF0000, v7;
	v7 =	vshll.u32 v7, $0x10  }
0x108: {  	[tilespmem:s17+$0x10] =	vst.add.f32.msk $0xffff, v3  }
0x109: {  	[tilespmem:s4+$0x20] =	vst.add.f32.msk $0xffff, v1  }
0x10a: {  	v3 =	vand.u32 $0xFFFF0000, v8;
	v1 =	vshll.u32 v8, $0x10;
	[tilespmem:s17+$0x20] =	vst.add.f32.msk $0xffff, v4  }
0x10b: {  	[tilespmem:s4+$0x30] =	vst.add.f32.msk $0xffff, v10  }
0x10c: {  	[tilespmem:s17+$0x30] =	vst.add.f32.msk $0xffff, v5  }
.Ltmp3:
0x10d: {  	[tilespmem:s4+$0x40] =	vst.add.f32.msk $0xffff, v2;
	(pc) =	sbr.rel @p0 .LBB2_9-.Ltmp3, $4  }
0x10e: {  	[tilespmem:s17+$0x40] =	vst.add.f32.msk $0xffff, v6  }
0x10f: {  	[tilespmem:s4+$0x50] =	vst.add.f32.msk $0xffff, v9  }
0x110: {  	[tilespmem:s17+$0x50] =	vst.add.f32.msk $0xffff, v7  }
0x111: {  	s18 =	sadd.s32 $0x200, s18;
	[tilespmem:s4+$0x60] =	vst.add.f32.msk $0xffff, v3  }
0x112: {  	s2 =	sadd.s32 $0x7, s12  }
0x113: {  	s4 =	sshll.u32 s2, $0xC;
	s9 =	sshll.u32 s2, $0xE  }
0x114: {  	s2 =	sshll.u32 s2, $0x5;
	s4 =	sand.u32 $0xE0000, s4;
	s9 =	sand.u32 $0xC000, s9  }
0x115: {  	s2 =	sand.u32 $0x380, s2;
	s4 =	sor.u32 s4, s9  }
0x116: {  	s2 =	sor.u32 s2, s4  }
0x117: {  	s2 =	sshrl.u32 s2, $0x3  }
0x118: {  	[tilespmem:s17+$0x60] =	vst.add.f32.msk $0xffff, v1;
	s2 =	sadd.s32 s1, s2  }
0x119: {  	[tilespmem:s24], [sflag:$0x4] =	stream.strided.gather [hbm4b:s2+s19], $0x800, s20, s19, $0x38;
	[tilespmem:$0x1EF00] =	vst v63  }
0x11a: {  	_ =	swait.ge [sflag:s31], $0x800  }
0x11b: {  	[sflag:s31] =	ssyncset.done $0x0  }
0x11c: {  	s18 =	simm.s32 $0x0;
	[sflag:s31] =	ssyncadd.s32 $0xFFFFF800  }
0x11d: {  	v1 =	vld [tilespmem:s18+$0x19F70]  }
0x11e: {  	v2 =	vld [tilespmem:s18+$0x19F00]  }
0x11f: {  	v3 =	vld [tilespmem:s18+$0x19F10]  }
0x120: {  	v4 =	vld [tilespmem:s18+$0x19F20]  }
0x121: {  	v5 =	vld [tilespmem:s18+$0x19F30]  }
0x122: {  	v6 =	vld [tilespmem:s18+$0x19F40]  }
0x123: {  	v7 =	vld [tilespmem:s18+$0x19F50]  }
0x124: {  	v8 =	vld [tilespmem:s18+$0x19F60]  }
0x125: {  	v1 =	vld.idx.msk [tilespmem:v1+s3+$0x0], $0xffff  }
0x126: {  	v2 =	vld.idx.msk [tilespmem:v2+s3+$0x0], $0xffff  }
0x127: {  	v3 =	vld.idx.msk [tilespmem:v3+s3+$0x0], $0xffff  }
0x128: {  	v4 =	vld.idx.msk [tilespmem:v4+s3+$0x0], $0xffff  }
0x129: {  	v5 =	vld.idx.msk [tilespmem:v5+s3+$0x0], $0xffff  }
0x12a: {  	v6 =	vld.idx.msk [tilespmem:v6+s3+$0x0], $0xffff  }
0x12b: {  	v7 =	vld.idx.msk [tilespmem:v7+s3+$0x0], $0xffff  }
0x12c: {  	s21 =	sadd.s32 $0x0, s14;
	v8 =	vld.idx.msk [tilespmem:v8+s3+$0x0], $0xffff;
	v9 =	vand.u32 $0xFFFF0000, v1  }
0x12d: {  	s15 =	sadd.s32 $0x0, s13;
	v1 =	vshll.u32 v1, $0x10;
	[tilespmem:s21+$0x70] =	vst.add.f32.msk $0xffff, v9  }
0x12e: {  	[tilespmem:s15+$0x70] =	vst.add.f32.msk $0xffff, v1;
	v1 =	vand.u32 $0xFFFF0000, v2  }
0x12f: {  	v2 =	vshll.u32 v2, $0x10;
	[tilespmem:s21+$0x0] =	vst.add.f32.msk $0xffff, v1  }
0x130: {  	v1 =	vand.u32 $0xFFFF0000, v3;
	[tilespmem:s15+$0x0] =	vst.add.f32.msk $0xffff, v2  }
0x131: {  	v2 =	vshll.u32 v3, $0x10;
	[tilespmem:s21+$0x10] =	vst.add.f32.msk $0xffff, v1  }
0x132: {  	v1 =	vand.u32 $0xFFFF0000, v4;
	[tilespmem:s15+$0x10] =	vst.add.f32.msk $0xffff, v2  }
0x133: {  	v3 =	vand.u32 $0xFFFF0000, v8;
	[tilespmem:s21+$0x20] =	vst.add.f32.msk $0xffff, v1  }
0x134: {  	v2 =	vshll.u32 v4, $0x10;
	[tilespmem:s21+$0x60] =	vst.add.f32.msk $0xffff, v3  }
0x135: {  	v1 =	vand.u32 $0xFFFF0000, v5;
	[tilespmem:s15+$0x20] =	vst.add.f32.msk $0xffff, v2  }
0x136: {  	v2 =	vshll.u32 v5, $0x10;
	[tilespmem:s21+$0x30] =	vst.add.f32.msk $0xffff, v1  }
0x137: {  	v1 =	vand.u32 $0xFFFF0000, v6;
	[tilespmem:s15+$0x30] =	vst.add.f32.msk $0xffff, v2  }
0x138: {  	v2 =	vshll.u32 v6, $0x10;
	[tilespmem:s21+$0x40] =	vst.add.f32.msk $0xffff, v1  }
0x139: {  	v1 =	vand.u32 $0xFFFF0000, v7;
	[tilespmem:s15+$0x40] =	vst.add.f32.msk $0xffff, v2  }
0x13a: {  	v2 =	vshll.u32 v7, $0x10;
	[tilespmem:s21+$0x50] =	vst.add.f32.msk $0xffff, v1  }
0x13b: {  	s16 =	simm.s32 $0x200;
	s9 =	simm.s32 $0x0;
	v1 =	vshll.u32 v8, $0x10;
	[tilespmem:s15+$0x50] =	vst.add.f32.msk $0xffff, v2  }
.LBB2_11:
0x13c: {  	s2 =	sshra.s32 s16, $0x2;
	[tilespmem:s15+$0x60] =	vst.add.f32.msk $0xffff, v1  }
0x13d: {  	s9 =	sadd.s32 $0x8, s9;
	v1 =	vld [tilespmem:s2+$0x19F70]  }
0x13e: {  	p0 =	slt.u32 s9, $0x78;
	v2 =	vld [tilespmem:s2+$0x19F00]  }
0x13f: {  	v3 =	vld [tilespmem:s2+$0x19F10]  }
0x140: {  	v4 =	vld [tilespmem:s2+$0x19F20]  }
0x141: {  	v5 =	vld [tilespmem:s2+$0x19F30]  }
0x142: {  	v6 =	vld [tilespmem:s2+$0x19F40]  }
0x143: {  	v7 =	vld [tilespmem:s2+$0x19F50]  }
0x144: {  	v8 =	vld [tilespmem:s2+$0x19F60]  }
0x145: {  	v1 =	vld.idx.msk [tilespmem:v1+s3+$0x0], $0xffff  }
0x146: {  	v2 =	vld.idx.msk [tilespmem:v2+s3+$0x0], $0xffff  }
0x147: {  	v3 =	vld.idx.msk [tilespmem:v3+s3+$0x0], $0xffff  }
0x148: {  	v4 =	vld.idx.msk [tilespmem:v4+s3+$0x0], $0xffff  }
0x149: {  	v5 =	vld.idx.msk [tilespmem:v5+s3+$0x0], $0xffff  }
0x14a: {  	v6 =	vld.idx.msk [tilespmem:v6+s3+$0x0], $0xffff  }
0x14b: {  	s4 =	sadd.s32 s2, s14;
	v9 =	vand.u32 $0xFFFF0000, v1;
	v7 =	vld.idx.msk [tilespmem:v7+s3+$0x0], $0xffff  }
0x14c: {  	s15 =	sadd.s32 s2, s13;
	v1 =	vshll.u32 v1, $0x10;
	v10 =	vand.u32 $0xFFFF0000, v2;
	v2 =	vshll.u32 v2, $0x10;
	[tilespmem:s4+$0x70] =	vst.add.f32.msk $0xffff, v9  }
0x14d: {  	v9 =	vand.u32 $0xFFFF0000, v3;
	v3 =	vshll.u32 v3, $0x10;
	[tilespmem:s15+$0x70] =	vst.add.f32.msk $0xffff, v1  }
0x14e: {  	v1 =	vand.u32 $0xFFFF0000, v4;
	v4 =	vshll.u32 v4, $0x10;
	v8 =	vld.idx.msk [tilespmem:v8+s3+$0x0], $0xffff  }
0x14f: {  	[tilespmem:s4+$0x0] =	vst.add.f32.msk $0xffff, v10;
	v10 =	vand.u32 $0xFFFF0000, v5;
	v5 =	vshll.u32 v5, $0x10  }
0x150: {  	[tilespmem:s15+$0x0] =	vst.add.f32.msk $0xffff, v2;
	v2 =	vand.u32 $0xFFFF0000, v6;
	v6 =	vshll.u32 v6, $0x10  }
0x151: {  	[tilespmem:s4+$0x10] =	vst.add.f32.msk $0xffff, v9;
	v9 =	vand.u32 $0xFFFF0000, v7;
	v7 =	vshll.u32 v7, $0x10  }
0x152: {  	[tilespmem:s15+$0x10] =	vst.add.f32.msk $0xffff, v3  }
0x153: {  	[tilespmem:s4+$0x20] =	vst.add.f32.msk $0xffff, v1  }
0x154: {  	v3 =	vand.u32 $0xFFFF0000, v8;
	v1 =	vshll.u32 v8, $0x10;
	[tilespmem:s15+$0x20] =	vst.add.f32.msk $0xffff, v4  }
0x155: {  	[tilespmem:s4+$0x30] =	vst.add.f32.msk $0xffff, v10  }
0x156: {  	[tilespmem:s15+$0x30] =	vst.add.f32.msk $0xffff, v5  }
.Ltmp4:
0x157: {  	[tilespmem:s4+$0x40] =	vst.add.f32.msk $0xffff, v2;
	(pc) =	sbr.rel @p0 .LBB2_11-.Ltmp4, $4  }
0x158: {  	[tilespmem:s15+$0x40] =	vst.add.f32.msk $0xffff, v6  }
0x159: {  	[tilespmem:s4+$0x50] =	vst.add.f32.msk $0xffff, v9  }
0x15a: {  	[tilespmem:s15+$0x50] =	vst.add.f32.msk $0xffff, v7  }
0x15b: {  	s16 =	sadd.s32 $0x200, s16;
	[tilespmem:s4+$0x60] =	vst.add.f32.msk $0xffff, v3  }
0x15c: {  	s2 =	sadd.s32 $0x8, s12  }
0x15d: {  	s4 =	sshll.u32 s2, $0xC;
	s9 =	sshll.u32 s2, $0xE  }
0x15e: {  	s2 =	sshll.u32 s2, $0x5;
	s4 =	sand.u32 $0xE0000, s4;
	s9 =	sand.u32 $0xC000, s9  }
0x15f: {  	s2 =	sand.u32 $0x380, s2;
	s4 =	sor.u32 s4, s9  }
0x160: {  	s2 =	sor.u32 s2, s4  }
0x161: {  	s2 =	sshrl.u32 s2, $0x3  }
0x162: {  	[tilespmem:s15+$0x60] =	vst.add.f32.msk $0xffff, v1;
	s2 =	sadd.s32 s1, s2  }
0x163: {  	[tilespmem:s25], [sflag:$0x5] =	stream.strided.gather [hbm4b:s2+s19], $0x800, s20, s19, $0x38;
	[tilespmem:$0x1EF00] =	vst v63  }
0x164: {  	_ =	swait.ge [sflag:s0], $0x800  }
0x165: {  	[sflag:s0] =	ssyncset.done $0x0  }
0x166: {  	s18 =	simm.s32 $0x0;
	[sflag:s0] =	ssyncadd.s32 $0xFFFFF800  }
0x167: {  	v1 =	vld [tilespmem:s18+$0x1A770]  }
0x168: {  	v2 =	vld [tilespmem:s18+$0x1A700]  }
0x169: {  	v3 =	vld [tilespmem:s18+$0x1A710]  }
0x16a: {  	v4 =	vld [tilespmem:s18+$0x1A720]  }
0x16b: {  	v5 =	vld [tilespmem:s18+$0x1A730]  }
0x16c: {  	v6 =	vld [tilespmem:s18+$0x1A740]  }
0x16d: {  	v7 =	vld [tilespmem:s18+$0x1A750]  }
0x16e: {  	v8 =	vld [tilespmem:s18+$0x1A760]  }
0x16f: {  	v1 =	vld.idx.msk [tilespmem:v1+s3+$0x0], $0xffff  }
0x170: {  	v2 =	vld.idx.msk [tilespmem:v2+s3+$0x0], $0xffff  }
0x171: {  	v3 =	vld.idx.msk [tilespmem:v3+s3+$0x0], $0xffff  }
0x172: {  	v4 =	vld.idx.msk [tilespmem:v4+s3+$0x0], $0xffff  }
0x173: {  	v5 =	vld.idx.msk [tilespmem:v5+s3+$0x0], $0xffff  }
0x174: {  	v6 =	vld.idx.msk [tilespmem:v6+s3+$0x0], $0xffff  }
0x175: {  	v7 =	vld.idx.msk [tilespmem:v7+s3+$0x0], $0xffff  }
0x176: {  	s21 =	sadd.s32 $0x0, s10;
	v8 =	vld.idx.msk [tilespmem:v8+s3+$0x0], $0xffff;
	v9 =	vand.u32 $0xFFFF0000, v1  }
0x177: {  	s13 =	sadd.s32 $0x0, s11;
	v1 =	vshll.u32 v1, $0x10;
	[tilespmem:s21+$0x70] =	vst.add.f32.msk $0xffff, v9  }
0x178: {  	[tilespmem:s13+$0x70] =	vst.add.f32.msk $0xffff, v1;
	v1 =	vand.u32 $0xFFFF0000, v2  }
0x179: {  	v2 =	vshll.u32 v2, $0x10;
	[tilespmem:s21+$0x0] =	vst.add.f32.msk $0xffff, v1  }
0x17a: {  	v1 =	vand.u32 $0xFFFF0000, v3;
	[tilespmem:s13+$0x0] =	vst.add.f32.msk $0xffff, v2  }
0x17b: {  	v2 =	vshll.u32 v3, $0x10;
	[tilespmem:s21+$0x10] =	vst.add.f32.msk $0xffff, v1  }
0x17c: {  	v1 =	vand.u32 $0xFFFF0000, v4;
	[tilespmem:s13+$0x10] =	vst.add.f32.msk $0xffff, v2  }
0x17d: {  	v3 =	vand.u32 $0xFFFF0000, v8;
	[tilespmem:s21+$0x20] =	vst.add.f32.msk $0xffff, v1  }
0x17e: {  	v2 =	vshll.u32 v4, $0x10;
	[tilespmem:s21+$0x60] =	vst.add.f32.msk $0xffff, v3  }
0x17f: {  	v1 =	vand.u32 $0xFFFF0000, v5;
	[tilespmem:s13+$0x20] =	vst.add.f32.msk $0xffff, v2  }
0x180: {  	v2 =	vshll.u32 v5, $0x10;
	[tilespmem:s21+$0x30] =	vst.add.f32.msk $0xffff, v1  }
0x181: {  	v1 =	vand.u32 $0xFFFF0000, v6;
	[tilespmem:s13+$0x30] =	vst.add.f32.msk $0xffff, v2  }
0x182: {  	v2 =	vshll.u32 v6, $0x10;
	[tilespmem:s21+$0x40] =	vst.add.f32.msk $0xffff, v1  }
0x183: {  	v1 =	vand.u32 $0xFFFF0000, v7;
	[tilespmem:s13+$0x40] =	vst.add.f32.msk $0xffff, v2  }
0x184: {  	v2 =	vshll.u32 v7, $0x10;
	[tilespmem:s21+$0x50] =	vst.add.f32.msk $0xffff, v1  }
0x185: {  	s14 =	simm.s32 $0x200;
	s9 =	simm.s32 $0x0;
	v1 =	vshll.u32 v8, $0x10;
	[tilespmem:s13+$0x50] =	vst.add.f32.msk $0xffff, v2  }
.LBB2_13:
0x186: {  	s2 =	sshra.s32 s14, $0x2;
	[tilespmem:s13+$0x60] =	vst.add.f32.msk $0xffff, v1  }
0x187: {  	s9 =	sadd.s32 $0x8, s9;
	v1 =	vld [tilespmem:s2+$0x1A770]  }
0x188: {  	p0 =	slt.u32 s9, $0x78;
	v2 =	vld [tilespmem:s2+$0x1A700]  }
0x189: {  	v3 =	vld [tilespmem:s2+$0x1A710]  }
0x18a: {  	v4 =	vld [tilespmem:s2+$0x1A720]  }
0x18b: {  	v5 =	vld [tilespmem:s2+$0x1A730]  }
0x18c: {  	v6 =	vld [tilespmem:s2+$0x1A740]  }
0x18d: {  	v7 =	vld [tilespmem:s2+$0x1A750]  }
0x18e: {  	v8 =	vld [tilespmem:s2+$0x1A760]  }
0x18f: {  	v1 =	vld.idx.msk [tilespmem:v1+s3+$0x0], $0xffff  }
0x190: {  	v2 =	vld.idx.msk [tilespmem:v2+s3+$0x0], $0xffff  }
0x191: {  	v3 =	vld.idx.msk [tilespmem:v3+s3+$0x0], $0xffff  }
0x192: {  	v4 =	vld.idx.msk [tilespmem:v4+s3+$0x0], $0xffff  }
0x193: {  	v5 =	vld.idx.msk [tilespmem:v5+s3+$0x0], $0xffff  }
0x194: {  	v6 =	vld.idx.msk [tilespmem:v6+s3+$0x0], $0xffff  }
0x195: {  	s4 =	sadd.s32 s2, s10;
	v9 =	vand.u32 $0xFFFF0000, v1;
	v7 =	vld.idx.msk [tilespmem:v7+s3+$0x0], $0xffff  }
0x196: {  	s13 =	sadd.s32 s2, s11;
	v1 =	vshll.u32 v1, $0x10;
	v10 =	vand.u32 $0xFFFF0000, v2;
	v2 =	vshll.u32 v2, $0x10;
	[tilespmem:s4+$0x70] =	vst.add.f32.msk $0xffff, v9  }
0x197: {  	v9 =	vand.u32 $0xFFFF0000, v3;
	v3 =	vshll.u32 v3, $0x10;
	[tilespmem:s13+$0x70] =	vst.add.f32.msk $0xffff, v1  }
0x198: {  	v1 =	vand.u32 $0xFFFF0000, v4;
	v4 =	vshll.u32 v4, $0x10;
	v8 =	vld.idx.msk [tilespmem:v8+s3+$0x0], $0xffff  }
0x199: {  	[tilespmem:s4+$0x0] =	vst.add.f32.msk $0xffff, v10;
	v10 =	vand.u32 $0xFFFF0000, v5;
	v5 =	vshll.u32 v5, $0x10  }
0x19a: {  	[tilespmem:s13+$0x0] =	vst.add.f32.msk $0xffff, v2;
	v2 =	vand.u32 $0xFFFF0000, v6;
	v6 =	vshll.u32 v6, $0x10  }
0x19b: {  	[tilespmem:s4+$0x10] =	vst.add.f32.msk $0xffff, v9;
	v9 =	vand.u32 $0xFFFF0000, v7;
	v7 =	vshll.u32 v7, $0x10  }
0x19c: {  	[tilespmem:s13+$0x10] =	vst.add.f32.msk $0xffff, v3  }
0x19d: {  	[tilespmem:s4+$0x20] =	vst.add.f32.msk $0xffff, v1  }
0x19e: {  	v3 =	vand.u32 $0xFFFF0000, v8;
	v1 =	vshll.u32 v8, $0x10;
	[tilespmem:s13+$0x20] =	vst.add.f32.msk $0xffff, v4  }
0x19f: {  	[tilespmem:s4+$0x30] =	vst.add.f32.msk $0xffff, v10  }
0x1a0: {  	[tilespmem:s13+$0x30] =	vst.add.f32.msk $0xffff, v5  }
.Ltmp5:
0x1a1: {  	[tilespmem:s4+$0x40] =	vst.add.f32.msk $0xffff, v2;
	(pc) =	sbr.rel @p0 .LBB2_13-.Ltmp5, $4  }
0x1a2: {  	[tilespmem:s13+$0x40] =	vst.add.f32.msk $0xffff, v6  }
0x1a3: {  	[tilespmem:s4+$0x50] =	vst.add.f32.msk $0xffff, v9  }
0x1a4: {  	[tilespmem:s13+$0x50] =	vst.add.f32.msk $0xffff, v7  }
0x1a5: {  	s14 =	sadd.s32 $0x200, s14;
	[tilespmem:s4+$0x60] =	vst.add.f32.msk $0xffff, v3  }
0x1a6: {  	s2 =	sadd.s32 $0x9, s12;
	s8 =	sadd.s32 $0x1, s8  }
0x1a7: {  	s4 =	sshll.u32 s2, $0xC;
	s9 =	sshll.u32 s2, $0xE;
	s2 =	sshll.u32 s2, $0x5  }
0x1a8: {  	p0 =	sne.s32 s8, $0xF;
	s4 =	sand.u32 $0xE0000, s4;
	s9 =	sand.u32 $0xC000, s9  }
.Ltmp6:
0x1a9: {  	s2 =	sand.u32 $0x380, s2;
	s4 =	sor.u32 s4, s9;
	(pc) =	sbr.rel @p0 .LBB2_4-.Ltmp6, $4  }
0x1aa: {  	s2 =	sor.u32 s2, s4  }
0x1ab: {  	s5 =	sadd.s32 $0x1, s5;
	s2 =	sshrl.u32 s2, $0x3  }
0x1ac: {  	[tilespmem:s13+$0x60] =	vst.add.f32.msk $0xffff, v1;
	s6 =	sadd.s32 $0x1, s6;
	s7 =	sadd.s32 $0x1, s7;
	s2 =	sadd.s32 s1, s2  }
0x1ad: {  	[tilespmem:s26], [sflag:$0x6] =	stream.strided.gather [hbm4b:s2+s19], $0x800, s20, s19, $0x38;
	[tilespmem:$0x1EF00] =	vst v63  }
0x1ae: {  	_ =	swait.ge [sflag:s28], $0x800  }
0x1af: {  	[sflag:s28] =	ssyncset.done $0x0  }
0x1b0: {  	s5 =	simm.s32 $0x0;
	[sflag:s28] =	ssyncadd.s32 $0xFFFFF800  }
0x1b1: {  	v1 =	vld [tilespmem:s5+$0x18770]  }
0x1b2: {  	v2 =	vld [tilespmem:s5+$0x18700]  }
0x1b3: {  	v3 =	vld [tilespmem:s5+$0x18710]  }
0x1b4: {  	v4 =	vld [tilespmem:s5+$0x18720]  }
0x1b5: {  	v5 =	vld [tilespmem:s5+$0x18730]  }
0x1b6: {  	v6 =	vld [tilespmem:s5+$0x18740]  }
0x1b7: {  	v7 =	vld [tilespmem:s5+$0x18750]  }
0x1b8: {  	v8 =	vld [tilespmem:s5+$0x18760]  }
0x1b9: {  	v1 =	vld.idx.msk [tilespmem:v1+s3+$0x0], $0xffff  }
0x1ba: {  	v2 =	vld.idx.msk [tilespmem:v2+s3+$0x0], $0xffff  }
0x1bb: {  	v3 =	vld.idx.msk [tilespmem:v3+s3+$0x0], $0xffff  }
0x1bc: {  	v4 =	vld.idx.msk [tilespmem:v4+s3+$0x0], $0xffff  }
0x1bd: {  	v5 =	vld.idx.msk [tilespmem:v5+s3+$0x0], $0xffff  }
0x1be: {  	v6 =	vld.idx.msk [tilespmem:v6+s3+$0x0], $0xffff  }
0x1bf: {  	v7 =	vld.idx.msk [tilespmem:v7+s3+$0x0], $0xffff  }
0x1c0: {  	v8 =	vld.idx.msk [tilespmem:v8+s3+$0x0], $0xffff;
	v9 =	vshll.u32 v1, $0x10  }
0x1c1: {  	v62 =	vand.u32 $0xFFFF0000, v2;
	[tilespmem:s5+$0x1E770] =	vst.add.f32.msk $0xffff, v9  }
0x1c2: {  	v2 =	vshll.u32 v2, $0x10;
	[tilespmem:s5+$0x1C700] =	vst.add.f32.msk $0xffff, v62  }
0x1c3: {  	v63 =	vand.u32 $0xFFFF0000, v3;
	[tilespmem:s5+$0x1E700] =	vst.add.f32.msk $0xffff, v2  }
0x1c4: {  	v2 =	vshll.u32 v3, $0x10;
	[tilespmem:s5+$0x1C710] =	vst.add.f32.msk $0xffff, v63  }
0x1c5: {  	v3 =	vand.u32 $0xFFFF0000, v4;
	[tilespmem:s5+$0x1E710] =	vst.add.f32.msk $0xffff, v2  }
0x1c6: {  	v2 =	vshll.u32 v4, $0x10;
	[tilespmem:s5+$0x1C720] =	vst.add.f32.msk $0xffff, v3  }
0x1c7: {  	v3 =	vand.u32 $0xFFFF0000, v5;
	[tilespmem:s5+$0x1E720] =	vst.add.f32.msk $0xffff, v2  }
0x1c8: {  	v2 =	vshll.u32 v5, $0x10;
	[tilespmem:s5+$0x1C730] =	vst.add.f32.msk $0xffff, v3  }
0x1c9: {  	v3 =	vand.u32 $0xFFFF0000, v6;
	[tilespmem:s5+$0x1E730] =	vst.add.f32.msk $0xffff, v2  }
0x1ca: {  	v2 =	vshll.u32 v6, $0x10;
	[tilespmem:s5+$0x1C740] =	vst.add.f32.msk $0xffff, v3  }
0x1cb: {  	v3 =	vand.u32 $0xFFFF0000, v7;
	[tilespmem:s5+$0x1E740] =	vst.add.f32.msk $0xffff, v2  }
0x1cc: {  	v2 =	vshll.u32 v7, $0x10;
	[tilespmem:s5+$0x1C750] =	vst.add.f32.msk $0xffff, v3  }
0x1cd: {  	v3 =	vand.u32 $0xFFFF0000, v8;
	[tilespmem:s5+$0x1E750] =	vst.add.f32.msk $0xffff, v2  }
0x1ce: {  	v2 =	vshll.u32 v8, $0x10;
	[tilespmem:s5+$0x1C760] =	vst.add.f32.msk $0xffff, v3  }
0x1cf: {  	s6 =	simm.s32 $0x0;
	s7 =	simm.s32 $0x200;
	v1 =	vand.u32 $0xFFFF0000, v1;
	[tilespmem:s5+$0x1E760] =	vst.add.f32.msk $0xffff, v2  }
.LBB2_16:
0x1d0: {  	s6 =	sadd.s32 $0x8, s6;
	[tilespmem:s5+$0x1C770] =	vst.add.f32.msk $0xffff, v1;
	s5 =	sshra.s32 s7, $0x2  }
0x1d1: {  	v1 =	vld [tilespmem:s5+$0x18770];
	p0 =	slt.u32 s6, $0x78  }
0x1d2: {  	v2 =	vld [tilespmem:s5+$0x18700]  }
0x1d3: {  	v3 =	vld [tilespmem:s5+$0x18710]  }
0x1d4: {  	v4 =	vld [tilespmem:s5+$0x18720]  }
0x1d5: {  	v5 =	vld [tilespmem:s5+$0x18730]  }
0x1d6: {  	v6 =	vld [tilespmem:s5+$0x18740]  }
0x1d7: {  	v7 =	vld [tilespmem:s5+$0x18750]  }
0x1d8: {  	v8 =	vld [tilespmem:s5+$0x18760]  }
0x1d9: {  	v9 =	vld.idx.msk [tilespmem:v1+s3+$0x0], $0xffff  }
0x1da: {  	v2 =	vld.idx.msk [tilespmem:v2+s3+$0x0], $0xffff  }
0x1db: {  	v3 =	vld.idx.msk [tilespmem:v3+s3+$0x0], $0xffff  }
0x1dc: {  	v4 =	vld.idx.msk [tilespmem:v4+s3+$0x0], $0xffff  }
0x1dd: {  	v5 =	vld.idx.msk [tilespmem:v5+s3+$0x0], $0xffff  }
0x1de: {  	v6 =	vld.idx.msk [tilespmem:v6+s3+$0x0], $0xffff  }
0x1df: {  	v1 =	vand.u32 $0xFFFF0000, v9;
	v9 =	vshll.u32 v9, $0x10;
	v7 =	vld.idx.msk [tilespmem:v7+s3+$0x0], $0xffff  }
0x1e0: {  	v10 =	vand.u32 $0xFFFF0000, v2;
	v2 =	vshll.u32 v2, $0x10;
	[tilespmem:s5+$0x1E770] =	vst.add.f32.msk $0xffff, v9  }
0x1e1: {  	v9 =	vand.u32 $0xFFFF0000, v3;
	v3 =	vshll.u32 v3, $0x10;
	v8 =	vld.idx.msk [tilespmem:v8+s3+$0x0], $0xffff  }
0x1e2: {  	[tilespmem:s5+$0x1C700] =	vst.add.f32.msk $0xffff, v10;
	v10 =	vand.u32 $0xFFFF0000, v4;
	v4 =	vshll.u32 v4, $0x10  }
0x1e3: {  	[tilespmem:s5+$0x1E700] =	vst.add.f32.msk $0xffff, v2;
	v2 =	vand.u32 $0xFFFF0000, v5;
	v5 =	vshll.u32 v5, $0x10  }
0x1e4: {  	[tilespmem:s5+$0x1C710] =	vst.add.f32.msk $0xffff, v9;
	v9 =	vand.u32 $0xFFFF0000, v6;
	v6 =	vshll.u32 v6, $0x10  }
0x1e5: {  	[tilespmem:s5+$0x1E710] =	vst.add.f32.msk $0xffff, v3;
	v3 =	vand.u32 $0xFFFF0000, v7;
	v7 =	vshll.u32 v7, $0x10  }
0x1e6: {  	[tilespmem:s5+$0x1C720] =	vst.add.f32.msk $0xffff, v10  }
0x1e7: {  	[tilespmem:s5+$0x1E720] =	vst.add.f32.msk $0xffff, v4;
	v4 =	vand.u32 $0xFFFF0000, v8;
	v8 =	vshll.u32 v8, $0x10  }
0x1e8: {  	[tilespmem:s5+$0x1C730] =	vst.add.f32.msk $0xffff, v2  }
0x1e9: {  	[tilespmem:s5+$0x1E730] =	vst.add.f32.msk $0xffff, v5  }
0x1ea: {  	[tilespmem:s5+$0x1C740] =	vst.add.f32.msk $0xffff, v9  }
.Ltmp7:
0x1eb: {  	[tilespmem:s5+$0x1E740] =	vst.add.f32.msk $0xffff, v6;
	(pc) =	sbr.rel @p0 .LBB2_16-.Ltmp7, $4  }
0x1ec: {  	[tilespmem:s5+$0x1C750] =	vst.add.f32.msk $0xffff, v3  }
0x1ed: {  	[tilespmem:s5+$0x1E750] =	vst.add.f32.msk $0xffff, v7  }
0x1ee: {  	[tilespmem:s5+$0x1C760] =	vst.add.f32.msk $0xffff, v4  }
0x1ef: {  	s7 =	sadd.s32 $0x200, s7;
	[tilespmem:s5+$0x1E760] =	vst.add.f32.msk $0xffff, v8  }
0x1f0: {  	[tilespmem:s5+$0x1C770] =	vst.add.f32.msk $0xffff, v1  }
0x1f1: {  	_ =	swait.ge [sflag:s29], $0x800  }
0x1f2: {  	[sflag:s29] =	ssyncset.done $0x0  }
0x1f3: {  	s5 =	simm.s32 $0x0;
	[sflag:s29] =	ssyncadd.s32 $0xFFFFF800  }
0x1f4: {  	v1 =	vld [tilespmem:s5+$0x18F70]  }
0x1f5: {  	v2 =	vld [tilespmem:s5+$0x18F00]  }
0x1f6: {  	v3 =	vld [tilespmem:s5+$0x18F10]  }
0x1f7: {  	v4 =	vld [tilespmem:s5+$0x18F20]  }
0x1f8: {  	v5 =	vld [tilespmem:s5+$0x18F30]  }
0x1f9: {  	v6 =	vld [tilespmem:s5+$0x18F40]  }
0x1fa: {  	v7 =	vld [tilespmem:s5+$0x18F50]  }
0x1fb: {  	v8 =	vld [tilespmem:s5+$0x18F60]  }
0x1fc: {  	v1 =	vld.idx.msk [tilespmem:v1+s3+$0x0], $0xffff  }
0x1fd: {  	v2 =	vld.idx.msk [tilespmem:v2+s3+$0x0], $0xffff  }
0x1fe: {  	v3 =	vld.idx.msk [tilespmem:v3+s3+$0x0], $0xffff  }
0x1ff: {  	v4 =	vld.idx.msk [tilespmem:v4+s3+$0x0], $0xffff  }
0x200: {  	v5 =	vld.idx.msk [tilespmem:v5+s3+$0x0], $0xffff  }
0x201: {  	v6 =	vld.idx.msk [tilespmem:v6+s3+$0x0], $0xffff  }
0x202: {  	v7 =	vld.idx.msk [tilespmem:v7+s3+$0x0], $0xffff  }
0x203: {  	v8 =	vld.idx.msk [tilespmem:v8+s3+$0x0], $0xffff;
	v9 =	vshll.u32 v1, $0x10  }
0x204: {  	v62 =	vand.u32 $0xFFFF0000, v2;
	[tilespmem:s5+$0x1CF70] =	vst.add.f32.msk $0xffff, v9  }
0x205: {  	v2 =	vshll.u32 v2, $0x10;
	[tilespmem:s5+$0x1AF00] =	vst.add.f32.msk $0xffff, v62  }
0x206: {  	v63 =	vand.u32 $0xFFFF0000, v3;
	[tilespmem:s5+$0x1CF00] =	vst.add.f32.msk $0xffff, v2  }
0x207: {  	v2 =	vshll.u32 v3, $0x10;
	[tilespmem:s5+$0x1AF10] =	vst.add.f32.msk $0xffff, v63  }
0x208: {  	v3 =	vand.u32 $0xFFFF0000, v4;
	[tilespmem:s5+$0x1CF10] =	vst.add.f32.msk $0xffff, v2  }
0x209: {  	v2 =	vshll.u32 v4, $0x10;
	[tilespmem:s5+$0x1AF20] =	vst.add.f32.msk $0xffff, v3  }
0x20a: {  	v3 =	vand.u32 $0xFFFF0000, v5;
	[tilespmem:s5+$0x1CF20] =	vst.add.f32.msk $0xffff, v2  }
0x20b: {  	v2 =	vshll.u32 v5, $0x10;
	[tilespmem:s5+$0x1AF30] =	vst.add.f32.msk $0xffff, v3  }
0x20c: {  	v3 =	vand.u32 $0xFFFF0000, v6;
	[tilespmem:s5+$0x1CF30] =	vst.add.f32.msk $0xffff, v2  }
0x20d: {  	v2 =	vshll.u32 v6, $0x10;
	[tilespmem:s5+$0x1AF40] =	vst.add.f32.msk $0xffff, v3  }
0x20e: {  	v3 =	vand.u32 $0xFFFF0000, v7;
	[tilespmem:s5+$0x1CF40] =	vst.add.f32.msk $0xffff, v2  }
0x20f: {  	v2 =	vshll.u32 v7, $0x10;
	[tilespmem:s5+$0x1AF50] =	vst.add.f32.msk $0xffff, v3  }
0x210: {  	v3 =	vand.u32 $0xFFFF0000, v8;
	[tilespmem:s5+$0x1CF50] =	vst.add.f32.msk $0xffff, v2  }
0x211: {  	v2 =	vshll.u32 v8, $0x10;
	[tilespmem:s5+$0x1AF60] =	vst.add.f32.msk $0xffff, v3  }
0x212: {  	s6 =	simm.s32 $0x0;
	s7 =	simm.s32 $0x200;
	v1 =	vand.u32 $0xFFFF0000, v1;
	[tilespmem:s5+$0x1CF60] =	vst.add.f32.msk $0xffff, v2  }
.LBB2_18:
0x213: {  	s6 =	sadd.s32 $0x8, s6;
	[tilespmem:s5+$0x1AF70] =	vst.add.f32.msk $0xffff, v1;
	s5 =	sshra.s32 s7, $0x2  }
0x214: {  	v1 =	vld [tilespmem:s5+$0x18F70];
	p0 =	slt.u32 s6, $0x78  }
0x215: {  	v2 =	vld [tilespmem:s5+$0x18F00]  }
0x216: {  	v3 =	vld [tilespmem:s5+$0x18F10]  }
0x217: {  	v4 =	vld [tilespmem:s5+$0x18F20]  }
0x218: {  	v5 =	vld [tilespmem:s5+$0x18F30]  }
0x219: {  	v6 =	vld [tilespmem:s5+$0x18F40]  }
0x21a: {  	v7 =	vld [tilespmem:s5+$0x18F50]  }
0x21b: {  	v8 =	vld [tilespmem:s5+$0x18F60]  }
0x21c: {  	v9 =	vld.idx.msk [tilespmem:v1+s3+$0x0], $0xffff  }
0x21d: {  	v2 =	vld.idx.msk [tilespmem:v2+s3+$0x0], $0xffff  }
0x21e: {  	v3 =	vld.idx.msk [tilespmem:v3+s3+$0x0], $0xffff  }
0x21f: {  	v4 =	vld.idx.msk [tilespmem:v4+s3+$0x0], $0xffff  }
0x220: {  	v5 =	vld.idx.msk [tilespmem:v5+s3+$0x0], $0xffff  }
0x221: {  	v6 =	vld.idx.msk [tilespmem:v6+s3+$0x0], $0xffff  }
0x222: {  	v1 =	vand.u32 $0xFFFF0000, v9;
	v9 =	vshll.u32 v9, $0x10;
	v7 =	vld.idx.msk [tilespmem:v7+s3+$0x0], $0xffff  }
0x223: {  	v10 =	vand.u32 $0xFFFF0000, v2;
	v2 =	vshll.u32 v2, $0x10;
	[tilespmem:s5+$0x1CF70] =	vst.add.f32.msk $0xffff, v9  }
0x224: {  	v9 =	vand.u32 $0xFFFF0000, v3;
	v3 =	vshll.u32 v3, $0x10;
	v8 =	vld.idx.msk [tilespmem:v8+s3+$0x0], $0xffff  }
0x225: {  	[tilespmem:s5+$0x1AF00] =	vst.add.f32.msk $0xffff, v10;
	v10 =	vand.u32 $0xFFFF0000, v4;
	v4 =	vshll.u32 v4, $0x10  }
0x226: {  	[tilespmem:s5+$0x1CF00] =	vst.add.f32.msk $0xffff, v2;
	v2 =	vand.u32 $0xFFFF0000, v5;
	v5 =	vshll.u32 v5, $0x10  }
0x227: {  	[tilespmem:s5+$0x1AF10] =	vst.add.f32.msk $0xffff, v9;
	v9 =	vand.u32 $0xFFFF0000, v6;
	v6 =	vshll.u32 v6, $0x10  }
0x228: {  	[tilespmem:s5+$0x1CF10] =	vst.add.f32.msk $0xffff, v3;
	v3 =	vand.u32 $0xFFFF0000, v7;
	v7 =	vshll.u32 v7, $0x10  }
0x229: {  	[tilespmem:s5+$0x1AF20] =	vst.add.f32.msk $0xffff, v10  }
0x22a: {  	[tilespmem:s5+$0x1CF20] =	vst.add.f32.msk $0xffff, v4;
	v4 =	vand.u32 $0xFFFF0000, v8;
	v8 =	vshll.u32 v8, $0x10  }
0x22b: {  	[tilespmem:s5+$0x1AF30] =	vst.add.f32.msk $0xffff, v2  }
0x22c: {  	[tilespmem:s5+$0x1CF30] =	vst.add.f32.msk $0xffff, v5  }
0x22d: {  	[tilespmem:s5+$0x1AF40] =	vst.add.f32.msk $0xffff, v9  }
.Ltmp8:
0x22e: {  	[tilespmem:s5+$0x1CF40] =	vst.add.f32.msk $0xffff, v6;
	(pc) =	sbr.rel @p0 .LBB2_18-.Ltmp8, $4  }
0x22f: {  	[tilespmem:s5+$0x1AF50] =	vst.add.f32.msk $0xffff, v3  }
0x230: {  	[tilespmem:s5+$0x1CF50] =	vst.add.f32.msk $0xffff, v7  }
0x231: {  	[tilespmem:s5+$0x1AF60] =	vst.add.f32.msk $0xffff, v4  }
0x232: {  	s7 =	sadd.s32 $0x200, s7;
	[tilespmem:s5+$0x1CF60] =	vst.add.f32.msk $0xffff, v8  }
0x233: {  	[tilespmem:s5+$0x1AF70] =	vst.add.f32.msk $0xffff, v1  }
0x234: {  	_ =	swait.ge [sflag:s30], $0x800  }
0x235: {  	[sflag:s30] =	ssyncset.done $0x0  }
0x236: {  	s5 =	simm.s32 $0x0;
	[sflag:s30] =	ssyncadd.s32 $0xFFFFF800  }
0x237: {  	v1 =	vld [tilespmem:s5+$0x19770]  }
0x238: {  	v2 =	vld [tilespmem:s5+$0x19700]  }
0x239: {  	v3 =	vld [tilespmem:s5+$0x19710]  }
0x23a: {  	v4 =	vld [tilespmem:s5+$0x19720]  }
0x23b: {  	v5 =	vld [tilespmem:s5+$0x19730]  }
0x23c: {  	v6 =	vld [tilespmem:s5+$0x19740]  }
0x23d: {  	v7 =	vld [tilespmem:s5+$0x19750]  }
0x23e: {  	v8 =	vld [tilespmem:s5+$0x19760]  }
0x23f: {  	v1 =	vld.idx.msk [tilespmem:v1+s3+$0x0], $0xffff  }
0x240: {  	v2 =	vld.idx.msk [tilespmem:v2+s3+$0x0], $0xffff  }
0x241: {  	v3 =	vld.idx.msk [tilespmem:v3+s3+$0x0], $0xffff  }
0x242: {  	v4 =	vld.idx.msk [tilespmem:v4+s3+$0x0], $0xffff  }
0x243: {  	v5 =	vld.idx.msk [tilespmem:v5+s3+$0x0], $0xffff  }
0x244: {  	v6 =	vld.idx.msk [tilespmem:v6+s3+$0x0], $0xffff  }
0x245: {  	v7 =	vld.idx.msk [tilespmem:v7+s3+$0x0], $0xffff  }
0x246: {  	v8 =	vld.idx.msk [tilespmem:v8+s3+$0x0], $0xffff;
	v9 =	vshll.u32 v1, $0x10  }
0x247: {  	v62 =	vand.u32 $0xFFFF0000, v2;
	[tilespmem:s5+$0x1D770] =	vst.add.f32.msk $0xffff, v9  }
0x248: {  	v2 =	vshll.u32 v2, $0x10;
	[tilespmem:s5+$0x1B700] =	vst.add.f32.msk $0xffff, v62  }
0x249: {  	v63 =	vand.u32 $0xFFFF0000, v3;
	[tilespmem:s5+$0x1D700] =	vst.add.f32.msk $0xffff, v2  }
0x24a: {  	v2 =	vshll.u32 v3, $0x10;
	[tilespmem:s5+$0x1B710] =	vst.add.f32.msk $0xffff, v63  }
0x24b: {  	v3 =	vand.u32 $0xFFFF0000, v4;
	[tilespmem:s5+$0x1D710] =	vst.add.f32.msk $0xffff, v2  }
0x24c: {  	v2 =	vshll.u32 v4, $0x10;
	[tilespmem:s5+$0x1B720] =	vst.add.f32.msk $0xffff, v3  }
0x24d: {  	v3 =	vand.u32 $0xFFFF0000, v5;
	[tilespmem:s5+$0x1D720] =	vst.add.f32.msk $0xffff, v2  }
0x24e: {  	v2 =	vshll.u32 v5, $0x10;
	[tilespmem:s5+$0x1B730] =	vst.add.f32.msk $0xffff, v3  }
0x24f: {  	v3 =	vand.u32 $0xFFFF0000, v6;
	[tilespmem:s5+$0x1D730] =	vst.add.f32.msk $0xffff, v2  }
0x250: {  	v2 =	vshll.u32 v6, $0x10;
	[tilespmem:s5+$0x1B740] =	vst.add.f32.msk $0xffff, v3  }
0x251: {  	v3 =	vand.u32 $0xFFFF0000, v7;
	[tilespmem:s5+$0x1D740] =	vst.add.f32.msk $0xffff, v2  }
0x252: {  	v2 =	vshll.u32 v7, $0x10;
	[tilespmem:s5+$0x1B750] =	vst.add.f32.msk $0xffff, v3  }
0x253: {  	v3 =	vand.u32 $0xFFFF0000, v8;
	[tilespmem:s5+$0x1D750] =	vst.add.f32.msk $0xffff, v2  }
0x254: {  	v2 =	vshll.u32 v8, $0x10;
	[tilespmem:s5+$0x1B760] =	vst.add.f32.msk $0xffff, v3  }
0x255: {  	s6 =	simm.s32 $0x0;
	s7 =	simm.s32 $0x200;
	v1 =	vand.u32 $0xFFFF0000, v1;
	[tilespmem:s5+$0x1D760] =	vst.add.f32.msk $0xffff, v2  }
.LBB2_20:
0x256: {  	s6 =	sadd.s32 $0x8, s6;
	[tilespmem:s5+$0x1B770] =	vst.add.f32.msk $0xffff, v1;
	s5 =	sshra.s32 s7, $0x2  }
0x257: {  	v1 =	vld [tilespmem:s5+$0x19770];
	p0 =	slt.u32 s6, $0x78  }
0x258: {  	v2 =	vld [tilespmem:s5+$0x19700]  }
0x259: {  	v3 =	vld [tilespmem:s5+$0x19710]  }
0x25a: {  	v4 =	vld [tilespmem:s5+$0x19720]  }
0x25b: {  	v5 =	vld [tilespmem:s5+$0x19730]  }
0x25c: {  	v6 =	vld [tilespmem:s5+$0x19740]  }
0x25d: {  	v7 =	vld [tilespmem:s5+$0x19750]  }
0x25e: {  	v8 =	vld [tilespmem:s5+$0x19760]  }
0x25f: {  	v9 =	vld.idx.msk [tilespmem:v1+s3+$0x0], $0xffff  }
0x260: {  	v2 =	vld.idx.msk [tilespmem:v2+s3+$0x0], $0xffff  }
0x261: {  	v3 =	vld.idx.msk [tilespmem:v3+s3+$0x0], $0xffff  }
0x262: {  	v4 =	vld.idx.msk [tilespmem:v4+s3+$0x0], $0xffff  }
0x263: {  	v5 =	vld.idx.msk [tilespmem:v5+s3+$0x0], $0xffff  }
0x264: {  	v6 =	vld.idx.msk [tilespmem:v6+s3+$0x0], $0xffff  }
0x265: {  	v1 =	vand.u32 $0xFFFF0000, v9;
	v9 =	vshll.u32 v9, $0x10;
	v7 =	vld.idx.msk [tilespmem:v7+s3+$0x0], $0xffff  }
0x266: {  	v10 =	vand.u32 $0xFFFF0000, v2;
	v2 =	vshll.u32 v2, $0x10;
	[tilespmem:s5+$0x1D770] =	vst.add.f32.msk $0xffff, v9  }
0x267: {  	v9 =	vand.u32 $0xFFFF0000, v3;
	v3 =	vshll.u32 v3, $0x10;
	v8 =	vld.idx.msk [tilespmem:v8+s3+$0x0], $0xffff  }
0x268: {  	[tilespmem:s5+$0x1B700] =	vst.add.f32.msk $0xffff, v10;
	v10 =	vand.u32 $0xFFFF0000, v4;
	v4 =	vshll.u32 v4, $0x10  }
0x269: {  	[tilespmem:s5+$0x1D700] =	vst.add.f32.msk $0xffff, v2;
	v2 =	vand.u32 $0xFFFF0000, v5;
	v5 =	vshll.u32 v5, $0x10  }
0x26a: {  	[tilespmem:s5+$0x1B710] =	vst.add.f32.msk $0xffff, v9;
	v9 =	vand.u32 $0xFFFF0000, v6;
	v6 =	vshll.u32 v6, $0x10  }
0x26b: {  	[tilespmem:s5+$0x1D710] =	vst.add.f32.msk $0xffff, v3;
	v3 =	vand.u32 $0xFFFF0000, v7;
	v7 =	vshll.u32 v7, $0x10  }
0x26c: {  	[tilespmem:s5+$0x1B720] =	vst.add.f32.msk $0xffff, v10  }
0x26d: {  	[tilespmem:s5+$0x1D720] =	vst.add.f32.msk $0xffff, v4;
	v4 =	vand.u32 $0xFFFF0000, v8;
	v8 =	vshll.u32 v8, $0x10  }
0x26e: {  	[tilespmem:s5+$0x1B730] =	vst.add.f32.msk $0xffff, v2  }
0x26f: {  	[tilespmem:s5+$0x1D730] =	vst.add.f32.msk $0xffff, v5  }
0x270: {  	[tilespmem:s5+$0x1B740] =	vst.add.f32.msk $0xffff, v9  }
.Ltmp9:
0x271: {  	[tilespmem:s5+$0x1D740] =	vst.add.f32.msk $0xffff, v6;
	(pc) =	sbr.rel @p0 .LBB2_20-.Ltmp9, $4  }
0x272: {  	[tilespmem:s5+$0x1B750] =	vst.add.f32.msk $0xffff, v3  }
0x273: {  	[tilespmem:s5+$0x1D750] =	vst.add.f32.msk $0xffff, v7  }
0x274: {  	[tilespmem:s5+$0x1B760] =	vst.add.f32.msk $0xffff, v4  }
0x275: {  	s7 =	sadd.s32 $0x200, s7;
	[tilespmem:s5+$0x1D760] =	vst.add.f32.msk $0xffff, v8  }
0x276: {  	[tilespmem:s5+$0x1B770] =	vst.add.f32.msk $0xffff, v1  }
0x277: {  	_ =	swait.ge [sflag:s31], $0x800  }
0x278: {  	[sflag:s31] =	ssyncset.done $0x0  }
0x279: {  	s5 =	simm.s32 $0x0;
	[sflag:s31] =	ssyncadd.s32 $0xFFFFF800  }
0x27a: {  	v1 =	vld [tilespmem:s5+$0x19F70]  }
0x27b: {  	v2 =	vld [tilespmem:s5+$0x19F00]  }
0x27c: {  	v3 =	vld [tilespmem:s5+$0x19F10]  }
0x27d: {  	v4 =	vld [tilespmem:s5+$0x19F20]  }
0x27e: {  	v5 =	vld [tilespmem:s5+$0x19F30]  }
0x27f: {  	v6 =	vld [tilespmem:s5+$0x19F40]  }
0x280: {  	v7 =	vld [tilespmem:s5+$0x19F50]  }
0x281: {  	v8 =	vld [tilespmem:s5+$0x19F60]  }
0x282: {  	v1 =	vld.idx.msk [tilespmem:v1+s3+$0x0], $0xffff  }
0x283: {  	v2 =	vld.idx.msk [tilespmem:v2+s3+$0x0], $0xffff  }
0x284: {  	v3 =	vld.idx.msk [tilespmem:v3+s3+$0x0], $0xffff  }
0x285: {  	v4 =	vld.idx.msk [tilespmem:v4+s3+$0x0], $0xffff  }
0x286: {  	v5 =	vld.idx.msk [tilespmem:v5+s3+$0x0], $0xffff  }
0x287: {  	v6 =	vld.idx.msk [tilespmem:v6+s3+$0x0], $0xffff  }
0x288: {  	v7 =	vld.idx.msk [tilespmem:v7+s3+$0x0], $0xffff  }
0x289: {  	v8 =	vld.idx.msk [tilespmem:v8+s3+$0x0], $0xffff;
	v9 =	vshll.u32 v1, $0x10  }
0x28a: {  	v62 =	vand.u32 $0xFFFF0000, v2;
	[tilespmem:s5+$0x1DF70] =	vst.add.f32.msk $0xffff, v9  }
0x28b: {  	v2 =	vshll.u32 v2, $0x10;
	[tilespmem:s5+$0x1BF00] =	vst.add.f32.msk $0xffff, v62  }
0x28c: {  	v63 =	vand.u32 $0xFFFF0000, v3;
	[tilespmem:s5+$0x1DF00] =	vst.add.f32.msk $0xffff, v2  }
0x28d: {  	v2 =	vshll.u32 v3, $0x10;
	[tilespmem:s5+$0x1BF10] =	vst.add.f32.msk $0xffff, v63  }
0x28e: {  	v3 =	vand.u32 $0xFFFF0000, v4;
	[tilespmem:s5+$0x1DF10] =	vst.add.f32.msk $0xffff, v2  }
0x28f: {  	v2 =	vshll.u32 v4, $0x10;
	[tilespmem:s5+$0x1BF20] =	vst.add.f32.msk $0xffff, v3  }
0x290: {  	v3 =	vand.u32 $0xFFFF0000, v5;
	[tilespmem:s5+$0x1DF20] =	vst.add.f32.msk $0xffff, v2  }
0x291: {  	v2 =	vshll.u32 v5, $0x10;
	[tilespmem:s5+$0x1BF30] =	vst.add.f32.msk $0xffff, v3  }
0x292: {  	v3 =	vand.u32 $0xFFFF0000, v6;
	[tilespmem:s5+$0x1DF30] =	vst.add.f32.msk $0xffff, v2  }
0x293: {  	v2 =	vshll.u32 v6, $0x10;
	[tilespmem:s5+$0x1BF40] =	vst.add.f32.msk $0xffff, v3  }
0x294: {  	v3 =	vand.u32 $0xFFFF0000, v7;
	[tilespmem:s5+$0x1DF40] =	vst.add.f32.msk $0xffff, v2  }
0x295: {  	v2 =	vshll.u32 v7, $0x10;
	[tilespmem:s5+$0x1BF50] =	vst.add.f32.msk $0xffff, v3  }
0x296: {  	v3 =	vand.u32 $0xFFFF0000, v8;
	[tilespmem:s5+$0x1DF50] =	vst.add.f32.msk $0xffff, v2  }
0x297: {  	v2 =	vshll.u32 v8, $0x10;
	[tilespmem:s5+$0x1BF60] =	vst.add.f32.msk $0xffff, v3  }
0x298: {  	s6 =	simm.s32 $0x0;
	s7 =	simm.s32 $0x200;
	v1 =	vand.u32 $0xFFFF0000, v1;
	[tilespmem:s5+$0x1DF60] =	vst.add.f32.msk $0xffff, v2  }
.LBB2_22:
0x299: {  	s6 =	sadd.s32 $0x8, s6;
	[tilespmem:s5+$0x1BF70] =	vst.add.f32.msk $0xffff, v1;
	s5 =	sshra.s32 s7, $0x2  }
0x29a: {  	v1 =	vld [tilespmem:s5+$0x19F70];
	p0 =	slt.u32 s6, $0x78  }
0x29b: {  	v2 =	vld [tilespmem:s5+$0x19F00]  }
0x29c: {  	v3 =	vld [tilespmem:s5+$0x19F10]  }
0x29d: {  	v4 =	vld [tilespmem:s5+$0x19F20]  }
0x29e: {  	v5 =	vld [tilespmem:s5+$0x19F30]  }
0x29f: {  	v6 =	vld [tilespmem:s5+$0x19F40]  }
0x2a0: {  	v7 =	vld [tilespmem:s5+$0x19F50]  }
0x2a1: {  	v8 =	vld [tilespmem:s5+$0x19F60]  }
0x2a2: {  	v9 =	vld.idx.msk [tilespmem:v1+s3+$0x0], $0xffff  }
0x2a3: {  	v2 =	vld.idx.msk [tilespmem:v2+s3+$0x0], $0xffff  }
0x2a4: {  	v3 =	vld.idx.msk [tilespmem:v3+s3+$0x0], $0xffff  }
0x2a5: {  	v4 =	vld.idx.msk [tilespmem:v4+s3+$0x0], $0xffff  }
0x2a6: {  	v5 =	vld.idx.msk [tilespmem:v5+s3+$0x0], $0xffff  }
0x2a7: {  	v6 =	vld.idx.msk [tilespmem:v6+s3+$0x0], $0xffff  }
0x2a8: {  	v1 =	vand.u32 $0xFFFF0000, v9;
	v9 =	vshll.u32 v9, $0x10;
	v7 =	vld.idx.msk [tilespmem:v7+s3+$0x0], $0xffff  }
0x2a9: {  	v10 =	vand.u32 $0xFFFF0000, v2;
	v2 =	vshll.u32 v2, $0x10;
	[tilespmem:s5+$0x1DF70] =	vst.add.f32.msk $0xffff, v9  }
0x2aa: {  	v9 =	vand.u32 $0xFFFF0000, v3;
	v3 =	vshll.u32 v3, $0x10;
	v8 =	vld.idx.msk [tilespmem:v8+s3+$0x0], $0xffff  }
0x2ab: {  	[tilespmem:s5+$0x1BF00] =	vst.add.f32.msk $0xffff, v10;
	v10 =	vand.u32 $0xFFFF0000, v4;
	v4 =	vshll.u32 v4, $0x10  }
0x2ac: {  	[tilespmem:s5+$0x1DF00] =	vst.add.f32.msk $0xffff, v2;
	v2 =	vand.u32 $0xFFFF0000, v5;
	v5 =	vshll.u32 v5, $0x10  }
0x2ad: {  	[tilespmem:s5+$0x1BF10] =	vst.add.f32.msk $0xffff, v9;
	v9 =	vand.u32 $0xFFFF0000, v6;
	v6 =	vshll.u32 v6, $0x10  }
0x2ae: {  	[tilespmem:s5+$0x1DF10] =	vst.add.f32.msk $0xffff, v3;
	v3 =	vand.u32 $0xFFFF0000, v7;
	v7 =	vshll.u32 v7, $0x10  }
0x2af: {  	[tilespmem:s5+$0x1BF20] =	vst.add.f32.msk $0xffff, v10  }
0x2b0: {  	[tilespmem:s5+$0x1DF20] =	vst.add.f32.msk $0xffff, v4;
	v4 =	vand.u32 $0xFFFF0000, v8;
	v8 =	vshll.u32 v8, $0x10  }
0x2b1: {  	[tilespmem:s5+$0x1BF30] =	vst.add.f32.msk $0xffff, v2  }
0x2b2: {  	[tilespmem:s5+$0x1DF30] =	vst.add.f32.msk $0xffff, v5  }
0x2b3: {  	[tilespmem:s5+$0x1BF40] =	vst.add.f32.msk $0xffff, v9  }
.Ltmp10:
0x2b4: {  	[tilespmem:s5+$0x1DF40] =	vst.add.f32.msk $0xffff, v6;
	(pc) =	sbr.rel @p0 .LBB2_22-.Ltmp10, $4  }
0x2b5: {  	[tilespmem:s5+$0x1BF50] =	vst.add.f32.msk $0xffff, v3  }
0x2b6: {  	[tilespmem:s5+$0x1DF50] =	vst.add.f32.msk $0xffff, v7  }
0x2b7: {  	[tilespmem:s5+$0x1BF60] =	vst.add.f32.msk $0xffff, v4  }
0x2b8: {  	s7 =	sadd.s32 $0x200, s7;
	[tilespmem:s5+$0x1DF60] =	vst.add.f32.msk $0xffff, v8  }
0x2b9: {  	[tilespmem:s5+$0x1BF70] =	vst.add.f32.msk $0xffff, v1  }
0x2ba: {  	_ =	swait.ge [sflag:s0], $0x800  }
0x2bb: {  	[sflag:s0] =	ssyncset.done $0x0  }
0x2bc: {  	s5 =	simm.s32 $0x0;
	[sflag:s0] =	ssyncadd.s32 $0xFFFFF800  }
0x2bd: {  	v1 =	vld [tilespmem:s5+$0x1A770]  }
0x2be: {  	v2 =	vld [tilespmem:s5+$0x1A700]  }
0x2bf: {  	v3 =	vld [tilespmem:s5+$0x1A710]  }
0x2c0: {  	v4 =	vld [tilespmem:s5+$0x1A720]  }
0x2c1: {  	v5 =	vld [tilespmem:s5+$0x1A730]  }
0x2c2: {  	v6 =	vld [tilespmem:s5+$0x1A740]  }
0x2c3: {  	v7 =	vld [tilespmem:s5+$0x1A750]  }
0x2c4: {  	v8 =	vld [tilespmem:s5+$0x1A760]  }
0x2c5: {  	v1 =	vld.idx.msk [tilespmem:v1+s3+$0x0], $0xffff  }
0x2c6: {  	v2 =	vld.idx.msk [tilespmem:v2+s3+$0x0], $0xffff  }
0x2c7: {  	v3 =	vld.idx.msk [tilespmem:v3+s3+$0x0], $0xffff  }
0x2c8: {  	v4 =	vld.idx.msk [tilespmem:v4+s3+$0x0], $0xffff  }
0x2c9: {  	v5 =	vld.idx.msk [tilespmem:v5+s3+$0x0], $0xffff  }
0x2ca: {  	v6 =	vld.idx.msk [tilespmem:v6+s3+$0x0], $0xffff  }
0x2cb: {  	v7 =	vld.idx.msk [tilespmem:v7+s3+$0x0], $0xffff  }
0x2cc: {  	v8 =	vld.idx.msk [tilespmem:v8+s3+$0x0], $0xffff;
	v9 =	vshll.u32 v1, $0x10  }
0x2cd: {  	v62 =	vand.u32 $0xFFFF0000, v2;
	[tilespmem:s5+$0x1E770] =	vst.add.f32.msk $0xffff, v9  }
0x2ce: {  	v2 =	vshll.u32 v2, $0x10;
	[tilespmem:s5+$0x1C700] =	vst.add.f32.msk $0xffff, v62  }
0x2cf: {  	v63 =	vand.u32 $0xFFFF0000, v3;
	[tilespmem:s5+$0x1E700] =	vst.add.f32.msk $0xffff, v2  }
0x2d0: {  	v2 =	vshll.u32 v3, $0x10;
	[tilespmem:s5+$0x1C710] =	vst.add.f32.msk $0xffff, v63  }
0x2d1: {  	v3 =	vand.u32 $0xFFFF0000, v4;
	[tilespmem:s5+$0x1E710] =	vst.add.f32.msk $0xffff, v2  }
0x2d2: {  	v2 =	vshll.u32 v4, $0x10;
	[tilespmem:s5+$0x1C720] =	vst.add.f32.msk $0xffff, v3  }
0x2d3: {  	v3 =	vand.u32 $0xFFFF0000, v5;
	[tilespmem:s5+$0x1E720] =	vst.add.f32.msk $0xffff, v2  }
0x2d4: {  	v2 =	vshll.u32 v5, $0x10;
	[tilespmem:s5+$0x1C730] =	vst.add.f32.msk $0xffff, v3  }
0x2d5: {  	v3 =	vand.u32 $0xFFFF0000, v6;
	[tilespmem:s5+$0x1E730] =	vst.add.f32.msk $0xffff, v2  }
0x2d6: {  	v2 =	vshll.u32 v6, $0x10;
	[tilespmem:s5+$0x1C740] =	vst.add.f32.msk $0xffff, v3  }
0x2d7: {  	v3 =	vand.u32 $0xFFFF0000, v7;
	[tilespmem:s5+$0x1E740] =	vst.add.f32.msk $0xffff, v2  }
0x2d8: {  	v2 =	vshll.u32 v7, $0x10;
	[tilespmem:s5+$0x1C750] =	vst.add.f32.msk $0xffff, v3  }
0x2d9: {  	v3 =	vand.u32 $0xFFFF0000, v8;
	[tilespmem:s5+$0x1E750] =	vst.add.f32.msk $0xffff, v2  }
0x2da: {  	v2 =	vshll.u32 v8, $0x10;
	[tilespmem:s5+$0x1C760] =	vst.add.f32.msk $0xffff, v3  }
0x2db: {  	s6 =	simm.s32 $0x0;
	s7 =	simm.s32 $0x200;
	v1 =	vand.u32 $0xFFFF0000, v1;
	[tilespmem:s5+$0x1E760] =	vst.add.f32.msk $0xffff, v2  }
.LBB2_24:
0x2dc: {  	s6 =	sadd.s32 $0x8, s6;
	[tilespmem:s5+$0x1C770] =	vst.add.f32.msk $0xffff, v1;
	s5 =	sshra.s32 s7, $0x2  }
0x2dd: {  	v1 =	vld [tilespmem:s5+$0x1A770];
	p0 =	slt.u32 s6, $0x78  }
0x2de: {  	v2 =	vld [tilespmem:s5+$0x1A700]  }
0x2df: {  	v3 =	vld [tilespmem:s5+$0x1A710]  }
0x2e0: {  	v4 =	vld [tilespmem:s5+$0x1A720]  }
0x2e1: {  	v5 =	vld [tilespmem:s5+$0x1A730]  }
0x2e2: {  	v6 =	vld [tilespmem:s5+$0x1A740]  }
0x2e3: {  	v7 =	vld [tilespmem:s5+$0x1A750]  }
0x2e4: {  	v8 =	vld [tilespmem:s5+$0x1A760]  }
0x2e5: {  	v9 =	vld.idx.msk [tilespmem:v1+s3+$0x0], $0xffff  }
0x2e6: {  	v2 =	vld.idx.msk [tilespmem:v2+s3+$0x0], $0xffff  }
0x2e7: {  	v3 =	vld.idx.msk [tilespmem:v3+s3+$0x0], $0xffff  }
0x2e8: {  	v4 =	vld.idx.msk [tilespmem:v4+s3+$0x0], $0xffff  }
0x2e9: {  	v5 =	vld.idx.msk [tilespmem:v5+s3+$0x0], $0xffff  }
0x2ea: {  	v6 =	vld.idx.msk [tilespmem:v6+s3+$0x0], $0xffff  }
0x2eb: {  	v1 =	vand.u32 $0xFFFF0000, v9;
	v9 =	vshll.u32 v9, $0x10;
	v7 =	vld.idx.msk [tilespmem:v7+s3+$0x0], $0xffff  }
0x2ec: {  	v10 =	vand.u32 $0xFFFF0000, v2;
	v2 =	vshll.u32 v2, $0x10;
	[tilespmem:s5+$0x1E770] =	vst.add.f32.msk $0xffff, v9  }
0x2ed: {  	v9 =	vand.u32 $0xFFFF0000, v3;
	v3 =	vshll.u32 v3, $0x10;
	v8 =	vld.idx.msk [tilespmem:v8+s3+$0x0], $0xffff  }
0x2ee: {  	[tilespmem:s5+$0x1C700] =	vst.add.f32.msk $0xffff, v10;
	v10 =	vand.u32 $0xFFFF0000, v4;
	v4 =	vshll.u32 v4, $0x10  }
0x2ef: {  	[tilespmem:s5+$0x1E700] =	vst.add.f32.msk $0xffff, v2;
	v2 =	vand.u32 $0xFFFF0000, v5;
	v5 =	vshll.u32 v5, $0x10  }
0x2f0: {  	[tilespmem:s5+$0x1C710] =	vst.add.f32.msk $0xffff, v9;
	v9 =	vand.u32 $0xFFFF0000, v6;
	v6 =	vshll.u32 v6, $0x10  }
0x2f1: {  	[tilespmem:s5+$0x1E710] =	vst.add.f32.msk $0xffff, v3;
	v3 =	vand.u32 $0xFFFF0000, v7;
	v7 =	vshll.u32 v7, $0x10  }
0x2f2: {  	[tilespmem:s5+$0x1C720] =	vst.add.f32.msk $0xffff, v10  }
0x2f3: {  	[tilespmem:s5+$0x1E720] =	vst.add.f32.msk $0xffff, v4;
	v4 =	vand.u32 $0xFFFF0000, v8;
	v8 =	vshll.u32 v8, $0x10  }
0x2f4: {  	[tilespmem:s5+$0x1C730] =	vst.add.f32.msk $0xffff, v2  }
0x2f5: {  	[tilespmem:s5+$0x1E730] =	vst.add.f32.msk $0xffff, v5  }
0x2f6: {  	[tilespmem:s5+$0x1C740] =	vst.add.f32.msk $0xffff, v9  }
.Ltmp11:
0x2f7: {  	[tilespmem:s5+$0x1E740] =	vst.add.f32.msk $0xffff, v6;
	(pc) =	sbr.rel @p0 .LBB2_24-.Ltmp11, $4  }
0x2f8: {  	[tilespmem:s5+$0x1C750] =	vst.add.f32.msk $0xffff, v3  }
0x2f9: {  	[tilespmem:s5+$0x1E750] =	vst.add.f32.msk $0xffff, v7  }
0x2fa: {  	[tilespmem:s5+$0x1C760] =	vst.add.f32.msk $0xffff, v4  }
0x2fb: {  	s7 =	sadd.s32 $0x200, s7;
	[tilespmem:s5+$0x1E760] =	vst.add.f32.msk $0xffff, v8  }
0x2fc: {  	[tilespmem:s5+$0x1C770] =	vst.add.f32.msk $0xffff, v1  }
0x2fd: {  	s4 =	simm.s32 $0x1AF00;
	s16 =	simm.s32 $0x7;
	s2 =	rddreg [dreg:$0x9]  }
0x2fe: {  	[hbm4b:s2+s19] =	stream.strided.scatter [tilespmem:s4], [sflag:$0x7], $0x2000, s20, s19, $0x38;
	[tilespmem:$0x1EF00] =	vst v63  }
0x2ff: {  	_ =	swait.ge [sflag:s16], $0x2000  }
0x300: {  	[sflag:s16] =	ssyncset.done $0x0  }
0x301: {  	s18 =	simm.s32 $0x1CF00;
	s17 =	rddreg [dreg:$0xa];
	[sflag:s16] =	ssyncadd.s32 $0xFFFFE000  }
0x302: {  	[hbm4b:s17+s19] =	stream.strided.scatter [tilespmem:s18], [sflag:$0x7], $0x2000, s20, s19, $0x38;
	[tilespmem:$0x1EF00] =	vst v63  }
0x303: {  	_ =	swait.ge [sflag:s16], $0x2000  }
0x304: {  	[sflag:s16] =	ssyncset.done $0x0  }
0x305: {  	s21 =	simm.s32 $0x1AF20;
	[sflag:s16] =	ssyncadd.s32 $0xFFFFE000  }
0x306: {  	[tilespmem:s21+$0xFFFFFFF0] =	vst v0  }
0x307: {  	[tilespmem:s21+$0x0] =	vst v0  }
0x308: {  	[tilespmem:s21+$0x10] =	vst v0  }
0x309: {  	s5 =	simm.s32 $0x1CF20;
	[tilespmem:s21+$0xFFFFFFE0] =	vst v0  }
0x30a: {  	[tilespmem:s5+$0xFFFFFFF0] =	vst v0  }
0x30b: {  	[tilespmem:s5+$0x0] =	vst v0  }
0x30c: {  	[tilespmem:s5+$0x10] =	vst v0  }
0x30d: {  	s6 =	simm.s32 $0x0;
	s7 =	simm.s32 $0x1AF60;
	[tilespmem:s5+$0xFFFFFFE0] =	vst v0  }
.LBB2_26:
0x30e: {  	[tilespmem:s7+$0xFFFFFFF0] =	vst v0;
	s5 =	sadd.s32 $0x40, s5  }
0x30f: {  	s6 =	sadd.s32 $0x4, s6;
	[tilespmem:s5+$0xFFFFFFF0] =	vst v0  }
0x310: {  	p0 =	slt.u32 s6, $0x1FC;
	[tilespmem:s7+$0x0] =	vst v0  }
.Ltmp12:
0x311: {  	[tilespmem:s5+$0x0] =	vst v0;
	(pc) =	sbr.rel @p0 .LBB2_26-.Ltmp12, $4  }
0x312: {  	[tilespmem:s7+$0x10] =	vst v0  }
0x313: {  	[tilespmem:s5+$0x10] =	vst v0  }
0x314: {  	[tilespmem:s7+$0xFFFFFFE0] =	vst v0  }
0x315: {  	s7 =	sadd.s32 $0x40, s7;
	[tilespmem:s5+$0xFFFFFFE0] =	vst v0  }
0x316: {  	s2 =	rddreg [dreg:$0xb]  }
0x317: {  	s16 =	rddreg [dreg:$0xc]  }
0x318: {  	[tilespmem:s22], [sflag:$0x2] =	stream.strided.gather [hbm4b:s2+s19], $0x800, s20, s19, $0x38;
	[tilespmem:$0x1EF00] =	vst v63  }
0x319: {  	s17 =	rddreg [dreg:$0xd]  }
0x31a: {  	[tilespmem:s23], [sflag:$0x3] =	stream.strided.gather [hbm4b:s16+s19], $0x800, s20, s19, $0x38;
	[tilespmem:$0x1EF00] =	vst v63  }
0x31b: {  	s18 =	rddreg [dreg:$0xe]  }
0x31c: {  	[tilespmem:s24], [sflag:$0x4] =	stream.strided.gather [hbm4b:s17+s19], $0x800, s20, s19, $0x38;
	[tilespmem:$0x1EF00] =	vst v63  }
0x31d: {  	s21 =	rddreg [dreg:$0xf];
	s5 =	simm.s32 $0x0  }
0x31e: {  	[tilespmem:s25], [sflag:$0x5] =	stream.strided.gather [hbm4b:s18+s19], $0x800, s20, s19, $0x38;
	[tilespmem:$0x1EF00] =	vst v63  }
0x31f: {  	s6 =	simm.s32 $0x1;
	s7 =	simm.s32 $0x3;
	s8 =	simm.s32 $0x0  }
0x320: {  	[tilespmem:s26], [sflag:$0x6] =	stream.strided.gather [hbm4b:s21+s19], $0x800, s20, s19, $0x38;
	[tilespmem:$0x1EF00] =	vst v63  }
.LBB2_28:
0x321: {  	_ =	swait.ge [sflag:s28], $0x800  }
0x322: {  	[sflag:s28] =	ssyncset.done $0x0  }
0x323: {  	s2 =	simm.s32 $0x0;
	[sflag:s28] =	ssyncadd.s32 $0xFFFFF800  }
0x324: {  	v1 =	vld [tilespmem:s2+$0x18770]  }
0x325: {  	v2 =	vld [tilespmem:s2+$0x18700]  }
0x326: {  	v3 =	vld [tilespmem:s2+$0x18710]  }
0x327: {  	v4 =	vld [tilespmem:s2+$0x18720]  }
0x328: {  	v5 =	vld [tilespmem:s2+$0x18730]  }
0x329: {  	v6 =	vld [tilespmem:s2+$0x18740]  }
0x32a: {  	v7 =	vld [tilespmem:s2+$0x18750]  }
0x32b: {  	v8 =	vld [tilespmem:s2+$0x18760]  }
0x32c: {  	v1 =	vld.idx.msk [tilespmem:v1+s3+$0x0], $0xffff  }
0x32d: {  	v2 =	vld.idx.msk [tilespmem:v2+s3+$0x0], $0xffff  }
0x32e: {  	v3 =	vld.idx.msk [tilespmem:v3+s3+$0x0], $0xffff  }
0x32f: {  	v4 =	vld.idx.msk [tilespmem:v4+s3+$0x0], $0xffff  }
0x330: {  	s11 =	sshll.u32 s5, $0xB;
	v5 =	vld.idx.msk [tilespmem:v5+s3+$0x0], $0xffff  }
0x331: {  	s2 =	sand.u32 $0x1800, s11;
	v6 =	vld.idx.msk [tilespmem:v6+s3+$0x0], $0xffff  }
0x332: {  	s10 =	sadd.s32 $0x1AF00, s2;
	v7 =	vld.idx.msk [tilespmem:v7+s3+$0x0], $0xffff  }
0x333: {  	s11 =	sadd.s32 $0x1CF00, s2;
	s12 =	sadd.s32 $0x0, s10;
	v8 =	vld.idx.msk [tilespmem:v8+s3+$0x0], $0xffff;
	v9 =	vand.u32 $0xFFFF0000, v1  }
0x334: {  	s18 =	sadd.s32 $0x0, s11;
	v1 =	vshll.u32 v1, $0x10;
	[tilespmem:s12+$0x70] =	vst.add.f32.msk $0xffff, v9  }
0x335: {  	[tilespmem:s18+$0x70] =	vst.add.f32.msk $0xffff, v1;
	v1 =	vand.u32 $0xFFFF0000, v2  }
0x336: {  	v2 =	vshll.u32 v2, $0x10;
	[tilespmem:s12+$0x0] =	vst.add.f32.msk $0xffff, v1  }
0x337: {  	v1 =	vand.u32 $0xFFFF0000, v3;
	[tilespmem:s18+$0x0] =	vst.add.f32.msk $0xffff, v2  }
0x338: {  	v2 =	vshll.u32 v3, $0x10;
	[tilespmem:s12+$0x10] =	vst.add.f32.msk $0xffff, v1  }
0x339: {  	v1 =	vand.u32 $0xFFFF0000, v4;
	[tilespmem:s18+$0x10] =	vst.add.f32.msk $0xffff, v2  }
0x33a: {  	v3 =	vand.u32 $0xFFFF0000, v8;
	[tilespmem:s12+$0x20] =	vst.add.f32.msk $0xffff, v1  }
0x33b: {  	v2 =	vshll.u32 v4, $0x10;
	[tilespmem:s12+$0x60] =	vst.add.f32.msk $0xffff, v3  }
0x33c: {  	v1 =	vand.u32 $0xFFFF0000, v5;
	[tilespmem:s18+$0x20] =	vst.add.f32.msk $0xffff, v2  }
0x33d: {  	v2 =	vshll.u32 v5, $0x10;
	[tilespmem:s12+$0x30] =	vst.add.f32.msk $0xffff, v1  }
0x33e: {  	v1 =	vand.u32 $0xFFFF0000, v6;
	[tilespmem:s18+$0x30] =	vst.add.f32.msk $0xffff, v2  }
0x33f: {  	s4 =	sshll.u32 s7, $0xB;
	s9 =	sshll.u32 s6, $0xB;
	s21 =	sshll.u32 s8, $0xB;
	v2 =	vshll.u32 v6, $0x10;
	[tilespmem:s12+$0x40] =	vst.add.f32.msk $0xffff, v1  }
0x340: {  	s4 =	sand.u32 $0x1800, s4;
	s17 =	sand.u32 $0x1800, s9;
	s15 =	sand.u32 $0x1800, s21;
	v1 =	vand.u32 $0xFFFF0000, v7;
	[tilespmem:s18+$0x40] =	vst.add.f32.msk $0xffff, v2  }
0x341: {  	s9 =	simm.s32 $0x0;
	s13 =	sadd.s32 $0x1CF00, s4;
	s14 =	sadd.s32 $0x1AF00, s4;
	v2 =	vshll.u32 v7, $0x10;
	[tilespmem:s12+$0x50] =	vst.add.f32.msk $0xffff, v1  }
0x342: {  	s16 =	sadd.s32 $0x1CF00, s17;
	s17 =	sadd.s32 $0x1AF00, s17;
	v1 =	vshll.u32 v8, $0x10;
	s12 =	simm.s32 $0x200;
	[tilespmem:s18+$0x50] =	vst.add.f32.msk $0xffff, v2  }
.LBB2_29:
0x343: {  	s2 =	sshra.s32 s12, $0x2;
	[tilespmem:s18+$0x60] =	vst.add.f32.msk $0xffff, v1  }
0x344: {  	s9 =	sadd.s32 $0x8, s9;
	v1 =	vld [tilespmem:s2+$0x18770]  }
0x345: {  	p0 =	slt.u32 s9, $0x78;
	v2 =	vld [tilespmem:s2+$0x18700]  }
0x346: {  	v3 =	vld [tilespmem:s2+$0x18710]  }
0x347: {  	v4 =	vld [tilespmem:s2+$0x18720]  }
0x348: {  	v5 =	vld [tilespmem:s2+$0x18730]  }
0x349: {  	v6 =	vld [tilespmem:s2+$0x18740]  }
0x34a: {  	v7 =	vld [tilespmem:s2+$0x18750]  }
0x34b: {  	v8 =	vld [tilespmem:s2+$0x18760]  }
0x34c: {  	v1 =	vld.idx.msk [tilespmem:v1+s3+$0x0], $0xffff  }
0x34d: {  	v2 =	vld.idx.msk [tilespmem:v2+s3+$0x0], $0xffff  }
0x34e: {  	v3 =	vld.idx.msk [tilespmem:v3+s3+$0x0], $0xffff  }
0x34f: {  	v4 =	vld.idx.msk [tilespmem:v4+s3+$0x0], $0xffff  }
0x350: {  	v5 =	vld.idx.msk [tilespmem:v5+s3+$0x0], $0xffff  }
0x351: {  	v6 =	vld.idx.msk [tilespmem:v6+s3+$0x0], $0xffff  }
0x352: {  	s4 =	sadd.s32 s2, s10;
	v9 =	vand.u32 $0xFFFF0000, v1;
	v7 =	vld.idx.msk [tilespmem:v7+s3+$0x0], $0xffff  }
0x353: {  	s18 =	sadd.s32 s2, s11;
	v1 =	vshll.u32 v1, $0x10;
	v10 =	vand.u32 $0xFFFF0000, v2;
	v2 =	vshll.u32 v2, $0x10;
	[tilespmem:s4+$0x70] =	vst.add.f32.msk $0xffff, v9  }
0x354: {  	v9 =	vand.u32 $0xFFFF0000, v3;
	v3 =	vshll.u32 v3, $0x10;
	[tilespmem:s18+$0x70] =	vst.add.f32.msk $0xffff, v1  }
0x355: {  	v1 =	vand.u32 $0xFFFF0000, v4;
	v4 =	vshll.u32 v4, $0x10;
	v8 =	vld.idx.msk [tilespmem:v8+s3+$0x0], $0xffff  }
0x356: {  	[tilespmem:s4+$0x0] =	vst.add.f32.msk $0xffff, v10;
	v10 =	vand.u32 $0xFFFF0000, v5;
	v5 =	vshll.u32 v5, $0x10  }
0x357: {  	[tilespmem:s18+$0x0] =	vst.add.f32.msk $0xffff, v2;
	v2 =	vand.u32 $0xFFFF0000, v6;
	v6 =	vshll.u32 v6, $0x10  }
0x358: {  	[tilespmem:s4+$0x10] =	vst.add.f32.msk $0xffff, v9;
	v9 =	vand.u32 $0xFFFF0000, v7;
	v7 =	vshll.u32 v7, $0x10  }
0x359: {  	[tilespmem:s18+$0x10] =	vst.add.f32.msk $0xffff, v3  }
0x35a: {  	[tilespmem:s4+$0x20] =	vst.add.f32.msk $0xffff, v1  }
0x35b: {  	v3 =	vand.u32 $0xFFFF0000, v8;
	v1 =	vshll.u32 v8, $0x10;
	[tilespmem:s18+$0x20] =	vst.add.f32.msk $0xffff, v4  }
0x35c: {  	[tilespmem:s4+$0x30] =	vst.add.f32.msk $0xffff, v10  }
0x35d: {  	[tilespmem:s18+$0x30] =	vst.add.f32.msk $0xffff, v5  }
.Ltmp13:
0x35e: {  	[tilespmem:s4+$0x40] =	vst.add.f32.msk $0xffff, v2;
	(pc) =	sbr.rel @p0 .LBB2_29-.Ltmp13, $4  }
0x35f: {  	[tilespmem:s18+$0x40] =	vst.add.f32.msk $0xffff, v6  }
0x360: {  	[tilespmem:s4+$0x50] =	vst.add.f32.msk $0xffff, v9  }
0x361: {  	[tilespmem:s18+$0x50] =	vst.add.f32.msk $0xffff, v7  }
0x362: {  	s12 =	sadd.s32 $0x200, s12;
	[tilespmem:s4+$0x60] =	vst.add.f32.msk $0xffff, v3  }
0x363: {  	s12 =	smul.u32 $0x5, s8;
	_ =	sdelay $0x1  }
0x364: {  	s2 =	sadd.s32 $0x5, s12  }
0x365: {  	s4 =	sshll.u32 s2, $0xC;
	s9 =	sshll.u32 s2, $0xE  }
0x366: {  	s2 =	sshll.u32 s2, $0x5;
	s4 =	sand.u32 $0xE0000, s4;
	s9 =	sand.u32 $0xC000, s9  }
0x367: {  	s2 =	sand.u32 $0x380, s2;
	s4 =	sor.u32 s4, s9  }
0x368: {  	s2 =	sor.u32 s2, s4  }
0x369: {  	s2 =	sor.u32 $0x10000, s2  }
0x36a: {  	s2 =	sshrl.u32 s2, $0x3  }
0x36b: {  	[tilespmem:s18+$0x60] =	vst.add.f32.msk $0xffff, v1;
	s2 =	sadd.s32 s1, s2  }
0x36c: {  	[tilespmem:s22], [sflag:$0x2] =	stream.strided.gather [hbm4b:s2+s19], $0x800, s20, s19, $0x38;
	[tilespmem:$0x1EF00] =	vst v63  }
0x36d: {  	_ =	swait.ge [sflag:s29], $0x800  }
0x36e: {  	[sflag:s29] =	ssyncset.done $0x0  }
0x36f: {  	s18 =	simm.s32 $0x0;
	[sflag:s29] =	ssyncadd.s32 $0xFFFFF800  }
0x370: {  	v1 =	vld [tilespmem:s18+$0x18F70]  }
0x371: {  	v2 =	vld [tilespmem:s18+$0x18F00]  }
0x372: {  	v3 =	vld [tilespmem:s18+$0x18F10]  }
0x373: {  	v4 =	vld [tilespmem:s18+$0x18F20]  }
0x374: {  	v5 =	vld [tilespmem:s18+$0x18F30]  }
0x375: {  	v6 =	vld [tilespmem:s18+$0x18F40]  }
0x376: {  	v7 =	vld [tilespmem:s18+$0x18F50]  }
0x377: {  	v8 =	vld [tilespmem:s18+$0x18F60]  }
0x378: {  	v1 =	vld.idx.msk [tilespmem:v1+s3+$0x0], $0xffff  }
0x379: {  	v2 =	vld.idx.msk [tilespmem:v2+s3+$0x0], $0xffff  }
0x37a: {  	v3 =	vld.idx.msk [tilespmem:v3+s3+$0x0], $0xffff  }
0x37b: {  	v4 =	vld.idx.msk [tilespmem:v4+s3+$0x0], $0xffff  }
0x37c: {  	v5 =	vld.idx.msk [tilespmem:v5+s3+$0x0], $0xffff  }
0x37d: {  	v6 =	vld.idx.msk [tilespmem:v6+s3+$0x0], $0xffff  }
0x37e: {  	v7 =	vld.idx.msk [tilespmem:v7+s3+$0x0], $0xffff  }
0x37f: {  	s21 =	sadd.s32 $0x0, s17;
	v8 =	vld.idx.msk [tilespmem:v8+s3+$0x0], $0xffff;
	v9 =	vand.u32 $0xFFFF0000, v1  }
0x380: {  	s18 =	sadd.s32 $0x0, s16;
	v1 =	vshll.u32 v1, $0x10;
	[tilespmem:s21+$0x70] =	vst.add.f32.msk $0xffff, v9  }
0x381: {  	[tilespmem:s18+$0x70] =	vst.add.f32.msk $0xffff, v1;
	v1 =	vand.u32 $0xFFFF0000, v2  }
0x382: {  	v2 =	vshll.u32 v2, $0x10;
	[tilespmem:s21+$0x0] =	vst.add.f32.msk $0xffff, v1  }
0x383: {  	v1 =	vand.u32 $0xFFFF0000, v3;
	[tilespmem:s18+$0x0] =	vst.add.f32.msk $0xffff, v2  }
0x384: {  	v2 =	vshll.u32 v3, $0x10;
	[tilespmem:s21+$0x10] =	vst.add.f32.msk $0xffff, v1  }
0x385: {  	v1 =	vand.u32 $0xFFFF0000, v4;
	[tilespmem:s18+$0x10] =	vst.add.f32.msk $0xffff, v2  }
0x386: {  	v3 =	vand.u32 $0xFFFF0000, v8;
	[tilespmem:s21+$0x20] =	vst.add.f32.msk $0xffff, v1  }
0x387: {  	v2 =	vshll.u32 v4, $0x10;
	[tilespmem:s21+$0x60] =	vst.add.f32.msk $0xffff, v3  }
0x388: {  	v1 =	vand.u32 $0xFFFF0000, v5;
	[tilespmem:s18+$0x20] =	vst.add.f32.msk $0xffff, v2  }
0x389: {  	v2 =	vshll.u32 v5, $0x10;
	[tilespmem:s21+$0x30] =	vst.add.f32.msk $0xffff, v1  }
0x38a: {  	v1 =	vand.u32 $0xFFFF0000, v6;
	[tilespmem:s18+$0x30] =	vst.add.f32.msk $0xffff, v2  }
0x38b: {  	v2 =	vshll.u32 v6, $0x10;
	[tilespmem:s21+$0x40] =	vst.add.f32.msk $0xffff, v1  }
0x38c: {  	v1 =	vand.u32 $0xFFFF0000, v7;
	[tilespmem:s18+$0x40] =	vst.add.f32.msk $0xffff, v2  }
0x38d: {  	v2 =	vshll.u32 v7, $0x10;
	[tilespmem:s21+$0x50] =	vst.add.f32.msk $0xffff, v1  }
0x38e: {  	s9 =	simm.s32 $0x0;
	v1 =	vshll.u32 v8, $0x10;
	s21 =	simm.s32 $0x200;
	[tilespmem:s18+$0x50] =	vst.add.f32.msk $0xffff, v2  }
.LBB2_31:
0x38f: {  	s2 =	sshra.s32 s21, $0x2;
	[tilespmem:s18+$0x60] =	vst.add.f32.msk $0xffff, v1  }
0x390: {  	s9 =	sadd.s32 $0x8, s9;
	v1 =	vld [tilespmem:s2+$0x18F70]  }
0x391: {  	p0 =	slt.u32 s9, $0x78;
	v2 =	vld [tilespmem:s2+$0x18F00]  }
0x392: {  	v3 =	vld [tilespmem:s2+$0x18F10]  }
0x393: {  	v4 =	vld [tilespmem:s2+$0x18F20]  }
0x394: {  	v5 =	vld [tilespmem:s2+$0x18F30]  }
0x395: {  	v6 =	vld [tilespmem:s2+$0x18F40]  }
0x396: {  	v7 =	vld [tilespmem:s2+$0x18F50]  }
0x397: {  	v8 =	vld [tilespmem:s2+$0x18F60]  }
0x398: {  	v1 =	vld.idx.msk [tilespmem:v1+s3+$0x0], $0xffff  }
0x399: {  	v2 =	vld.idx.msk [tilespmem:v2+s3+$0x0], $0xffff  }
0x39a: {  	v3 =	vld.idx.msk [tilespmem:v3+s3+$0x0], $0xffff  }
0x39b: {  	v4 =	vld.idx.msk [tilespmem:v4+s3+$0x0], $0xffff  }
0x39c: {  	v5 =	vld.idx.msk [tilespmem:v5+s3+$0x0], $0xffff  }
0x39d: {  	v6 =	vld.idx.msk [tilespmem:v6+s3+$0x0], $0xffff  }
0x39e: {  	s4 =	sadd.s32 s2, s17;
	v9 =	vand.u32 $0xFFFF0000, v1;
	v7 =	vld.idx.msk [tilespmem:v7+s3+$0x0], $0xffff  }
0x39f: {  	s18 =	sadd.s32 s2, s16;
	v1 =	vshll.u32 v1, $0x10;
	v10 =	vand.u32 $0xFFFF0000, v2;
	v2 =	vshll.u32 v2, $0x10;
	[tilespmem:s4+$0x70] =	vst.add.f32.msk $0xffff, v9  }
0x3a0: {  	v9 =	vand.u32 $0xFFFF0000, v3;
	v3 =	vshll.u32 v3, $0x10;
	[tilespmem:s18+$0x70] =	vst.add.f32.msk $0xffff, v1  }
0x3a1: {  	v1 =	vand.u32 $0xFFFF0000, v4;
	v4 =	vshll.u32 v4, $0x10;
	v8 =	vld.idx.msk [tilespmem:v8+s3+$0x0], $0xffff  }
0x3a2: {  	[tilespmem:s4+$0x0] =	vst.add.f32.msk $0xffff, v10;
	v10 =	vand.u32 $0xFFFF0000, v5;
	v5 =	vshll.u32 v5, $0x10  }
0x3a3: {  	[tilespmem:s18+$0x0] =	vst.add.f32.msk $0xffff, v2;
	v2 =	vand.u32 $0xFFFF0000, v6;
	v6 =	vshll.u32 v6, $0x10  }
0x3a4: {  	[tilespmem:s4+$0x10] =	vst.add.f32.msk $0xffff, v9;
	v9 =	vand.u32 $0xFFFF0000, v7;
	v7 =	vshll.u32 v7, $0x10  }
0x3a5: {  	[tilespmem:s18+$0x10] =	vst.add.f32.msk $0xffff, v3  }
0x3a6: {  	[tilespmem:s4+$0x20] =	vst.add.f32.msk $0xffff, v1  }
0x3a7: {  	v3 =	vand.u32 $0xFFFF0000, v8;
	v1 =	vshll.u32 v8, $0x10;
	[tilespmem:s18+$0x20] =	vst.add.f32.msk $0xffff, v4  }
0x3a8: {  	[tilespmem:s4+$0x30] =	vst.add.f32.msk $0xffff, v10  }
0x3a9: {  	[tilespmem:s18+$0x30] =	vst.add.f32.msk $0xffff, v5  }
.Ltmp14:
0x3aa: {  	[tilespmem:s4+$0x40] =	vst.add.f32.msk $0xffff, v2;
	(pc) =	sbr.rel @p0 .LBB2_31-.Ltmp14, $4  }
0x3ab: {  	[tilespmem:s18+$0x40] =	vst.add.f32.msk $0xffff, v6  }
0x3ac: {  	[tilespmem:s4+$0x50] =	vst.add.f32.msk $0xffff, v9  }
0x3ad: {  	[tilespmem:s18+$0x50] =	vst.add.f32.msk $0xffff, v7  }
0x3ae: {  	s21 =	sadd.s32 $0x200, s21;
	[tilespmem:s4+$0x60] =	vst.add.f32.msk $0xffff, v3  }
0x3af: {  	s2 =	sadd.s32 $0x6, s12  }
0x3b0: {  	s4 =	sshll.u32 s2, $0xC;
	s9 =	sshll.u32 s2, $0xE  }
0x3b1: {  	s2 =	sshll.u32 s2, $0x5;
	s4 =	sand.u32 $0xE0000, s4;
	s9 =	sand.u32 $0xC000, s9  }
0x3b2: {  	s2 =	sand.u32 $0x380, s2;
	s4 =	sor.u32 s4, s9  }
0x3b3: {  	s2 =	sor.u32 s2, s4  }
0x3b4: {  	s2 =	sor.u32 $0x10000, s2  }
0x3b5: {  	s2 =	sshrl.u32 s2, $0x3  }
0x3b6: {  	[tilespmem:s18+$0x60] =	vst.add.f32.msk $0xffff, v1;
	s2 =	sadd.s32 s1, s2  }
0x3b7: {  	[tilespmem:s23], [sflag:$0x3] =	stream.strided.gather [hbm4b:s2+s19], $0x800, s20, s19, $0x38;
	[tilespmem:$0x1EF00] =	vst v63  }
0x3b8: {  	_ =	swait.ge [sflag:s30], $0x800  }
0x3b9: {  	[sflag:s30] =	ssyncset.done $0x0  }
0x3ba: {  	s17 =	simm.s32 $0x0;
	[sflag:s30] =	ssyncadd.s32 $0xFFFFF800  }
0x3bb: {  	v1 =	vld [tilespmem:s17+$0x19770]  }
0x3bc: {  	v2 =	vld [tilespmem:s17+$0x19700]  }
0x3bd: {  	v3 =	vld [tilespmem:s17+$0x19710]  }
0x3be: {  	v4 =	vld [tilespmem:s17+$0x19720]  }
0x3bf: {  	v5 =	vld [tilespmem:s17+$0x19730]  }
0x3c0: {  	v6 =	vld [tilespmem:s17+$0x19740]  }
0x3c1: {  	v7 =	vld [tilespmem:s17+$0x19750]  }
0x3c2: {  	v8 =	vld [tilespmem:s17+$0x19760]  }
0x3c3: {  	v1 =	vld.idx.msk [tilespmem:v1+s3+$0x0], $0xffff  }
0x3c4: {  	v2 =	vld.idx.msk [tilespmem:v2+s3+$0x0], $0xffff  }
0x3c5: {  	v3 =	vld.idx.msk [tilespmem:v3+s3+$0x0], $0xffff  }
0x3c6: {  	v4 =	vld.idx.msk [tilespmem:v4+s3+$0x0], $0xffff  }
0x3c7: {  	v5 =	vld.idx.msk [tilespmem:v5+s3+$0x0], $0xffff  }
0x3c8: {  	s18 =	sxor.u32 $0x1000, s15;
	v6 =	vld.idx.msk [tilespmem:v6+s3+$0x0], $0xffff  }
0x3c9: {  	s15 =	sadd.s32 $0x1AF00, s18;
	v7 =	vld.idx.msk [tilespmem:v7+s3+$0x0], $0xffff  }
0x3ca: {  	s16 =	sadd.s32 $0x1CF00, s18;
	s21 =	sadd.s32 $0x0, s15;
	v8 =	vld.idx.msk [tilespmem:v8+s3+$0x0], $0xffff;
	v9 =	vand.u32 $0xFFFF0000, v1  }
0x3cb: {  	s17 =	sadd.s32 $0x0, s16;
	v1 =	vshll.u32 v1, $0x10;
	[tilespmem:s21+$0x70] =	vst.add.f32.msk $0xffff, v9  }
0x3cc: {  	[tilespmem:s17+$0x70] =	vst.add.f32.msk $0xffff, v1;
	v1 =	vand.u32 $0xFFFF0000, v2  }
0x3cd: {  	v2 =	vshll.u32 v2, $0x10;
	[tilespmem:s21+$0x0] =	vst.add.f32.msk $0xffff, v1  }
0x3ce: {  	v1 =	vand.u32 $0xFFFF0000, v3;
	[tilespmem:s17+$0x0] =	vst.add.f32.msk $0xffff, v2  }
0x3cf: {  	v2 =	vshll.u32 v3, $0x10;
	[tilespmem:s21+$0x10] =	vst.add.f32.msk $0xffff, v1  }
0x3d0: {  	v1 =	vand.u32 $0xFFFF0000, v4;
	[tilespmem:s17+$0x10] =	vst.add.f32.msk $0xffff, v2  }
0x3d1: {  	v3 =	vand.u32 $0xFFFF0000, v8;
	[tilespmem:s21+$0x20] =	vst.add.f32.msk $0xffff, v1  }
0x3d2: {  	v2 =	vshll.u32 v4, $0x10;
	[tilespmem:s21+$0x60] =	vst.add.f32.msk $0xffff, v3  }
0x3d3: {  	v1 =	vand.u32 $0xFFFF0000, v5;
	[tilespmem:s17+$0x20] =	vst.add.f32.msk $0xffff, v2  }
0x3d4: {  	v2 =	vshll.u32 v5, $0x10;
	[tilespmem:s21+$0x30] =	vst.add.f32.msk $0xffff, v1  }
0x3d5: {  	v1 =	vand.u32 $0xFFFF0000, v6;
	[tilespmem:s17+$0x30] =	vst.add.f32.msk $0xffff, v2  }
0x3d6: {  	v2 =	vshll.u32 v6, $0x10;
	[tilespmem:s21+$0x40] =	vst.add.f32.msk $0xffff, v1  }
0x3d7: {  	v1 =	vand.u32 $0xFFFF0000, v7;
	[tilespmem:s17+$0x40] =	vst.add.f32.msk $0xffff, v2  }
0x3d8: {  	v2 =	vshll.u32 v7, $0x10;
	[tilespmem:s21+$0x50] =	vst.add.f32.msk $0xffff, v1  }
0x3d9: {  	s18 =	simm.s32 $0x200;
	s9 =	simm.s32 $0x0;
	v1 =	vshll.u32 v8, $0x10;
	[tilespmem:s17+$0x50] =	vst.add.f32.msk $0xffff, v2  }
.LBB2_33:
0x3da: {  	s2 =	sshra.s32 s18, $0x2;
	[tilespmem:s17+$0x60] =	vst.add.f32.msk $0xffff, v1  }
0x3db: {  	s9 =	sadd.s32 $0x8, s9;
	v1 =	vld [tilespmem:s2+$0x19770]  }
0x3dc: {  	p0 =	slt.u32 s9, $0x78;
	v2 =	vld [tilespmem:s2+$0x19700]  }
0x3dd: {  	v3 =	vld [tilespmem:s2+$0x19710]  }
0x3de: {  	v4 =	vld [tilespmem:s2+$0x19720]  }
0x3df: {  	v5 =	vld [tilespmem:s2+$0x19730]  }
0x3e0: {  	v6 =	vld [tilespmem:s2+$0x19740]  }
0x3e1: {  	v7 =	vld [tilespmem:s2+$0x19750]  }
0x3e2: {  	v8 =	vld [tilespmem:s2+$0x19760]  }
0x3e3: {  	v1 =	vld.idx.msk [tilespmem:v1+s3+$0x0], $0xffff  }
0x3e4: {  	v2 =	vld.idx.msk [tilespmem:v2+s3+$0x0], $0xffff  }
0x3e5: {  	v3 =	vld.idx.msk [tilespmem:v3+s3+$0x0], $0xffff  }
0x3e6: {  	v4 =	vld.idx.msk [tilespmem:v4+s3+$0x0], $0xffff  }
0x3e7: {  	v5 =	vld.idx.msk [tilespmem:v5+s3+$0x0], $0xffff  }
0x3e8: {  	v6 =	vld.idx.msk [tilespmem:v6+s3+$0x0], $0xffff  }
0x3e9: {  	s4 =	sadd.s32 s2, s15;
	v9 =	vand.u32 $0xFFFF0000, v1;
	v7 =	vld.idx.msk [tilespmem:v7+s3+$0x0], $0xffff  }
0x3ea: {  	s17 =	sadd.s32 s2, s16;
	v1 =	vshll.u32 v1, $0x10;
	v10 =	vand.u32 $0xFFFF0000, v2;
	v2 =	vshll.u32 v2, $0x10;
	[tilespmem:s4+$0x70] =	vst.add.f32.msk $0xffff, v9  }
0x3eb: {  	v9 =	vand.u32 $0xFFFF0000, v3;
	v3 =	vshll.u32 v3, $0x10;
	[tilespmem:s17+$0x70] =	vst.add.f32.msk $0xffff, v1  }
0x3ec: {  	v1 =	vand.u32 $0xFFFF0000, v4;
	v4 =	vshll.u32 v4, $0x10;
	v8 =	vld.idx.msk [tilespmem:v8+s3+$0x0], $0xffff  }
0x3ed: {  	[tilespmem:s4+$0x0] =	vst.add.f32.msk $0xffff, v10;
	v10 =	vand.u32 $0xFFFF0000, v5;
	v5 =	vshll.u32 v5, $0x10  }
0x3ee: {  	[tilespmem:s17+$0x0] =	vst.add.f32.msk $0xffff, v2;
	v2 =	vand.u32 $0xFFFF0000, v6;
	v6 =	vshll.u32 v6, $0x10  }
0x3ef: {  	[tilespmem:s4+$0x10] =	vst.add.f32.msk $0xffff, v9;
	v9 =	vand.u32 $0xFFFF0000, v7;
	v7 =	vshll.u32 v7, $0x10  }
0x3f0: {  	[tilespmem:s17+$0x10] =	vst.add.f32.msk $0xffff, v3  }
0x3f1: {  	[tilespmem:s4+$0x20] =	vst.add.f32.msk $0xffff, v1  }
0x3f2: {  	v3 =	vand.u32 $0xFFFF0000, v8;
	v1 =	vshll.u32 v8, $0x10;
	[tilespmem:s17+$0x20] =	vst.add.f32.msk $0xffff, v4  }
0x3f3: {  	[tilespmem:s4+$0x30] =	vst.add.f32.msk $0xffff, v10  }
0x3f4: {  	[tilespmem:s17+$0x30] =	vst.add.f32.msk $0xffff, v5  }
.Ltmp15:
0x3f5: {  	[tilespmem:s4+$0x40] =	vst.add.f32.msk $0xffff, v2;
	(pc) =	sbr.rel @p0 .LBB2_33-.Ltmp15, $4  }
0x3f6: {  	[tilespmem:s17+$0x40] =	vst.add.f32.msk $0xffff, v6  }
0x3f7: {  	[tilespmem:s4+$0x50] =	vst.add.f32.msk $0xffff, v9  }
0x3f8: {  	[tilespmem:s17+$0x50] =	vst.add.f32.msk $0xffff, v7  }
0x3f9: {  	s18 =	sadd.s32 $0x200, s18;
	[tilespmem:s4+$0x60] =	vst.add.f32.msk $0xffff, v3  }
0x3fa: {  	s2 =	sadd.s32 $0x7, s12  }
0x3fb: {  	s4 =	sshll.u32 s2, $0xC;
	s9 =	sshll.u32 s2, $0xE  }
0x3fc: {  	s2 =	sshll.u32 s2, $0x5;
	s4 =	sand.u32 $0xE0000, s4;
	s9 =	sand.u32 $0xC000, s9  }
0x3fd: {  	s2 =	sand.u32 $0x380, s2;
	s4 =	sor.u32 s4, s9  }
0x3fe: {  	s2 =	sor.u32 s2, s4  }
0x3ff: {  	s2 =	sor.u32 $0x10000, s2  }
0x400: {  	s2 =	sshrl.u32 s2, $0x3  }
0x401: {  	[tilespmem:s17+$0x60] =	vst.add.f32.msk $0xffff, v1;
	s2 =	sadd.s32 s1, s2  }
0x402: {  	[tilespmem:s24], [sflag:$0x4] =	stream.strided.gather [hbm4b:s2+s19], $0x800, s20, s19, $0x38;
	[tilespmem:$0x1EF00] =	vst v63  }
0x403: {  	_ =	swait.ge [sflag:s31], $0x800  }
0x404: {  	[sflag:s31] =	ssyncset.done $0x0  }
0x405: {  	s18 =	simm.s32 $0x0;
	[sflag:s31] =	ssyncadd.s32 $0xFFFFF800  }
0x406: {  	v1 =	vld [tilespmem:s18+$0x19F70]  }
0x407: {  	v2 =	vld [tilespmem:s18+$0x19F00]  }
0x408: {  	v3 =	vld [tilespmem:s18+$0x19F10]  }
0x409: {  	v4 =	vld [tilespmem:s18+$0x19F20]  }
0x40a: {  	v5 =	vld [tilespmem:s18+$0x19F30]  }
0x40b: {  	v6 =	vld [tilespmem:s18+$0x19F40]  }
0x40c: {  	v7 =	vld [tilespmem:s18+$0x19F50]  }
0x40d: {  	v8 =	vld [tilespmem:s18+$0x19F60]  }
0x40e: {  	v1 =	vld.idx.msk [tilespmem:v1+s3+$0x0], $0xffff  }
0x40f: {  	v2 =	vld.idx.msk [tilespmem:v2+s3+$0x0], $0xffff  }
0x410: {  	v3 =	vld.idx.msk [tilespmem:v3+s3+$0x0], $0xffff  }
0x411: {  	v4 =	vld.idx.msk [tilespmem:v4+s3+$0x0], $0xffff  }
0x412: {  	v5 =	vld.idx.msk [tilespmem:v5+s3+$0x0], $0xffff  }
0x413: {  	v6 =	vld.idx.msk [tilespmem:v6+s3+$0x0], $0xffff  }
0x414: {  	v7 =	vld.idx.msk [tilespmem:v7+s3+$0x0], $0xffff  }
0x415: {  	s21 =	sadd.s32 $0x0, s14;
	v8 =	vld.idx.msk [tilespmem:v8+s3+$0x0], $0xffff;
	v9 =	vand.u32 $0xFFFF0000, v1  }
0x416: {  	s15 =	sadd.s32 $0x0, s13;
	v1 =	vshll.u32 v1, $0x10;
	[tilespmem:s21+$0x70] =	vst.add.f32.msk $0xffff, v9  }
0x417: {  	[tilespmem:s15+$0x70] =	vst.add.f32.msk $0xffff, v1;
	v1 =	vand.u32 $0xFFFF0000, v2  }
0x418: {  	v2 =	vshll.u32 v2, $0x10;
	[tilespmem:s21+$0x0] =	vst.add.f32.msk $0xffff, v1  }
0x419: {  	v1 =	vand.u32 $0xFFFF0000, v3;
	[tilespmem:s15+$0x0] =	vst.add.f32.msk $0xffff, v2  }
0x41a: {  	v2 =	vshll.u32 v3, $0x10;
	[tilespmem:s21+$0x10] =	vst.add.f32.msk $0xffff, v1  }
0x41b: {  	v1 =	vand.u32 $0xFFFF0000, v4;
	[tilespmem:s15+$0x10] =	vst.add.f32.msk $0xffff, v2  }
0x41c: {  	v3 =	vand.u32 $0xFFFF0000, v8;
	[tilespmem:s21+$0x20] =	vst.add.f32.msk $0xffff, v1  }
0x41d: {  	v2 =	vshll.u32 v4, $0x10;
	[tilespmem:s21+$0x60] =	vst.add.f32.msk $0xffff, v3  }
0x41e: {  	v1 =	vand.u32 $0xFFFF0000, v5;
	[tilespmem:s15+$0x20] =	vst.add.f32.msk $0xffff, v2  }
0x41f: {  	v2 =	vshll.u32 v5, $0x10;
	[tilespmem:s21+$0x30] =	vst.add.f32.msk $0xffff, v1  }
0x420: {  	v1 =	vand.u32 $0xFFFF0000, v6;
	[tilespmem:s15+$0x30] =	vst.add.f32.msk $0xffff, v2  }
0x421: {  	v2 =	vshll.u32 v6, $0x10;
	[tilespmem:s21+$0x40] =	vst.add.f32.msk $0xffff, v1  }
0x422: {  	v1 =	vand.u32 $0xFFFF0000, v7;
	[tilespmem:s15+$0x40] =	vst.add.f32.msk $0xffff, v2  }
0x423: {  	v2 =	vshll.u32 v7, $0x10;
	[tilespmem:s21+$0x50] =	vst.add.f32.msk $0xffff, v1  }
0x424: {  	s16 =	simm.s32 $0x200;
	s9 =	simm.s32 $0x0;
	v1 =	vshll.u32 v8, $0x10;
	[tilespmem:s15+$0x50] =	vst.add.f32.msk $0xffff, v2  }
.LBB2_35:
0x425: {  	s2 =	sshra.s32 s16, $0x2;
	[tilespmem:s15+$0x60] =	vst.add.f32.msk $0xffff, v1  }
0x426: {  	s9 =	sadd.s32 $0x8, s9;
	v1 =	vld [tilespmem:s2+$0x19F70]  }
0x427: {  	p0 =	slt.u32 s9, $0x78;
	v2 =	vld [tilespmem:s2+$0x19F00]  }
0x428: {  	v3 =	vld [tilespmem:s2+$0x19F10]  }
0x429: {  	v4 =	vld [tilespmem:s2+$0x19F20]  }
0x42a: {  	v5 =	vld [tilespmem:s2+$0x19F30]  }
0x42b: {  	v6 =	vld [tilespmem:s2+$0x19F40]  }
0x42c: {  	v7 =	vld [tilespmem:s2+$0x19F50]  }
0x42d: {  	v8 =	vld [tilespmem:s2+$0x19F60]  }
0x42e: {  	v1 =	vld.idx.msk [tilespmem:v1+s3+$0x0], $0xffff  }
0x42f: {  	v2 =	vld.idx.msk [tilespmem:v2+s3+$0x0], $0xffff  }
0x430: {  	v3 =	vld.idx.msk [tilespmem:v3+s3+$0x0], $0xffff  }
0x431: {  	v4 =	vld.idx.msk [tilespmem:v4+s3+$0x0], $0xffff  }
0x432: {  	v5 =	vld.idx.msk [tilespmem:v5+s3+$0x0], $0xffff  }
0x433: {  	v6 =	vld.idx.msk [tilespmem:v6+s3+$0x0], $0xffff  }
0x434: {  	s4 =	sadd.s32 s2, s14;
	v9 =	vand.u32 $0xFFFF0000, v1;
	v7 =	vld.idx.msk [tilespmem:v7+s3+$0x0], $0xffff  }
0x435: {  	s15 =	sadd.s32 s2, s13;
	v1 =	vshll.u32 v1, $0x10;
	v10 =	vand.u32 $0xFFFF0000, v2;
	v2 =	vshll.u32 v2, $0x10;
	[tilespmem:s4+$0x70] =	vst.add.f32.msk $0xffff, v9  }
0x436: {  	v9 =	vand.u32 $0xFFFF0000, v3;
	v3 =	vshll.u32 v3, $0x10;
	[tilespmem:s15+$0x70] =	vst.add.f32.msk $0xffff, v1  }
0x437: {  	v1 =	vand.u32 $0xFFFF0000, v4;
	v4 =	vshll.u32 v4, $0x10;
	v8 =	vld.idx.msk [tilespmem:v8+s3+$0x0], $0xffff  }
0x438: {  	[tilespmem:s4+$0x0] =	vst.add.f32.msk $0xffff, v10;
	v10 =	vand.u32 $0xFFFF0000, v5;
	v5 =	vshll.u32 v5, $0x10  }
0x439: {  	[tilespmem:s15+$0x0] =	vst.add.f32.msk $0xffff, v2;
	v2 =	vand.u32 $0xFFFF0000, v6;
	v6 =	vshll.u32 v6, $0x10  }
0x43a: {  	[tilespmem:s4+$0x10] =	vst.add.f32.msk $0xffff, v9;
	v9 =	vand.u32 $0xFFFF0000, v7;
	v7 =	vshll.u32 v7, $0x10  }
0x43b: {  	[tilespmem:s15+$0x10] =	vst.add.f32.msk $0xffff, v3  }
0x43c: {  	[tilespmem:s4+$0x20] =	vst.add.f32.msk $0xffff, v1  }
0x43d: {  	v3 =	vand.u32 $0xFFFF0000, v8;
	v1 =	vshll.u32 v8, $0x10;
	[tilespmem:s15+$0x20] =	vst.add.f32.msk $0xffff, v4  }
0x43e: {  	[tilespmem:s4+$0x30] =	vst.add.f32.msk $0xffff, v10  }
0x43f: {  	[tilespmem:s15+$0x30] =	vst.add.f32.msk $0xffff, v5  }
.Ltmp16:
0x440: {  	[tilespmem:s4+$0x40] =	vst.add.f32.msk $0xffff, v2;
	(pc) =	sbr.rel @p0 .LBB2_35-.Ltmp16, $4  }
0x441: {  	[tilespmem:s15+$0x40] =	vst.add.f32.msk $0xffff, v6  }
0x442: {  	[tilespmem:s4+$0x50] =	vst.add.f32.msk $0xffff, v9  }
0x443: {  	[tilespmem:s15+$0x50] =	vst.add.f32.msk $0xffff, v7  }
0x444: {  	s16 =	sadd.s32 $0x200, s16;
	[tilespmem:s4+$0x60] =	vst.add.f32.msk $0xffff, v3  }
0x445: {  	s2 =	sadd.s32 $0x8, s12  }
0x446: {  	s4 =	sshll.u32 s2, $0xC;
	s9 =	sshll.u32 s2, $0xE  }
0x447: {  	s2 =	sshll.u32 s2, $0x5;
	s4 =	sand.u32 $0xE0000, s4;
	s9 =	sand.u32 $0xC000, s9  }
0x448: {  	s2 =	sand.u32 $0x380, s2;
	s4 =	sor.u32 s4, s9  }
0x449: {  	s2 =	sor.u32 s2, s4  }
0x44a: {  	s2 =	sor.u32 $0x10000, s2  }
0x44b: {  	s2 =	sshrl.u32 s2, $0x3  }
0x44c: {  	[tilespmem:s15+$0x60] =	vst.add.f32.msk $0xffff, v1;
	s2 =	sadd.s32 s1, s2  }
0x44d: {  	[tilespmem:s25], [sflag:$0x5] =	stream.strided.gather [hbm4b:s2+s19], $0x800, s20, s19, $0x38;
	[tilespmem:$0x1EF00] =	vst v63  }
0x44e: {  	_ =	swait.ge [sflag:s0], $0x800  }
0x44f: {  	[sflag:s0] =	ssyncset.done $0x0  }
0x450: {  	s18 =	simm.s32 $0x0;
	[sflag:s0] =	ssyncadd.s32 $0xFFFFF800  }
0x451: {  	v1 =	vld [tilespmem:s18+$0x1A770]  }
0x452: {  	v2 =	vld [tilespmem:s18+$0x1A700]  }
0x453: {  	v3 =	vld [tilespmem:s18+$0x1A710]  }
0x454: {  	v4 =	vld [tilespmem:s18+$0x1A720]  }
0x455: {  	v5 =	vld [tilespmem:s18+$0x1A730]  }
0x456: {  	v6 =	vld [tilespmem:s18+$0x1A740]  }
0x457: {  	v7 =	vld [tilespmem:s18+$0x1A750]  }
0x458: {  	v8 =	vld [tilespmem:s18+$0x1A760]  }
0x459: {  	v1 =	vld.idx.msk [tilespmem:v1+s3+$0x0], $0xffff  }
0x45a: {  	v2 =	vld.idx.msk [tilespmem:v2+s3+$0x0], $0xffff  }
0x45b: {  	v3 =	vld.idx.msk [tilespmem:v3+s3+$0x0], $0xffff  }
0x45c: {  	v4 =	vld.idx.msk [tilespmem:v4+s3+$0x0], $0xffff  }
0x45d: {  	v5 =	vld.idx.msk [tilespmem:v5+s3+$0x0], $0xffff  }
0x45e: {  	v6 =	vld.idx.msk [tilespmem:v6+s3+$0x0], $0xffff  }
0x45f: {  	v7 =	vld.idx.msk [tilespmem:v7+s3+$0x0], $0xffff  }
0x460: {  	s21 =	sadd.s32 $0x0, s10;
	v8 =	vld.idx.msk [tilespmem:v8+s3+$0x0], $0xffff;
	v9 =	vand.u32 $0xFFFF0000, v1  }
0x461: {  	s13 =	sadd.s32 $0x0, s11;
	v1 =	vshll.u32 v1, $0x10;
	[tilespmem:s21+$0x70] =	vst.add.f32.msk $0xffff, v9  }
0x462: {  	[tilespmem:s13+$0x70] =	vst.add.f32.msk $0xffff, v1;
	v1 =	vand.u32 $0xFFFF0000, v2  }
0x463: {  	v2 =	vshll.u32 v2, $0x10;
	[tilespmem:s21+$0x0] =	vst.add.f32.msk $0xffff, v1  }
0x464: {  	v1 =	vand.u32 $0xFFFF0000, v3;
	[tilespmem:s13+$0x0] =	vst.add.f32.msk $0xffff, v2  }
0x465: {  	v2 =	vshll.u32 v3, $0x10;
	[tilespmem:s21+$0x10] =	vst.add.f32.msk $0xffff, v1  }
0x466: {  	v1 =	vand.u32 $0xFFFF0000, v4;
	[tilespmem:s13+$0x10] =	vst.add.f32.msk $0xffff, v2  }
0x467: {  	v3 =	vand.u32 $0xFFFF0000, v8;
	[tilespmem:s21+$0x20] =	vst.add.f32.msk $0xffff, v1  }
0x468: {  	v2 =	vshll.u32 v4, $0x10;
	[tilespmem:s21+$0x60] =	vst.add.f32.msk $0xffff, v3  }
0x469: {  	v1 =	vand.u32 $0xFFFF0000, v5;
	[tilespmem:s13+$0x20] =	vst.add.f32.msk $0xffff, v2  }
0x46a: {  	v2 =	vshll.u32 v5, $0x10;
	[tilespmem:s21+$0x30] =	vst.add.f32.msk $0xffff, v1  }
0x46b: {  	v1 =	vand.u32 $0xFFFF0000, v6;
	[tilespmem:s13+$0x30] =	vst.add.f32.msk $0xffff, v2  }
0x46c: {  	v2 =	vshll.u32 v6, $0x10;
	[tilespmem:s21+$0x40] =	vst.add.f32.msk $0xffff, v1  }
0x46d: {  	v1 =	vand.u32 $0xFFFF0000, v7;
	[tilespmem:s13+$0x40] =	vst.add.f32.msk $0xffff, v2  }
0x46e: {  	v2 =	vshll.u32 v7, $0x10;
	[tilespmem:s21+$0x50] =	vst.add.f32.msk $0xffff, v1  }
0x46f: {  	s14 =	simm.s32 $0x200;
	s9 =	simm.s32 $0x0;
	v1 =	vshll.u32 v8, $0x10;
	[tilespmem:s13+$0x50] =	vst.add.f32.msk $0xffff, v2  }
.LBB2_37:
0x470: {  	s2 =	sshra.s32 s14, $0x2;
	[tilespmem:s13+$0x60] =	vst.add.f32.msk $0xffff, v1  }
0x471: {  	s9 =	sadd.s32 $0x8, s9;
	v1 =	vld [tilespmem:s2+$0x1A770]  }
0x472: {  	p0 =	slt.u32 s9, $0x78;
	v2 =	vld [tilespmem:s2+$0x1A700]  }
0x473: {  	v3 =	vld [tilespmem:s2+$0x1A710]  }
0x474: {  	v4 =	vld [tilespmem:s2+$0x1A720]  }
0x475: {  	v5 =	vld [tilespmem:s2+$0x1A730]  }
0x476: {  	v6 =	vld [tilespmem:s2+$0x1A740]  }
0x477: {  	v7 =	vld [tilespmem:s2+$0x1A750]  }
0x478: {  	v8 =	vld [tilespmem:s2+$0x1A760]  }
0x479: {  	v1 =	vld.idx.msk [tilespmem:v1+s3+$0x0], $0xffff  }
0x47a: {  	v2 =	vld.idx.msk [tilespmem:v2+s3+$0x0], $0xffff  }
0x47b: {  	v3 =	vld.idx.msk [tilespmem:v3+s3+$0x0], $0xffff  }
0x47c: {  	v4 =	vld.idx.msk [tilespmem:v4+s3+$0x0], $0xffff  }
0x47d: {  	v5 =	vld.idx.msk [tilespmem:v5+s3+$0x0], $0xffff  }
0x47e: {  	v6 =	vld.idx.msk [tilespmem:v6+s3+$0x0], $0xffff  }
0x47f: {  	s4 =	sadd.s32 s2, s10;
	v9 =	vand.u32 $0xFFFF0000, v1;
	v7 =	vld.idx.msk [tilespmem:v7+s3+$0x0], $0xffff  }
0x480: {  	s13 =	sadd.s32 s2, s11;
	v1 =	vshll.u32 v1, $0x10;
	v10 =	vand.u32 $0xFFFF0000, v2;
	v2 =	vshll.u32 v2, $0x10;
	[tilespmem:s4+$0x70] =	vst.add.f32.msk $0xffff, v9  }
0x481: {  	v9 =	vand.u32 $0xFFFF0000, v3;
	v3 =	vshll.u32 v3, $0x10;
	[tilespmem:s13+$0x70] =	vst.add.f32.msk $0xffff, v1  }
0x482: {  	v1 =	vand.u32 $0xFFFF0000, v4;
	v4 =	vshll.u32 v4, $0x10;
	v8 =	vld.idx.msk [tilespmem:v8+s3+$0x0], $0xffff  }
0x483: {  	[tilespmem:s4+$0x0] =	vst.add.f32.msk $0xffff, v10;
	v10 =	vand.u32 $0xFFFF0000, v5;
	v5 =	vshll.u32 v5, $0x10  }
0x484: {  	[tilespmem:s13+$0x0] =	vst.add.f32.msk $0xffff, v2;
	v2 =	vand.u32 $0xFFFF0000, v6;
	v6 =	vshll.u32 v6, $0x10  }
0x485: {  	[tilespmem:s4+$0x10] =	vst.add.f32.msk $0xffff, v9;
	v9 =	vand.u32 $0xFFFF0000, v7;
	v7 =	vshll.u32 v7, $0x10  }
0x486: {  	[tilespmem:s13+$0x10] =	vst.add.f32.msk $0xffff, v3  }
0x487: {  	[tilespmem:s4+$0x20] =	vst.add.f32.msk $0xffff, v1  }
0x488: {  	v3 =	vand.u32 $0xFFFF0000, v8;
	v1 =	vshll.u32 v8, $0x10;
	[tilespmem:s13+$0x20] =	vst.add.f32.msk $0xffff, v4  }
0x489: {  	[tilespmem:s4+$0x30] =	vst.add.f32.msk $0xffff, v10  }
0x48a: {  	[tilespmem:s13+$0x30] =	vst.add.f32.msk $0xffff, v5  }
.Ltmp17:
0x48b: {  	[tilespmem:s4+$0x40] =	vst.add.f32.msk $0xffff, v2;
	(pc) =	sbr.rel @p0 .LBB2_37-.Ltmp17, $4  }
0x48c: {  	[tilespmem:s13+$0x40] =	vst.add.f32.msk $0xffff, v6  }
0x48d: {  	[tilespmem:s4+$0x50] =	vst.add.f32.msk $0xffff, v9  }
0x48e: {  	[tilespmem:s13+$0x50] =	vst.add.f32.msk $0xffff, v7  }
0x48f: {  	s14 =	sadd.s32 $0x200, s14;
	[tilespmem:s4+$0x60] =	vst.add.f32.msk $0xffff, v3  }
0x490: {  	s2 =	sadd.s32 $0x9, s12  }
0x491: {  	s8 =	sadd.s32 $0x1, s8;
	s4 =	sshll.u32 s2, $0xC;
	s9 =	sshll.u32 s2, $0xE  }
0x492: {  	s2 =	sshll.u32 s2, $0x5;
	s4 =	sand.u32 $0xE0000, s4;
	s9 =	sand.u32 $0xC000, s9  }
0x493: {  	p0 =	sne.s32 s8, $0xF;
	s2 =	sand.u32 $0x380, s2;
	s4 =	sor.u32 s4, s9  }
.Ltmp18:
0x494: {  	s2 =	sor.u32 s2, s4;
	(pc) =	sbr.rel @p0 .LBB2_28-.Ltmp18, $4  }
0x495: {  	s2 =	sor.u32 $0x10000, s2  }
0x496: {  	s5 =	sadd.s32 $0x1, s5;
	s2 =	sshrl.u32 s2, $0x3  }
0x497: {  	[tilespmem:s13+$0x60] =	vst.add.f32.msk $0xffff, v1;
	s6 =	sadd.s32 $0x1, s6;
	s7 =	sadd.s32 $0x1, s7;
	s2 =	sadd.s32 s1, s2  }
0x498: {  	[tilespmem:s26], [sflag:$0x6] =	stream.strided.gather [hbm4b:s2+s19], $0x800, s20, s19, $0x38;
	[tilespmem:$0x1EF00] =	vst v63  }
0x499: {  	_ =	swait.ge [sflag:s28], $0x800  }
0x49a: {  	[sflag:s28] =	ssyncset.done $0x0  }
0x49b: {  	s5 =	simm.s32 $0x0;
	[sflag:s28] =	ssyncadd.s32 $0xFFFFF800  }
0x49c: {  	v1 =	vld [tilespmem:s5+$0x18770]  }
0x49d: {  	v2 =	vld [tilespmem:s5+$0x18700]  }
0x49e: {  	v3 =	vld [tilespmem:s5+$0x18710]  }
0x49f: {  	v4 =	vld [tilespmem:s5+$0x18720]  }
0x4a0: {  	v5 =	vld [tilespmem:s5+$0x18730]  }
0x4a1: {  	v6 =	vld [tilespmem:s5+$0x18740]  }
0x4a2: {  	v7 =	vld [tilespmem:s5+$0x18750]  }
0x4a3: {  	v8 =	vld [tilespmem:s5+$0x18760]  }
0x4a4: {  	v1 =	vld.idx.msk [tilespmem:v1+s3+$0x0], $0xffff  }
0x4a5: {  	v2 =	vld.idx.msk [tilespmem:v2+s3+$0x0], $0xffff  }
0x4a6: {  	v3 =	vld.idx.msk [tilespmem:v3+s3+$0x0], $0xffff  }
0x4a7: {  	v4 =	vld.idx.msk [tilespmem:v4+s3+$0x0], $0xffff  }
0x4a8: {  	v5 =	vld.idx.msk [tilespmem:v5+s3+$0x0], $0xffff  }
0x4a9: {  	v6 =	vld.idx.msk [tilespmem:v6+s3+$0x0], $0xffff  }
0x4aa: {  	v7 =	vld.idx.msk [tilespmem:v7+s3+$0x0], $0xffff  }
0x4ab: {  	v8 =	vld.idx.msk [tilespmem:v8+s3+$0x0], $0xffff;
	v9 =	vshll.u32 v1, $0x10  }
0x4ac: {  	v62 =	vand.u32 $0xFFFF0000, v2;
	[tilespmem:s5+$0x1E770] =	vst.add.f32.msk $0xffff, v9  }
0x4ad: {  	v2 =	vshll.u32 v2, $0x10;
	[tilespmem:s5+$0x1C700] =	vst.add.f32.msk $0xffff, v62  }
0x4ae: {  	v63 =	vand.u32 $0xFFFF0000, v3;
	[tilespmem:s5+$0x1E700] =	vst.add.f32.msk $0xffff, v2  }
0x4af: {  	v2 =	vshll.u32 v3, $0x10;
	[tilespmem:s5+$0x1C710] =	vst.add.f32.msk $0xffff, v63  }
0x4b0: {  	v3 =	vand.u32 $0xFFFF0000, v4;
	[tilespmem:s5+$0x1E710] =	vst.add.f32.msk $0xffff, v2  }
0x4b1: {  	v2 =	vshll.u32 v4, $0x10;
	[tilespmem:s5+$0x1C720] =	vst.add.f32.msk $0xffff, v3  }
0x4b2: {  	v3 =	vand.u32 $0xFFFF0000, v5;
	[tilespmem:s5+$0x1E720] =	vst.add.f32.msk $0xffff, v2  }
0x4b3: {  	v2 =	vshll.u32 v5, $0x10;
	[tilespmem:s5+$0x1C730] =	vst.add.f32.msk $0xffff, v3  }
0x4b4: {  	v3 =	vand.u32 $0xFFFF0000, v6;
	[tilespmem:s5+$0x1E730] =	vst.add.f32.msk $0xffff, v2  }
0x4b5: {  	v2 =	vshll.u32 v6, $0x10;
	[tilespmem:s5+$0x1C740] =	vst.add.f32.msk $0xffff, v3  }
0x4b6: {  	v3 =	vand.u32 $0xFFFF0000, v7;
	[tilespmem:s5+$0x1E740] =	vst.add.f32.msk $0xffff, v2  }
0x4b7: {  	v2 =	vshll.u32 v7, $0x10;
	[tilespmem:s5+$0x1C750] =	vst.add.f32.msk $0xffff, v3  }
0x4b8: {  	v3 =	vand.u32 $0xFFFF0000, v8;
	[tilespmem:s5+$0x1E750] =	vst.add.f32.msk $0xffff, v2  }
0x4b9: {  	v2 =	vshll.u32 v8, $0x10;
	[tilespmem:s5+$0x1C760] =	vst.add.f32.msk $0xffff, v3  }
0x4ba: {  	s6 =	simm.s32 $0x0;
	s7 =	simm.s32 $0x200;
	v1 =	vand.u32 $0xFFFF0000, v1;
	[tilespmem:s5+$0x1E760] =	vst.add.f32.msk $0xffff, v2  }
.LBB2_40:
0x4bb: {  	s6 =	sadd.s32 $0x8, s6;
	[tilespmem:s5+$0x1C770] =	vst.add.f32.msk $0xffff, v1;
	s5 =	sshra.s32 s7, $0x2  }
0x4bc: {  	v1 =	vld [tilespmem:s5+$0x18770];
	p0 =	slt.u32 s6, $0x78  }
0x4bd: {  	v2 =	vld [tilespmem:s5+$0x18700]  }
0x4be: {  	v3 =	vld [tilespmem:s5+$0x18710]  }
0x4bf: {  	v4 =	vld [tilespmem:s5+$0x18720]  }
0x4c0: {  	v5 =	vld [tilespmem:s5+$0x18730]  }
0x4c1: {  	v6 =	vld [tilespmem:s5+$0x18740]  }
0x4c2: {  	v7 =	vld [tilespmem:s5+$0x18750]  }
0x4c3: {  	v8 =	vld [tilespmem:s5+$0x18760]  }
0x4c4: {  	v9 =	vld.idx.msk [tilespmem:v1+s3+$0x0], $0xffff  }
0x4c5: {  	v2 =	vld.idx.msk [tilespmem:v2+s3+$0x0], $0xffff  }
0x4c6: {  	v3 =	vld.idx.msk [tilespmem:v3+s3+$0x0], $0xffff  }
0x4c7: {  	v4 =	vld.idx.msk [tilespmem:v4+s3+$0x0], $0xffff  }
0x4c8: {  	v5 =	vld.idx.msk [tilespmem:v5+s3+$0x0], $0xffff  }
0x4c9: {  	v6 =	vld.idx.msk [tilespmem:v6+s3+$0x0], $0xffff  }
0x4ca: {  	v1 =	vand.u32 $0xFFFF0000, v9;
	v9 =	vshll.u32 v9, $0x10;
	v7 =	vld.idx.msk [tilespmem:v7+s3+$0x0], $0xffff  }
0x4cb: {  	v10 =	vand.u32 $0xFFFF0000, v2;
	v2 =	vshll.u32 v2, $0x10;
	[tilespmem:s5+$0x1E770] =	vst.add.f32.msk $0xffff, v9  }
0x4cc: {  	v9 =	vand.u32 $0xFFFF0000, v3;
	v3 =	vshll.u32 v3, $0x10;
	v8 =	vld.idx.msk [tilespmem:v8+s3+$0x0], $0xffff  }
0x4cd: {  	[tilespmem:s5+$0x1C700] =	vst.add.f32.msk $0xffff, v10;
	v10 =	vand.u32 $0xFFFF0000, v4;
	v4 =	vshll.u32 v4, $0x10  }
0x4ce: {  	[tilespmem:s5+$0x1E700] =	vst.add.f32.msk $0xffff, v2;
	v2 =	vand.u32 $0xFFFF0000, v5;
	v5 =	vshll.u32 v5, $0x10  }
0x4cf: {  	[tilespmem:s5+$0x1C710] =	vst.add.f32.msk $0xffff, v9;
	v9 =	vand.u32 $0xFFFF0000, v6;
	v6 =	vshll.u32 v6, $0x10  }
0x4d0: {  	[tilespmem:s5+$0x1E710] =	vst.add.f32.msk $0xffff, v3;
	v3 =	vand.u32 $0xFFFF0000, v7;
	v7 =	vshll.u32 v7, $0x10  }
0x4d1: {  	[tilespmem:s5+$0x1C720] =	vst.add.f32.msk $0xffff, v10  }
0x4d2: {  	[tilespmem:s5+$0x1E720] =	vst.add.f32.msk $0xffff, v4;
	v4 =	vand.u32 $0xFFFF0000, v8;
	v8 =	vshll.u32 v8, $0x10  }
0x4d3: {  	[tilespmem:s5+$0x1C730] =	vst.add.f32.msk $0xffff, v2  }
0x4d4: {  	[tilespmem:s5+$0x1E730] =	vst.add.f32.msk $0xffff, v5  }
0x4d5: {  	[tilespmem:s5+$0x1C740] =	vst.add.f32.msk $0xffff, v9  }
.Ltmp19:
0x4d6: {  	[tilespmem:s5+$0x1E740] =	vst.add.f32.msk $0xffff, v6;
	(pc) =	sbr.rel @p0 .LBB2_40-.Ltmp19, $4  }
0x4d7: {  	[tilespmem:s5+$0x1C750] =	vst.add.f32.msk $0xffff, v3  }
0x4d8: {  	[tilespmem:s5+$0x1E750] =	vst.add.f32.msk $0xffff, v7  }
0x4d9: {  	[tilespmem:s5+$0x1C760] =	vst.add.f32.msk $0xffff, v4  }
0x4da: {  	s7 =	sadd.s32 $0x200, s7;
	[tilespmem:s5+$0x1E760] =	vst.add.f32.msk $0xffff, v8  }
0x4db: {  	[tilespmem:s5+$0x1C770] =	vst.add.f32.msk $0xffff, v1  }
0x4dc: {  	_ =	swait.ge [sflag:s29], $0x800  }
0x4dd: {  	[sflag:s29] =	ssyncset.done $0x0  }
0x4de: {  	s5 =	simm.s32 $0x0;
	[sflag:s29] =	ssyncadd.s32 $0xFFFFF800  }
0x4df: {  	v1 =	vld [tilespmem:s5+$0x18F70]  }
0x4e0: {  	v2 =	vld [tilespmem:s5+$0x18F00]  }
0x4e1: {  	v3 =	vld [tilespmem:s5+$0x18F10]  }
0x4e2: {  	v4 =	vld [tilespmem:s5+$0x18F20]  }
0x4e3: {  	v5 =	vld [tilespmem:s5+$0x18F30]  }
0x4e4: {  	v6 =	vld [tilespmem:s5+$0x18F40]  }
0x4e5: {  	v7 =	vld [tilespmem:s5+$0x18F50]  }
0x4e6: {  	v8 =	vld [tilespmem:s5+$0x18F60]  }
0x4e7: {  	v1 =	vld.idx.msk [tilespmem:v1+s3+$0x0], $0xffff  }
0x4e8: {  	v2 =	vld.idx.msk [tilespmem:v2+s3+$0x0], $0xffff  }
0x4e9: {  	v3 =	vld.idx.msk [tilespmem:v3+s3+$0x0], $0xffff  }
0x4ea: {  	v4 =	vld.idx.msk [tilespmem:v4+s3+$0x0], $0xffff  }
0x4eb: {  	v5 =	vld.idx.msk [tilespmem:v5+s3+$0x0], $0xffff  }
0x4ec: {  	v6 =	vld.idx.msk [tilespmem:v6+s3+$0x0], $0xffff  }
0x4ed: {  	v7 =	vld.idx.msk [tilespmem:v7+s3+$0x0], $0xffff  }
0x4ee: {  	v8 =	vld.idx.msk [tilespmem:v8+s3+$0x0], $0xffff;
	v9 =	vshll.u32 v1, $0x10  }
0x4ef: {  	v62 =	vand.u32 $0xFFFF0000, v2;
	[tilespmem:s5+$0x1CF70] =	vst.add.f32.msk $0xffff, v9  }
0x4f0: {  	v2 =	vshll.u32 v2, $0x10;
	[tilespmem:s5+$0x1AF00] =	vst.add.f32.msk $0xffff, v62  }
0x4f1: {  	v63 =	vand.u32 $0xFFFF0000, v3;
	[tilespmem:s5+$0x1CF00] =	vst.add.f32.msk $0xffff, v2  }
0x4f2: {  	v2 =	vshll.u32 v3, $0x10;
	[tilespmem:s5+$0x1AF10] =	vst.add.f32.msk $0xffff, v63  }
0x4f3: {  	v3 =	vand.u32 $0xFFFF0000, v4;
	[tilespmem:s5+$0x1CF10] =	vst.add.f32.msk $0xffff, v2  }
0x4f4: {  	v2 =	vshll.u32 v4, $0x10;
	[tilespmem:s5+$0x1AF20] =	vst.add.f32.msk $0xffff, v3  }
0x4f5: {  	v3 =	vand.u32 $0xFFFF0000, v5;
	[tilespmem:s5+$0x1CF20] =	vst.add.f32.msk $0xffff, v2  }
0x4f6: {  	v2 =	vshll.u32 v5, $0x10;
	[tilespmem:s5+$0x1AF30] =	vst.add.f32.msk $0xffff, v3  }
0x4f7: {  	v3 =	vand.u32 $0xFFFF0000, v6;
	[tilespmem:s5+$0x1CF30] =	vst.add.f32.msk $0xffff, v2  }
0x4f8: {  	v2 =	vshll.u32 v6, $0x10;
	[tilespmem:s5+$0x1AF40] =	vst.add.f32.msk $0xffff, v3  }
0x4f9: {  	v3 =	vand.u32 $0xFFFF0000, v7;
	[tilespmem:s5+$0x1CF40] =	vst.add.f32.msk $0xffff, v2  }
0x4fa: {  	v2 =	vshll.u32 v7, $0x10;
	[tilespmem:s5+$0x1AF50] =	vst.add.f32.msk $0xffff, v3  }
0x4fb: {  	v3 =	vand.u32 $0xFFFF0000, v8;
	[tilespmem:s5+$0x1CF50] =	vst.add.f32.msk $0xffff, v2  }
0x4fc: {  	v2 =	vshll.u32 v8, $0x10;
	[tilespmem:s5+$0x1AF60] =	vst.add.f32.msk $0xffff, v3  }
0x4fd: {  	s6 =	simm.s32 $0x0;
	s7 =	simm.s32 $0x200;
	v1 =	vand.u32 $0xFFFF0000, v1;
	[tilespmem:s5+$0x1CF60] =	vst.add.f32.msk $0xffff, v2  }
.LBB2_42:
0x4fe: {  	s6 =	sadd.s32 $0x8, s6;
	[tilespmem:s5+$0x1AF70] =	vst.add.f32.msk $0xffff, v1;
	s5 =	sshra.s32 s7, $0x2  }
0x4ff: {  	v1 =	vld [tilespmem:s5+$0x18F70];
	p0 =	slt.u32 s6, $0x78  }
0x500: {  	v2 =	vld [tilespmem:s5+$0x18F00]  }
0x501: {  	v3 =	vld [tilespmem:s5+$0x18F10]  }
0x502: {  	v4 =	vld [tilespmem:s5+$0x18F20]  }
0x503: {  	v5 =	vld [tilespmem:s5+$0x18F30]  }
0x504: {  	v6 =	vld [tilespmem:s5+$0x18F40]  }
0x505: {  	v7 =	vld [tilespmem:s5+$0x18F50]  }
0x506: {  	v8 =	vld [tilespmem:s5+$0x18F60]  }
0x507: {  	v9 =	vld.idx.msk [tilespmem:v1+s3+$0x0], $0xffff  }
0x508: {  	v2 =	vld.idx.msk [tilespmem:v2+s3+$0x0], $0xffff  }
0x509: {  	v3 =	vld.idx.msk [tilespmem:v3+s3+$0x0], $0xffff  }
0x50a: {  	v4 =	vld.idx.msk [tilespmem:v4+s3+$0x0], $0xffff  }
0x50b: {  	v5 =	vld.idx.msk [tilespmem:v5+s3+$0x0], $0xffff  }
0x50c: {  	v6 =	vld.idx.msk [tilespmem:v6+s3+$0x0], $0xffff  }
0x50d: {  	v1 =	vand.u32 $0xFFFF0000, v9;
	v9 =	vshll.u32 v9, $0x10;
	v7 =	vld.idx.msk [tilespmem:v7+s3+$0x0], $0xffff  }
0x50e: {  	v10 =	vand.u32 $0xFFFF0000, v2;
	v2 =	vshll.u32 v2, $0x10;
	[tilespmem:s5+$0x1CF70] =	vst.add.f32.msk $0xffff, v9  }
0x50f: {  	v9 =	vand.u32 $0xFFFF0000, v3;
	v3 =	vshll.u32 v3, $0x10;
	v8 =	vld.idx.msk [tilespmem:v8+s3+$0x0], $0xffff  }
0x510: {  	[tilespmem:s5+$0x1AF00] =	vst.add.f32.msk $0xffff, v10;
	v10 =	vand.u32 $0xFFFF0000, v4;
	v4 =	vshll.u32 v4, $0x10  }
0x511: {  	[tilespmem:s5+$0x1CF00] =	vst.add.f32.msk $0xffff, v2;
	v2 =	vand.u32 $0xFFFF0000, v5;
	v5 =	vshll.u32 v5, $0x10  }
0x512: {  	[tilespmem:s5+$0x1AF10] =	vst.add.f32.msk $0xffff, v9;
	v9 =	vand.u32 $0xFFFF0000, v6;
	v6 =	vshll.u32 v6, $0x10  }
0x513: {  	[tilespmem:s5+$0x1CF10] =	vst.add.f32.msk $0xffff, v3;
	v3 =	vand.u32 $0xFFFF0000, v7;
	v7 =	vshll.u32 v7, $0x10  }
0x514: {  	[tilespmem:s5+$0x1AF20] =	vst.add.f32.msk $0xffff, v10  }
0x515: {  	[tilespmem:s5+$0x1CF20] =	vst.add.f32.msk $0xffff, v4;
	v4 =	vand.u32 $0xFFFF0000, v8;
	v8 =	vshll.u32 v8, $0x10  }
0x516: {  	[tilespmem:s5+$0x1AF30] =	vst.add.f32.msk $0xffff, v2  }
0x517: {  	[tilespmem:s5+$0x1CF30] =	vst.add.f32.msk $0xffff, v5  }
0x518: {  	[tilespmem:s5+$0x1AF40] =	vst.add.f32.msk $0xffff, v9  }
.Ltmp20:
0x519: {  	[tilespmem:s5+$0x1CF40] =	vst.add.f32.msk $0xffff, v6;
	(pc) =	sbr.rel @p0 .LBB2_42-.Ltmp20, $4  }
0x51a: {  	[tilespmem:s5+$0x1AF50] =	vst.add.f32.msk $0xffff, v3  }
0x51b: {  	[tilespmem:s5+$0x1CF50] =	vst.add.f32.msk $0xffff, v7  }
0x51c: {  	[tilespmem:s5+$0x1AF60] =	vst.add.f32.msk $0xffff, v4  }
0x51d: {  	s7 =	sadd.s32 $0x200, s7;
	[tilespmem:s5+$0x1CF60] =	vst.add.f32.msk $0xffff, v8  }
0x51e: {  	[tilespmem:s5+$0x1AF70] =	vst.add.f32.msk $0xffff, v1  }
0x51f: {  	_ =	swait.ge [sflag:s30], $0x800  }
0x520: {  	[sflag:s30] =	ssyncset.done $0x0  }
0x521: {  	s5 =	simm.s32 $0x0;
	[sflag:s30] =	ssyncadd.s32 $0xFFFFF800  }
0x522: {  	v1 =	vld [tilespmem:s5+$0x19770]  }
0x523: {  	v2 =	vld [tilespmem:s5+$0x19700]  }
0x524: {  	v3 =	vld [tilespmem:s5+$0x19710]  }
0x525: {  	v4 =	vld [tilespmem:s5+$0x19720]  }
0x526: {  	v5 =	vld [tilespmem:s5+$0x19730]  }
0x527: {  	v6 =	vld [tilespmem:s5+$0x19740]  }
0x528: {  	v7 =	vld [tilespmem:s5+$0x19750]  }
0x529: {  	v8 =	vld [tilespmem:s5+$0x19760]  }
0x52a: {  	v1 =	vld.idx.msk [tilespmem:v1+s3+$0x0], $0xffff  }
0x52b: {  	v2 =	vld.idx.msk [tilespmem:v2+s3+$0x0], $0xffff  }
0x52c: {  	v3 =	vld.idx.msk [tilespmem:v3+s3+$0x0], $0xffff  }
0x52d: {  	v4 =	vld.idx.msk [tilespmem:v4+s3+$0x0], $0xffff  }
0x52e: {  	v5 =	vld.idx.msk [tilespmem:v5+s3+$0x0], $0xffff  }
0x52f: {  	v6 =	vld.idx.msk [tilespmem:v6+s3+$0x0], $0xffff  }
0x530: {  	v7 =	vld.idx.msk [tilespmem:v7+s3+$0x0], $0xffff  }
0x531: {  	v8 =	vld.idx.msk [tilespmem:v8+s3+$0x0], $0xffff;
	v9 =	vshll.u32 v1, $0x10  }
0x532: {  	v62 =	vand.u32 $0xFFFF0000, v2;
	[tilespmem:s5+$0x1D770] =	vst.add.f32.msk $0xffff, v9  }
0x533: {  	v2 =	vshll.u32 v2, $0x10;
	[tilespmem:s5+$0x1B700] =	vst.add.f32.msk $0xffff, v62  }
0x534: {  	v63 =	vand.u32 $0xFFFF0000, v3;
	[tilespmem:s5+$0x1D700] =	vst.add.f32.msk $0xffff, v2  }
0x535: {  	v2 =	vshll.u32 v3, $0x10;
	[tilespmem:s5+$0x1B710] =	vst.add.f32.msk $0xffff, v63  }
0x536: {  	v3 =	vand.u32 $0xFFFF0000, v4;
	[tilespmem:s5+$0x1D710] =	vst.add.f32.msk $0xffff, v2  }
0x537: {  	v2 =	vshll.u32 v4, $0x10;
	[tilespmem:s5+$0x1B720] =	vst.add.f32.msk $0xffff, v3  }
0x538: {  	v3 =	vand.u32 $0xFFFF0000, v5;
	[tilespmem:s5+$0x1D720] =	vst.add.f32.msk $0xffff, v2  }
0x539: {  	v2 =	vshll.u32 v5, $0x10;
	[tilespmem:s5+$0x1B730] =	vst.add.f32.msk $0xffff, v3  }
0x53a: {  	v3 =	vand.u32 $0xFFFF0000, v6;
	[tilespmem:s5+$0x1D730] =	vst.add.f32.msk $0xffff, v2  }
0x53b: {  	v2 =	vshll.u32 v6, $0x10;
	[tilespmem:s5+$0x1B740] =	vst.add.f32.msk $0xffff, v3  }
0x53c: {  	v3 =	vand.u32 $0xFFFF0000, v7;
	[tilespmem:s5+$0x1D740] =	vst.add.f32.msk $0xffff, v2  }
0x53d: {  	v2 =	vshll.u32 v7, $0x10;
	[tilespmem:s5+$0x1B750] =	vst.add.f32.msk $0xffff, v3  }
0x53e: {  	v3 =	vand.u32 $0xFFFF0000, v8;
	[tilespmem:s5+$0x1D750] =	vst.add.f32.msk $0xffff, v2  }
0x53f: {  	v2 =	vshll.u32 v8, $0x10;
	[tilespmem:s5+$0x1B760] =	vst.add.f32.msk $0xffff, v3  }
0x540: {  	s6 =	simm.s32 $0x0;
	s7 =	simm.s32 $0x200;
	v1 =	vand.u32 $0xFFFF0000, v1;
	[tilespmem:s5+$0x1D760] =	vst.add.f32.msk $0xffff, v2  }
.LBB2_44:
0x541: {  	s6 =	sadd.s32 $0x8, s6;
	[tilespmem:s5+$0x1B770] =	vst.add.f32.msk $0xffff, v1;
	s5 =	sshra.s32 s7, $0x2  }
0x542: {  	v1 =	vld [tilespmem:s5+$0x19770];
	p0 =	slt.u32 s6, $0x78  }
0x543: {  	v2 =	vld [tilespmem:s5+$0x19700]  }
0x544: {  	v3 =	vld [tilespmem:s5+$0x19710]  }
0x545: {  	v4 =	vld [tilespmem:s5+$0x19720]  }
0x546: {  	v5 =	vld [tilespmem:s5+$0x19730]  }
0x547: {  	v6 =	vld [tilespmem:s5+$0x19740]  }
0x548: {  	v7 =	vld [tilespmem:s5+$0x19750]  }
0x549: {  	v8 =	vld [tilespmem:s5+$0x19760]  }
0x54a: {  	v9 =	vld.idx.msk [tilespmem:v1+s3+$0x0], $0xffff  }
0x54b: {  	v2 =	vld.idx.msk [tilespmem:v2+s3+$0x0], $0xffff  }
0x54c: {  	v3 =	vld.idx.msk [tilespmem:v3+s3+$0x0], $0xffff  }
0x54d: {  	v4 =	vld.idx.msk [tilespmem:v4+s3+$0x0], $0xffff  }
0x54e: {  	v5 =	vld.idx.msk [tilespmem:v5+s3+$0x0], $0xffff  }
0x54f: {  	v6 =	vld.idx.msk [tilespmem:v6+s3+$0x0], $0xffff  }
0x550: {  	v1 =	vand.u32 $0xFFFF0000, v9;
	v9 =	vshll.u32 v9, $0x10;
	v7 =	vld.idx.msk [tilespmem:v7+s3+$0x0], $0xffff  }
0x551: {  	v10 =	vand.u32 $0xFFFF0000, v2;
	v2 =	vshll.u32 v2, $0x10;
	[tilespmem:s5+$0x1D770] =	vst.add.f32.msk $0xffff, v9  }
0x552: {  	v9 =	vand.u32 $0xFFFF0000, v3;
	v3 =	vshll.u32 v3, $0x10;
	v8 =	vld.idx.msk [tilespmem:v8+s3+$0x0], $0xffff  }
0x553: {  	[tilespmem:s5+$0x1B700] =	vst.add.f32.msk $0xffff, v10;
	v10 =	vand.u32 $0xFFFF0000, v4;
	v4 =	vshll.u32 v4, $0x10  }
0x554: {  	[tilespmem:s5+$0x1D700] =	vst.add.f32.msk $0xffff, v2;
	v2 =	vand.u32 $0xFFFF0000, v5;
	v5 =	vshll.u32 v5, $0x10  }
0x555: {  	[tilespmem:s5+$0x1B710] =	vst.add.f32.msk $0xffff, v9;
	v9 =	vand.u32 $0xFFFF0000, v6;
	v6 =	vshll.u32 v6, $0x10  }
0x556: {  	[tilespmem:s5+$0x1D710] =	vst.add.f32.msk $0xffff, v3;
	v3 =	vand.u32 $0xFFFF0000, v7;
	v7 =	vshll.u32 v7, $0x10  }
0x557: {  	[tilespmem:s5+$0x1B720] =	vst.add.f32.msk $0xffff, v10  }
0x558: {  	[tilespmem:s5+$0x1D720] =	vst.add.f32.msk $0xffff, v4;
	v4 =	vand.u32 $0xFFFF0000, v8;
	v8 =	vshll.u32 v8, $0x10  }
0x559: {  	[tilespmem:s5+$0x1B730] =	vst.add.f32.msk $0xffff, v2  }
0x55a: {  	[tilespmem:s5+$0x1D730] =	vst.add.f32.msk $0xffff, v5  }
0x55b: {  	[tilespmem:s5+$0x1B740] =	vst.add.f32.msk $0xffff, v9  }
.Ltmp21:
0x55c: {  	[tilespmem:s5+$0x1D740] =	vst.add.f32.msk $0xffff, v6;
	(pc) =	sbr.rel @p0 .LBB2_44-.Ltmp21, $4  }
0x55d: {  	[tilespmem:s5+$0x1B750] =	vst.add.f32.msk $0xffff, v3  }
0x55e: {  	[tilespmem:s5+$0x1D750] =	vst.add.f32.msk $0xffff, v7  }
0x55f: {  	[tilespmem:s5+$0x1B760] =	vst.add.f32.msk $0xffff, v4  }
0x560: {  	s7 =	sadd.s32 $0x200, s7;
	[tilespmem:s5+$0x1D760] =	vst.add.f32.msk $0xffff, v8  }
0x561: {  	[tilespmem:s5+$0x1B770] =	vst.add.f32.msk $0xffff, v1  }
0x562: {  	_ =	swait.ge [sflag:s31], $0x800  }
0x563: {  	[sflag:s31] =	ssyncset.done $0x0  }
0x564: {  	s5 =	simm.s32 $0x0;
	[sflag:s31] =	ssyncadd.s32 $0xFFFFF800  }
0x565: {  	v1 =	vld [tilespmem:s5+$0x19F70]  }
0x566: {  	v2 =	vld [tilespmem:s5+$0x19F00]  }
0x567: {  	v3 =	vld [tilespmem:s5+$0x19F10]  }
0x568: {  	v4 =	vld [tilespmem:s5+$0x19F20]  }
0x569: {  	v5 =	vld [tilespmem:s5+$0x19F30]  }
0x56a: {  	v6 =	vld [tilespmem:s5+$0x19F40]  }
0x56b: {  	v7 =	vld [tilespmem:s5+$0x19F50]  }
0x56c: {  	v8 =	vld [tilespmem:s5+$0x19F60]  }
0x56d: {  	v1 =	vld.idx.msk [tilespmem:v1+s3+$0x0], $0xffff  }
0x56e: {  	v2 =	vld.idx.msk [tilespmem:v2+s3+$0x0], $0xffff  }
0x56f: {  	v3 =	vld.idx.msk [tilespmem:v3+s3+$0x0], $0xffff  }
0x570: {  	v4 =	vld.idx.msk [tilespmem:v4+s3+$0x0], $0xffff  }
0x571: {  	v5 =	vld.idx.msk [tilespmem:v5+s3+$0x0], $0xffff  }
0x572: {  	v6 =	vld.idx.msk [tilespmem:v6+s3+$0x0], $0xffff  }
0x573: {  	v7 =	vld.idx.msk [tilespmem:v7+s3+$0x0], $0xffff  }
0x574: {  	v8 =	vld.idx.msk [tilespmem:v8+s3+$0x0], $0xffff;
	v9 =	vshll.u32 v1, $0x10  }
0x575: {  	v62 =	vand.u32 $0xFFFF0000, v2;
	[tilespmem:s5+$0x1DF70] =	vst.add.f32.msk $0xffff, v9  }
0x576: {  	v2 =	vshll.u32 v2, $0x10;
	[tilespmem:s5+$0x1BF00] =	vst.add.f32.msk $0xffff, v62  }
0x577: {  	v63 =	vand.u32 $0xFFFF0000, v3;
	[tilespmem:s5+$0x1DF00] =	vst.add.f32.msk $0xffff, v2  }
0x578: {  	v2 =	vshll.u32 v3, $0x10;
	[tilespmem:s5+$0x1BF10] =	vst.add.f32.msk $0xffff, v63  }
0x579: {  	v3 =	vand.u32 $0xFFFF0000, v4;
	[tilespmem:s5+$0x1DF10] =	vst.add.f32.msk $0xffff, v2  }
0x57a: {  	v2 =	vshll.u32 v4, $0x10;
	[tilespmem:s5+$0x1BF20] =	vst.add.f32.msk $0xffff, v3  }
0x57b: {  	v3 =	vand.u32 $0xFFFF0000, v5;
	[tilespmem:s5+$0x1DF20] =	vst.add.f32.msk $0xffff, v2  }
0x57c: {  	v2 =	vshll.u32 v5, $0x10;
	[tilespmem:s5+$0x1BF30] =	vst.add.f32.msk $0xffff, v3  }
0x57d: {  	v3 =	vand.u32 $0xFFFF0000, v6;
	[tilespmem:s5+$0x1DF30] =	vst.add.f32.msk $0xffff, v2  }
0x57e: {  	v2 =	vshll.u32 v6, $0x10;
	[tilespmem:s5+$0x1BF40] =	vst.add.f32.msk $0xffff, v3  }
0x57f: {  	v3 =	vand.u32 $0xFFFF0000, v7;
	[tilespmem:s5+$0x1DF40] =	vst.add.f32.msk $0xffff, v2  }
0x580: {  	v2 =	vshll.u32 v7, $0x10;
	[tilespmem:s5+$0x1BF50] =	vst.add.f32.msk $0xffff, v3  }
0x581: {  	v3 =	vand.u32 $0xFFFF0000, v8;
	[tilespmem:s5+$0x1DF50] =	vst.add.f32.msk $0xffff, v2  }
0x582: {  	v2 =	vshll.u32 v8, $0x10;
	[tilespmem:s5+$0x1BF60] =	vst.add.f32.msk $0xffff, v3  }
0x583: {  	s6 =	simm.s32 $0x0;
	s7 =	simm.s32 $0x200;
	v1 =	vand.u32 $0xFFFF0000, v1;
	[tilespmem:s5+$0x1DF60] =	vst.add.f32.msk $0xffff, v2  }
.LBB2_46:
0x584: {  	s6 =	sadd.s32 $0x8, s6;
	[tilespmem:s5+$0x1BF70] =	vst.add.f32.msk $0xffff, v1;
	s5 =	sshra.s32 s7, $0x2  }
0x585: {  	v1 =	vld [tilespmem:s5+$0x19F70];
	p0 =	slt.u32 s6, $0x78  }
0x586: {  	v2 =	vld [tilespmem:s5+$0x19F00]  }
0x587: {  	v3 =	vld [tilespmem:s5+$0x19F10]  }
0x588: {  	v4 =	vld [tilespmem:s5+$0x19F20]  }
0x589: {  	v5 =	vld [tilespmem:s5+$0x19F30]  }
0x58a: {  	v6 =	vld [tilespmem:s5+$0x19F40]  }
0x58b: {  	v7 =	vld [tilespmem:s5+$0x19F50]  }
0x58c: {  	v8 =	vld [tilespmem:s5+$0x19F60]  }
0x58d: {  	v9 =	vld.idx.msk [tilespmem:v1+s3+$0x0], $0xffff  }
0x58e: {  	v2 =	vld.idx.msk [tilespmem:v2+s3+$0x0], $0xffff  }
0x58f: {  	v3 =	vld.idx.msk [tilespmem:v3+s3+$0x0], $0xffff  }
0x590: {  	v4 =	vld.idx.msk [tilespmem:v4+s3+$0x0], $0xffff  }
0x591: {  	v5 =	vld.idx.msk [tilespmem:v5+s3+$0x0], $0xffff  }
0x592: {  	v6 =	vld.idx.msk [tilespmem:v6+s3+$0x0], $0xffff  }
0x593: {  	v1 =	vand.u32 $0xFFFF0000, v9;
	v9 =	vshll.u32 v9, $0x10;
	v7 =	vld.idx.msk [tilespmem:v7+s3+$0x0], $0xffff  }
0x594: {  	v10 =	vand.u32 $0xFFFF0000, v2;
	v2 =	vshll.u32 v2, $0x10;
	[tilespmem:s5+$0x1DF70] =	vst.add.f32.msk $0xffff, v9  }
0x595: {  	v9 =	vand.u32 $0xFFFF0000, v3;
	v3 =	vshll.u32 v3, $0x10;
	v8 =	vld.idx.msk [tilespmem:v8+s3+$0x0], $0xffff  }
0x596: {  	[tilespmem:s5+$0x1BF00] =	vst.add.f32.msk $0xffff, v10;
	v10 =	vand.u32 $0xFFFF0000, v4;
	v4 =	vshll.u32 v4, $0x10  }
0x597: {  	[tilespmem:s5+$0x1DF00] =	vst.add.f32.msk $0xffff, v2;
	v2 =	vand.u32 $0xFFFF0000, v5;
	v5 =	vshll.u32 v5, $0x10  }
0x598: {  	[tilespmem:s5+$0x1BF10] =	vst.add.f32.msk $0xffff, v9;
	v9 =	vand.u32 $0xFFFF0000, v6;
	v6 =	vshll.u32 v6, $0x10  }
0x599: {  	[tilespmem:s5+$0x1DF10] =	vst.add.f32.msk $0xffff, v3;
	v3 =	vand.u32 $0xFFFF0000, v7;
	v7 =	vshll.u32 v7, $0x10  }
0x59a: {  	[tilespmem:s5+$0x1BF20] =	vst.add.f32.msk $0xffff, v10  }
0x59b: {  	[tilespmem:s5+$0x1DF20] =	vst.add.f32.msk $0xffff, v4;
	v4 =	vand.u32 $0xFFFF0000, v8;
	v8 =	vshll.u32 v8, $0x10  }
0x59c: {  	[tilespmem:s5+$0x1BF30] =	vst.add.f32.msk $0xffff, v2  }
0x59d: {  	[tilespmem:s5+$0x1DF30] =	vst.add.f32.msk $0xffff, v5  }
0x59e: {  	[tilespmem:s5+$0x1BF40] =	vst.add.f32.msk $0xffff, v9  }
.Ltmp22:
0x59f: {  	[tilespmem:s5+$0x1DF40] =	vst.add.f32.msk $0xffff, v6;
	(pc) =	sbr.rel @p0 .LBB2_46-.Ltmp22, $4  }
0x5a0: {  	[tilespmem:s5+$0x1BF50] =	vst.add.f32.msk $0xffff, v3  }
0x5a1: {  	[tilespmem:s5+$0x1DF50] =	vst.add.f32.msk $0xffff, v7  }
0x5a2: {  	[tilespmem:s5+$0x1BF60] =	vst.add.f32.msk $0xffff, v4  }
0x5a3: {  	s7 =	sadd.s32 $0x200, s7;
	[tilespmem:s5+$0x1DF60] =	vst.add.f32.msk $0xffff, v8  }
0x5a4: {  	[tilespmem:s5+$0x1BF70] =	vst.add.f32.msk $0xffff, v1  }
0x5a5: {  	_ =	swait.ge [sflag:s0], $0x800  }
0x5a6: {  	[sflag:s0] =	ssyncset.done $0x0  }
0x5a7: {  	s5 =	simm.s32 $0x0;
	[sflag:s0] =	ssyncadd.s32 $0xFFFFF800  }
0x5a8: {  	v1 =	vld [tilespmem:s5+$0x1A770]  }
0x5a9: {  	v2 =	vld [tilespmem:s5+$0x1A700]  }
0x5aa: {  	v3 =	vld [tilespmem:s5+$0x1A710]  }
0x5ab: {  	v4 =	vld [tilespmem:s5+$0x1A720]  }
0x5ac: {  	v5 =	vld [tilespmem:s5+$0x1A730]  }
0x5ad: {  	v6 =	vld [tilespmem:s5+$0x1A740]  }
0x5ae: {  	v7 =	vld [tilespmem:s5+$0x1A750]  }
0x5af: {  	v8 =	vld [tilespmem:s5+$0x1A760]  }
0x5b0: {  	v1 =	vld.idx.msk [tilespmem:v1+s3+$0x0], $0xffff  }
0x5b1: {  	v2 =	vld.idx.msk [tilespmem:v2+s3+$0x0], $0xffff  }
0x5b2: {  	v3 =	vld.idx.msk [tilespmem:v3+s3+$0x0], $0xffff  }
0x5b3: {  	v4 =	vld.idx.msk [tilespmem:v4+s3+$0x0], $0xffff  }
0x5b4: {  	v5 =	vld.idx.msk [tilespmem:v5+s3+$0x0], $0xffff  }
0x5b5: {  	v6 =	vld.idx.msk [tilespmem:v6+s3+$0x0], $0xffff  }
0x5b6: {  	v7 =	vld.idx.msk [tilespmem:v7+s3+$0x0], $0xffff  }
0x5b7: {  	v8 =	vld.idx.msk [tilespmem:v8+s3+$0x0], $0xffff;
	v9 =	vshll.u32 v1, $0x10  }
0x5b8: {  	v62 =	vand.u32 $0xFFFF0000, v2;
	[tilespmem:s5+$0x1E770] =	vst.add.f32.msk $0xffff, v9  }
0x5b9: {  	v2 =	vshll.u32 v2, $0x10;
	[tilespmem:s5+$0x1C700] =	vst.add.f32.msk $0xffff, v62  }
0x5ba: {  	v63 =	vand.u32 $0xFFFF0000, v3;
	[tilespmem:s5+$0x1E700] =	vst.add.f32.msk $0xffff, v2  }
0x5bb: {  	v2 =	vshll.u32 v3, $0x10;
	[tilespmem:s5+$0x1C710] =	vst.add.f32.msk $0xffff, v63  }
0x5bc: {  	v3 =	vand.u32 $0xFFFF0000, v4;
	[tilespmem:s5+$0x1E710] =	vst.add.f32.msk $0xffff, v2  }
0x5bd: {  	v2 =	vshll.u32 v4, $0x10;
	[tilespmem:s5+$0x1C720] =	vst.add.f32.msk $0xffff, v3  }
0x5be: {  	v3 =	vand.u32 $0xFFFF0000, v5;
	[tilespmem:s5+$0x1E720] =	vst.add.f32.msk $0xffff, v2  }
0x5bf: {  	v2 =	vshll.u32 v5, $0x10;
	[tilespmem:s5+$0x1C730] =	vst.add.f32.msk $0xffff, v3  }
0x5c0: {  	v3 =	vand.u32 $0xFFFF0000, v6;
	[tilespmem:s5+$0x1E730] =	vst.add.f32.msk $0xffff, v2  }
0x5c1: {  	v2 =	vshll.u32 v6, $0x10;
	[tilespmem:s5+$0x1C740] =	vst.add.f32.msk $0xffff, v3  }
0x5c2: {  	v3 =	vand.u32 $0xFFFF0000, v7;
	[tilespmem:s5+$0x1E740] =	vst.add.f32.msk $0xffff, v2  }
0x5c3: {  	v2 =	vshll.u32 v7, $0x10;
	[tilespmem:s5+$0x1C750] =	vst.add.f32.msk $0xffff, v3  }
0x5c4: {  	v3 =	vand.u32 $0xFFFF0000, v8;
	[tilespmem:s5+$0x1E750] =	vst.add.f32.msk $0xffff, v2  }
0x5c5: {  	v2 =	vshll.u32 v8, $0x10;
	[tilespmem:s5+$0x1C760] =	vst.add.f32.msk $0xffff, v3  }
0x5c6: {  	s6 =	simm.s32 $0x0;
	s7 =	simm.s32 $0x200;
	v1 =	vand.u32 $0xFFFF0000, v1;
	[tilespmem:s5+$0x1E760] =	vst.add.f32.msk $0xffff, v2  }
.LBB2_48:
0x5c7: {  	s6 =	sadd.s32 $0x8, s6;
	[tilespmem:s5+$0x1C770] =	vst.add.f32.msk $0xffff, v1;
	s5 =	sshra.s32 s7, $0x2  }
0x5c8: {  	v1 =	vld [tilespmem:s5+$0x1A770];
	p0 =	slt.u32 s6, $0x78  }
0x5c9: {  	v2 =	vld [tilespmem:s5+$0x1A700]  }
0x5ca: {  	v3 =	vld [tilespmem:s5+$0x1A710]  }
0x5cb: {  	v4 =	vld [tilespmem:s5+$0x1A720]  }
0x5cc: {  	v5 =	vld [tilespmem:s5+$0x1A730]  }
0x5cd: {  	v6 =	vld [tilespmem:s5+$0x1A740]  }
0x5ce: {  	v7 =	vld [tilespmem:s5+$0x1A750]  }
0x5cf: {  	v8 =	vld [tilespmem:s5+$0x1A760]  }
0x5d0: {  	v9 =	vld.idx.msk [tilespmem:v1+s3+$0x0], $0xffff  }
0x5d1: {  	v2 =	vld.idx.msk [tilespmem:v2+s3+$0x0], $0xffff  }
0x5d2: {  	v3 =	vld.idx.msk [tilespmem:v3+s3+$0x0], $0xffff  }
0x5d3: {  	v4 =	vld.idx.msk [tilespmem:v4+s3+$0x0], $0xffff  }
0x5d4: {  	v5 =	vld.idx.msk [tilespmem:v5+s3+$0x0], $0xffff  }
0x5d5: {  	v6 =	vld.idx.msk [tilespmem:v6+s3+$0x0], $0xffff  }
0x5d6: {  	v1 =	vand.u32 $0xFFFF0000, v9;
	v9 =	vshll.u32 v9, $0x10;
	v7 =	vld.idx.msk [tilespmem:v7+s3+$0x0], $0xffff  }
0x5d7: {  	v10 =	vand.u32 $0xFFFF0000, v2;
	v2 =	vshll.u32 v2, $0x10;
	[tilespmem:s5+$0x1E770] =	vst.add.f32.msk $0xffff, v9  }
0x5d8: {  	v9 =	vand.u32 $0xFFFF0000, v3;
	v3 =	vshll.u32 v3, $0x10;
	v8 =	vld.idx.msk [tilespmem:v8+s3+$0x0], $0xffff  }
0x5d9: {  	[tilespmem:s5+$0x1C700] =	vst.add.f32.msk $0xffff, v10;
	v10 =	vand.u32 $0xFFFF0000, v4;
	v4 =	vshll.u32 v4, $0x10  }
0x5da: {  	[tilespmem:s5+$0x1E700] =	vst.add.f32.msk $0xffff, v2;
	v2 =	vand.u32 $0xFFFF0000, v5;
	v5 =	vshll.u32 v5, $0x10  }
0x5db: {  	[tilespmem:s5+$0x1C710] =	vst.add.f32.msk $0xffff, v9;
	v9 =	vand.u32 $0xFFFF0000, v6;
	v6 =	vshll.u32 v6, $0x10  }
0x5dc: {  	[tilespmem:s5+$0x1E710] =	vst.add.f32.msk $0xffff, v3;
	v3 =	vand.u32 $0xFFFF0000, v7;
	v7 =	vshll.u32 v7, $0x10  }
0x5dd: {  	[tilespmem:s5+$0x1C720] =	vst.add.f32.msk $0xffff, v10  }
0x5de: {  	[tilespmem:s5+$0x1E720] =	vst.add.f32.msk $0xffff, v4;
	v4 =	vand.u32 $0xFFFF0000, v8;
	v8 =	vshll.u32 v8, $0x10  }
0x5df: {  	[tilespmem:s5+$0x1C730] =	vst.add.f32.msk $0xffff, v2  }
0x5e0: {  	[tilespmem:s5+$0x1E730] =	vst.add.f32.msk $0xffff, v5  }
0x5e1: {  	[tilespmem:s5+$0x1C740] =	vst.add.f32.msk $0xffff, v9  }
.Ltmp23:
0x5e2: {  	[tilespmem:s5+$0x1E740] =	vst.add.f32.msk $0xffff, v6;
	(pc) =	sbr.rel @p0 .LBB2_48-.Ltmp23, $4  }
0x5e3: {  	[tilespmem:s5+$0x1C750] =	vst.add.f32.msk $0xffff, v3  }
0x5e4: {  	[tilespmem:s5+$0x1E750] =	vst.add.f32.msk $0xffff, v7  }
0x5e5: {  	[tilespmem:s5+$0x1C760] =	vst.add.f32.msk $0xffff, v4  }
0x5e6: {  	s7 =	sadd.s32 $0x200, s7;
	[tilespmem:s5+$0x1E760] =	vst.add.f32.msk $0xffff, v8  }
0x5e7: {  	[tilespmem:s5+$0x1C770] =	vst.add.f32.msk $0xffff, v1  }
0x5e8: {  	s4 =	simm.s32 $0x1AF00;
	s15 =	simm.s32 $0x7;
	s2 =	rddreg [dreg:$0x10]  }
0x5e9: {  	[hbm4b:s2+s19] =	stream.strided.scatter [tilespmem:s4], [sflag:$0x7], $0x2000, s20, s19, $0x38;
	[tilespmem:$0x1EF00] =	vst v63  }
0x5ea: {  	_ =	swait.ge [sflag:s15], $0x2000  }
0x5eb: {  	[sflag:s15] =	ssyncset.done $0x0  }
0x5ec: {  	s17 =	simm.s32 $0x1CF00;
	s16 =	rddreg [dreg:$0x11];
	[sflag:s15] =	ssyncadd.s32 $0xFFFFE000  }
0x5ed: {  	[hbm4b:s16+s19] =	stream.strided.scatter [tilespmem:s17], [sflag:$0x7], $0x2000, s20, s19, $0x38;
	[tilespmem:$0x1EF00] =	vst v63  }
0x5ee: {  	_ =	swait.ge [sflag:s15], $0x2000  }
0x5ef: {  	s18 =	rddreg [dreg:$0x13]  }
0x5f0: {  	s21 =	rddreg [dreg:$0x12];
	s5 =	sadd.s32 $0x1, s18  }
0x5f1: {  	p0 =	sne.s32 s5, s21  }
.Ltmp24:
0x5f2: {  	_ = 	snop;
	(pc) =	sbr.rel @p0 .LBB2_1-.Ltmp24, $3  }
0x5f3: {  	_ =	sdelay $0x1  }
0x5f4: {  	[sflag:s15] =	ssyncset.done $0x0  }
0x5f5: {  	[sflag:s15] =	ssyncadd.s32 $0xFFFFE000  }
0x5f6: {  	_ =	sfence.sel $0x180000  }
0x5f7: {  	[bflag:$0x0] =	sbarrier.arrive $0xFFFF  }
0x5f8: {  	_ =	strace $0x9000004A  }
0x5f9: {  	s0 =	stileid.u32;
	[bflag:$0x2] =	sbarrier.arrive $0xFFFF  }
0x5fa: {  	p0 =	sne.s32 s0, $0x0;
	s0 =	rddreg [dreg:$0x3]  }
0x5fb: {  	s0 =	sadd.s32 @!p0 $0x100000, s0  }
0x5fc: {  	[sflag:s0] =	ssyncadd.tile.s32 @!p0 $0x1;
	_ =	shalt  }
.Lfunc_end2:
_tile_overlayer_lowered:
.L_overlay_start_2:
0x5fd: {  	(tag) =	ssettag $0x2  }
0x5fe: {  	s0 =	rddreg [dreg:$0x0];
	s2 =	stileid.u32  }
0x5ff: {  	s1 =	rddreg [dreg:$0x1];
	p0 =	sne.s32 s2, $0x0  }
0x600: {  	s3 =	rddreg [dreg:$0x2];
	[bflag:$0x3] =	sbarrier.arrive $0xFFFF;
	s2 =	simm.s32 @!p0 $0x1C07  }
0x601: {  	[timem:s3], [sflag:s2] =	dma.local @!p0 [hbm:s0], s1  }
0x602: {  	s0 =	simm.s32 @!p0 $0x7  }
0x603: {  	_ =	swait.ge @!p0 [sflag:s0], s1  }
0x604: {  	s1 =	ssub.s32 @!p0 $0x0, s1;
	[sflag:s0] =	ssyncset.done @!p0 $0x0  }
0x605: {  	[sflag:s0] =	ssyncadd.s32 @!p0 s1  }
0x606: {  	[bflag:$0x3] =	sbarrier.arrive $0xFFFF  }
0x607: {  	_ =	shalt  }

</sc_bundles>
